<compile_context>
chip_gen: v7x
topology: tpu7x:2x2x1
jax: 0.10.2.dev20260603
libtpu: 0.0.44.dev20260713+nightly
codegen_flags: <defaults>
</compile_context>

<pallas_src>
import functools

import jax
import jax.numpy as jnp
from jax import lax
from jax.experimental import pallas as pl
from jax.experimental.pallas import tpu as pltpu
from jax.experimental.pallas import tpu_sc as plsc

EMB = 64
NC, NS, LANES = 2, 16, 16
NW = NC * NS
CHUNK = 80
GROUPS = CHUNK // LANES
NBUF = 4
RUNROLL = 4


@functools.partial(jax.jit, static_argnames=("tot",))
def _run_sc(u_table, i_table, uk, ik, *, tot):
    npw = tot // NW
    nchunk = npw // CHUNK
    mesh = plsc.VectorSubcoreMesh(core_axis_name="c", subcore_axis_name="s")

    idx_t = pltpu.VMEM((nchunk, CHUNK), jnp.int32)
    rows_t = pltpu.VMEM((CHUNK, EMB), jnp.float32)

    @functools.partial(
        pl.kernel,
        out_type=jax.ShapeDtypeStruct((tot,), jnp.float32),
        mesh=mesh,
        compiler_params=pltpu.CompilerParams(
            needs_layout_passes=False, use_tc_tiling_on_sc=True),
        scratch_types=(
            [idx_t] * 2
            + [pltpu.VMEM((npw,), jnp.float32)]
            + [rows_t] * (2 * NBUF)
            + [pltpu.SemaphoreType.DMA] * (2 * NBUF)
        ),
    )
    def sc_kernel(u_tab, i_tab, uk_hbm, ik_hbm, out_hbm,
                  uk_v, ik_v, out_v, *bufsems):
        bufs_u = bufsems[0:NBUF]
        bufs_i = bufsems[NBUF:2 * NBUF]
        sems_u = bufsems[2 * NBUF:3 * NBUF]
        sems_i = bufsems[3 * NBUF:4 * NBUF]
        wid = lax.axis_index("s") * NC + lax.axis_index("c")
        pltpu.sync_copy(uk_hbm.at[wid], uk_v)
        pltpu.sync_copy(ik_hbm.at[wid], ik_v)

        def start(k, b):
            def issue(t, c1):
                uvec = uk_v[k, pl.ds(t * LANES, LANES)]
                ivec = ik_v[k, pl.ds(t * LANES, LANES)]
                for rr in range(LANES):
                    r = t * LANES + rr
                    pltpu.async_copy(
                        u_tab.at[pl.ds(uvec[rr], 1)],
                        bufs_u[b].at[pl.ds(r, 1)], sems_u[b])
                    pltpu.async_copy(
                        i_tab.at[pl.ds(ivec[rr], 1)],
                        bufs_i[b].at[pl.ds(r, 1)], sems_i[b])
                return c1
            lax.fori_loop(0, CHUNK // LANES, issue, 0)

        def drain(b):
            pltpu.make_async_copy(
                u_tab.at[pl.ds(0, CHUNK)], bufs_u[b], sems_u[b]).wait()
            pltpu.make_async_copy(
                i_tab.at[pl.ds(0, CHUNK)], bufs_i[b], sems_i[b]).wait()

        for b in range(2):
            start(b, b)

        lane = lax.iota(jnp.int32, LANES)

        def pair_body(p, carry):
            for b in range(NBUF):
                k = p * NBUF + b
                tb = (b + 2) % NBUF
                drain(b)
                nk = k + 2

                def group_body(g, c2):
                    @pl.when(nk < nchunk)
                    def _():
                        uvec = uk_v[nk, pl.ds(g * LANES, LANES)]
                        ivec = ik_v[nk, pl.ds(g * LANES, LANES)]
                        for rr in range(LANES):
                            r = g * LANES + rr
                            pltpu.async_copy(
                                u_tab.at[pl.ds(uvec[rr], 1)],
                                bufs_u[tb].at[pl.ds(r, 1)], sems_u[tb])
                            pltpu.async_copy(
                                i_tab.at[pl.ds(ivec[rr], 1)],
                                bufs_i[tb].at[pl.ds(r, 1)], sems_i[tb])

                    jvec = lane + g * LANES
                    zero = jnp.zeros((LANES,), jnp.float32)

                    def dblock(t, accs):
                        prods = []
                        for dd in range(8):
                            skew = (lane + t * 8 + dd) & (EMB - 1)
                            uv = plsc.load_gather(bufs_u[b], [jvec, skew])
                            iv = plsc.load_gather(bufs_i[b], [jvec, skew])
                            prods.append(uv * iv)
                        return tuple(a + p2[0] + p2[1] for a, p2 in
                                     zip(accs, zip(prods[0::2], prods[1::2])))

                    accs = lax.fori_loop(
                        0, EMB // 8, dblock, (zero, zero, zero, zero))
                    acc = (accs[0] + accs[1]) + (accs[2] + accs[3])
                    out_v[pl.ds(k * CHUNK + g * LANES, LANES)] = acc
                    return c2

                lax.fori_loop(0, GROUPS, group_body, 0)
            return carry

        lax.fori_loop(0, nchunk // NBUF, pair_body, 0)
        pltpu.sync_copy(out_v, out_hbm.at[pl.ds(wid * npw, npw)])

    return sc_kernel(u_table, i_table, uk, ik)


def kernel(data, u_table, i_table):
    b, s, _ = data.shape
    tot = b * s
    nchunk = tot // NW // CHUNK
    flat = data.reshape(tot, 2).astype(jnp.int32)
    uk = flat[:, 0].reshape(NW, nchunk, CHUNK)
    ik = flat[:, 1].reshape(NW, nchunk, CHUNK)
    out = _run_sc(u_table, i_table, uk, ik, tot=tot)
    return out.reshape(b, s)

# --- scband reference (transcript-rebuilt; emitter-appended) ---
"""Pipeline reference for scband-rsmodel-20727512170592 (READ-ONLY COPY).

The authoritative reference and input builder live on the scoring server;
editing this copy changes nothing except your own understanding.
"""

import jax, jax.numpy as jnp
import numpy as np

N_USER = 100000
N_ITEM = 100000
EMB_DIM = 64
B = 4096
S = 20

def _xavier(key, shape):
    fan_in, fan_out = shape[1], shape[0]
    limit = float(np.sqrt(6.0 / (fan_in + fan_out)))
    return jax.random.uniform(key, shape, dtype=jnp.float32, minval=-limit, maxval=limit)

def setup_inputs(seed: int = 0) -> dict:
    key = jax.random.key(seed)
    k_data, k_u, k_i = jax.random.split(key, 3)
    data = jax.random.randint(k_data, (B, S, 2), 0, N_USER, dtype=jnp.int64)
    u_table = _xavier(k_u, (N_USER, EMB_DIM))
    i_table = _xavier(k_i, (N_ITEM, EMB_DIM))
    return {"data": data, "u_table": u_table, "i_table": i_table}

def reference(data, u_table, i_table):
    # u_embedding lookup: gather rows of user table
    u_emb = jnp.take(u_table, data[:, :, 0], axis=0)
    # i_embedding lookup: gather rows of item table
    i_emb = jnp.take(i_table, data[:, :, 1], axis=0)
    # BPRMF: elementwise product + sum over embedding dim
    return (u_emb * i_emb).sum(axis=-1)

if __name__ == "__main__":
    import jax
    _d = setup_inputs()
    print(jax.jit(kernel)(*tuple(_d.values())))

</pallas_src>

<mosaic_0001>
#map = affine_map<(d0, d1) -> (0, 0)>
#map1 = affine_map<(d0, d1) -> (0, 0, 0)>
#map2 = affine_map<(d0, d1) -> (0)>
module attributes {stable_mosaic.version = 14 : i64} {
  func.func @sc_kernel(%arg0: i32, %arg1: i32, %arg2: memref<100000x64xf32, #tpu.memory_space<hbm>>, %arg3: memref<100000x64xf32, #tpu.memory_space<hbm>>, %arg4: memref<32x32x80xi32, #tpu.memory_space<hbm>>, %arg5: memref<32x32x80xi32, #tpu.memory_space<hbm>>, %arg6: memref<81920xf32, #tpu.memory_space<hbm>>, %arg7: memref<32x80xi32, #tpu.memory_space<vmem>>, %arg8: memref<32x80xi32, #tpu.memory_space<vmem>>, %arg9: memref<2560xf32, #tpu.memory_space<vmem>>, %arg10: memref<80x64xf32, #tpu.memory_space<vmem>>, %arg11: memref<80x64xf32, #tpu.memory_space<vmem>>, %arg12: memref<80x64xf32, #tpu.memory_space<vmem>>, %arg13: memref<80x64xf32, #tpu.memory_space<vmem>>, %arg14: memref<80x64xf32, #tpu.memory_space<vmem>>, %arg15: memref<80x64xf32, #tpu.memory_space<vmem>>, %arg16: memref<80x64xf32, #tpu.memory_space<vmem>>, %arg17: memref<80x64xf32, #tpu.memory_space<vmem>>, %arg18: memref<!tpu.dma_semaphore, #tpu.memory_space<semaphore_mem>>, %arg19: memref<!tpu.dma_semaphore, #tpu.memory_space<semaphore_mem>>, %arg20: memref<!tpu.dma_semaphore, #tpu.memory_space<semaphore_mem>>, %arg21: memref<!tpu.dma_semaphore, #tpu.memory_space<semaphore_mem>>, %arg22: memref<!tpu.dma_semaphore, #tpu.memory_space<semaphore_mem>>, %arg23: memref<!tpu.dma_semaphore, #tpu.memory_space<semaphore_mem>>, %arg24: memref<!tpu.dma_semaphore, #tpu.memory_space<semaphore_mem>>, %arg25: memref<!tpu.dma_semaphore, #tpu.memory_space<semaphore_mem>>) attributes {dimension_semantics = [#tpu.dimension_semantics<core_parallel>, #tpu.dimension_semantics<subcore_parallel>], iteration_bounds = array<i64: 2, 16>, scalar_prefetch = 0 : i64, scratch_operands = 19 : i64, tpu.core_type = #tpu.core_type<sc_vector_subcore>, window_params = [{transform_indices = #map}, {transform_indices = #map}, {transform_indices = #map1}, {transform_indices = #map1}, {transform_indices = #map2}]} {
    %mul3A = arith.constant 2 : i32
    %mul3A_0 = arith.muli %arg1, %mul3A : i32
    %add3A = arith.addi %mul3A_0, %arg0 : i32
    "tpu.region"() ({
      %run_scoped3A = tpu.sem_alloc : memref<!tpu.dma_semaphore, #tpu.memory_space<semaphore_mem>>
      %dma_start3A = arith.constant 0 : i32
      %dma_start3A_20 = arith.constant 0 : i32
      %dma_start3A_21 = tpu.memref_slice %arg4[%add3A, %dma_start3A, %dma_start3A_20] : memref<32x32x80xi32, #tpu.memory_space<hbm>> -> memref<1x32x80xi32, #tpu.memory_space<hbm>>
      %dma_start3A_22 = tpu.memref_squeeze %dma_start3A_21 : memref<1x32x80xi32, #tpu.memory_space<hbm>> -> memref<32x80xi32, #tpu.memory_space<hbm>>
      %dma_start3A_23 = arith.constant 0 : i32
      %dma_start3A_24 = arith.constant 0 : i32
      %dma_start3A_25 = tpu.memref_slice %arg4[%add3A, %dma_start3A_23, %dma_start3A_24] : memref<32x32x80xi32, #tpu.memory_space<hbm>> -> memref<1x32x80xi32, #tpu.memory_space<hbm>>
      %dma_start3A_26 = tpu.memref_squeeze %dma_start3A_25 : memref<1x32x80xi32, #tpu.memory_space<hbm>> -> memref<32x80xi32, #tpu.memory_space<hbm>>
      tpu.enqueue_dma source(%dma_start3A_26 : memref<32x80xi32, #tpu.memory_space<hbm>>) target(%arg7 : memref<32x80xi32, #tpu.memory_space<vmem>>) target_semaphore(%run_scoped3A : memref<!tpu.dma_semaphore, #tpu.memory_space<semaphore_mem>>)
      %dma_wait3A = arith.constant 0 : i32
      %dma_wait3A_27 = arith.constant 0 : i32
      %dma_wait3A_28 = tpu.memref_slice %arg4[%add3A, %dma_wait3A, %dma_wait3A_27] : memref<32x32x80xi32, #tpu.memory_space<hbm>> -> memref<1x32x80xi32, #tpu.memory_space<hbm>>
      %dma_wait3A_29 = tpu.memref_squeeze %dma_wait3A_28 : memref<1x32x80xi32, #tpu.memory_space<hbm>> -> memref<32x80xi32, #tpu.memory_space<hbm>>
      %dma_wait3A_30 = arith.constant 0 : i32
      %dma_wait3A_31 = arith.constant 0 : i32
      %dma_wait3A_32 = tpu.memref_slice %arg4[%add3A, %dma_wait3A_30, %dma_wait3A_31] : memref<32x32x80xi32, #tpu.memory_space<hbm>> -> memref<1x32x80xi32, #tpu.memory_space<hbm>>
      %dma_wait3A_33 = tpu.memref_squeeze %dma_wait3A_32 : memref<1x32x80xi32, #tpu.memory_space<hbm>> -> memref<32x80xi32, #tpu.memory_space<hbm>>
      tpu.wait_dma2 semaphore(%run_scoped3A : memref<!tpu.dma_semaphore, #tpu.memory_space<semaphore_mem>>) src(%dma_wait3A_33 : memref<32x80xi32, #tpu.memory_space<hbm>>) dst(%arg7 : memref<32x80xi32, #tpu.memory_space<vmem>>)
      tpu.yield
    }) : () -> ()
    "tpu.region"() ({
      %run_scoped3A = tpu.sem_alloc : memref<!tpu.dma_semaphore, #tpu.memory_space<semaphore_mem>>
      %dma_start3A = arith.constant 0 : i32
      %dma_start3A_20 = arith.constant 0 : i32
      %dma_start3A_21 = tpu.memref_slice %arg5[%add3A, %dma_start3A, %dma_start3A_20] : memref<32x32x80xi32, #tpu.memory_space<hbm>> -> memref<1x32x80xi32, #tpu.memory_space<hbm>>
      %dma_start3A_22 = tpu.memref_squeeze %dma_start3A_21 : memref<1x32x80xi32, #tpu.memory_space<hbm>> -> memref<32x80xi32, #tpu.memory_space<hbm>>
      %dma_start3A_23 = arith.constant 0 : i32
      %dma_start3A_24 = arith.constant 0 : i32
      %dma_start3A_25 = tpu.memref_slice %arg5[%add3A, %dma_start3A_23, %dma_start3A_24] : memref<32x32x80xi32, #tpu.memory_space<hbm>> -> memref<1x32x80xi32, #tpu.memory_space<hbm>>
      %dma_start3A_26 = tpu.memref_squeeze %dma_start3A_25 : memref<1x32x80xi32, #tpu.memory_space<hbm>> -> memref<32x80xi32, #tpu.memory_space<hbm>>
      tpu.enqueue_dma source(%dma_start3A_26 : memref<32x80xi32, #tpu.memory_space<hbm>>) target(%arg8 : memref<32x80xi32, #tpu.memory_space<vmem>>) target_semaphore(%run_scoped3A : memref<!tpu.dma_semaphore, #tpu.memory_space<semaphore_mem>>)
      %dma_wait3A = arith.constant 0 : i32
      %dma_wait3A_27 = arith.constant 0 : i32
      %dma_wait3A_28 = tpu.memref_slice %arg5[%add3A, %dma_wait3A, %dma_wait3A_27] : memref<32x32x80xi32, #tpu.memory_space<hbm>> -> memref<1x32x80xi32, #tpu.memory_space<hbm>>
      %dma_wait3A_29 = tpu.memref_squeeze %dma_wait3A_28 : memref<1x32x80xi32, #tpu.memory_space<hbm>> -> memref<32x80xi32, #tpu.memory_space<hbm>>
      %dma_wait3A_30 = arith.constant 0 : i32
      %dma_wait3A_31 = arith.constant 0 : i32
      %dma_wait3A_32 = tpu.memref_slice %arg5[%add3A, %dma_wait3A_30, %dma_wait3A_31] : memref<32x32x80xi32, #tpu.memory_space<hbm>> -> memref<1x32x80xi32, #tpu.memory_space<hbm>>
      %dma_wait3A_33 = tpu.memref_squeeze %dma_wait3A_32 : memref<1x32x80xi32, #tpu.memory_space<hbm>> -> memref<32x80xi32, #tpu.memory_space<hbm>>
      tpu.wait_dma2 semaphore(%run_scoped3A : memref<!tpu.dma_semaphore, #tpu.memory_space<semaphore_mem>>) src(%dma_wait3A_33 : memref<32x80xi32, #tpu.memory_space<hbm>>) dst(%arg8 : memref<32x80xi32, #tpu.memory_space<vmem>>)
      tpu.yield
    }) : () -> ()
    %scan3A = arith.constant 0 : i32
    %scan3A_1 = arith.constant 0 : i32
    %scan3A_2 = arith.constant 5 : i32
    %scan3A_3 = arith.addi %scan3A_1, %scan3A_2 : i32
    %scan3A_4 = arith.constant 1 : i32
    scf.for %scan3A_20 = %scan3A_1 to %scan3A_3 step %scan3A_4  : i32 {
      %mul3A_21 = arith.constant 16 : i32
      %mul3A_22 = arith.muli %scan3A_20, %mul3A_21 : i32
      %get3A = arith.constant 0 : i32
      %get3A_23 = arith.index_cast %get3A : i32 to index
      %get3A_24 = arith.index_cast %mul3A_22 : i32 to index
      %get3A_25 = tpu.vector_load %arg7[%get3A_23, %get3A_24] {strides = array<i32>} : memref<32x80xi32, #tpu.memory_space<vmem>>, vector<16xi32>,
      %mul3A_26 = arith.constant 16 : i32
      %mul3A_27 = arith.muli %scan3A_20, %mul3A_26 : i32
      %get3A_28 = arith.constant 0 : i32
      %get3A_29 = arith.index_cast %get3A_28 : i32 to index
      %get3A_30 = arith.index_cast %mul3A_27 : i32 to index
      %get3A_31 = tpu.vector_load %arg8[%get3A_29, %get3A_30] {strides = array<i32>} : memref<32x80xi32, #tpu.memory_space<vmem>>, vector<16xi32>,
      %mul3A_32 = arith.constant 16 : i32
      %mul3A_33 = arith.muli %scan3A_20, %mul3A_32 : i32
      %add3A_34 = arith.constant 0 : i32
      %add3A_35 = arith.addi %mul3A_33, %add3A_34 : i32
      %slice3A = vector.extract_strided_slice %get3A_25 {offsets = [0], sizes = [1], strides = [1]} : vector<16xi32> to vector<1xi32>
      %squeeze3A = vector.extract %slice3A[0] : i32 from vector<1xi32>
      %dma_start3A = arith.constant 0 : i32
      %dma_start3A_36 = tpu.memref_slice %arg10[%add3A_35, %dma_start3A] : memref<80x64xf32, #tpu.memory_space<vmem>> -> memref<1x64xf32, #tpu.memory_space<vmem>>
      %dma_start3A_37 = arith.constant 0 : i32
      %dma_start3A_38 = tpu.memref_slice %arg2[%squeeze3A, %dma_start3A_37] : memref<100000x64xf32, #tpu.memory_space<hbm>> -> memref<1x64xf32, #tpu.memory_space<hbm>>
      %dma_start3A_39 = arith.constant 0 : i32
      %dma_start3A_40 = tpu.memref_slice %arg10[%add3A_35, %dma_start3A_39] : memref<80x64xf32, #tpu.memory_space<vmem>> -> memref<1x64xf32, #tpu.memory_space<vmem>>
      %dma_start3A_41 = arith.constant 0 : i32
      %dma_start3A_42 = tpu.memref_slice %arg2[%squeeze3A, %dma_start3A_41] : memref<100000x64xf32, #tpu.memory_space<hbm>> -> memref<1x64xf32, #tpu.memory_space<hbm>>
      tpu.enqueue_dma source(%dma_start3A_42 : memref<1x64xf32, #tpu.memory_space<hbm>>) target(%dma_start3A_40 : memref<1x64xf32, #tpu.memory_space<vmem>>) target_semaphore(%arg18 : memref<!tpu.dma_semaphore, #tpu.memory_space<semaphore_mem>>)
      %slice3A_43 = vector.extract_strided_slice %get3A_31 {offsets = [0], sizes = [1], strides = [1]} : vector<16xi32> to vector<1xi32>
      %squeeze3A_44 = vector.extract %slice3A_43[0] : i32 from vector<1xi32>
      %dma_start3A_45 = arith.constant 0 : i32
      %dma_start3A_46 = tpu.memref_slice %arg14[%add3A_35, %dma_start3A_45] : memref<80x64xf32, #tpu.memory_space<vmem>> -> memref<1x64xf32, #tpu.memory_space<vmem>>
      %dma_start3A_47 = arith.constant 0 : i32
      %dma_start3A_48 = tpu.memref_slice %arg3[%squeeze3A_44, %dma_start3A_47] : memref<100000x64xf32, #tpu.memory_space<hbm>> -> memref<1x64xf32, #tpu.memory_space<hbm>>
      %dma_start3A_49 = arith.constant 0 : i32
      %dma_start3A_50 = tpu.memref_slice %arg14[%add3A_35, %dma_start3A_49] : memref<80x64xf32, #tpu.memory_space<vmem>> -> memref<1x64xf32, #tpu.memory_space<vmem>>
      %dma_start3A_51 = arith.constant 0 : i32
      %dma_start3A_52 = tpu.memref_slice %arg3[%squeeze3A_44, %dma_start3A_51] : memref<100000x64xf32, #tpu.memory_space<hbm>> -> memref<1x64xf32, #tpu.memory_space<hbm>>
      tpu.enqueue_dma source(%dma_start3A_52 : memref<1x64xf32, #tpu.memory_space<hbm>>) target(%dma_start3A_50 : memref<1x64xf32, #tpu.memory_space<vmem>>) target_semaphore(%arg22 : memref<!tpu.dma_semaphore, #tpu.memory_space<semaphore_mem>>)
      %mul3A_53 = arith.constant 16 : i32
      %mul3A_54 = arith.muli %scan3A_20, %mul3A_53 : i32
      %add3A_55 = arith.constant 1 : i32
      %add3A_56 = arith.addi %mul3A_54, %add3A_55 : i32
      %slice3A_57 = vector.extract_strided_slice %get3A_25 {offsets = [1], sizes = [1], strides = [1]} : vector<16xi32> to vector<1xi32>
      %squeeze3A_58 = vector.extract %slice3A_57[0] : i32 from vector<1xi32>
      %dma_start3A_59 = arith.constant 0 : i32
      %dma_start3A_60 = tpu.memref_slice %arg10[%add3A_56, %dma_start3A_59] : memref<80x64xf32, #tpu.memory_space<vmem>> -> memref<1x64xf32, #tpu.memory_space<vmem>>
      %dma_start3A_61 = arith.constant 0 : i32
      %dma_start3A_62 = tpu.memref_slice %arg2[%squeeze3A_58, %dma_start3A_61] : memref<100000x64xf32, #tpu.memory_space<hbm>> -> memref<1x64xf32, #tpu.memory_space<hbm>>
      %dma_start3A_63 = arith.constant 0 : i32
      %dma_start3A_64 = tpu.memref_slice %arg10[%add3A_56, %dma_start3A_63] : memref<80x64xf32, #tpu.memory_space<vmem>> -> memref<1x64xf32, #tpu.memory_space<vmem>>
      %dma_start3A_65 = arith.constant 0 : i32
      %dma_start3A_66 = tpu.memref_slice %arg2[%squeeze3A_58, %dma_start3A_65] : memref<100000x64xf32, #tpu.memory_space<hbm>> -> memref<1x64xf32, #tpu.memory_space<hbm>>
      tpu.enqueue_dma source(%dma_start3A_66 : memref<1x64xf32, #tpu.memory_space<hbm>>) target(%dma_start3A_64 : memref<1x64xf32, #tpu.memory_space<vmem>>) target_semaphore(%arg18 : memref<!tpu.dma_semaphore, #tpu.memory_space<semaphore_mem>>)
      %slice3A_67 = vector.extract_strided_slice %get3A_31 {offsets = [1], sizes = [1], strides = [1]} : vector<16xi32> to vector<1xi32>
      %squeeze3A_68 = vector.extract %slice3A_67[0] : i32 from vector<1xi32>
      %dma_start3A_69 = arith.constant 0 : i32
      %dma_start3A_70 = tpu.memref_slice %arg14[%add3A_56, %dma_start3A_69] : memref<80x64xf32, #tpu.memory_space<vmem>> -> memref<1x64xf32, #tpu.memory_space<vmem>>
      %dma_start3A_71 = arith.constant 0 : i32
      %dma_start3A_72 = tpu.memref_slice %arg3[%squeeze3A_68, %dma_start3A_71] : memref<100000x64xf32, #tpu.memory_space<hbm>> -> memref<1x64xf32, #tpu.memory_space<hbm>>
      %dma_start3A_73 = arith.constant 0 : i32
      %dma_start3A_74 = tpu.memref_slice %arg14[%add3A_56, %dma_start3A_73] : memref<80x64xf32, #tpu.memory_space<vmem>> -> memref<1x64xf32, #tpu.memory_space<vmem>>
      %dma_start3A_75 = arith.constant 0 : i32
      %dma_start3A_76 = tpu.memref_slice %arg3[%squeeze3A_68, %dma_start3A_75] : memref<100000x64xf32, #tpu.memory_space<hbm>> -> memref<1x64xf32, #tpu.memory_space<hbm>>
      tpu.enqueue_dma source(%dma_start3A_76 : memref<1x64xf32, #tpu.memory_space<hbm>>) target(%dma_start3A_74 : memref<1x64xf32, #tpu.memory_space<vmem>>) target_semaphore(%arg22 : memref<!tpu.dma_semaphore, #tpu.memory_space<semaphore_mem>>)
      %mul3A_77 = arith.constant 16 : i32
      %mul3A_78 = arith.muli %scan3A_20, %mul3A_77 : i32
      %add3A_79 = arith.constant 2 : i32
      %add3A_80 = arith.addi %mul3A_78, %add3A_79 : i32
      %slice3A_81 = vector.extract_strided_slice %get3A_25 {offsets = [2], sizes = [1], strides = [1]} : vector<16xi32> to vector<1xi32>
      %squeeze3A_82 = vector.extract %slice3A_81[0] : i32 from vector<1xi32>
      %dma_start3A_83 = arith.constant 0 : i32
      %dma_start3A_84 = tpu.memref_slice %arg10[%add3A_80, %dma_start3A_83] : memref<80x64xf32, #tpu.memory_space<vmem>> -> memref<1x64xf32, #tpu.memory_space<vmem>>
      %dma_start3A_85 = arith.constant 0 : i32
      %dma_start3A_86 = tpu.memref_slice %arg2[%squeeze3A_82, %dma_start3A_85] : memref<100000x64xf32, #tpu.memory_space<hbm>> -> memref<1x64xf32, #tpu.memory_space<hbm>>
      %dma_start3A_87 = arith.constant 0 : i32
      %dma_start3A_88 = tpu.memref_slice %arg10[%add3A_80, %dma_start3A_87] : memref<80x64xf32, #tpu.memory_space<vmem>> -> memref<1x64xf32, #tpu.memory_space<vmem>>
      %dma_start3A_89 = arith.constant 0 : i32
      %dma_start3A_90 = tpu.memref_slice %arg2[%squeeze3A_82, %dma_start3A_89] : memref<100000x64xf32, #tpu.memory_space<hbm>> -> memref<1x64xf32, #tpu.memory_space<hbm>>
      tpu.enqueue_dma source(%dma_start3A_90 : memref<1x64xf32, #tpu.memory_space<hbm>>) target(%dma_start3A_88 : memref<1x64xf32, #tpu.memory_space<vmem>>) target_semaphore(%arg18 : memref<!tpu.dma_semaphore, #tpu.memory_space<semaphore_mem>>)
      %slice3A_91 = vector.extract_strided_slice %get3A_31 {offsets = [2], sizes = [1], strides = [1]} : vector<16xi32> to vector<1xi32>
      %squeeze3A_92 = vector.extract %slice3A_91[0] : i32 from vector<1xi32>
      %dma_start3A_93 = arith.constant 0 : i32
      %dma_start3A_94 = tpu.memref_slice %arg14[%add3A_80, %dma_start3A_93] : memref<80x64xf32, #tpu.memory_space<vmem>> -> memref<1x64xf32, #tpu.memory_space<vmem>>
      %dma_start3A_95 = arith.constant 0 : i32
      %dma_start3A_96 = tpu.memref_slice %arg3[%squeeze3A_92, %dma_start3A_95] : memref<100000x64xf32, #tpu.memory_space<hbm>> -> memref<1x64xf32, #tpu.memory_space<hbm>>
      %dma_start3A_97 = arith.constant 0 : i32
      %dma_start3A_98 = tpu.memref_slice %arg14[%add3A_80, %dma_start3A_97] : memref<80x64xf32, #tpu.memory_space<vmem>> -> memref<1x64xf32, #tpu.memory_space<vmem>>
      %dma_start3A_99 = arith.constant 0 : i32
      %dma_start3A_100 = tpu.memref_slice %arg3[%squeeze3A_92, %dma_start3A_99] : memref<100000x64xf32, #tpu.memory_space<hbm>> -> memref<1x64xf32, #tpu.memory_space<hbm>>
      tpu.enqueue_dma source(%dma_start3A_100 : memref<1x64xf32, #tpu.memory_space<hbm>>) target(%dma_start3A_98 : memref<1x64xf32, #tpu.memory_space<vmem>>) target_semaphore(%arg22 : memref<!tpu.dma_semaphore, #tpu.memory_space<semaphore_mem>>)
      %mul3A_101 = arith.constant 16 : i32
      %mul3A_102 = arith.muli %scan3A_20, %mul3A_101 : i32
      %add3A_103 = arith.constant 3 : i32
      %add3A_104 = arith.addi %mul3A_102, %add3A_103 : i32
      %slice3A_105 = vector.extract_strided_slice %get3A_25 {offsets = [3], sizes = [1], strides = [1]} : vector<16xi32> to vector<1xi32>
      %squeeze3A_106 = vector.extract %slice3A_105[0] : i32 from vector<1xi32>
      %dma_start3A_107 = arith.constant 0 : i32
      %dma_start3A_108 = tpu.memref_slice %arg10[%add3A_104, %dma_start3A_107] : memref<80x64xf32, #tpu.memory_space<vmem>> -> memref<1x64xf32, #tpu.memory_space<vmem>>
      %dma_start3A_109 = arith.constant 0 : i32
      %dma_start3A_110 = tpu.memref_slice %arg2[%squeeze3A_106, %dma_start3A_109] : memref<100000x64xf32, #tpu.memory_space<hbm>> -> memref<1x64xf32, #tpu.memory_space<hbm>>
      %dma_start3A_111 = arith.constant 0 : i32
      %dma_start3A_112 = tpu.memref_slice %arg10[%add3A_104, %dma_start3A_111] : memref<80x64xf32, #tpu.memory_space<vmem>> -> memref<1x64xf32, #tpu.memory_space<vmem>>
      %dma_start3A_113 = arith.constant 0 : i32
      %dma_start3A_114 = tpu.memref_slice %arg2[%squeeze3A_106, %dma_start3A_113] : memref<100000x64xf32, #tpu.memory_space<hbm>> -> memref<1x64xf32, #tpu.memory_space<hbm>>
      tpu.enqueue_dma source(%dma_start3A_114 : memref<1x64xf32, #tpu.memory_space<hbm>>) target(%dma_start3A_112 : memref<1x64xf32, #tpu.memory_space<vmem>>) target_semaphore(%arg18 : memref<!tpu.dma_semaphore, #tpu.memory_space<semaphore_mem>>)
      %slice3A_115 = vector.extract_strided_slice %get3A_31 {offsets = [3], sizes = [1], strides = [1]} : vector<16xi32> to vector<1xi32>
      %squeeze3A_116 = vector.extract %slice3A_115[0] : i32 from vector<1xi32>
      %dma_start3A_117 = arith.constant 0 : i32
      %dma_start3A_118 = tpu.memref_slice %arg14[%add3A_104, %dma_start3A_117] : memref<80x64xf32, #tpu.memory_space<vmem>> -> memref<1x64xf32, #tpu.memory_space<vmem>>
      %dma_start3A_119 = arith.constant 0 : i32
      %dma_start3A_120 = tpu.memref_slice %arg3[%squeeze3A_116, %dma_start3A_119] : memref<100000x64xf32, #tpu.memory_space<hbm>> -> memref<1x64xf32, #tpu.memory_space<hbm>>
      %dma_start3A_121 = arith.constant 0 : i32
      %dma_start3A_122 = tpu.memref_slice %arg14[%add3A_104, %dma_start3A_121] : memref<80x64xf32, #tpu.memory_space<vmem>> -> memref<1x64xf32, #tpu.memory_space<vmem>>
      %dma_start3A_123 = arith.constant 0 : i32
      %dma_start3A_124 = tpu.memref_slice %arg3[%squeeze3A_116, %dma_start3A_123] : memref<100000x64xf32, #tpu.memory_space<hbm>> -> memref<1x64xf32, #tpu.memory_space<hbm>>
      tpu.enqueue_dma source(%dma_start3A_124 : memref<1x64xf32, #tpu.memory_space<hbm>>) target(%dma_start3A_122 : memref<1x64xf32, #tpu.memory_space<vmem>>) target_semaphore(%arg22 : memref<!tpu.dma_semaphore, #tpu.memory_space<semaphore_mem>>)
      %mul3A_125 = arith.constant 16 : i32
      %mul3A_126 = arith.muli %scan3A_20, %mul3A_125 : i32
      %add3A_127 = arith.constant 4 : i32
      %add3A_128 = arith.addi %mul3A_126, %add3A_127 : i32
      %slice3A_129 = vector.extract_strided_slice %get3A_25 {offsets = [4], sizes = [1], strides = [1]} : vector<16xi32> to vector<1xi32>
      %squeeze3A_130 = vector.extract %slice3A_129[0] : i32 from vector<1xi32>
      %dma_start3A_131 = arith.constant 0 : i32
      %dma_start3A_132 = tpu.memref_slice %arg10[%add3A_128, %dma_start3A_131] : memref<80x64xf32, #tpu.memory_space<vmem>> -> memref<1x64xf32, #tpu.memory_space<vmem>>
      %dma_start3A_133 = arith.constant 0 : i32
      %dma_start3A_134 = tpu.memref_slice %arg2[%squeeze3A_130, %dma_start3A_133] : memref<100000x64xf32, #tpu.memory_space<hbm>> -> memref<1x64xf32, #tpu.memory_space<hbm>>
      %dma_start3A_135 = arith.constant 0 : i32
      %dma_start3A_136 = tpu.memref_slice %arg10[%add3A_128, %dma_start3A_135] : memref<80x64xf32, #tpu.memory_space<vmem>> -> memref<1x64xf32, #tpu.memory_space<vmem>>
      %dma_start3A_137 = arith.constant 0 : i32
      %dma_start3A_138 = tpu.memref_slice %arg2[%squeeze3A_130, %dma_start3A_137] : memref<100000x64xf32, #tpu.memory_space<hbm>> -> memref<1x64xf32, #tpu.memory_space<hbm>>
      tpu.enqueue_dma source(%dma_start3A_138 : memref<1x64xf32, #tpu.memory_space<hbm>>) target(%dma_start3A_136 : memref<1x64xf32, #tpu.memory_space<vmem>>) target_semaphore(%arg18 : memref<!tpu.dma_semaphore, #tpu.memory_space<semaphore_mem>>)
      %slice3A_139 = vector.extract_strided_slice %get3A_31 {offsets = [4], sizes = [1], strides = [1]} : vector<16xi32> to vector<1xi32>
      %squeeze3A_140 = vector.extract %slice3A_139[0] : i32 from vector<1xi32>
      %dma_start3A_141 = arith.constant 0 : i32
      %dma_start3A_142 = tpu.memref_slice %arg14[%add3A_128, %dma_start3A_141] : memref<80x64xf32, #tpu.memory_space<vmem>> -> memref<1x64xf32, #tpu.memory_space<vmem>>
      %dma_start3A_143 = arith.constant 0 : i32
      %dma_start3A_144 = tpu.memref_slice %arg3[%squeeze3A_140, %dma_start3A_143] : memref<100000x64xf32, #tpu.memory_space<hbm>> -> memref<1x64xf32, #tpu.memory_space<hbm>>
      %dma_start3A_145 = arith.constant 0 : i32
      %dma_start3A_146 = tpu.memref_slice %arg14[%add3A_128, %dma_start3A_145] : memref<80x64xf32, #tpu.memory_space<vmem>> -> memref<1x64xf32, #tpu.memory_space<vmem>>
      %dma_start3A_147 = arith.constant 0 : i32
      %dma_start3A_148 = tpu.memref_slice %arg3[%squeeze3A_140, %dma_start3A_147] : memref<100000x64xf32, #tpu.memory_space<hbm>> -> memref<1x64xf32, #tpu.memory_space<hbm>>
      tpu.enqueue_dma source(%dma_start3A_148 : memref<1x64xf32, #tpu.memory_space<hbm>>) target(%dma_start3A_146 : memref<1x64xf32, #tpu.memory_space<vmem>>) target_semaphore(%arg22 : memref<!tpu.dma_semaphore, #tpu.memory_space<semaphore_mem>>)
      %mul3A_149 = arith.constant 16 : i32
      %mul3A_150 = arith.muli %scan3A_20, %mul3A_149 : i32
      %add3A_151 = arith.constant 5 : i32
      %add3A_152 = arith.addi %mul3A_150, %add3A_151 : i32
      %slice3A_153 = vector.extract_strided_slice %get3A_25 {offsets = [5], sizes = [1], strides = [1]} : vector<16xi32> to vector<1xi32>
      %squeeze3A_154 = vector.extract %slice3A_153[0] : i32 from vector<1xi32>
      %dma_start3A_155 = arith.constant 0 : i32
      %dma_start3A_156 = tpu.memref_slice %arg10[%add3A_152, %dma_start3A_155] : memref<80x64xf32, #tpu.memory_space<vmem>> -> memref<1x64xf32, #tpu.memory_space<vmem>>
      %dma_start3A_157 = arith.constant 0 : i32
      %dma_start3A_158 = tpu.memref_slice %arg2[%squeeze3A_154, %dma_start3A_157] : memref<100000x64xf32, #tpu.memory_space<hbm>> -> memref<1x64xf32, #tpu.memory_space<hbm>>
      %dma_start3A_159 = arith.constant 0 : i32
      %dma_start3A_160 = tpu.memref_slice %arg10[%add3A_152, %dma_start3A_159] : memref<80x64xf32, #tpu.memory_space<vmem>> -> memref<1x64xf32, #tpu.memory_space<vmem>>
      %dma_start3A_161 = arith.constant 0 : i32
      %dma_start3A_162 = tpu.memref_slice %arg2[%squeeze3A_154, %dma_start3A_161] : memref<100000x64xf32, #tpu.memory_space<hbm>> -> memref<1x64xf32, #tpu.memory_space<hbm>>
      tpu.enqueue_dma source(%dma_start3A_162 : memref<1x64xf32, #tpu.memory_space<hbm>>) target(%dma_start3A_160 : memref<1x64xf32, #tpu.memory_space<vmem>>) target_semaphore(%arg18 : memref<!tpu.dma_semaphore, #tpu.memory_space<semaphore_mem>>)
      %slice3A_163 = vector.extract_strided_slice %get3A_31 {offsets = [5], sizes = [1], strides = [1]} : vector<16xi32> to vector<1xi32>
      %squeeze3A_164 = vector.extract %slice3A_163[0] : i32 from vector<1xi32>
      %dma_start3A_165 = arith.constant 0 : i32
      %dma_start3A_166 = tpu.memref_slice %arg14[%add3A_152, %dma_start3A_165] : memref<80x64xf32, #tpu.memory_space<vmem>> -> memref<1x64xf32, #tpu.memory_space<vmem>>
      %dma_start3A_167 = arith.constant 0 : i32
      %dma_start3A_168 = tpu.memref_slice %arg3[%squeeze3A_164, %dma_start3A_167] : memref<100000x64xf32, #tpu.memory_space<hbm>> -> memref<1x64xf32, #tpu.memory_space<hbm>>
      %dma_start3A_169 = arith.constant 0 : i32
      %dma_start3A_170 = tpu.memref_slice %arg14[%add3A_152, %dma_start3A_169] : memref<80x64xf32, #tpu.memory_space<vmem>> -> memref<1x64xf32, #tpu.memory_space<vmem>>
      %dma_start3A_171 = arith.constant 0 : i32
      %dma_start3A_172 = tpu.memref_slice %arg3[%squeeze3A_164, %dma_start3A_171] : memref<100000x64xf32, #tpu.memory_space<hbm>> -> memref<1x64xf32, #tpu.memory_space<hbm>>
      tpu.enqueue_dma source(%dma_start3A_172 : memref<1x64xf32, #tpu.memory_space<hbm>>) target(%dma_start3A_170 : memref<1x64xf32, #tpu.memory_space<vmem>>) target_semaphore(%arg22 : memref<!tpu.dma_semaphore, #tpu.memory_space<semaphore_mem>>)
      %mul3A_173 = arith.constant 16 : i32
      %mul3A_174 = arith.muli %scan3A_20, %mul3A_173 : i32
      %add3A_175 = arith.constant 6 : i32
      %add3A_176 = arith.addi %mul3A_174, %add3A_175 : i32
      %slice3A_177 = vector.extract_strided_slice %get3A_25 {offsets = [6], sizes = [1], strides = [1]} : vector<16xi32> to vector<1xi32>
      %squeeze3A_178 = vector.extract %slice3A_177[0] : i32 from vector<1xi32>
      %dma_start3A_179 = arith.constant 0 : i32
      %dma_start3A_180 = tpu.memref_slice %arg10[%add3A_176, %dma_start3A_179] : memref<80x64xf32, #tpu.memory_space<vmem>> -> memref<1x64xf32, #tpu.memory_space<vmem>>
      %dma_start3A_181 = arith.constant 0 : i32
      %dma_start3A_182 = tpu.memref_slice %arg2[%squeeze3A_178, %dma_start3A_181] : memref<100000x64xf32, #tpu.memory_space<hbm>> -> memref<1x64xf32, #tpu.memory_space<hbm>>
      %dma_start3A_183 = arith.constant 0 : i32
      %dma_start3A_184 = tpu.memref_slice %arg10[%add3A_176, %dma_start3A_183] : memref<80x64xf32, #tpu.memory_space<vmem>> -> memref<1x64xf32, #tpu.memory_space<vmem>>
      %dma_start3A_185 = arith.constant 0 : i32
      %dma_start3A_186 = tpu.memref_slice %arg2[%squeeze3A_178, %dma_start3A_185] : memref<100000x64xf32, #tpu.memory_space<hbm>> -> memref<1x64xf32, #tpu.memory_space<hbm>>
      tpu.enqueue_dma source(%dma_start3A_186 : memref<1x64xf32, #tpu.memory_space<hbm>>) target(%dma_start3A_184 : memref<1x64xf32, #tpu.memory_space<vmem>>) target_semaphore(%arg18 : memref<!tpu.dma_semaphore, #tpu.memory_space<semaphore_mem>>)
      %slice3A_187 = vector.extract_strided_slice %get3A_31 {offsets = [6], sizes = [1], strides = [1]} : vector<16xi32> to vector<1xi32>
      %squeeze3A_188 = vector.extract %slice3A_187[0] : i32 from vector<1xi32>
      %dma_start3A_189 = arith.constant 0 : i32
      %dma_start3A_190 = tpu.memref_slice %arg14[%add3A_176, %dma_start3A_189] : memref<80x64xf32, #tpu.memory_space<vmem>> -> memref<1x64xf32, #tpu.memory_space<vmem>>
      %dma_start3A_191 = arith.constant 0 : i32
      %dma_start3A_192 = tpu.memref_slice %arg3[%squeeze3A_188, %dma_start3A_191] : memref<100000x64xf32, #tpu.memory_space<hbm>> -> memref<1x64xf32, #tpu.memory_space<hbm>>
      %dma_start3A_193 = arith.constant 0 : i32
      %dma_start3A_194 = tpu.memref_slice %arg14[%add3A_176, %dma_start3A_193] : memref<80x64xf32, #tpu.memory_space<vmem>> -> memref<1x64xf32, #tpu.memory_space<vmem>>
      %dma_start3A_195 = arith.constant 0 : i32
      %dma_start3A_196 = tpu.memref_slice %arg3[%squeeze3A_188, %dma_start3A_195] : memref<100000x64xf32, #tpu.memory_space<hbm>> -> memref<1x64xf32, #tpu.memory_space<hbm>>
      tpu.enqueue_dma source(%dma_start3A_196 : memref<1x64xf32, #tpu.memory_space<hbm>>) target(%dma_start3A_194 : memref<1x64xf32, #tpu.memory_space<vmem>>) target_semaphore(%arg22 : memref<!tpu.dma_semaphore, #tpu.memory_space<semaphore_mem>>)
      %mul3A_197 = arith.constant 16 : i32
      %mul3A_198 = arith.muli %scan3A_20, %mul3A_197 : i32
      %add3A_199 = arith.constant 7 : i32
      %add3A_200 = arith.addi %mul3A_198, %add3A_199 : i32
      %slice3A_201 = vector.extract_strided_slice %get3A_25 {offsets = [7], sizes = [1], strides = [1]} : vector<16xi32> to vector<1xi32>
      %squeeze3A_202 = vector.extract %slice3A_201[0] : i32 from vector<1xi32>
      %dma_start3A_203 = arith.constant 0 : i32
      %dma_start3A_204 = tpu.memref_slice %arg10[%add3A_200, %dma_start3A_203] : memref<80x64xf32, #tpu.memory_space<vmem>> -> memref<1x64xf32, #tpu.memory_space<vmem>>
      %dma_start3A_205 = arith.constant 0 : i32
      %dma_start3A_206 = tpu.memref_slice %arg2[%squeeze3A_202, %dma_start3A_205] : memref<100000x64xf32, #tpu.memory_space<hbm>> -> memref<1x64xf32, #tpu.memory_space<hbm>>
      %dma_start3A_207 = arith.constant 0 : i32
      %dma_start3A_208 = tpu.memref_slice %arg10[%add3A_200, %dma_start3A_207] : memref<80x64xf32, #tpu.memory_space<vmem>> -> memref<1x64xf32, #tpu.memory_space<vmem>>
      %dma_start3A_209 = arith.constant 0 : i32
      %dma_start3A_210 = tpu.memref_slice %arg2[%squeeze3A_202, %dma_start3A_209] : memref<100000x64xf32, #tpu.memory_space<hbm>> -> memref<1x64xf32, #tpu.memory_space<hbm>>
      tpu.enqueue_dma source(%dma_start3A_210 : memref<1x64xf32, #tpu.memory_space<hbm>>) target(%dma_start3A_208 : memref<1x64xf32, #tpu.memory_space<vmem>>) target_semaphore(%arg18 : memref<!tpu.dma_semaphore, #tpu.memory_space<semaphore_mem>>)
      %slice3A_211 = vector.extract_strided_slice %get3A_31 {offsets = [7], sizes = [1], strides = [1]} : vector<16xi32> to vector<1xi32>
      %squeeze3A_212 = vector.extract %slice3A_211[0] : i32 from vector<1xi32>
      %dma_start3A_213 = arith.constant 0 : i32
      %dma_start3A_214 = tpu.memref_slice %arg14[%add3A_200, %dma_start3A_213] : memref<80x64xf32, #tpu.memory_space<vmem>> -> memref<1x64xf32, #tpu.memory_space<vmem>>
      %dma_start3A_215 = arith.constant 0 : i32
      %dma_start3A_216 = tpu.memref_slice %arg3[%squeeze3A_212, %dma_start3A_215] : memref<100000x64xf32, #tpu.memory_space<hbm>> -> memref<1x64xf32, #tpu.memory_space<hbm>>
      %dma_start3A_217 = arith.constant 0 : i32
      %dma_start3A_218 = tpu.memref_slice %arg14[%add3A_200, %dma_start3A_217] : memref<80x64xf32, #tpu.memory_space<vmem>> -> memref<1x64xf32, #tpu.memory_space<vmem>>
      %dma_start3A_219 = arith.constant 0 : i32
      %dma_start3A_220 = tpu.memref_slice %arg3[%squeeze3A_212, %dma_start3A_219] : memref<100000x64xf32, #tpu.memory_space<hbm>> -> memref<1x64xf32, #tpu.memory_space<hbm>>
      tpu.enqueue_dma source(%dma_start3A_220 : memref<1x64xf32, #tpu.memory_space<hbm>>) target(%dma_start3A_218 : memref<1x64xf32, #tpu.memory_space<vmem>>) target_semaphore(%arg22 : memref<!tpu.dma_semaphore, #tpu.memory_space<semaphore_mem>>)
      %mul3A_221 = arith.constant 16 : i32
      %mul3A_222 = arith.muli %scan3A_20, %mul3A_221 : i32
      %add3A_223 = arith.constant 8 : i32
      %add3A_224 = arith.addi %mul3A_222, %add3A_223 : i32
      %slice3A_225 = vector.extract_strided_slice %get3A_25 {offsets = [8], sizes = [1], strides = [1]} : vector<16xi32> to vector<1xi32>
      %squeeze3A_226 = vector.extract %slice3A_225[0] : i32 from vector<1xi32>
      %dma_start3A_227 = arith.constant 0 : i32
      %dma_start3A_228 = tpu.memref_slice %arg10[%add3A_224, %dma_start3A_227] : memref<80x64xf32, #tpu.memory_space<vmem>> -> memref<1x64xf32, #tpu.memory_space<vmem>>
      %dma_start3A_229 = arith.constant 0 : i32
      %dma_start3A_230 = tpu.memref_slice %arg2[%squeeze3A_226, %dma_start3A_229] : memref<100000x64xf32, #tpu.memory_space<hbm>> -> memref<1x64xf32, #tpu.memory_space<hbm>>
      %dma_start3A_231 = arith.constant 0 : i32
      %dma_start3A_232 = tpu.memref_slice %arg10[%add3A_224, %dma_start3A_231] : memref<80x64xf32, #tpu.memory_space<vmem>> -> memref<1x64xf32, #tpu.memory_space<vmem>>
      %dma_start3A_233 = arith.constant 0 : i32
      %dma_start3A_234 = tpu.memref_slice %arg2[%squeeze3A_226, %dma_start3A_233] : memref<100000x64xf32, #tpu.memory_space<hbm>> -> memref<1x64xf32, #tpu.memory_space<hbm>>
      tpu.enqueue_dma source(%dma_start3A_234 : memref<1x64xf32, #tpu.memory_space<hbm>>) target(%dma_start3A_232 : memref<1x64xf32, #tpu.memory_space<vmem>>) target_semaphore(%arg18 : memref<!tpu.dma_semaphore, #tpu.memory_space<semaphore_mem>>)
      %slice3A_235 = vector.extract_strided_slice %get3A_31 {offsets = [8], sizes = [1], strides = [1]} : vector<16xi32> to vector<1xi32>
      %squeeze3A_236 = vector.extract %slice3A_235[0] : i32 from vector<1xi32>
      %dma_start3A_237 = arith.constant 0 : i32
      %dma_start3A_238 = tpu.memref_slice %arg14[%add3A_224, %dma_start3A_237] : memref<80x64xf32, #tpu.memory_space<vmem>> -> memref<1x64xf32, #tpu.memory_space<vmem>>
      %dma_start3A_239 = arith.constant 0 : i32
      %dma_start3A_240 = tpu.memref_slice %arg3[%squeeze3A_236, %dma_start3A_239] : memref<100000x64xf32, #tpu.memory_space<hbm>> -> memref<1x64xf32, #tpu.memory_space<hbm>>
      %dma_start3A_241 = arith.constant 0 : i32
      %dma_start3A_242 = tpu.memref_slice %arg14[%add3A_224, %dma_start3A_241] : memref<80x64xf32, #tpu.memory_space<vmem>> -> memref<1x64xf32, #tpu.memory_space<vmem>>
      %dma_start3A_243 = arith.constant 0 : i32
      %dma_start3A_244 = tpu.memref_slice %arg3[%squeeze3A_236, %dma_start3A_243] : memref<100000x64xf32, #tpu.memory_space<hbm>> -> memref<1x64xf32, #tpu.memory_space<hbm>>
      tpu.enqueue_dma source(%dma_start3A_244 : memref<1x64xf32, #tpu.memory_space<hbm>>) target(%dma_start3A_242 : memref<1x64xf32, #tpu.memory_space<vmem>>) target_semaphore(%arg22 : memref<!tpu.dma_semaphore, #tpu.memory_space<semaphore_mem>>)
      %mul3A_245 = arith.constant 16 : i32
      %mul3A_246 = arith.muli %scan3A_20, %mul3A_245 : i32
      %add3A_247 = arith.constant 9 : i32
      %add3A_248 = arith.addi %mul3A_246, %add3A_247 : i32
      %slice3A_249 = vector.extract_strided_slice %get3A_25 {offsets = [9], sizes = [1], strides = [1]} : vector<16xi32> to vector<1xi32>
      %squeeze3A_250 = vector.extract %slice3A_249[0] : i32 from vector<1xi32>
      %dma_start3A_251 = arith.constant 0 : i32
      %dma_start3A_252 = tpu.memref_slice %arg10[%add3A_248, %dma_start3A_251] : memref<80x64xf32, #tpu.memory_space<vmem>> -> memref<1x64xf32, #tpu.memory_space<vmem>>
      %dma_start3A_253 = arith.constant 0 : i32
      %dma_start3A_254 = tpu.memref_slice %arg2[%squeeze3A_250, %dma_start3A_253] : memref<100000x64xf32, #tpu.memory_space<hbm>> -> memref<1x64xf32, #tpu.memory_space<hbm>>
      %dma_start3A_255 = arith.constant 0 : i32
      %dma_start3A_256 = tpu.memref_slice %arg10[%add3A_248, %dma_start3A_255] : memref<80x64xf32, #tpu.memory_space<vmem>> -> memref<1x64xf32, #tpu.memory_space<vmem>>
      %dma_start3A_257 = arith.constant 0 : i32
      %dma_start3A_258 = tpu.memref_slice %arg2[%squeeze3A_250, %dma_start3A_257] : memref<100000x64xf32, #tpu.memory_space<hbm>> -> memref<1x64xf32, #tpu.memory_space<hbm>>
      tpu.enqueue_dma source(%dma_start3A_258 : memref<1x64xf32, #tpu.memory_space<hbm>>) target(%dma_start3A_256 : memref<1x64xf32, #tpu.memory_space<vmem>>) target_semaphore(%arg18 : memref<!tpu.dma_semaphore, #tpu.memory_space<semaphore_mem>>)
      %slice3A_259 = vector.extract_strided_slice %get3A_31 {offsets = [9], sizes = [1], strides = [1]} : vector<16xi32> to vector<1xi32>
      %squeeze3A_260 = vector.extract %slice3A_259[0] : i32 from vector<1xi32>
      %dma_start3A_261 = arith.constant 0 : i32
      %dma_start3A_262 = tpu.memref_slice %arg14[%add3A_248, %dma_start3A_261] : memref<80x64xf32, #tpu.memory_space<vmem>> -> memref<1x64xf32, #tpu.memory_space<vmem>>
      %dma_start3A_263 = arith.constant 0 : i32
      %dma_start3A_264 = tpu.memref_slice %arg3[%squeeze3A_260, %dma_start3A_263] : memref<100000x64xf32, #tpu.memory_space<hbm>> -> memref<1x64xf32, #tpu.memory_space<hbm>>
      %dma_start3A_265 = arith.constant 0 : i32
      %dma_start3A_266 = tpu.memref_slice %arg14[%add3A_248, %dma_start3A_265] : memref<80x64xf32, #tpu.memory_space<vmem>> -> memref<1x64xf32, #tpu.memory_space<vmem>>
      %dma_start3A_267 = arith.constant 0 : i32
      %dma_start3A_268 = tpu.memref_slice %arg3[%squeeze3A_260, %dma_start3A_267] : memref<100000x64xf32, #tpu.memory_space<hbm>> -> memref<1x64xf32, #tpu.memory_space<hbm>>
      tpu.enqueue_dma source(%dma_start3A_268 : memref<1x64xf32, #tpu.memory_space<hbm>>) target(%dma_start3A_266 : memref<1x64xf32, #tpu.memory_space<vmem>>) target_semaphore(%arg22 : memref<!tpu.dma_semaphore, #tpu.memory_space<semaphore_mem>>)
      %mul3A_269 = arith.constant 16 : i32
      %mul3A_270 = arith.muli %scan3A_20, %mul3A_269 : i32
      %add3A_271 = arith.constant 10 : i32
      %add3A_272 = arith.addi %mul3A_270, %add3A_271 : i32
      %slice3A_273 = vector.extract_strided_slice %get3A_25 {offsets = [10], sizes = [1], strides = [1]} : vector<16xi32> to vector<1xi32>
      %squeeze3A_274 = vector.extract %slice3A_273[0] : i32 from vector<1xi32>
      %dma_start3A_275 = arith.constant 0 : i32
      %dma_start3A_276 = tpu.memref_slice %arg10[%add3A_272, %dma_start3A_275] : memref<80x64xf32, #tpu.memory_space<vmem>> -> memref<1x64xf32, #tpu.memory_space<vmem>>
      %dma_start3A_277 = arith.constant 0 : i32
      %dma_start3A_278 = tpu.memref_slice %arg2[%squeeze3A_274, %dma_start3A_277] : memref<100000x64xf32, #tpu.memory_space<hbm>> -> memref<1x64xf32, #tpu.memory_space<hbm>>
      %dma_start3A_279 = arith.constant 0 : i32
      %dma_start3A_280 = tpu.memref_slice %arg10[%add3A_272, %dma_start3A_279] : memref<80x64xf32, #tpu.memory_space<vmem>> -> memref<1x64xf32, #tpu.memory_space<vmem>>
      %dma_start3A_281 = arith.constant 0 : i32
      %dma_start3A_282 = tpu.memref_slice %arg2[%squeeze3A_274, %dma_start3A_281] : memref<100000x64xf32, #tpu.memory_space<hbm>> -> memref<1x64xf32, #tpu.memory_space<hbm>>
      tpu.enqueue_dma source(%dma_start3A_282 : memref<1x64xf32, #tpu.memory_space<hbm>>) target(%dma_start3A_280 : memref<1x64xf32, #tpu.memory_space<vmem>>) target_semaphore(%arg18 : memref<!tpu.dma_semaphore, #tpu.memory_space<semaphore_mem>>)
      %slice3A_283 = vector.extract_strided_slice %get3A_31 {offsets = [10], sizes = [1], strides = [1]} : vector<16xi32> to vector<1xi32>
      %squeeze3A_284 = vector.extract %slice3A_283[0] : i32 from vector<1xi32>
      %dma_start3A_285 = arith.constant 0 : i32
      %dma_start3A_286 = tpu.memref_slice %arg14[%add3A_272, %dma_start3A_285] : memref<80x64xf32, #tpu.memory_space<vmem>> -> memref<1x64xf32, #tpu.memory_space<vmem>>
      %dma_start3A_287 = arith.constant 0 : i32
      %dma_start3A_288 = tpu.memref_slice %arg3[%squeeze3A_284, %dma_start3A_287] : memref<100000x64xf32, #tpu.memory_space<hbm>> -> memref<1x64xf32, #tpu.memory_space<hbm>>
      %dma_start3A_289 = arith.constant 0 : i32
      %dma_start3A_290 = tpu.memref_slice %arg14[%add3A_272, %dma_start3A_289] : memref<80x64xf32, #tpu.memory_space<vmem>> -> memref<1x64xf32, #tpu.memory_space<vmem>>
      %dma_start3A_291 = arith.constant 0 : i32
      %dma_start3A_292 = tpu.memref_slice %arg3[%squeeze3A_284, %dma_start3A_291] : memref<100000x64xf32, #tpu.memory_space<hbm>> -> memref<1x64xf32, #tpu.memory_space<hbm>>
      tpu.enqueue_dma source(%dma_start3A_292 : memref<1x64xf32, #tpu.memory_space<hbm>>) target(%dma_start3A_290 : memref<1x64xf32, #tpu.memory_space<vmem>>) target_semaphore(%arg22 : memref<!tpu.dma_semaphore, #tpu.memory_space<semaphore_mem>>)
      %mul3A_293 = arith.constant 16 : i32
      %mul3A_294 = arith.muli %scan3A_20, %mul3A_293 : i32
      %add3A_295 = arith.constant 11 : i32
      %add3A_296 = arith.addi %mul3A_294, %add3A_295 : i32
      %slice3A_297 = vector.extract_strided_slice %get3A_25 {offsets = [11], sizes = [1], strides = [1]} : vector<16xi32> to vector<1xi32>
      %squeeze3A_298 = vector.extract %slice3A_297[0] : i32 from vector<1xi32>
      %dma_start3A_299 = arith.constant 0 : i32
      %dma_start3A_300 = tpu.memref_slice %arg10[%add3A_296, %dma_start3A_299] : memref<80x64xf32, #tpu.memory_space<vmem>> -> memref<1x64xf32, #tpu.memory_space<vmem>>
      %dma_start3A_301 = arith.constant 0 : i32
      %dma_start3A_302 = tpu.memref_slice %arg2[%squeeze3A_298, %dma_start3A_301] : memref<100000x64xf32, #tpu.memory_space<hbm>> -> memref<1x64xf32, #tpu.memory_space<hbm>>
      %dma_start3A_303 = arith.constant 0 : i32
      %dma_start3A_304 = tpu.memref_slice %arg10[%add3A_296, %dma_start3A_303] : memref<80x64xf32, #tpu.memory_space<vmem>> -> memref<1x64xf32, #tpu.memory_space<vmem>>
      %dma_start3A_305 = arith.constant 0 : i32
      %dma_start3A_306 = tpu.memref_slice %arg2[%squeeze3A_298, %dma_start3A_305] : memref<100000x64xf32, #tpu.memory_space<hbm>> -> memref<1x64xf32, #tpu.memory_space<hbm>>
      tpu.enqueue_dma source(%dma_start3A_306 : memref<1x64xf32, #tpu.memory_space<hbm>>) target(%dma_start3A_304 : memref<1x64xf32, #tpu.memory_space<vmem>>) target_semaphore(%arg18 : memref<!tpu.dma_semaphore, #tpu.memory_space<semaphore_mem>>)
      %slice3A_307 = vector.extract_strided_slice %get3A_31 {offsets = [11], sizes = [1], strides = [1]} : vector<16xi32> to vector<1xi32>
      %squeeze3A_308 = vector.extract %slice3A_307[0] : i32 from vector<1xi32>
      %dma_start3A_309 = arith.constant 0 : i32
      %dma_start3A_310 = tpu.memref_slice %arg14[%add3A_296, %dma_start3A_309] : memref<80x64xf32, #tpu.memory_space<vmem>> -> memref<1x64xf32, #tpu.memory_space<vmem>>
      %dma_start3A_311 = arith.constant 0 : i32
      %dma_start3A_312 = tpu.memref_slice %arg3[%squeeze3A_308, %dma_start3A_311] : memref<100000x64xf32, #tpu.memory_space<hbm>> -> memref<1x64xf32, #tpu.memory_space<hbm>>
      %dma_start3A_313 = arith.constant 0 : i32
      %dma_start3A_314 = tpu.memref_slice %arg14[%add3A_296, %dma_start3A_313] : memref<80x64xf32, #tpu.memory_space<vmem>> -> memref<1x64xf32, #tpu.memory_space<vmem>>
      %dma_start3A_315 = arith.constant 0 : i32
      %dma_start3A_316 = tpu.memref_slice %arg3[%squeeze3A_308, %dma_start3A_315] : memref<100000x64xf32, #tpu.memory_space<hbm>> -> memref<1x64xf32, #tpu.memory_space<hbm>>
      tpu.enqueue_dma source(%dma_start3A_316 : memref<1x64xf32, #tpu.memory_space<hbm>>) target(%dma_start3A_314 : memref<1x64xf32, #tpu.memory_space<vmem>>) target_semaphore(%arg22 : memref<!tpu.dma_semaphore, #tpu.memory_space<semaphore_mem>>)
      %mul3A_317 = arith.constant 16 : i32
      %mul3A_318 = arith.muli %scan3A_20, %mul3A_317 : i32
      %add3A_319 = arith.constant 12 : i32
      %add3A_320 = arith.addi %mul3A_318, %add3A_319 : i32
      %slice3A_321 = vector.extract_strided_slice %get3A_25 {offsets = [12], sizes = [1], strides = [1]} : vector<16xi32> to vector<1xi32>
      %squeeze3A_322 = vector.extract %slice3A_321[0] : i32 from vector<1xi32>
      %dma_start3A_323 = arith.constant 0 : i32
      %dma_start3A_324 = tpu.memref_slice %arg10[%add3A_320, %dma_start3A_323] : memref<80x64xf32, #tpu.memory_space<vmem>> -> memref<1x64xf32, #tpu.memory_space<vmem>>
      %dma_start3A_325 = arith.constant 0 : i32
      %dma_start3A_326 = tpu.memref_slice %arg2[%squeeze3A_322, %dma_start3A_325] : memref<100000x64xf32, #tpu.memory_space<hbm>> -> memref<1x64xf32, #tpu.memory_space<hbm>>
      %dma_start3A_327 = arith.constant 0 : i32
      %dma_start3A_328 = tpu.memref_slice %arg10[%add3A_320, %dma_start3A_327] : memref<80x64xf32, #tpu.memory_space<vmem>> -> memref<1x64xf32, #tpu.memory_space<vmem>>
      %dma_start3A_329 = arith.constant 0 : i32
      %dma_start3A_330 = tpu.memref_slice %arg2[%squeeze3A_322, %dma_start3A_329] : memref<100000x64xf32, #tpu.memory_space<hbm>> -> memref<1x64xf32, #tpu.memory_space<hbm>>
      tpu.enqueue_dma source(%dma_start3A_330 : memref<1x64xf32, #tpu.memory_space<hbm>>) target(%dma_start3A_328 : memref<1x64xf32, #tpu.memory_space<vmem>>) target_semaphore(%arg18 : memref<!tpu.dma_semaphore, #tpu.memory_space<semaphore_mem>>)
      %slice3A_331 = vector.extract_strided_slice %get3A_31 {offsets = [12], sizes = [1], strides = [1]} : vector<16xi32> to vector<1xi32>
      %squeeze3A_332 = vector.extract %slice3A_331[0] : i32 from vector<1xi32>
      %dma_start3A_333 = arith.constant 0 : i32
      %dma_start3A_334 = tpu.memref_slice %arg14[%add3A_320, %dma_start3A_333] : memref<80x64xf32, #tpu.memory_space<vmem>> -> memref<1x64xf32, #tpu.memory_space<vmem>>
      %dma_start3A_335 = arith.constant 0 : i32
      %dma_start3A_336 = tpu.memref_slice %arg3[%squeeze3A_332, %dma_start3A_335] : memref<100000x64xf32, #tpu.memory_space<hbm>> -> memref<1x64xf32, #tpu.memory_space<hbm>>
      %dma_start3A_337 = arith.constant 0 : i32
      %dma_start3A_338 = tpu.memref_slice %arg14[%add3A_320, %dma_start3A_337] : memref<80x64xf32, #tpu.memory_space<vmem>> -> memref<1x64xf32, #tpu.memory_space<vmem>>
      %dma_start3A_339 = arith.constant 0 : i32
      %dma_start3A_340 = tpu.memref_slice %arg3[%squeeze3A_332, %dma_start3A_339] : memref<100000x64xf32, #tpu.memory_space<hbm>> -> memref<1x64xf32, #tpu.memory_space<hbm>>
      tpu.enqueue_dma source(%dma_start3A_340 : memref<1x64xf32, #tpu.memory_space<hbm>>) target(%dma_start3A_338 : memref<1x64xf32, #tpu.memory_space<vmem>>) target_semaphore(%arg22 : memref<!tpu.dma_semaphore, #tpu.memory_space<semaphore_mem>>)
      %mul3A_341 = arith.constant 16 : i32
      %mul3A_342 = arith.muli %scan3A_20, %mul3A_341 : i32
      %add3A_343 = arith.constant 13 : i32
      %add3A_344 = arith.addi %mul3A_342, %add3A_343 : i32
      %slice3A_345 = vector.extract_strided_slice %get3A_25 {offsets = [13], sizes = [1], strides = [1]} : vector<16xi32> to vector<1xi32>
      %squeeze3A_346 = vector.extract %slice3A_345[0] : i32 from vector<1xi32>
      %dma_start3A_347 = arith.constant 0 : i32
      %dma_start3A_348 = tpu.memref_slice %arg10[%add3A_344, %dma_start3A_347] : memref<80x64xf32, #tpu.memory_space<vmem>> -> memref<1x64xf32, #tpu.memory_space<vmem>>
      %dma_start3A_349 = arith.constant 0 : i32
      %dma_start3A_350 = tpu.memref_slice %arg2[%squeeze3A_346, %dma_start3A_349] : memref<100000x64xf32, #tpu.memory_space<hbm>> -> memref<1x64xf32, #tpu.memory_space<hbm>>
      %dma_start3A_351 = arith.constant 0 : i32
      %dma_start3A_352 = tpu.memref_slice %arg10[%add3A_344, %dma_start3A_351] : memref<80x64xf32, #tpu.memory_space<vmem>> -> memref<1x64xf32, #tpu.memory_space<vmem>>
      %dma_start3A_353 = arith.constant 0 : i32
      %dma_start3A_354 = tpu.memref_slice %arg2[%squeeze3A_346, %dma_start3A_353] : memref<100000x64xf32, #tpu.memory_space<hbm>> -> memref<1x64xf32, #tpu.memory_space<hbm>>
      tpu.enqueue_dma source(%dma_start3A_354 : memref<1x64xf32, #tpu.memory_space<hbm>>) target(%dma_start3A_352 : memref<1x64xf32, #tpu.memory_space<vmem>>) target_semaphore(%arg18 : memref<!tpu.dma_semaphore, #tpu.memory_space<semaphore_mem>>)
      %slice3A_355 = vector.extract_strided_slice %get3A_31 {offsets = [13], sizes = [1], strides = [1]} : vector<16xi32> to vector<1xi32>
      %squeeze3A_356 = vector.extract %slice3A_355[0] : i32 from vector<1xi32>
      %dma_start3A_357 = arith.constant 0 : i32
      %dma_start3A_358 = tpu.memref_slice %arg14[%add3A_344, %dma_start3A_357] : memref<80x64xf32, #tpu.memory_space<vmem>> -> memref<1x64xf32, #tpu.memory_space<vmem>>
      %dma_start3A_359 = arith.constant 0 : i32
      %dma_start3A_360 = tpu.memref_slice %arg3[%squeeze3A_356, %dma_start3A_359] : memref<100000x64xf32, #tpu.memory_space<hbm>> -> memref<1x64xf32, #tpu.memory_space<hbm>>
      %dma_start3A_361 = arith.constant 0 : i32
      %dma_start3A_362 = tpu.memref_slice %arg14[%add3A_344, %dma_start3A_361] : memref<80x64xf32, #tpu.memory_space<vmem>> -> memref<1x64xf32, #tpu.memory_space<vmem>>
      %dma_start3A_363 = arith.constant 0 : i32
      %dma_start3A_364 = tpu.memref_slice %arg3[%squeeze3A_356, %dma_start3A_363] : memref<100000x64xf32, #tpu.memory_space<hbm>> -> memref<1x64xf32, #tpu.memory_space<hbm>>
      tpu.enqueue_dma source(%dma_start3A_364 : memref<1x64xf32, #tpu.memory_space<hbm>>) target(%dma_start3A_362 : memref<1x64xf32, #tpu.memory_space<vmem>>) target_semaphore(%arg22 : memref<!tpu.dma_semaphore, #tpu.memory_space<semaphore_mem>>)
      %mul3A_365 = arith.constant 16 : i32
      %mul3A_366 = arith.muli %scan3A_20, %mul3A_365 : i32
      %add3A_367 = arith.constant 14 : i32
      %add3A_368 = arith.addi %mul3A_366, %add3A_367 : i32
      %slice3A_369 = vector.extract_strided_slice %get3A_25 {offsets = [14], sizes = [1], strides = [1]} : vector<16xi32> to vector<1xi32>
      %squeeze3A_370 = vector.extract %slice3A_369[0] : i32 from vector<1xi32>
      %dma_start3A_371 = arith.constant 0 : i32
      %dma_start3A_372 = tpu.memref_slice %arg10[%add3A_368, %dma_start3A_371] : memref<80x64xf32, #tpu.memory_space<vmem>> -> memref<1x64xf32, #tpu.memory_space<vmem>>
      %dma_start3A_373 = arith.constant 0 : i32
      %dma_start3A_374 = tpu.memref_slice %arg2[%squeeze3A_370, %dma_start3A_373] : memref<100000x64xf32, #tpu.memory_space<hbm>> -> memref<1x64xf32, #tpu.memory_space<hbm>>
      %dma_start3A_375 = arith.constant 0 : i32
      %dma_start3A_376 = tpu.memref_slice %arg10[%add3A_368, %dma_start3A_375] : memref<80x64xf32, #tpu.memory_space<vmem>> -> memref<1x64xf32, #tpu.memory_space<vmem>>
      %dma_start3A_377 = arith.constant 0 : i32
      %dma_start3A_378 = tpu.memref_slice %arg2[%squeeze3A_370, %dma_start3A_377] : memref<100000x64xf32, #tpu.memory_space<hbm>> -> memref<1x64xf32, #tpu.memory_space<hbm>>
      tpu.enqueue_dma source(%dma_start3A_378 : memref<1x64xf32, #tpu.memory_space<hbm>>) target(%dma_start3A_376 : memref<1x64xf32, #tpu.memory_space<vmem>>) target_semaphore(%arg18 : memref<!tpu.dma_semaphore, #tpu.memory_space<semaphore_mem>>)
      %slice3A_379 = vector.extract_strided_slice %get3A_31 {offsets = [14], sizes = [1], strides = [1]} : vector<16xi32> to vector<1xi32>
      %squeeze3A_380 = vector.extract %slice3A_379[0] : i32 from vector<1xi32>
      %dma_start3A_381 = arith.constant 0 : i32
      %dma_start3A_382 = tpu.memref_slice %arg14[%add3A_368, %dma_start3A_381] : memref<80x64xf32, #tpu.memory_space<vmem>> -> memref<1x64xf32, #tpu.memory_space<vmem>>
      %dma_start3A_383 = arith.constant 0 : i32
      %dma_start3A_384 = tpu.memref_slice %arg3[%squeeze3A_380, %dma_start3A_383] : memref<100000x64xf32, #tpu.memory_space<hbm>> -> memref<1x64xf32, #tpu.memory_space<hbm>>
      %dma_start3A_385 = arith.constant 0 : i32
      %dma_start3A_386 = tpu.memref_slice %arg14[%add3A_368, %dma_start3A_385] : memref<80x64xf32, #tpu.memory_space<vmem>> -> memref<1x64xf32, #tpu.memory_space<vmem>>
      %dma_start3A_387 = arith.constant 0 : i32
      %dma_start3A_388 = tpu.memref_slice %arg3[%squeeze3A_380, %dma_start3A_387] : memref<100000x64xf32, #tpu.memory_space<hbm>> -> memref<1x64xf32, #tpu.memory_space<hbm>>
      tpu.enqueue_dma source(%dma_start3A_388 : memref<1x64xf32, #tpu.memory_space<hbm>>) target(%dma_start3A_386 : memref<1x64xf32, #tpu.memory_space<vmem>>) target_semaphore(%arg22 : memref<!tpu.dma_semaphore, #tpu.memory_space<semaphore_mem>>)
      %mul3A_389 = arith.constant 16 : i32
      %mul3A_390 = arith.muli %scan3A_20, %mul3A_389 : i32
      %add3A_391 = arith.constant 15 : i32
      %add3A_392 = arith.addi %mul3A_390, %add3A_391 : i32
      %slice3A_393 = vector.extract_strided_slice %get3A_25 {offsets = [15], sizes = [1], strides = [1]} : vector<16xi32> to vector<1xi32>
      %squeeze3A_394 = vector.extract %slice3A_393[0] : i32 from vector<1xi32>
      %dma_start3A_395 = arith.constant 0 : i32
      %dma_start3A_396 = tpu.memref_slice %arg10[%add3A_392, %dma_start3A_395] : memref<80x64xf32, #tpu.memory_space<vmem>> -> memref<1x64xf32, #tpu.memory_space<vmem>>
      %dma_start3A_397 = arith.constant 0 : i32
      %dma_start3A_398 = tpu.memref_slice %arg2[%squeeze3A_394, %dma_start3A_397] : memref<100000x64xf32, #tpu.memory_space<hbm>> -> memref<1x64xf32, #tpu.memory_space<hbm>>
      %dma_start3A_399 = arith.constant 0 : i32
      %dma_start3A_400 = tpu.memref_slice %arg10[%add3A_392, %dma_start3A_399] : memref<80x64xf32, #tpu.memory_space<vmem>> -> memref<1x64xf32, #tpu.memory_space<vmem>>
      %dma_start3A_401 = arith.constant 0 : i32
      %dma_start3A_402 = tpu.memref_slice %arg2[%squeeze3A_394, %dma_start3A_401] : memref<100000x64xf32, #tpu.memory_space<hbm>> -> memref<1x64xf32, #tpu.memory_space<hbm>>
      tpu.enqueue_dma source(%dma_start3A_402 : memref<1x64xf32, #tpu.memory_space<hbm>>) target(%dma_start3A_400 : memref<1x64xf32, #tpu.memory_space<vmem>>) target_semaphore(%arg18 : memref<!tpu.dma_semaphore, #tpu.memory_space<semaphore_mem>>)
      %slice3A_403 = vector.extract_strided_slice %get3A_31 {offsets = [15], sizes = [1], strides = [1]} : vector<16xi32> to vector<1xi32>
      %squeeze3A_404 = vector.extract %slice3A_403[0] : i32 from vector<1xi32>
      %dma_start3A_405 = arith.constant 0 : i32
      %dma_start3A_406 = tpu.memref_slice %arg14[%add3A_392, %dma_start3A_405] : memref<80x64xf32, #tpu.memory_space<vmem>> -> memref<1x64xf32, #tpu.memory_space<vmem>>
      %dma_start3A_407 = arith.constant 0 : i32
      %dma_start3A_408 = tpu.memref_slice %arg3[%squeeze3A_404, %dma_start3A_407] : memref<100000x64xf32, #tpu.memory_space<hbm>> -> memref<1x64xf32, #tpu.memory_space<hbm>>
      %dma_start3A_409 = arith.constant 0 : i32
      %dma_start3A_410 = tpu.memref_slice %arg14[%add3A_392, %dma_start3A_409] : memref<80x64xf32, #tpu.memory_space<vmem>> -> memref<1x64xf32, #tpu.memory_space<vmem>>
      %dma_start3A_411 = arith.constant 0 : i32
      %dma_start3A_412 = tpu.memref_slice %arg3[%squeeze3A_404, %dma_start3A_411] : memref<100000x64xf32, #tpu.memory_space<hbm>> -> memref<1x64xf32, #tpu.memory_space<hbm>>
      tpu.enqueue_dma source(%dma_start3A_412 : memref<1x64xf32, #tpu.memory_space<hbm>>) target(%dma_start3A_410 : memref<1x64xf32, #tpu.memory_space<vmem>>) target_semaphore(%arg22 : memref<!tpu.dma_semaphore, #tpu.memory_space<semaphore_mem>>)
    }
    %scan3A_5 = arith.constant 5 : i32
    %scan3A_6 = arith.constant 0 : i32
    %scan3A_7 = arith.constant 0 : i32
    %scan3A_8 = arith.constant 5 : i32
    %scan3A_9 = arith.addi %scan3A_7, %scan3A_8 : i32
    %scan3A_10 = arith.constant 1 : i32
    scf.for %scan3A_20 = %scan3A_7 to %scan3A_9 step %scan3A_10  : i32 {
      %mul3A_21 = arith.constant 16 : i32
      %mul3A_22 = arith.muli %scan3A_20, %mul3A_21 : i32
      %get3A = arith.constant 1 : i32
      %get3A_23 = arith.index_cast %get3A : i32 to index
      %get3A_24 = arith.index_cast %mul3A_22 : i32 to index
      %get3A_25 = tpu.vector_load %arg7[%get3A_23, %get3A_24] {strides = array<i32>} : memref<32x80xi32, #tpu.memory_space<vmem>>, vector<16xi32>,
      %mul3A_26 = arith.constant 16 : i32
      %mul3A_27 = arith.muli %scan3A_20, %mul3A_26 : i32
      %get3A_28 = arith.constant 1 : i32
      %get3A_29 = arith.index_cast %get3A_28 : i32 to index
      %get3A_30 = arith.index_cast %mul3A_27 : i32 to index
      %get3A_31 = tpu.vector_load %arg8[%get3A_29, %get3A_30] {strides = array<i32>} : memref<32x80xi32, #tpu.memory_space<vmem>>, vector<16xi32>,
      %mul3A_32 = arith.constant 16 : i32
      %mul3A_33 = arith.muli %scan3A_20, %mul3A_32 : i32
      %add3A_34 = arith.constant 0 : i32
      %add3A_35 = arith.addi %mul3A_33, %add3A_34 : i32
      %slice3A = vector.extract_strided_slice %get3A_25 {offsets = [0], sizes = [1], strides = [1]} : vector<16xi32> to vector<1xi32>
      %squeeze3A = vector.extract %slice3A[0] : i32 from vector<1xi32>
      %dma_start3A = arith.constant 0 : i32
      %dma_start3A_36 = tpu.memref_slice %arg11[%add3A_35, %dma_start3A] : memref<80x64xf32, #tpu.memory_space<vmem>> -> memref<1x64xf32, #tpu.memory_space<vmem>>
      %dma_start3A_37 = arith.constant 0 : i32
      %dma_start3A_38 = tpu.memref_slice %arg2[%squeeze3A, %dma_start3A_37] : memref<100000x64xf32, #tpu.memory_space<hbm>> -> memref<1x64xf32, #tpu.memory_space<hbm>>
      %dma_start3A_39 = arith.constant 0 : i32
      %dma_start3A_40 = tpu.memref_slice %arg11[%add3A_35, %dma_start3A_39] : memref<80x64xf32, #tpu.memory_space<vmem>> -> memref<1x64xf32, #tpu.memory_space<vmem>>
      %dma_start3A_41 = arith.constant 0 : i32
      %dma_start3A_42 = tpu.memref_slice %arg2[%squeeze3A, %dma_start3A_41] : memref<100000x64xf32, #tpu.memory_space<hbm>> -> memref<1x64xf32, #tpu.memory_space<hbm>>
      tpu.enqueue_dma source(%dma_start3A_42 : memref<1x64xf32, #tpu.memory_space<hbm>>) target(%dma_start3A_40 : memref<1x64xf32, #tpu.memory_space<vmem>>) target_semaphore(%arg19 : memref<!tpu.dma_semaphore, #tpu.memory_space<semaphore_mem>>)
      %slice3A_43 = vector.extract_strided_slice %get3A_31 {offsets = [0], sizes = [1], strides = [1]} : vector<16xi32> to vector<1xi32>
      %squeeze3A_44 = vector.extract %slice3A_43[0] : i32 from vector<1xi32>
      %dma_start3A_45 = arith.constant 0 : i32
      %dma_start3A_46 = tpu.memref_slice %arg15[%add3A_35, %dma_start3A_45] : memref<80x64xf32, #tpu.memory_space<vmem>> -> memref<1x64xf32, #tpu.memory_space<vmem>>
      %dma_start3A_47 = arith.constant 0 : i32
      %dma_start3A_48 = tpu.memref_slice %arg3[%squeeze3A_44, %dma_start3A_47] : memref<100000x64xf32, #tpu.memory_space<hbm>> -> memref<1x64xf32, #tpu.memory_space<hbm>>
      %dma_start3A_49 = arith.constant 0 : i32
      %dma_start3A_50 = tpu.memref_slice %arg15[%add3A_35, %dma_start3A_49] : memref<80x64xf32, #tpu.memory_space<vmem>> -> memref<1x64xf32, #tpu.memory_space<vmem>>
      %dma_start3A_51 = arith.constant 0 : i32
      %dma_start3A_52 = tpu.memref_slice %arg3[%squeeze3A_44, %dma_start3A_51] : memref<100000x64xf32, #tpu.memory_space<hbm>> -> memref<1x64xf32, #tpu.memory_space<hbm>>
      tpu.enqueue_dma source(%dma_start3A_52 : memref<1x64xf32, #tpu.memory_space<hbm>>) target(%dma_start3A_50 : memref<1x64xf32, #tpu.memory_space<vmem>>) target_semaphore(%arg23 : memref<!tpu.dma_semaphore, #tpu.memory_space<semaphore_mem>>)
      %mul3A_53 = arith.constant 16 : i32
      %mul3A_54 = arith.muli %scan3A_20, %mul3A_53 : i32
      %add3A_55 = arith.constant 1 : i32
      %add3A_56 = arith.addi %mul3A_54, %add3A_55 : i32
      %slice3A_57 = vector.extract_strided_slice %get3A_25 {offsets = [1], sizes = [1], strides = [1]} : vector<16xi32> to vector<1xi32>
      %squeeze3A_58 = vector.extract %slice3A_57[0] : i32 from vector<1xi32>
      %dma_start3A_59 = arith.constant 0 : i32
      %dma_start3A_60 = tpu.memref_slice %arg11[%add3A_56, %dma_start3A_59] : memref<80x64xf32, #tpu.memory_space<vmem>> -> memref<1x64xf32, #tpu.memory_space<vmem>>
      %dma_start3A_61 = arith.constant 0 : i32
      %dma_start3A_62 = tpu.memref_slice %arg2[%squeeze3A_58, %dma_start3A_61] : memref<100000x64xf32, #tpu.memory_space<hbm>> -> memref<1x64xf32, #tpu.memory_space<hbm>>
      %dma_start3A_63 = arith.constant 0 : i32
      %dma_start3A_64 = tpu.memref_slice %arg11[%add3A_56, %dma_start3A_63] : memref<80x64xf32, #tpu.memory_space<vmem>> -> memref<1x64xf32, #tpu.memory_space<vmem>>
      %dma_start3A_65 = arith.constant 0 : i32
      %dma_start3A_66 = tpu.memref_slice %arg2[%squeeze3A_58, %dma_start3A_65] : memref<100000x64xf32, #tpu.memory_space<hbm>> -> memref<1x64xf32, #tpu.memory_space<hbm>>
      tpu.enqueue_dma source(%dma_start3A_66 : memref<1x64xf32, #tpu.memory_space<hbm>>) target(%dma_start3A_64 : memref<1x64xf32, #tpu.memory_space<vmem>>) target_semaphore(%arg19 : memref<!tpu.dma_semaphore, #tpu.memory_space<semaphore_mem>>)
      %slice3A_67 = vector.extract_strided_slice %get3A_31 {offsets = [1], sizes = [1], strides = [1]} : vector<16xi32> to vector<1xi32>
      %squeeze3A_68 = vector.extract %slice3A_67[0] : i32 from vector<1xi32>
      %dma_start3A_69 = arith.constant 0 : i32
      %dma_start3A_70 = tpu.memref_slice %arg15[%add3A_56, %dma_start3A_69] : memref<80x64xf32, #tpu.memory_space<vmem>> -> memref<1x64xf32, #tpu.memory_space<vmem>>
      %dma_start3A_71 = arith.constant 0 : i32
      %dma_start3A_72 = tpu.memref_slice %arg3[%squeeze3A_68, %dma_start3A_71] : memref<100000x64xf32, #tpu.memory_space<hbm>> -> memref<1x64xf32, #tpu.memory_space<hbm>>
      %dma_start3A_73 = arith.constant 0 : i32
      %dma_start3A_74 = tpu.memref_slice %arg15[%add3A_56, %dma_start3A_73] : memref<80x64xf32, #tpu.memory_space<vmem>> -> memref<1x64xf32, #tpu.memory_space<vmem>>
      %dma_start3A_75 = arith.constant 0 : i32
      %dma_start3A_76 = tpu.memref_slice %arg3[%squeeze3A_68, %dma_start3A_75] : memref<100000x64xf32, #tpu.memory_space<hbm>> -> memref<1x64xf32, #tpu.memory_space<hbm>>
      tpu.enqueue_dma source(%dma_start3A_76 : memref<1x64xf32, #tpu.memory_space<hbm>>) target(%dma_start3A_74 : memref<1x64xf32, #tpu.memory_space<vmem>>) target_semaphore(%arg23 : memref<!tpu.dma_semaphore, #tpu.memory_space<semaphore_mem>>)
      %mul3A_77 = arith.constant 16 : i32
      %mul3A_78 = arith.muli %scan3A_20, %mul3A_77 : i32
      %add3A_79 = arith.constant 2 : i32
      %add3A_80 = arith.addi %mul3A_78, %add3A_79 : i32
      %slice3A_81 = vector.extract_strided_slice %get3A_25 {offsets = [2], sizes = [1], strides = [1]} : vector<16xi32> to vector<1xi32>
      %squeeze3A_82 = vector.extract %slice3A_81[0] : i32 from vector<1xi32>
      %dma_start3A_83 = arith.constant 0 : i32
      %dma_start3A_84 = tpu.memref_slice %arg11[%add3A_80, %dma_start3A_83] : memref<80x64xf32, #tpu.memory_space<vmem>> -> memref<1x64xf32, #tpu.memory_space<vmem>>
      %dma_start3A_85 = arith.constant 0 : i32
      %dma_start3A_86 = tpu.memref_slice %arg2[%squeeze3A_82, %dma_start3A_85] : memref<100000x64xf32, #tpu.memory_space<hbm>> -> memref<1x64xf32, #tpu.memory_space<hbm>>
      %dma_start3A_87 = arith.constant 0 : i32
      %dma_start3A_88 = tpu.memref_slice %arg11[%add3A_80, %dma_start3A_87] : memref<80x64xf32, #tpu.memory_space<vmem>> -> memref<1x64xf32, #tpu.memory_space<vmem>>
      %dma_start3A_89 = arith.constant 0 : i32
      %dma_start3A_90 = tpu.memref_slice %arg2[%squeeze3A_82, %dma_start3A_89] : memref<100000x64xf32, #tpu.memory_space<hbm>> -> memref<1x64xf32, #tpu.memory_space<hbm>>
      tpu.enqueue_dma source(%dma_start3A_90 : memref<1x64xf32, #tpu.memory_space<hbm>>) target(%dma_start3A_88 : memref<1x64xf32, #tpu.memory_space<vmem>>) target_semaphore(%arg19 : memref<!tpu.dma_semaphore, #tpu.memory_space<semaphore_mem>>)
      %slice3A_91 = vector.extract_strided_slice %get3A_31 {offsets = [2], sizes = [1], strides = [1]} : vector<16xi32> to vector<1xi32>
      %squeeze3A_92 = vector.extract %slice3A_91[0] : i32 from vector<1xi32>
      %dma_start3A_93 = arith.constant 0 : i32
      %dma_start3A_94 = tpu.memref_slice %arg15[%add3A_80, %dma_start3A_93] : memref<80x64xf32, #tpu.memory_space<vmem>> -> memref<1x64xf32, #tpu.memory_space<vmem>>
      %dma_start3A_95 = arith.constant 0 : i32
      %dma_start3A_96 = tpu.memref_slice %arg3[%squeeze3A_92, %dma_start3A_95] : memref<100000x64xf32, #tpu.memory_space<hbm>> -> memref<1x64xf32, #tpu.memory_space<hbm>>
      %dma_start3A_97 = arith.constant 0 : i32
      %dma_start3A_98 = tpu.memref_slice %arg15[%add3A_80, %dma_start3A_97] : memref<80x64xf32, #tpu.memory_space<vmem>> -> memref<1x64xf32, #tpu.memory_space<vmem>>
      %dma_start3A_99 = arith.constant 0 : i32
      %dma_start3A_100 = tpu.memref_slice %arg3[%squeeze3A_92, %dma_start3A_99] : memref<100000x64xf32, #tpu.memory_space<hbm>> -> memref<1x64xf32, #tpu.memory_space<hbm>>
      tpu.enqueue_dma source(%dma_start3A_100 : memref<1x64xf32, #tpu.memory_space<hbm>>) target(%dma_start3A_98 : memref<1x64xf32, #tpu.memory_space<vmem>>) target_semaphore(%arg23 : memref<!tpu.dma_semaphore, #tpu.memory_space<semaphore_mem>>)
      %mul3A_101 = arith.constant 16 : i32
      %mul3A_102 = arith.muli %scan3A_20, %mul3A_101 : i32
      %add3A_103 = arith.constant 3 : i32
      %add3A_104 = arith.addi %mul3A_102, %add3A_103 : i32
      %slice3A_105 = vector.extract_strided_slice %get3A_25 {offsets = [3], sizes = [1], strides = [1]} : vector<16xi32> to vector<1xi32>
      %squeeze3A_106 = vector.extract %slice3A_105[0] : i32 from vector<1xi32>
      %dma_start3A_107 = arith.constant 0 : i32
      %dma_start3A_108 = tpu.memref_slice %arg11[%add3A_104, %dma_start3A_107] : memref<80x64xf32, #tpu.memory_space<vmem>> -> memref<1x64xf32, #tpu.memory_space<vmem>>
      %dma_start3A_109 = arith.constant 0 : i32
      %dma_start3A_110 = tpu.memref_slice %arg2[%squeeze3A_106, %dma_start3A_109] : memref<100000x64xf32, #tpu.memory_space<hbm>> -> memref<1x64xf32, #tpu.memory_space<hbm>>
      %dma_start3A_111 = arith.constant 0 : i32
      %dma_start3A_112 = tpu.memref_slice %arg11[%add3A_104, %dma_start3A_111] : memref<80x64xf32, #tpu.memory_space<vmem>> -> memref<1x64xf32, #tpu.memory_space<vmem>>
      %dma_start3A_113 = arith.constant 0 : i32
      %dma_start3A_114 = tpu.memref_slice %arg2[%squeeze3A_106, %dma_start3A_113] : memref<100000x64xf32, #tpu.memory_space<hbm>> -> memref<1x64xf32, #tpu.memory_space<hbm>>
      tpu.enqueue_dma source(%dma_start3A_114 : memref<1x64xf32, #tpu.memory_space<hbm>>) target(%dma_start3A_112 : memref<1x64xf32, #tpu.memory_space<vmem>>) target_semaphore(%arg19 : memref<!tpu.dma_semaphore, #tpu.memory_space<semaphore_mem>>)
      %slice3A_115 = vector.extract_strided_slice %get3A_31 {offsets = [3], sizes = [1], strides = [1]} : vector<16xi32> to vector<1xi32>
      %squeeze3A_116 = vector.extract %slice3A_115[0] : i32 from vector<1xi32>
      %dma_start3A_117 = arith.constant 0 : i32
      %dma_start3A_118 = tpu.memref_slice %arg15[%add3A_104, %dma_start3A_117] : memref<80x64xf32, #tpu.memory_space<vmem>> -> memref<1x64xf32, #tpu.memory_space<vmem>>
      %dma_start3A_119 = arith.constant 0 : i32
      %dma_start3A_120 = tpu.memref_slice %arg3[%squeeze3A_116, %dma_start3A_119] : memref<100000x64xf32, #tpu.memory_space<hbm>> -> memref<1x64xf32, #tpu.memory_space<hbm>>
      %dma_start3A_121 = arith.constant 0 : i32
      %dma_start3A_122 = tpu.memref_slice %arg15[%add3A_104, %dma_start3A_121] : memref<80x64xf32, #tpu.memory_space<vmem>> -> memref<1x64xf32, #tpu.memory_space<vmem>>
      %dma_start3A_123 = arith.constant 0 : i32
      %dma_start3A_124 = tpu.memref_slice %arg3[%squeeze3A_116, %dma_start3A_123] : memref<100000x64xf32, #tpu.memory_space<hbm>> -> memref<1x64xf32, #tpu.memory_space<hbm>>
      tpu.enqueue_dma source(%dma_start3A_124 : memref<1x64xf32, #tpu.memory_space<hbm>>) target(%dma_start3A_122 : memref<1x64xf32, #tpu.memory_space<vmem>>) target_semaphore(%arg23 : memref<!tpu.dma_semaphore, #tpu.memory_space<semaphore_mem>>)
      %mul3A_125 = arith.constant 16 : i32
      %mul3A_126 = arith.muli %scan3A_20, %mul3A_125 : i32
      %add3A_127 = arith.constant 4 : i32
      %add3A_128 = arith.addi %mul3A_126, %add3A_127 : i32
      %slice3A_129 = vector.extract_strided_slice %get3A_25 {offsets = [4], sizes = [1], strides = [1]} : vector<16xi32> to vector<1xi32>
      %squeeze3A_130 = vector.extract %slice3A_129[0] : i32 from vector<1xi32>
      %dma_start3A_131 = arith.constant 0 : i32
      %dma_start3A_132 = tpu.memref_slice %arg11[%add3A_128, %dma_start3A_131] : memref<80x64xf32, #tpu.memory_space<vmem>> -> memref<1x64xf32, #tpu.memory_space<vmem>>
      %dma_start3A_133 = arith.constant 0 : i32
      %dma_start3A_134 = tpu.memref_slice %arg2[%squeeze3A_130, %dma_start3A_133] : memref<100000x64xf32, #tpu.memory_space<hbm>> -> memref<1x64xf32, #tpu.memory_space<hbm>>
      %dma_start3A_135 = arith.constant 0 : i32
      %dma_start3A_136 = tpu.memref_slice %arg11[%add3A_128, %dma_start3A_135] : memref<80x64xf32, #tpu.memory_space<vmem>> -> memref<1x64xf32, #tpu.memory_space<vmem>>
      %dma_start3A_137 = arith.constant 0 : i32
      %dma_start3A_138 = tpu.memref_slice %arg2[%squeeze3A_130, %dma_start3A_137] : memref<100000x64xf32, #tpu.memory_space<hbm>> -> memref<1x64xf32, #tpu.memory_space<hbm>>
      tpu.enqueue_dma source(%dma_start3A_138 : memref<1x64xf32, #tpu.memory_space<hbm>>) target(%dma_start3A_136 : memref<1x64xf32, #tpu.memory_space<vmem>>) target_semaphore(%arg19 : memref<!tpu.dma_semaphore, #tpu.memory_space<semaphore_mem>>)
      %slice3A_139 = vector.extract_strided_slice %get3A_31 {offsets = [4], sizes = [1], strides = [1]} : vector<16xi32> to vector<1xi32>
      %squeeze3A_140 = vector.extract %slice3A_139[0] : i32 from vector<1xi32>
      %dma_start3A_141 = arith.constant 0 : i32
      %dma_start3A_142 = tpu.memref_slice %arg15[%add3A_128, %dma_start3A_141] : memref<80x64xf32, #tpu.memory_space<vmem>> -> memref<1x64xf32, #tpu.memory_space<vmem>>
      %dma_start3A_143 = arith.constant 0 : i32
      %dma_start3A_144 = tpu.memref_slice %arg3[%squeeze3A_140, %dma_start3A_143] : memref<100000x64xf32, #tpu.memory_space<hbm>> -> memref<1x64xf32, #tpu.memory_space<hbm>>
      %dma_start3A_145 = arith.constant 0 : i32
      %dma_start3A_146 = tpu.memref_slice %arg15[%add3A_128, %dma_start3A_145] : memref<80x64xf32, #tpu.memory_space<vmem>> -> memref<1x64xf32, #tpu.memory_space<vmem>>
      %dma_start3A_147 = arith.constant 0 : i32
      %dma_start3A_148 = tpu.memref_slice %arg3[%squeeze3A_140, %dma_start3A_147] : memref<100000x64xf32, #tpu.memory_space<hbm>> -> memref<1x64xf32, #tpu.memory_space<hbm>>
      tpu.enqueue_dma source(%dma_start3A_148 : memref<1x64xf32, #tpu.memory_space<hbm>>) target(%dma_start3A_146 : memref<1x64xf32, #tpu.memory_space<vmem>>) target_semaphore(%arg23 : memref<!tpu.dma_semaphore, #tpu.memory_space<semaphore_mem>>)
      %mul3A_149 = arith.constant 16 : i32
      %mul3A_150 = arith.muli %scan3A_20, %mul3A_149 : i32
      %add3A_151 = arith.constant 5 : i32
      %add3A_152 = arith.addi %mul3A_150, %add3A_151 : i32
      %slice3A_153 = vector.extract_strided_slice %get3A_25 {offsets = [5], sizes = [1], strides = [1]} : vector<16xi32> to vector<1xi32>
      %squeeze3A_154 = vector.extract %slice3A_153[0] : i32 from vector<1xi32>
      %dma_start3A_155 = arith.constant 0 : i32
      %dma_start3A_156 = tpu.memref_slice %arg11[%add3A_152, %dma_start3A_155] : memref<80x64xf32, #tpu.memory_space<vmem>> -> memref<1x64xf32, #tpu.memory_space<vmem>>
      %dma_start3A_157 = arith.constant 0 : i32
      %dma_start3A_158 = tpu.memref_slice %arg2[%squeeze3A_154, %dma_start3A_157] : memref<100000x64xf32, #tpu.memory_space<hbm>> -> memref<1x64xf32, #tpu.memory_space<hbm>>
      %dma_start3A_159 = arith.constant 0 : i32
      %dma_start3A_160 = tpu.memref_slice %arg11[%add3A_152, %dma_start3A_159] : memref<80x64xf32, #tpu.memory_space<vmem>> -> memref<1x64xf32, #tpu.memory_space<vmem>>
      %dma_start3A_161 = arith.constant 0 : i32
      %dma_start3A_162 = tpu.memref_slice %arg2[%squeeze3A_154, %dma_start3A_161] : memref<100000x64xf32, #tpu.memory_space<hbm>> -> memref<1x64xf32, #tpu.memory_space<hbm>>
      tpu.enqueue_dma source(%dma_start3A_162 : memref<1x64xf32, #tpu.memory_space<hbm>>) target(%dma_start3A_160 : memref<1x64xf32, #tpu.memory_space<vmem>>) target_semaphore(%arg19 : memref<!tpu.dma_semaphore, #tpu.memory_space<semaphore_mem>>)
      %slice3A_163 = vector.extract_strided_slice %get3A_31 {offsets = [5], sizes = [1], strides = [1]} : vector<16xi32> to vector<1xi32>
      %squeeze3A_164 = vector.extract %slice3A_163[0] : i32 from vector<1xi32>
      %dma_start3A_165 = arith.constant 0 : i32
      %dma_start3A_166 = tpu.memref_slice %arg15[%add3A_152, %dma_start3A_165] : memref<80x64xf32, #tpu.memory_space<vmem>> -> memref<1x64xf32, #tpu.memory_space<vmem>>
      %dma_start3A_167 = arith.constant 0 : i32
      %dma_start3A_168 = tpu.memref_slice %arg3[%squeeze3A_164, %dma_start3A_167] : memref<100000x64xf32, #tpu.memory_space<hbm>> -> memref<1x64xf32, #tpu.memory_space<hbm>>
      %dma_start3A_169 = arith.constant 0 : i32
      %dma_start3A_170 = tpu.memref_slice %arg15[%add3A_152, %dma_start3A_169] : memref<80x64xf32, #tpu.memory_space<vmem>> -> memref<1x64xf32, #tpu.memory_space<vmem>>
      %dma_start3A_171 = arith.constant 0 : i32
      %dma_start3A_172 = tpu.memref_slice %arg3[%squeeze3A_164, %dma_start3A_171] : memref<100000x64xf32, #tpu.memory_space<hbm>> -> memref<1x64xf32, #tpu.memory_space<hbm>>
      tpu.enqueue_dma source(%dma_start3A_172 : memref<1x64xf32, #tpu.memory_space<hbm>>) target(%dma_start3A_170 : memref<1x64xf32, #tpu.memory_space<vmem>>) target_semaphore(%arg23 : memref<!tpu.dma_semaphore, #tpu.memory_space<semaphore_mem>>)
      %mul3A_173 = arith.constant 16 : i32
      %mul3A_174 = arith.muli %scan3A_20, %mul3A_173 : i32
      %add3A_175 = arith.constant 6 : i32
      %add3A_176 = arith.addi %mul3A_174, %add3A_175 : i32
      %slice3A_177 = vector.extract_strided_slice %get3A_25 {offsets = [6], sizes = [1], strides = [1]} : vector<16xi32> to vector<1xi32>
      %squeeze3A_178 = vector.extract %slice3A_177[0] : i32 from vector<1xi32>
      %dma_start3A_179 = arith.constant 0 : i32
      %dma_start3A_180 = tpu.memref_slice %arg11[%add3A_176, %dma_start3A_179] : memref<80x64xf32, #tpu.memory_space<vmem>> -> memref<1x64xf32, #tpu.memory_space<vmem>>
      %dma_start3A_181 = arith.constant 0 : i32
      %dma_start3A_182 = tpu.memref_slice %arg2[%squeeze3A_178, %dma_start3A_181] : memref<100000x64xf32, #tpu.memory_space<hbm>> -> memref<1x64xf32, #tpu.memory_space<hbm>>
      %dma_start3A_183 = arith.constant 0 : i32
      %dma_start3A_184 = tpu.memref_slice %arg11[%add3A_176, %dma_start3A_183] : memref<80x64xf32, #tpu.memory_space<vmem>> -> memref<1x64xf32, #tpu.memory_space<vmem>>
      %dma_start3A_185 = arith.constant 0 : i32
      %dma_start3A_186 = tpu.memref_slice %arg2[%squeeze3A_178, %dma_start3A_185] : memref<100000x64xf32, #tpu.memory_space<hbm>> -> memref<1x64xf32, #tpu.memory_space<hbm>>
      tpu.enqueue_dma source(%dma_start3A_186 : memref<1x64xf32, #tpu.memory_space<hbm>>) target(%dma_start3A_184 : memref<1x64xf32, #tpu.memory_space<vmem>>) target_semaphore(%arg19 : memref<!tpu.dma_semaphore, #tpu.memory_space<semaphore_mem>>)
      %slice3A_187 = vector.extract_strided_slice %get3A_31 {offsets = [6], sizes = [1], strides = [1]} : vector<16xi32> to vector<1xi32>
      %squeeze3A_188 = vector.extract %slice3A_187[0] : i32 from vector<1xi32>
      %dma_start3A_189 = arith.constant 0 : i32
      %dma_start3A_190 = tpu.memref_slice %arg15[%add3A_176, %dma_start3A_189] : memref<80x64xf32, #tpu.memory_space<vmem>> -> memref<1x64xf32, #tpu.memory_space<vmem>>
      %dma_start3A_191 = arith.constant 0 : i32
      %dma_start3A_192 = tpu.memref_slice %arg3[%squeeze3A_188, %dma_start3A_191] : memref<100000x64xf32, #tpu.memory_space<hbm>> -> memref<1x64xf32, #tpu.memory_space<hbm>>
      %dma_start3A_193 = arith.constant 0 : i32
      %dma_start3A_194 = tpu.memref_slice %arg15[%add3A_176, %dma_start3A_193] : memref<80x64xf32, #tpu.memory_space<vmem>> -> memref<1x64xf32, #tpu.memory_space<vmem>>
      %dma_start3A_195 = arith.constant 0 : i32
      %dma_start3A_196 = tpu.memref_slice %arg3[%squeeze3A_188, %dma_start3A_195] : memref<100000x64xf32, #tpu.memory_space<hbm>> -> memref<1x64xf32, #tpu.memory_space<hbm>>
      tpu.enqueue_dma source(%dma_start3A_196 : memref<1x64xf32, #tpu.memory_space<hbm>>) target(%dma_start3A_194 : memref<1x64xf32, #tpu.memory_space<vmem>>) target_semaphore(%arg23 : memref<!tpu.dma_semaphore, #tpu.memory_space<semaphore_mem>>)
      %mul3A_197 = arith.constant 16 : i32
      %mul3A_198 = arith.muli %scan3A_20, %mul3A_197 : i32
      %add3A_199 = arith.constant 7 : i32
      %add3A_200 = arith.addi %mul3A_198, %add3A_199 : i32
      %slice3A_201 = vector.extract_strided_slice %get3A_25 {offsets = [7], sizes = [1], strides = [1]} : vector<16xi32> to vector<1xi32>
      %squeeze3A_202 = vector.extract %slice3A_201[0] : i32 from vector<1xi32>
      %dma_start3A_203 = arith.constant 0 : i32
      %dma_start3A_204 = tpu.memref_slice %arg11[%add3A_200, %dma_start3A_203] : memref<80x64xf32, #tpu.memory_space<vmem>> -> memref<1x64xf32, #tpu.memory_space<vmem>>
      %dma_start3A_205 = arith.constant 0 : i32
      %dma_start3A_206 = tpu.memref_slice %arg2[%squeeze3A_202, %dma_start3A_205] : memref<100000x64xf32, #tpu.memory_space<hbm>> -> memref<1x64xf32, #tpu.memory_space<hbm>>
      %dma_start3A_207 = arith.constant 0 : i32
      %dma_start3A_208 = tpu.memref_slice %arg11[%add3A_200, %dma_start3A_207] : memref<80x64xf32, #tpu.memory_space<vmem>> -> memref<1x64xf32, #tpu.memory_space<vmem>>
      %dma_start3A_209 = arith.constant 0 : i32
      %dma_start3A_210 = tpu.memref_slice %arg2[%squeeze3A_202, %dma_start3A_209] : memref<100000x64xf32, #tpu.memory_space<hbm>> -> memref<1x64xf32, #tpu.memory_space<hbm>>
      tpu.enqueue_dma source(%dma_start3A_210 : memref<1x64xf32, #tpu.memory_space<hbm>>) target(%dma_start3A_208 : memref<1x64xf32, #tpu.memory_space<vmem>>) target_semaphore(%arg19 : memref<!tpu.dma_semaphore, #tpu.memory_space<semaphore_mem>>)
      %slice3A_211 = vector.extract_strided_slice %get3A_31 {offsets = [7], sizes = [1], strides = [1]} : vector<16xi32> to vector<1xi32>
      %squeeze3A_212 = vector.extract %slice3A_211[0] : i32 from vector<1xi32>
      %dma_start3A_213 = arith.constant 0 : i32
      %dma_start3A_214 = tpu.memref_slice %arg15[%add3A_200, %dma_start3A_213] : memref<80x64xf32, #tpu.memory_space<vmem>> -> memref<1x64xf32, #tpu.memory_space<vmem>>
      %dma_start3A_215 = arith.constant 0 : i32
      %dma_start3A_216 = tpu.memref_slice %arg3[%squeeze3A_212, %dma_start3A_215] : memref<100000x64xf32, #tpu.memory_space<hbm>> -> memref<1x64xf32, #tpu.memory_space<hbm>>
      %dma_start3A_217 = arith.constant 0 : i32
      %dma_start3A_218 = tpu.memref_slice %arg15[%add3A_200, %dma_start3A_217] : memref<80x64xf32, #tpu.memory_space<vmem>> -> memref<1x64xf32, #tpu.memory_space<vmem>>
      %dma_start3A_219 = arith.constant 0 : i32
      %dma_start3A_220 = tpu.memref_slice %arg3[%squeeze3A_212, %dma_start3A_219] : memref<100000x64xf32, #tpu.memory_space<hbm>> -> memref<1x64xf32, #tpu.memory_space<hbm>>
      tpu.enqueue_dma source(%dma_start3A_220 : memref<1x64xf32, #tpu.memory_space<hbm>>) target(%dma_start3A_218 : memref<1x64xf32, #tpu.memory_space<vmem>>) target_semaphore(%arg23 : memref<!tpu.dma_semaphore, #tpu.memory_space<semaphore_mem>>)
      %mul3A_221 = arith.constant 16 : i32
      %mul3A_222 = arith.muli %scan3A_20, %mul3A_221 : i32
      %add3A_223 = arith.constant 8 : i32
      %add3A_224 = arith.addi %mul3A_222, %add3A_223 : i32
      %slice3A_225 = vector.extract_strided_slice %get3A_25 {offsets = [8], sizes = [1], strides = [1]} : vector<16xi32> to vector<1xi32>
      %squeeze3A_226 = vector.extract %slice3A_225[0] : i32 from vector<1xi32>
      %dma_start3A_227 = arith.constant 0 : i32
      %dma_start3A_228 = tpu.memref_slice %arg11[%add3A_224, %dma_start3A_227] : memref<80x64xf32, #tpu.memory_space<vmem>> -> memref<1x64xf32, #tpu.memory_space<vmem>>
      %dma_start3A_229 = arith.constant 0 : i32
      %dma_start3A_230 = tpu.memref_slice %arg2[%squeeze3A_226, %dma_start3A_229] : memref<100000x64xf32, #tpu.memory_space<hbm>> -> memref<1x64xf32, #tpu.memory_space<hbm>>
      %dma_start3A_231 = arith.constant 0 : i32
      %dma_start3A_232 = tpu.memref_slice %arg11[%add3A_224, %dma_start3A_231] : memref<80x64xf32, #tpu.memory_space<vmem>> -> memref<1x64xf32, #tpu.memory_space<vmem>>
      %dma_start3A_233 = arith.constant 0 : i32
      %dma_start3A_234 = tpu.memref_slice %arg2[%squeeze3A_226, %dma_start3A_233] : memref<100000x64xf32, #tpu.memory_space<hbm>> -> memref<1x64xf32, #tpu.memory_space<hbm>>
      tpu.enqueue_dma source(%dma_start3A_234 : memref<1x64xf32, #tpu.memory_space<hbm>>) target(%dma_start3A_232 : memref<1x64xf32, #tpu.memory_space<vmem>>) target_semaphore(%arg19 : memref<!tpu.dma_semaphore, #tpu.memory_space<semaphore_mem>>)
      %slice3A_235 = vector.extract_strided_slice %get3A_31 {offsets = [8], sizes = [1], strides = [1]} : vector<16xi32> to vector<1xi32>
      %squeeze3A_236 = vector.extract %slice3A_235[0] : i32 from vector<1xi32>
      %dma_start3A_237 = arith.constant 0 : i32
      %dma_start3A_238 = tpu.memref_slice %arg15[%add3A_224, %dma_start3A_237] : memref<80x64xf32, #tpu.memory_space<vmem>> -> memref<1x64xf32, #tpu.memory_space<vmem>>
      %dma_start3A_239 = arith.constant 0 : i32
      %dma_start3A_240 = tpu.memref_slice %arg3[%squeeze3A_236, %dma_start3A_239] : memref<100000x64xf32, #tpu.memory_space<hbm>> -> memref<1x64xf32, #tpu.memory_space<hbm>>
      %dma_start3A_241 = arith.constant 0 : i32
      %dma_start3A_242 = tpu.memref_slice %arg15[%add3A_224, %dma_start3A_241] : memref<80x64xf32, #tpu.memory_space<vmem>> -> memref<1x64xf32, #tpu.memory_space<vmem>>
      %dma_start3A_243 = arith.constant 0 : i32
      %dma_start3A_244 = tpu.memref_slice %arg3[%squeeze3A_236, %dma_start3A_243] : memref<100000x64xf32, #tpu.memory_space<hbm>> -> memref<1x64xf32, #tpu.memory_space<hbm>>
      tpu.enqueue_dma source(%dma_start3A_244 : memref<1x64xf32, #tpu.memory_space<hbm>>) target(%dma_start3A_242 : memref<1x64xf32, #tpu.memory_space<vmem>>) target_semaphore(%arg23 : memref<!tpu.dma_semaphore, #tpu.memory_space<semaphore_mem>>)
      %mul3A_245 = arith.constant 16 : i32
      %mul3A_246 = arith.muli %scan3A_20, %mul3A_245 : i32
      %add3A_247 = arith.constant 9 : i32
      %add3A_248 = arith.addi %mul3A_246, %add3A_247 : i32
      %slice3A_249 = vector.extract_strided_slice %get3A_25 {offsets = [9], sizes = [1], strides = [1]} : vector<16xi32> to vector<1xi32>
      %squeeze3A_250 = vector.extract %slice3A_249[0] : i32 from vector<1xi32>
      %dma_start3A_251 = arith.constant 0 : i32
      %dma_start3A_252 = tpu.memref_slice %arg11[%add3A_248, %dma_start3A_251] : memref<80x64xf32, #tpu.memory_space<vmem>> -> memref<1x64xf32, #tpu.memory_space<vmem>>
      %dma_start3A_253 = arith.constant 0 : i32
      %dma_start3A_254 = tpu.memref_slice %arg2[%squeeze3A_250, %dma_start3A_253] : memref<100000x64xf32, #tpu.memory_space<hbm>> -> memref<1x64xf32, #tpu.memory_space<hbm>>
      %dma_start3A_255 = arith.constant 0 : i32
      %dma_start3A_256 = tpu.memref_slice %arg11[%add3A_248, %dma_start3A_255] : memref<80x64xf32, #tpu.memory_space<vmem>> -> memref<1x64xf32, #tpu.memory_space<vmem>>
      %dma_start3A_257 = arith.constant 0 : i32
      %dma_start3A_258 = tpu.memref_slice %arg2[%squeeze3A_250, %dma_start3A_257] : memref<100000x64xf32, #tpu.memory_space<hbm>> -> memref<1x64xf32, #tpu.memory_space<hbm>>
      tpu.enqueue_dma source(%dma_start3A_258 : memref<1x64xf32, #tpu.memory_space<hbm>>) target(%dma_start3A_256 : memref<1x64xf32, #tpu.memory_space<vmem>>) target_semaphore(%arg19 : memref<!tpu.dma_semaphore, #tpu.memory_space<semaphore_mem>>)
      %slice3A_259 = vector.extract_strided_slice %get3A_31 {offsets = [9], sizes = [1], strides = [1]} : vector<16xi32> to vector<1xi32>
      %squeeze3A_260 = vector.extract %slice3A_259[0] : i32 from vector<1xi32>
      %dma_start3A_261 = arith.constant 0 : i32
      %dma_start3A_262 = tpu.memref_slice %arg15[%add3A_248, %dma_start3A_261] : memref<80x64xf32, #tpu.memory_space<vmem>> -> memref<1x64xf32, #tpu.memory_space<vmem>>
      %dma_start3A_263 = arith.constant 0 : i32
      %dma_start3A_264 = tpu.memref_slice %arg3[%squeeze3A_260, %dma_start3A_263] : memref<100000x64xf32, #tpu.memory_space<hbm>> -> memref<1x64xf32, #tpu.memory_space<hbm>>
      %dma_start3A_265 = arith.constant 0 : i32
      %dma_start3A_266 = tpu.memref_slice %arg15[%add3A_248, %dma_start3A_265] : memref<80x64xf32, #tpu.memory_space<vmem>> -> memref<1x64xf32, #tpu.memory_space<vmem>>
      %dma_start3A_267 = arith.constant 0 : i32
      %dma_start3A_268 = tpu.memref_slice %arg3[%squeeze3A_260, %dma_start3A_267] : memref<100000x64xf32, #tpu.memory_space<hbm>> -> memref<1x64xf32, #tpu.memory_space<hbm>>
      tpu.enqueue_dma source(%dma_start3A_268 : memref<1x64xf32, #tpu.memory_space<hbm>>) target(%dma_start3A_266 : memref<1x64xf32, #tpu.memory_space<vmem>>) target_semaphore(%arg23 : memref<!tpu.dma_semaphore, #tpu.memory_space<semaphore_mem>>)
      %mul3A_269 = arith.constant 16 : i32
      %mul3A_270 = arith.muli %scan3A_20, %mul3A_269 : i32
      %add3A_271 = arith.constant 10 : i32
      %add3A_272 = arith.addi %mul3A_270, %add3A_271 : i32
      %slice3A_273 = vector.extract_strided_slice %get3A_25 {offsets = [10], sizes = [1], strides = [1]} : vector<16xi32> to vector<1xi32>
      %squeeze3A_274 = vector.extract %slice3A_273[0] : i32 from vector<1xi32>
      %dma_start3A_275 = arith.constant 0 : i32
      %dma_start3A_276 = tpu.memref_slice %arg11[%add3A_272, %dma_start3A_275] : memref<80x64xf32, #tpu.memory_space<vmem>> -> memref<1x64xf32, #tpu.memory_space<vmem>>
      %dma_start3A_277 = arith.constant 0 : i32
      %dma_start3A_278 = tpu.memref_slice %arg2[%squeeze3A_274, %dma_start3A_277] : memref<100000x64xf32, #tpu.memory_space<hbm>> -> memref<1x64xf32, #tpu.memory_space<hbm>>
      %dma_start3A_279 = arith.constant 0 : i32
      %dma_start3A_280 = tpu.memref_slice %arg11[%add3A_272, %dma_start3A_279] : memref<80x64xf32, #tpu.memory_space<vmem>> -> memref<1x64xf32, #tpu.memory_space<vmem>>
      %dma_start3A_281 = arith.constant 0 : i32
      %dma_start3A_282 = tpu.memref_slice %arg2[%squeeze3A_274, %dma_start3A_281] : memref<100000x64xf32, #tpu.memory_space<hbm>> -> memref<1x64xf32, #tpu.memory_space<hbm>>
      tpu.enqueue_dma source(%dma_start3A_282 : memref<1x64xf32, #tpu.memory_space<hbm>>) target(%dma_start3A_280 : memref<1x64xf32, #tpu.memory_space<vmem>>) target_semaphore(%arg19 : memref<!tpu.dma_semaphore, #tpu.memory_space<semaphore_mem>>)
      %slice3A_283 = vector.extract_strided_slice %get3A_31 {offsets = [10], sizes = [1], strides = [1]} : vector<16xi32> to vector<1xi32>
      %squeeze3A_284 = vector.extract %slice3A_283[0] : i32 from vector<1xi32>
      %dma_start3A_285 = arith.constant 0 : i32
      %dma_start3A_286 = tpu.memref_slice %arg15[%add3A_272, %dma_start3A_285] : memref<80x64xf32, #tpu.memory_space<vmem>> -> memref<1x64xf32, #tpu.memory_space<vmem>>
      %dma_start3A_287 = arith.constant 0 : i32
      %dma_start3A_288 = tpu.memref_slice %arg3[%squeeze3A_284, %dma_start3A_287] : memref<100000x64xf32, #tpu.memory_space<hbm>> -> memref<1x64xf32, #tpu.memory_space<hbm>>
      %dma_start3A_289 = arith.constant 0 : i32
      %dma_start3A_290 = tpu.memref_slice %arg15[%add3A_272, %dma_start3A_289] : memref<80x64xf32, #tpu.memory_space<vmem>> -> memref<1x64xf32, #tpu.memory_space<vmem>>
      %dma_start3A_291 = arith.constant 0 : i32
      %dma_start3A_292 = tpu.memref_slice %arg3[%squeeze3A_284, %dma_start3A_291] : memref<100000x64xf32, #tpu.memory_space<hbm>> -> memref<1x64xf32, #tpu.memory_space<hbm>>
      tpu.enqueue_dma source(%dma_start3A_292 : memref<1x64xf32, #tpu.memory_space<hbm>>) target(%dma_start3A_290 : memref<1x64xf32, #tpu.memory_space<vmem>>) target_semaphore(%arg23 : memref<!tpu.dma_semaphore, #tpu.memory_space<semaphore_mem>>)
      %mul3A_293 = arith.constant 16 : i32
      %mul3A_294 = arith.muli %scan3A_20, %mul3A_293 : i32
      %add3A_295 = arith.constant 11 : i32
      %add3A_296 = arith.addi %mul3A_294, %add3A_295 : i32
      %slice3A_297 = vector.extract_strided_slice %get3A_25 {offsets = [11], sizes = [1], strides = [1]} : vector<16xi32> to vector<1xi32>
      %squeeze3A_298 = vector.extract %slice3A_297[0] : i32 from vector<1xi32>
      %dma_start3A_299 = arith.constant 0 : i32
      %dma_start3A_300 = tpu.memref_slice %arg11[%add3A_296, %dma_start3A_299] : memref<80x64xf32, #tpu.memory_space<vmem>> -> memref<1x64xf32, #tpu.memory_space<vmem>>
      %dma_start3A_301 = arith.constant 0 : i32
      %dma_start3A_302 = tpu.memref_slice %arg2[%squeeze3A_298, %dma_start3A_301] : memref<100000x64xf32, #tpu.memory_space<hbm>> -> memref<1x64xf32, #tpu.memory_space<hbm>>
      %dma_start3A_303 = arith.constant 0 : i32
      %dma_start3A_304 = tpu.memref_slice %arg11[%add3A_296, %dma_start3A_303] : memref<80x64xf32, #tpu.memory_space<vmem>> -> memref<1x64xf32, #tpu.memory_space<vmem>>
      %dma_start3A_305 = arith.constant 0 : i32
      %dma_start3A_306 = tpu.memref_slice %arg2[%squeeze3A_298, %dma_start3A_305] : memref<100000x64xf32, #tpu.memory_space<hbm>> -> memref<1x64xf32, #tpu.memory_space<hbm>>
      tpu.enqueue_dma source(%dma_start3A_306 : memref<1x64xf32, #tpu.memory_space<hbm>>) target(%dma_start3A_304 : memref<1x64xf32, #tpu.memory_space<vmem>>) target_semaphore(%arg19 : memref<!tpu.dma_semaphore, #tpu.memory_space<semaphore_mem>>)
      %slice3A_307 = vector.extract_strided_slice %get3A_31 {offsets = [11], sizes = [1], strides = [1]} : vector<16xi32> to vector<1xi32>
      %squeeze3A_308 = vector.extract %slice3A_307[0] : i32 from vector<1xi32>
      %dma_start3A_309 = arith.constant 0 : i32
      %dma_start3A_310 = tpu.memref_slice %arg15[%add3A_296, %dma_start3A_309] : memref<80x64xf32, #tpu.memory_space<vmem>> -> memref<1x64xf32, #tpu.memory_space<vmem>>
      %dma_start3A_311 = arith.constant 0 : i32
      %dma_start3A_312 = tpu.memref_slice %arg3[%squeeze3A_308, %dma_start3A_311] : memref<100000x64xf32, #tpu.memory_space<hbm>> -> memref<1x64xf32, #tpu.memory_space<hbm>>
      %dma_start3A_313 = arith.constant 0 : i32
      %dma_start3A_314 = tpu.memref_slice %arg15[%add3A_296, %dma_start3A_313] : memref<80x64xf32, #tpu.memory_space<vmem>> -> memref<1x64xf32, #tpu.memory_space<vmem>>
      %dma_start3A_315 = arith.constant 0 : i32
      %dma_start3A_316 = tpu.memref_slice %arg3[%squeeze3A_308, %dma_start3A_315] : memref<100000x64xf32, #tpu.memory_space<hbm>> -> memref<1x64xf32, #tpu.memory_space<hbm>>
      tpu.enqueue_dma source(%dma_start3A_316 : memref<1x64xf32, #tpu.memory_space<hbm>>) target(%dma_start3A_314 : memref<1x64xf32, #tpu.memory_space<vmem>>) target_semaphore(%arg23 : memref<!tpu.dma_semaphore, #tpu.memory_space<semaphore_mem>>)
      %mul3A_317 = arith.constant 16 : i32
      %mul3A_318 = arith.muli %scan3A_20, %mul3A_317 : i32
      %add3A_319 = arith.constant 12 : i32
      %add3A_320 = arith.addi %mul3A_318, %add3A_319 : i32
      %slice3A_321 = vector.extract_strided_slice %get3A_25 {offsets = [12], sizes = [1], strides = [1]} : vector<16xi32> to vector<1xi32>
      %squeeze3A_322 = vector.extract %slice3A_321[0] : i32 from vector<1xi32>
      %dma_start3A_323 = arith.constant 0 : i32
      %dma_start3A_324 = tpu.memref_slice %arg11[%add3A_320, %dma_start3A_323] : memref<80x64xf32, #tpu.memory_space<vmem>> -> memref<1x64xf32, #tpu.memory_space<vmem>>
      %dma_start3A_325 = arith.constant 0 : i32
      %dma_start3A_326 = tpu.memref_slice %arg2[%squeeze3A_322, %dma_start3A_325] : memref<100000x64xf32, #tpu.memory_space<hbm>> -> memref<1x64xf32, #tpu.memory_space<hbm>>
      %dma_start3A_327 = arith.constant 0 : i32
      %dma_start3A_328 = tpu.memref_slice %arg11[%add3A_320, %dma_start3A_327] : memref<80x64xf32, #tpu.memory_space<vmem>> -> memref<1x64xf32, #tpu.memory_space<vmem>>
      %dma_start3A_329 = arith.constant 0 : i32
      %dma_start3A_330 = tpu.memref_slice %arg2[%squeeze3A_322, %dma_start3A_329] : memref<100000x64xf32, #tpu.memory_space<hbm>> -> memref<1x64xf32, #tpu.memory_space<hbm>>
      tpu.enqueue_dma source(%dma_start3A_330 : memref<1x64xf32, #tpu.memory_space<hbm>>) target(%dma_start3A_328 : memref<1x64xf32, #tpu.memory_space<vmem>>) target_semaphore(%arg19 : memref<!tpu.dma_semaphore, #tpu.memory_space<semaphore_mem>>)
      %slice3A_331 = vector.extract_strided_slice %get3A_31 {offsets = [12], sizes = [1], strides = [1]} : vector<16xi32> to vector<1xi32>
      %squeeze3A_332 = vector.extract %slice3A_331[0] : i32 from vector<1xi32>
      %dma_start3A_333 = arith.constant 0 : i32
      %dma_start3A_334 = tpu.memref_slice %arg15[%add3A_320, %dma_start3A_333] : memref<80x64xf32, #tpu.memory_space<vmem>> -> memref<1x64xf32, #tpu.memory_space<vmem>>
      %dma_start3A_335 = arith.constant 0 : i32
      %dma_start3A_336 = tpu.memref_slice %arg3[%squeeze3A_332, %dma_start3A_335] : memref<100000x64xf32, #tpu.memory_space<hbm>> -> memref<1x64xf32, #tpu.memory_space<hbm>>
      %dma_start3A_337 = arith.constant 0 : i32
      %dma_start3A_338 = tpu.memref_slice %arg15[%add3A_320, %dma_start3A_337] : memref<80x64xf32, #tpu.memory_space<vmem>> -> memref<1x64xf32, #tpu.memory_space<vmem>>
      %dma_start3A_339 = arith.constant 0 : i32
      %dma_start3A_340 = tpu.memref_slice %arg3[%squeeze3A_332, %dma_start3A_339] : memref<100000x64xf32, #tpu.memory_space<hbm>> -> memref<1x64xf32, #tpu.memory_space<hbm>>
      tpu.enqueue_dma source(%dma_start3A_340 : memref<1x64xf32, #tpu.memory_space<hbm>>) target(%dma_start3A_338 : memref<1x64xf32, #tpu.memory_space<vmem>>) target_semaphore(%arg23 : memref<!tpu.dma_semaphore, #tpu.memory_space<semaphore_mem>>)
      %mul3A_341 = arith.constant 16 : i32
      %mul3A_342 = arith.muli %scan3A_20, %mul3A_341 : i32
      %add3A_343 = arith.constant 13 : i32
      %add3A_344 = arith.addi %mul3A_342, %add3A_343 : i32
      %slice3A_345 = vector.extract_strided_slice %get3A_25 {offsets = [13], sizes = [1], strides = [1]} : vector<16xi32> to vector<1xi32>
      %squeeze3A_346 = vector.extract %slice3A_345[0] : i32 from vector<1xi32>
      %dma_start3A_347 = arith.constant 0 : i32
      %dma_start3A_348 = tpu.memref_slice %arg11[%add3A_344, %dma_start3A_347] : memref<80x64xf32, #tpu.memory_space<vmem>> -> memref<1x64xf32, #tpu.memory_space<vmem>>
      %dma_start3A_349 = arith.constant 0 : i32
      %dma_start3A_350 = tpu.memref_slice %arg2[%squeeze3A_346, %dma_start3A_349] : memref<100000x64xf32, #tpu.memory_space<hbm>> -> memref<1x64xf32, #tpu.memory_space<hbm>>
      %dma_start3A_351 = arith.constant 0 : i32
      %dma_start3A_352 = tpu.memref_slice %arg11[%add3A_344, %dma_start3A_351] : memref<80x64xf32, #tpu.memory_space<vmem>> -> memref<1x64xf32, #tpu.memory_space<vmem>>
      %dma_start3A_353 = arith.constant 0 : i32
      %dma_start3A_354 = tpu.memref_slice %arg2[%squeeze3A_346, %dma_start3A_353] : memref<100000x64xf32, #tpu.memory_space<hbm>> -> memref<1x64xf32, #tpu.memory_space<hbm>>
      tpu.enqueue_dma source(%dma_start3A_354 : memref<1x64xf32, #tpu.memory_space<hbm>>) target(%dma_start3A_352 : memref<1x64xf32, #tpu.memory_space<vmem>>) target_semaphore(%arg19 : memref<!tpu.dma_semaphore, #tpu.memory_space<semaphore_mem>>)
      %slice3A_355 = vector.extract_strided_slice %get3A_31 {offsets = [13], sizes = [1], strides = [1]} : vector<16xi32> to vector<1xi32>
      %squeeze3A_356 = vector.extract %slice3A_355[0] : i32 from vector<1xi32>
      %dma_start3A_357 = arith.constant 0 : i32
      %dma_start3A_358 = tpu.memref_slice %arg15[%add3A_344, %dma_start3A_357] : memref<80x64xf32, #tpu.memory_space<vmem>> -> memref<1x64xf32, #tpu.memory_space<vmem>>
      %dma_start3A_359 = arith.constant 0 : i32
      %dma_start3A_360 = tpu.memref_slice %arg3[%squeeze3A_356, %dma_start3A_359] : memref<100000x64xf32, #tpu.memory_space<hbm>> -> memref<1x64xf32, #tpu.memory_space<hbm>>
      %dma_start3A_361 = arith.constant 0 : i32
      %dma_start3A_362 = tpu.memref_slice %arg15[%add3A_344, %dma_start3A_361] : memref<80x64xf32, #tpu.memory_space<vmem>> -> memref<1x64xf32, #tpu.memory_space<vmem>>
      %dma_start3A_363 = arith.constant 0 : i32
      %dma_start3A_364 = tpu.memref_slice %arg3[%squeeze3A_356, %dma_start3A_363] : memref<100000x64xf32, #tpu.memory_space<hbm>> -> memref<1x64xf32, #tpu.memory_space<hbm>>
      tpu.enqueue_dma source(%dma_start3A_364 : memref<1x64xf32, #tpu.memory_space<hbm>>) target(%dma_start3A_362 : memref<1x64xf32, #tpu.memory_space<vmem>>) target_semaphore(%arg23 : memref<!tpu.dma_semaphore, #tpu.memory_space<semaphore_mem>>)
      %mul3A_365 = arith.constant 16 : i32
      %mul3A_366 = arith.muli %scan3A_20, %mul3A_365 : i32
      %add3A_367 = arith.constant 14 : i32
      %add3A_368 = arith.addi %mul3A_366, %add3A_367 : i32
      %slice3A_369 = vector.extract_strided_slice %get3A_25 {offsets = [14], sizes = [1], strides = [1]} : vector<16xi32> to vector<1xi32>
      %squeeze3A_370 = vector.extract %slice3A_369[0] : i32 from vector<1xi32>
      %dma_start3A_371 = arith.constant 0 : i32
      %dma_start3A_372 = tpu.memref_slice %arg11[%add3A_368, %dma_start3A_371] : memref<80x64xf32, #tpu.memory_space<vmem>> -> memref<1x64xf32, #tpu.memory_space<vmem>>
      %dma_start3A_373 = arith.constant 0 : i32
      %dma_start3A_374 = tpu.memref_slice %arg2[%squeeze3A_370, %dma_start3A_373] : memref<100000x64xf32, #tpu.memory_space<hbm>> -> memref<1x64xf32, #tpu.memory_space<hbm>>
      %dma_start3A_375 = arith.constant 0 : i32
      %dma_start3A_376 = tpu.memref_slice %arg11[%add3A_368, %dma_start3A_375] : memref<80x64xf32, #tpu.memory_space<vmem>> -> memref<1x64xf32, #tpu.memory_space<vmem>>
      %dma_start3A_377 = arith.constant 0 : i32
      %dma_start3A_378 = tpu.memref_slice %arg2[%squeeze3A_370, %dma_start3A_377] : memref<100000x64xf32, #tpu.memory_space<hbm>> -> memref<1x64xf32, #tpu.memory_space<hbm>>
      tpu.enqueue_dma source(%dma_start3A_378 : memref<1x64xf32, #tpu.memory_space<hbm>>) target(%dma_start3A_376 : memref<1x64xf32, #tpu.memory_space<vmem>>) target_semaphore(%arg19 : memref<!tpu.dma_semaphore, #tpu.memory_space<semaphore_mem>>)
      %slice3A_379 = vector.extract_strided_slice %get3A_31 {offsets = [14], sizes = [1], strides = [1]} : vector<16xi32> to vector<1xi32>
      %squeeze3A_380 = vector.extract %slice3A_379[0] : i32 from vector<1xi32>
      %dma_start3A_381 = arith.constant 0 : i32
      %dma_start3A_382 = tpu.memref_slice %arg15[%add3A_368, %dma_start3A_381] : memref<80x64xf32, #tpu.memory_space<vmem>> -> memref<1x64xf32, #tpu.memory_space<vmem>>
      %dma_start3A_383 = arith.constant 0 : i32
      %dma_start3A_384 = tpu.memref_slice %arg3[%squeeze3A_380, %dma_start3A_383] : memref<100000x64xf32, #tpu.memory_space<hbm>> -> memref<1x64xf32, #tpu.memory_space<hbm>>
      %dma_start3A_385 = arith.constant 0 : i32
      %dma_start3A_386 = tpu.memref_slice %arg15[%add3A_368, %dma_start3A_385] : memref<80x64xf32, #tpu.memory_space<vmem>> -> memref<1x64xf32, #tpu.memory_space<vmem>>
      %dma_start3A_387 = arith.constant 0 : i32
      %dma_start3A_388 = tpu.memref_slice %arg3[%squeeze3A_380, %dma_start3A_387] : memref<100000x64xf32, #tpu.memory_space<hbm>> -> memref<1x64xf32, #tpu.memory_space<hbm>>
      tpu.enqueue_dma source(%dma_start3A_388 : memref<1x64xf32, #tpu.memory_space<hbm>>) target(%dma_start3A_386 : memref<1x64xf32, #tpu.memory_space<vmem>>) target_semaphore(%arg23 : memref<!tpu.dma_semaphore, #tpu.memory_space<semaphore_mem>>)
      %mul3A_389 = arith.constant 16 : i32
      %mul3A_390 = arith.muli %scan3A_20, %mul3A_389 : i32
      %add3A_391 = arith.constant 15 : i32
      %add3A_392 = arith.addi %mul3A_390, %add3A_391 : i32
      %slice3A_393 = vector.extract_strided_slice %get3A_25 {offsets = [15], sizes = [1], strides = [1]} : vector<16xi32> to vector<1xi32>
      %squeeze3A_394 = vector.extract %slice3A_393[0] : i32 from vector<1xi32>
      %dma_start3A_395 = arith.constant 0 : i32
      %dma_start3A_396 = tpu.memref_slice %arg11[%add3A_392, %dma_start3A_395] : memref<80x64xf32, #tpu.memory_space<vmem>> -> memref<1x64xf32, #tpu.memory_space<vmem>>
      %dma_start3A_397 = arith.constant 0 : i32
      %dma_start3A_398 = tpu.memref_slice %arg2[%squeeze3A_394, %dma_start3A_397] : memref<100000x64xf32, #tpu.memory_space<hbm>> -> memref<1x64xf32, #tpu.memory_space<hbm>>
      %dma_start3A_399 = arith.constant 0 : i32
      %dma_start3A_400 = tpu.memref_slice %arg11[%add3A_392, %dma_start3A_399] : memref<80x64xf32, #tpu.memory_space<vmem>> -> memref<1x64xf32, #tpu.memory_space<vmem>>
      %dma_start3A_401 = arith.constant 0 : i32
      %dma_start3A_402 = tpu.memref_slice %arg2[%squeeze3A_394, %dma_start3A_401] : memref<100000x64xf32, #tpu.memory_space<hbm>> -> memref<1x64xf32, #tpu.memory_space<hbm>>
      tpu.enqueue_dma source(%dma_start3A_402 : memref<1x64xf32, #tpu.memory_space<hbm>>) target(%dma_start3A_400 : memref<1x64xf32, #tpu.memory_space<vmem>>) target_semaphore(%arg19 : memref<!tpu.dma_semaphore, #tpu.memory_space<semaphore_mem>>)
      %slice3A_403 = vector.extract_strided_slice %get3A_31 {offsets = [15], sizes = [1], strides = [1]} : vector<16xi32> to vector<1xi32>
      %squeeze3A_404 = vector.extract %slice3A_403[0] : i32 from vector<1xi32>
      %dma_start3A_405 = arith.constant 0 : i32
      %dma_start3A_406 = tpu.memref_slice %arg15[%add3A_392, %dma_start3A_405] : memref<80x64xf32, #tpu.memory_space<vmem>> -> memref<1x64xf32, #tpu.memory_space<vmem>>
      %dma_start3A_407 = arith.constant 0 : i32
      %dma_start3A_408 = tpu.memref_slice %arg3[%squeeze3A_404, %dma_start3A_407] : memref<100000x64xf32, #tpu.memory_space<hbm>> -> memref<1x64xf32, #tpu.memory_space<hbm>>
      %dma_start3A_409 = arith.constant 0 : i32
      %dma_start3A_410 = tpu.memref_slice %arg15[%add3A_392, %dma_start3A_409] : memref<80x64xf32, #tpu.memory_space<vmem>> -> memref<1x64xf32, #tpu.memory_space<vmem>>
      %dma_start3A_411 = arith.constant 0 : i32
      %dma_start3A_412 = tpu.memref_slice %arg3[%squeeze3A_404, %dma_start3A_411] : memref<100000x64xf32, #tpu.memory_space<hbm>> -> memref<1x64xf32, #tpu.memory_space<hbm>>
      tpu.enqueue_dma source(%dma_start3A_412 : memref<1x64xf32, #tpu.memory_space<hbm>>) target(%dma_start3A_410 : memref<1x64xf32, #tpu.memory_space<vmem>>) target_semaphore(%arg23 : memref<!tpu.dma_semaphore, #tpu.memory_space<semaphore_mem>>)
    }
    %scan3A_11 = arith.constant 5 : i32
    %iota3A = tpu.iota {dimensions = array<i32: 0>} : vector<16xi32>
    %scan3A_12 = arith.constant 0 : i32
    %scan3A_13 = arith.constant 0 : i32
    %scan3A_14 = arith.constant 8 : i32
    %scan3A_15 = arith.addi %scan3A_13, %scan3A_14 : i32
    %scan3A_16 = arith.constant 1 : i32
    scf.for %scan3A_20 = %scan3A_13 to %scan3A_15 step %scan3A_16  : i32 {
      %mul3A_21 = arith.constant 4 : i32
      %mul3A_22 = arith.muli %scan3A_20, %mul3A_21 : i32
      %add3A_23 = arith.constant 0 : i32
      %add3A_24 = arith.addi %mul3A_22, %add3A_23 : i32
      %dma_wait3A = arith.constant 0 : i32
      %dma_wait3A_25 = arith.constant 0 : i32
      %dma_wait3A_26 = tpu.memref_slice %arg2[%dma_wait3A, %dma_wait3A_25] : memref<100000x64xf32, #tpu.memory_space<hbm>> -> memref<80x64xf32, #tpu.memory_space<hbm>>
      %dma_wait3A_27 = arith.constant 0 : i32
      %dma_wait3A_28 = arith.constant 0 : i32
      %dma_wait3A_29 = tpu.memref_slice %arg2[%dma_wait3A_27, %dma_wait3A_28] : memref<100000x64xf32, #tpu.memory_space<hbm>> -> memref<80x64xf32, #tpu.memory_space<hbm>>
      tpu.wait_dma2 semaphore(%arg18 : memref<!tpu.dma_semaphore, #tpu.memory_space<semaphore_mem>>) src(%dma_wait3A_29 : memref<80x64xf32, #tpu.memory_space<hbm>>) dst(%arg10 : memref<80x64xf32, #tpu.memory_space<vmem>>)
      %dma_wait3A_30 = arith.constant 0 : i32
      %dma_wait3A_31 = arith.constant 0 : i32
      %dma_wait3A_32 = tpu.memref_slice %arg3[%dma_wait3A_30, %dma_wait3A_31] : memref<100000x64xf32, #tpu.memory_space<hbm>> -> memref<80x64xf32, #tpu.memory_space<hbm>>
      %dma_wait3A_33 = arith.constant 0 : i32
      %dma_wait3A_34 = arith.constant 0 : i32
      %dma_wait3A_35 = tpu.memref_slice %arg3[%dma_wait3A_33, %dma_wait3A_34] : memref<100000x64xf32, #tpu.memory_space<hbm>> -> memref<80x64xf32, #tpu.memory_space<hbm>>
      tpu.wait_dma2 semaphore(%arg22 : memref<!tpu.dma_semaphore, #tpu.memory_space<semaphore_mem>>) src(%dma_wait3A_35 : memref<80x64xf32, #tpu.memory_space<hbm>>) dst(%arg14 : memref<80x64xf32, #tpu.memory_space<vmem>>)
      %add3A_36 = arith.constant 2 : i32
      %add3A_37 = arith.addi %add3A_24, %add3A_36 : i32
      %scan3A_38 = arith.constant 0 : i32
      %scan3A_39 = arith.constant 0 : i32
      %scan3A_40 = arith.constant 5 : i32
      %scan3A_41 = arith.addi %scan3A_39, %scan3A_40 : i32
      %scan3A_42 = arith.constant 1 : i32
      scf.for %scan3A_116 = %scan3A_39 to %scan3A_41 step %scan3A_42  : i32 {
        %lt3A = arith.constant 32 : i32
        %lt3A_117 = arith.cmpi slt, %add3A_37, %lt3A : i32
        %convert_element_type3A = arith.extui %lt3A_117 : i1 to i32
        %cond3A = arith.constant 0 : i32
        %cond3A_118 = arith.cmpi ne, %convert_element_type3A, %cond3A : i32
        scf.if %cond3A_118 {
          %mul3A_139 = arith.constant 16 : i32
          %mul3A_140 = arith.muli %scan3A_116, %mul3A_139 : i32
          %get3A = arith.index_cast %add3A_37 : i32 to index
          %get3A_141 = arith.index_cast %mul3A_140 : i32 to index
          %get3A_142 = tpu.vector_load %arg7[%get3A, %get3A_141] {strides = array<i32>} : memref<32x80xi32, #tpu.memory_space<vmem>>, vector<16xi32>,
          %mul3A_143 = arith.constant 16 : i32
          %mul3A_144 = arith.muli %scan3A_116, %mul3A_143 : i32
          %get3A_145 = arith.index_cast %add3A_37 : i32 to index
          %get3A_146 = arith.index_cast %mul3A_144 : i32 to index
          %get3A_147 = tpu.vector_load %arg8[%get3A_145, %get3A_146] {strides = array<i32>} : memref<32x80xi32, #tpu.memory_space<vmem>>, vector<16xi32>,
          %mul3A_148 = arith.constant 16 : i32
          %mul3A_149 = arith.muli %scan3A_116, %mul3A_148 : i32
          %add3A_150 = arith.constant 0 : i32
          %add3A_151 = arith.addi %mul3A_149, %add3A_150 : i32
          %slice3A = vector.extract_strided_slice %get3A_142 {offsets = [0], sizes = [1], strides = [1]} : vector<16xi32> to vector<1xi32>
          %squeeze3A = vector.extract %slice3A[0] : i32 from vector<1xi32>
          %dma_start3A = arith.constant 0 : i32
          %dma_start3A_152 = tpu.memref_slice %arg12[%add3A_151, %dma_start3A] : memref<80x64xf32, #tpu.memory_space<vmem>> -> memref<1x64xf32, #tpu.memory_space<vmem>>
          %dma_start3A_153 = arith.constant 0 : i32
          %dma_start3A_154 = tpu.memref_slice %arg2[%squeeze3A, %dma_start3A_153] : memref<100000x64xf32, #tpu.memory_space<hbm>> -> memref<1x64xf32, #tpu.memory_space<hbm>>
          %dma_start3A_155 = arith.constant 0 : i32
          %dma_start3A_156 = tpu.memref_slice %arg12[%add3A_151, %dma_start3A_155] : memref<80x64xf32, #tpu.memory_space<vmem>> -> memref<1x64xf32, #tpu.memory_space<vmem>>
          %dma_start3A_157 = arith.constant 0 : i32
          %dma_start3A_158 = tpu.memref_slice %arg2[%squeeze3A, %dma_start3A_157] : memref<100000x64xf32, #tpu.memory_space<hbm>> -> memref<1x64xf32, #tpu.memory_space<hbm>>
          tpu.enqueue_dma source(%dma_start3A_158 : memref<1x64xf32, #tpu.memory_space<hbm>>) target(%dma_start3A_156 : memref<1x64xf32, #tpu.memory_space<vmem>>) target_semaphore(%arg20 : memref<!tpu.dma_semaphore, #tpu.memory_space<semaphore_mem>>)
          %slice3A_159 = vector.extract_strided_slice %get3A_147 {offsets = [0], sizes = [1], strides = [1]} : vector<16xi32> to vector<1xi32>
          %squeeze3A_160 = vector.extract %slice3A_159[0] : i32 from vector<1xi32>
          %dma_start3A_161 = arith.constant 0 : i32
          %dma_start3A_162 = tpu.memref_slice %arg16[%add3A_151, %dma_start3A_161] : memref<80x64xf32, #tpu.memory_space<vmem>> -> memref<1x64xf32, #tpu.memory_space<vmem>>
          %dma_start3A_163 = arith.constant 0 : i32
          %dma_start3A_164 = tpu.memref_slice %arg3[%squeeze3A_160, %dma_start3A_163] : memref<100000x64xf32, #tpu.memory_space<hbm>> -> memref<1x64xf32, #tpu.memory_space<hbm>>
          %dma_start3A_165 = arith.constant 0 : i32
          %dma_start3A_166 = tpu.memref_slice %arg16[%add3A_151, %dma_start3A_165] : memref<80x64xf32, #tpu.memory_space<vmem>> -> memref<1x64xf32, #tpu.memory_space<vmem>>
          %dma_start3A_167 = arith.constant 0 : i32
          %dma_start3A_168 = tpu.memref_slice %arg3[%squeeze3A_160, %dma_start3A_167] : memref<100000x64xf32, #tpu.memory_space<hbm>> -> memref<1x64xf32, #tpu.memory_space<hbm>>
          tpu.enqueue_dma source(%dma_start3A_168 : memref<1x64xf32, #tpu.memory_space<hbm>>) target(%dma_start3A_166 : memref<1x64xf32, #tpu.memory_space<vmem>>) target_semaphore(%arg24 : memref<!tpu.dma_semaphore, #tpu.memory_space<semaphore_mem>>)
          %mul3A_169 = arith.constant 16 : i32
          %mul3A_170 = arith.muli %scan3A_116, %mul3A_169 : i32
          %add3A_171 = arith.constant 1 : i32
          %add3A_172 = arith.addi %mul3A_170, %add3A_171 : i32
          %slice3A_173 = vector.extract_strided_slice %get3A_142 {offsets = [1], sizes = [1], strides = [1]} : vector<16xi32> to vector<1xi32>
          %squeeze3A_174 = vector.extract %slice3A_173[0] : i32 from vector<1xi32>
          %dma_start3A_175 = arith.constant 0 : i32
          %dma_start3A_176 = tpu.memref_slice %arg12[%add3A_172, %dma_start3A_175] : memref<80x64xf32, #tpu.memory_space<vmem>> -> memref<1x64xf32, #tpu.memory_space<vmem>>
          %dma_start3A_177 = arith.constant 0 : i32
          %dma_start3A_178 = tpu.memref_slice %arg2[%squeeze3A_174, %dma_start3A_177] : memref<100000x64xf32, #tpu.memory_space<hbm>> -> memref<1x64xf32, #tpu.memory_space<hbm>>
          %dma_start3A_179 = arith.constant 0 : i32
          %dma_start3A_180 = tpu.memref_slice %arg12[%add3A_172, %dma_start3A_179] : memref<80x64xf32, #tpu.memory_space<vmem>> -> memref<1x64xf32, #tpu.memory_space<vmem>>
          %dma_start3A_181 = arith.constant 0 : i32
          %dma_start3A_182 = tpu.memref_slice %arg2[%squeeze3A_174, %dma_start3A_181] : memref<100000x64xf32, #tpu.memory_space<hbm>> -> memref<1x64xf32, #tpu.memory_space<hbm>>
          tpu.enqueue_dma source(%dma_start3A_182 : memref<1x64xf32, #tpu.memory_space<hbm>>) target(%dma_start3A_180 : memref<1x64xf32, #tpu.memory_space<vmem>>) target_semaphore(%arg20 : memref<!tpu.dma_semaphore, #tpu.memory_space<semaphore_mem>>)
          %slice3A_183 = vector.extract_strided_slice %get3A_147 {offsets = [1], sizes = [1], strides = [1]} : vector<16xi32> to vector<1xi32>
          %squeeze3A_184 = vector.extract %slice3A_183[0] : i32 from vector<1xi32>
          %dma_start3A_185 = arith.constant 0 : i32
          %dma_start3A_186 = tpu.memref_slice %arg16[%add3A_172, %dma_start3A_185] : memref<80x64xf32, #tpu.memory_space<vmem>> -> memref<1x64xf32, #tpu.memory_space<vmem>>
          %dma_start3A_187 = arith.constant 0 : i32
          %dma_start3A_188 = tpu.memref_slice %arg3[%squeeze3A_184, %dma_start3A_187] : memref<100000x64xf32, #tpu.memory_space<hbm>> -> memref<1x64xf32, #tpu.memory_space<hbm>>
          %dma_start3A_189 = arith.constant 0 : i32
          %dma_start3A_190 = tpu.memref_slice %arg16[%add3A_172, %dma_start3A_189] : memref<80x64xf32, #tpu.memory_space<vmem>> -> memref<1x64xf32, #tpu.memory_space<vmem>>
          %dma_start3A_191 = arith.constant 0 : i32
          %dma_start3A_192 = tpu.memref_slice %arg3[%squeeze3A_184, %dma_start3A_191] : memref<100000x64xf32, #tpu.memory_space<hbm>> -> memref<1x64xf32, #tpu.memory_space<hbm>>
          tpu.enqueue_dma source(%dma_start3A_192 : memref<1x64xf32, #tpu.memory_space<hbm>>) target(%dma_start3A_190 : memref<1x64xf32, #tpu.memory_space<vmem>>) target_semaphore(%arg24 : memref<!tpu.dma_semaphore, #tpu.memory_space<semaphore_mem>>)
          %mul3A_193 = arith.constant 16 : i32
          %mul3A_194 = arith.muli %scan3A_116, %mul3A_193 : i32
          %add3A_195 = arith.constant 2 : i32
          %add3A_196 = arith.addi %mul3A_194, %add3A_195 : i32
          %slice3A_197 = vector.extract_strided_slice %get3A_142 {offsets = [2], sizes = [1], strides = [1]} : vector<16xi32> to vector<1xi32>
          %squeeze3A_198 = vector.extract %slice3A_197[0] : i32 from vector<1xi32>
          %dma_start3A_199 = arith.constant 0 : i32
          %dma_start3A_200 = tpu.memref_slice %arg12[%add3A_196, %dma_start3A_199] : memref<80x64xf32, #tpu.memory_space<vmem>> -> memref<1x64xf32, #tpu.memory_space<vmem>>
          %dma_start3A_201 = arith.constant 0 : i32
          %dma_start3A_202 = tpu.memref_slice %arg2[%squeeze3A_198, %dma_start3A_201] : memref<100000x64xf32, #tpu.memory_space<hbm>> -> memref<1x64xf32, #tpu.memory_space<hbm>>
          %dma_start3A_203 = arith.constant 0 : i32
          %dma_start3A_204 = tpu.memref_slice %arg12[%add3A_196, %dma_start3A_203] : memref<80x64xf32, #tpu.memory_space<vmem>> -> memref<1x64xf32, #tpu.memory_space<vmem>>
          %dma_start3A_205 = arith.constant 0 : i32
          %dma_start3A_206 = tpu.memref_slice %arg2[%squeeze3A_198, %dma_start3A_205] : memref<100000x64xf32, #tpu.memory_space<hbm>> -> memref<1x64xf32, #tpu.memory_space<hbm>>
          tpu.enqueue_dma source(%dma_start3A_206 : memref<1x64xf32, #tpu.memory_space<hbm>>) target(%dma_start3A_204 : memref<1x64xf32, #tpu.memory_space<vmem>>) target_semaphore(%arg20 : memref<!tpu.dma_semaphore, #tpu.memory_space<semaphore_mem>>)
          %slice3A_207 = vector.extract_strided_slice %get3A_147 {offsets = [2], sizes = [1], strides = [1]} : vector<16xi32> to vector<1xi32>
          %squeeze3A_208 = vector.extract %slice3A_207[0] : i32 from vector<1xi32>
          %dma_start3A_209 = arith.constant 0 : i32
          %dma_start3A_210 = tpu.memref_slice %arg16[%add3A_196, %dma_start3A_209] : memref<80x64xf32, #tpu.memory_space<vmem>> -> memref<1x64xf32, #tpu.memory_space<vmem>>
          %dma_start3A_211 = arith.constant 0 : i32
          %dma_start3A_212 = tpu.memref_slice %arg3[%squeeze3A_208, %dma_start3A_211] : memref<100000x64xf32, #tpu.memory_space<hbm>> -> memref<1x64xf32, #tpu.memory_space<hbm>>
          %dma_start3A_213 = arith.constant 0 : i32
          %dma_start3A_214 = tpu.memref_slice %arg16[%add3A_196, %dma_start3A_213] : memref<80x64xf32, #tpu.memory_space<vmem>> -> memref<1x64xf32, #tpu.memory_space<vmem>>
          %dma_start3A_215 = arith.constant 0 : i32
          %dma_start3A_216 = tpu.memref_slice %arg3[%squeeze3A_208, %dma_start3A_215] : memref<100000x64xf32, #tpu.memory_space<hbm>> -> memref<1x64xf32, #tpu.memory_space<hbm>>
          tpu.enqueue_dma source(%dma_start3A_216 : memref<1x64xf32, #tpu.memory_space<hbm>>) target(%dma_start3A_214 : memref<1x64xf32, #tpu.memory_space<vmem>>) target_semaphore(%arg24 : memref<!tpu.dma_semaphore, #tpu.memory_space<semaphore_mem>>)
          %mul3A_217 = arith.constant 16 : i32
          %mul3A_218 = arith.muli %scan3A_116, %mul3A_217 : i32
          %add3A_219 = arith.constant 3 : i32
          %add3A_220 = arith.addi %mul3A_218, %add3A_219 : i32
          %slice3A_221 = vector.extract_strided_slice %get3A_142 {offsets = [3], sizes = [1], strides = [1]} : vector<16xi32> to vector<1xi32>
          %squeeze3A_222 = vector.extract %slice3A_221[0] : i32 from vector<1xi32>
          %dma_start3A_223 = arith.constant 0 : i32
          %dma_start3A_224 = tpu.memref_slice %arg12[%add3A_220, %dma_start3A_223] : memref<80x64xf32, #tpu.memory_space<vmem>> -> memref<1x64xf32, #tpu.memory_space<vmem>>
          %dma_start3A_225 = arith.constant 0 : i32
          %dma_start3A_226 = tpu.memref_slice %arg2[%squeeze3A_222, %dma_start3A_225] : memref<100000x64xf32, #tpu.memory_space<hbm>> -> memref<1x64xf32, #tpu.memory_space<hbm>>
          %dma_start3A_227 = arith.constant 0 : i32
          %dma_start3A_228 = tpu.memref_slice %arg12[%add3A_220, %dma_start3A_227] : memref<80x64xf32, #tpu.memory_space<vmem>> -> memref<1x64xf32, #tpu.memory_space<vmem>>
          %dma_start3A_229 = arith.constant 0 : i32
          %dma_start3A_230 = tpu.memref_slice %arg2[%squeeze3A_222, %dma_start3A_229] : memref<100000x64xf32, #tpu.memory_space<hbm>> -> memref<1x64xf32, #tpu.memory_space<hbm>>
          tpu.enqueue_dma source(%dma_start3A_230 : memref<1x64xf32, #tpu.memory_space<hbm>>) target(%dma_start3A_228 : memref<1x64xf32, #tpu.memory_space<vmem>>) target_semaphore(%arg20 : memref<!tpu.dma_semaphore, #tpu.memory_space<semaphore_mem>>)
          %slice3A_231 = vector.extract_strided_slice %get3A_147 {offsets = [3], sizes = [1], strides = [1]} : vector<16xi32> to vector<1xi32>
          %squeeze3A_232 = vector.extract %slice3A_231[0] : i32 from vector<1xi32>
          %dma_start3A_233 = arith.constant 0 : i32
          %dma_start3A_234 = tpu.memref_slice %arg16[%add3A_220, %dma_start3A_233] : memref<80x64xf32, #tpu.memory_space<vmem>> -> memref<1x64xf32, #tpu.memory_space<vmem>>
          %dma_start3A_235 = arith.constant 0 : i32
          %dma_start3A_236 = tpu.memref_slice %arg3[%squeeze3A_232, %dma_start3A_235] : memref<100000x64xf32, #tpu.memory_space<hbm>> -> memref<1x64xf32, #tpu.memory_space<hbm>>
          %dma_start3A_237 = arith.constant 0 : i32
          %dma_start3A_238 = tpu.memref_slice %arg16[%add3A_220, %dma_start3A_237] : memref<80x64xf32, #tpu.memory_space<vmem>> -> memref<1x64xf32, #tpu.memory_space<vmem>>
          %dma_start3A_239 = arith.constant 0 : i32
          %dma_start3A_240 = tpu.memref_slice %arg3[%squeeze3A_232, %dma_start3A_239] : memref<100000x64xf32, #tpu.memory_space<hbm>> -> memref<1x64xf32, #tpu.memory_space<hbm>>
          tpu.enqueue_dma source(%dma_start3A_240 : memref<1x64xf32, #tpu.memory_space<hbm>>) target(%dma_start3A_238 : memref<1x64xf32, #tpu.memory_space<vmem>>) target_semaphore(%arg24 : memref<!tpu.dma_semaphore, #tpu.memory_space<semaphore_mem>>)
          %mul3A_241 = arith.constant 16 : i32
          %mul3A_242 = arith.muli %scan3A_116, %mul3A_241 : i32
          %add3A_243 = arith.constant 4 : i32
          %add3A_244 = arith.addi %mul3A_242, %add3A_243 : i32
          %slice3A_245 = vector.extract_strided_slice %get3A_142 {offsets = [4], sizes = [1], strides = [1]} : vector<16xi32> to vector<1xi32>
          %squeeze3A_246 = vector.extract %slice3A_245[0] : i32 from vector<1xi32>
          %dma_start3A_247 = arith.constant 0 : i32
          %dma_start3A_248 = tpu.memref_slice %arg12[%add3A_244, %dma_start3A_247] : memref<80x64xf32, #tpu.memory_space<vmem>> -> memref<1x64xf32, #tpu.memory_space<vmem>>
          %dma_start3A_249 = arith.constant 0 : i32
          %dma_start3A_250 = tpu.memref_slice %arg2[%squeeze3A_246, %dma_start3A_249] : memref<100000x64xf32, #tpu.memory_space<hbm>> -> memref<1x64xf32, #tpu.memory_space<hbm>>
          %dma_start3A_251 = arith.constant 0 : i32
          %dma_start3A_252 = tpu.memref_slice %arg12[%add3A_244, %dma_start3A_251] : memref<80x64xf32, #tpu.memory_space<vmem>> -> memref<1x64xf32, #tpu.memory_space<vmem>>
          %dma_start3A_253 = arith.constant 0 : i32
          %dma_start3A_254 = tpu.memref_slice %arg2[%squeeze3A_246, %dma_start3A_253] : memref<100000x64xf32, #tpu.memory_space<hbm>> -> memref<1x64xf32, #tpu.memory_space<hbm>>
          tpu.enqueue_dma source(%dma_start3A_254 : memref<1x64xf32, #tpu.memory_space<hbm>>) target(%dma_start3A_252 : memref<1x64xf32, #tpu.memory_space<vmem>>) target_semaphore(%arg20 : memref<!tpu.dma_semaphore, #tpu.memory_space<semaphore_mem>>)
          %slice3A_255 = vector.extract_strided_slice %get3A_147 {offsets = [4], sizes = [1], strides = [1]} : vector<16xi32> to vector<1xi32>
          %squeeze3A_256 = vector.extract %slice3A_255[0] : i32 from vector<1xi32>
          %dma_start3A_257 = arith.constant 0 : i32
          %dma_start3A_258 = tpu.memref_slice %arg16[%add3A_244, %dma_start3A_257] : memref<80x64xf32, #tpu.memory_space<vmem>> -> memref<1x64xf32, #tpu.memory_space<vmem>>
          %dma_start3A_259 = arith.constant 0 : i32
          %dma_start3A_260 = tpu.memref_slice %arg3[%squeeze3A_256, %dma_start3A_259] : memref<100000x64xf32, #tpu.memory_space<hbm>> -> memref<1x64xf32, #tpu.memory_space<hbm>>
          %dma_start3A_261 = arith.constant 0 : i32
          %dma_start3A_262 = tpu.memref_slice %arg16[%add3A_244, %dma_start3A_261] : memref<80x64xf32, #tpu.memory_space<vmem>> -> memref<1x64xf32, #tpu.memory_space<vmem>>
          %dma_start3A_263 = arith.constant 0 : i32
          %dma_start3A_264 = tpu.memref_slice %arg3[%squeeze3A_256, %dma_start3A_263] : memref<100000x64xf32, #tpu.memory_space<hbm>> -> memref<1x64xf32, #tpu.memory_space<hbm>>
          tpu.enqueue_dma source(%dma_start3A_264 : memref<1x64xf32, #tpu.memory_space<hbm>>) target(%dma_start3A_262 : memref<1x64xf32, #tpu.memory_space<vmem>>) target_semaphore(%arg24 : memref<!tpu.dma_semaphore, #tpu.memory_space<semaphore_mem>>)
          %mul3A_265 = arith.constant 16 : i32
          %mul3A_266 = arith.muli %scan3A_116, %mul3A_265 : i32
          %add3A_267 = arith.constant 5 : i32
          %add3A_268 = arith.addi %mul3A_266, %add3A_267 : i32
          %slice3A_269 = vector.extract_strided_slice %get3A_142 {offsets = [5], sizes = [1], strides = [1]} : vector<16xi32> to vector<1xi32>
          %squeeze3A_270 = vector.extract %slice3A_269[0] : i32 from vector<1xi32>
          %dma_start3A_271 = arith.constant 0 : i32
          %dma_start3A_272 = tpu.memref_slice %arg12[%add3A_268, %dma_start3A_271] : memref<80x64xf32, #tpu.memory_space<vmem>> -> memref<1x64xf32, #tpu.memory_space<vmem>>
          %dma_start3A_273 = arith.constant 0 : i32
          %dma_start3A_274 = tpu.memref_slice %arg2[%squeeze3A_270, %dma_start3A_273] : memref<100000x64xf32, #tpu.memory_space<hbm>> -> memref<1x64xf32, #tpu.memory_space<hbm>>
          %dma_start3A_275 = arith.constant 0 : i32
          %dma_start3A_276 = tpu.memref_slice %arg12[%add3A_268, %dma_start3A_275] : memref<80x64xf32, #tpu.memory_space<vmem>> -> memref<1x64xf32, #tpu.memory_space<vmem>>
          %dma_start3A_277 = arith.constant 0 : i32
          %dma_start3A_278 = tpu.memref_slice %arg2[%squeeze3A_270, %dma_start3A_277] : memref<100000x64xf32, #tpu.memory_space<hbm>> -> memref<1x64xf32, #tpu.memory_space<hbm>>
          tpu.enqueue_dma source(%dma_start3A_278 : memref<1x64xf32, #tpu.memory_space<hbm>>) target(%dma_start3A_276 : memref<1x64xf32, #tpu.memory_space<vmem>>) target_semaphore(%arg20 : memref<!tpu.dma_semaphore, #tpu.memory_space<semaphore_mem>>)
          %slice3A_279 = vector.extract_strided_slice %get3A_147 {offsets = [5], sizes = [1], strides = [1]} : vector<16xi32> to vector<1xi32>
          %squeeze3A_280 = vector.extract %slice3A_279[0] : i32 from vector<1xi32>
          %dma_start3A_281 = arith.constant 0 : i32
          %dma_start3A_282 = tpu.memref_slice %arg16[%add3A_268, %dma_start3A_281] : memref<80x64xf32, #tpu.memory_space<vmem>> -> memref<1x64xf32, #tpu.memory_space<vmem>>
          %dma_start3A_283 = arith.constant 0 : i32
          %dma_start3A_284 = tpu.memref_slice %arg3[%squeeze3A_280, %dma_start3A_283] : memref<100000x64xf32, #tpu.memory_space<hbm>> -> memref<1x64xf32, #tpu.memory_space<hbm>>
          %dma_start3A_285 = arith.constant 0 : i32
          %dma_start3A_286 = tpu.memref_slice %arg16[%add3A_268, %dma_start3A_285] : memref<80x64xf32, #tpu.memory_space<vmem>> -> memref<1x64xf32, #tpu.memory_space<vmem>>
          %dma_start3A_287 = arith.constant 0 : i32
          %dma_start3A_288 = tpu.memref_slice %arg3[%squeeze3A_280, %dma_start3A_287] : memref<100000x64xf32, #tpu.memory_space<hbm>> -> memref<1x64xf32, #tpu.memory_space<hbm>>
          tpu.enqueue_dma source(%dma_start3A_288 : memref<1x64xf32, #tpu.memory_space<hbm>>) target(%dma_start3A_286 : memref<1x64xf32, #tpu.memory_space<vmem>>) target_semaphore(%arg24 : memref<!tpu.dma_semaphore, #tpu.memory_space<semaphore_mem>>)
          %mul3A_289 = arith.constant 16 : i32
          %mul3A_290 = arith.muli %scan3A_116, %mul3A_289 : i32
          %add3A_291 = arith.constant 6 : i32
          %add3A_292 = arith.addi %mul3A_290, %add3A_291 : i32
          %slice3A_293 = vector.extract_strided_slice %get3A_142 {offsets = [6], sizes = [1], strides = [1]} : vector<16xi32> to vector<1xi32>
          %squeeze3A_294 = vector.extract %slice3A_293[0] : i32 from vector<1xi32>
          %dma_start3A_295 = arith.constant 0 : i32
          %dma_start3A_296 = tpu.memref_slice %arg12[%add3A_292, %dma_start3A_295] : memref<80x64xf32, #tpu.memory_space<vmem>> -> memref<1x64xf32, #tpu.memory_space<vmem>>
          %dma_start3A_297 = arith.constant 0 : i32
          %dma_start3A_298 = tpu.memref_slice %arg2[%squeeze3A_294, %dma_start3A_297] : memref<100000x64xf32, #tpu.memory_space<hbm>> -> memref<1x64xf32, #tpu.memory_space<hbm>>
          %dma_start3A_299 = arith.constant 0 : i32
          %dma_start3A_300 = tpu.memref_slice %arg12[%add3A_292, %dma_start3A_299] : memref<80x64xf32, #tpu.memory_space<vmem>> -> memref<1x64xf32, #tpu.memory_space<vmem>>
          %dma_start3A_301 = arith.constant 0 : i32
          %dma_start3A_302 = tpu.memref_slice %arg2[%squeeze3A_294, %dma_start3A_301] : memref<100000x64xf32, #tpu.memory_space<hbm>> -> memref<1x64xf32, #tpu.memory_space<hbm>>
          tpu.enqueue_dma source(%dma_start3A_302 : memref<1x64xf32, #tpu.memory_space<hbm>>) target(%dma_start3A_300 : memref<1x64xf32, #tpu.memory_space<vmem>>) target_semaphore(%arg20 : memref<!tpu.dma_semaphore, #tpu.memory_space<semaphore_mem>>)
          %slice3A_303 = vector.extract_strided_slice %get3A_147 {offsets = [6], sizes = [1], strides = [1]} : vector<16xi32> to vector<1xi32>
          %squeeze3A_304 = vector.extract %slice3A_303[0] : i32 from vector<1xi32>
          %dma_start3A_305 = arith.constant 0 : i32
          %dma_start3A_306 = tpu.memref_slice %arg16[%add3A_292, %dma_start3A_305] : memref<80x64xf32, #tpu.memory_space<vmem>> -> memref<1x64xf32, #tpu.memory_space<vmem>>
          %dma_start3A_307 = arith.constant 0 : i32
          %dma_start3A_308 = tpu.memref_slice %arg3[%squeeze3A_304, %dma_start3A_307] : memref<100000x64xf32, #tpu.memory_space<hbm>> -> memref<1x64xf32, #tpu.memory_space<hbm>>
          %dma_start3A_309 = arith.constant 0 : i32
          %dma_start3A_310 = tpu.memref_slice %arg16[%add3A_292, %dma_start3A_309] : memref<80x64xf32, #tpu.memory_space<vmem>> -> memref<1x64xf32, #tpu.memory_space<vmem>>
          %dma_start3A_311 = arith.constant 0 : i32
          %dma_start3A_312 = tpu.memref_slice %arg3[%squeeze3A_304, %dma_start3A_311] : memref<100000x64xf32, #tpu.memory_space<hbm>> -> memref<1x64xf32, #tpu.memory_space<hbm>>
          tpu.enqueue_dma source(%dma_start3A_312 : memref<1x64xf32, #tpu.memory_space<hbm>>) target(%dma_start3A_310 : memref<1x64xf32, #tpu.memory_space<vmem>>) target_semaphore(%arg24 : memref<!tpu.dma_semaphore, #tpu.memory_space<semaphore_mem>>)
          %mul3A_313 = arith.constant 16 : i32
          %mul3A_314 = arith.muli %scan3A_116, %mul3A_313 : i32
          %add3A_315 = arith.constant 7 : i32
          %add3A_316 = arith.addi %mul3A_314, %add3A_315 : i32
          %slice3A_317 = vector.extract_strided_slice %get3A_142 {offsets = [7], sizes = [1], strides = [1]} : vector<16xi32> to vector<1xi32>
          %squeeze3A_318 = vector.extract %slice3A_317[0] : i32 from vector<1xi32>
          %dma_start3A_319 = arith.constant 0 : i32
          %dma_start3A_320 = tpu.memref_slice %arg12[%add3A_316, %dma_start3A_319] : memref<80x64xf32, #tpu.memory_space<vmem>> -> memref<1x64xf32, #tpu.memory_space<vmem>>
          %dma_start3A_321 = arith.constant 0 : i32
          %dma_start3A_322 = tpu.memref_slice %arg2[%squeeze3A_318, %dma_start3A_321] : memref<100000x64xf32, #tpu.memory_space<hbm>> -> memref<1x64xf32, #tpu.memory_space<hbm>>
          %dma_start3A_323 = arith.constant 0 : i32
          %dma_start3A_324 = tpu.memref_slice %arg12[%add3A_316, %dma_start3A_323] : memref<80x64xf32, #tpu.memory_space<vmem>> -> memref<1x64xf32, #tpu.memory_space<vmem>>
          %dma_start3A_325 = arith.constant 0 : i32
          %dma_start3A_326 = tpu.memref_slice %arg2[%squeeze3A_318, %dma_start3A_325] : memref<100000x64xf32, #tpu.memory_space<hbm>> -> memref<1x64xf32, #tpu.memory_space<hbm>>
          tpu.enqueue_dma source(%dma_start3A_326 : memref<1x64xf32, #tpu.memory_space<hbm>>) target(%dma_start3A_324 : memref<1x64xf32, #tpu.memory_space<vmem>>) target_semaphore(%arg20 : memref<!tpu.dma_semaphore, #tpu.memory_space<semaphore_mem>>)
          %slice3A_327 = vector.extract_strided_slice %get3A_147 {offsets = [7], sizes = [1], strides = [1]} : vector<16xi32> to vector<1xi32>
          %squeeze3A_328 = vector.extract %slice3A_327[0] : i32 from vector<1xi32>
          %dma_start3A_329 = arith.constant 0 : i32
          %dma_start3A_330 = tpu.memref_slice %arg16[%add3A_316, %dma_start3A_329] : memref<80x64xf32, #tpu.memory_space<vmem>> -> memref<1x64xf32, #tpu.memory_space<vmem>>
          %dma_start3A_331 = arith.constant 0 : i32
          %dma_start3A_332 = tpu.memref_slice %arg3[%squeeze3A_328, %dma_start3A_331] : memref<100000x64xf32, #tpu.memory_space<hbm>> -> memref<1x64xf32, #tpu.memory_space<hbm>>
          %dma_start3A_333 = arith.constant 0 : i32
          %dma_start3A_334 = tpu.memref_slice %arg16[%add3A_316, %dma_start3A_333] : memref<80x64xf32, #tpu.memory_space<vmem>> -> memref<1x64xf32, #tpu.memory_space<vmem>>
          %dma_start3A_335 = arith.constant 0 : i32
          %dma_start3A_336 = tpu.memref_slice %arg3[%squeeze3A_328, %dma_start3A_335] : memref<100000x64xf32, #tpu.memory_space<hbm>> -> memref<1x64xf32, #tpu.memory_space<hbm>>
          tpu.enqueue_dma source(%dma_start3A_336 : memref<1x64xf32, #tpu.memory_space<hbm>>) target(%dma_start3A_334 : memref<1x64xf32, #tpu.memory_space<vmem>>) target_semaphore(%arg24 : memref<!tpu.dma_semaphore, #tpu.memory_space<semaphore_mem>>)
          %mul3A_337 = arith.constant 16 : i32
          %mul3A_338 = arith.muli %scan3A_116, %mul3A_337 : i32
          %add3A_339 = arith.constant 8 : i32
          %add3A_340 = arith.addi %mul3A_338, %add3A_339 : i32
          %slice3A_341 = vector.extract_strided_slice %get3A_142 {offsets = [8], sizes = [1], strides = [1]} : vector<16xi32> to vector<1xi32>
          %squeeze3A_342 = vector.extract %slice3A_341[0] : i32 from vector<1xi32>
          %dma_start3A_343 = arith.constant 0 : i32
          %dma_start3A_344 = tpu.memref_slice %arg12[%add3A_340, %dma_start3A_343] : memref<80x64xf32, #tpu.memory_space<vmem>> -> memref<1x64xf32, #tpu.memory_space<vmem>>
          %dma_start3A_345 = arith.constant 0 : i32
          %dma_start3A_346 = tpu.memref_slice %arg2[%squeeze3A_342, %dma_start3A_345] : memref<100000x64xf32, #tpu.memory_space<hbm>> -> memref<1x64xf32, #tpu.memory_space<hbm>>
          %dma_start3A_347 = arith.constant 0 : i32
          %dma_start3A_348 = tpu.memref_slice %arg12[%add3A_340, %dma_start3A_347] : memref<80x64xf32, #tpu.memory_space<vmem>> -> memref<1x64xf32, #tpu.memory_space<vmem>>
          %dma_start3A_349 = arith.constant 0 : i32
          %dma_start3A_350 = tpu.memref_slice %arg2[%squeeze3A_342, %dma_start3A_349] : memref<100000x64xf32, #tpu.memory_space<hbm>> -> memref<1x64xf32, #tpu.memory_space<hbm>>
          tpu.enqueue_dma source(%dma_start3A_350 : memref<1x64xf32, #tpu.memory_space<hbm>>) target(%dma_start3A_348 : memref<1x64xf32, #tpu.memory_space<vmem>>) target_semaphore(%arg20 : memref<!tpu.dma_semaphore, #tpu.memory_space<semaphore_mem>>)
          %slice3A_351 = vector.extract_strided_slice %get3A_147 {offsets = [8], sizes = [1], strides = [1]} : vector<16xi32> to vector<1xi32>
          %squeeze3A_352 = vector.extract %slice3A_351[0] : i32 from vector<1xi32>
          %dma_start3A_353 = arith.constant 0 : i32
          %dma_start3A_354 = tpu.memref_slice %arg16[%add3A_340, %dma_start3A_353] : memref<80x64xf32, #tpu.memory_space<vmem>> -> memref<1x64xf32, #tpu.memory_space<vmem>>
          %dma_start3A_355 = arith.constant 0 : i32
          %dma_start3A_356 = tpu.memref_slice %arg3[%squeeze3A_352, %dma_start3A_355] : memref<100000x64xf32, #tpu.memory_space<hbm>> -> memref<1x64xf32, #tpu.memory_space<hbm>>
          %dma_start3A_357 = arith.constant 0 : i32
          %dma_start3A_358 = tpu.memref_slice %arg16[%add3A_340, %dma_start3A_357] : memref<80x64xf32, #tpu.memory_space<vmem>> -> memref<1x64xf32, #tpu.memory_space<vmem>>
          %dma_start3A_359 = arith.constant 0 : i32
          %dma_start3A_360 = tpu.memref_slice %arg3[%squeeze3A_352, %dma_start3A_359] : memref<100000x64xf32, #tpu.memory_space<hbm>> -> memref<1x64xf32, #tpu.memory_space<hbm>>
          tpu.enqueue_dma source(%dma_start3A_360 : memref<1x64xf32, #tpu.memory_space<hbm>>) target(%dma_start3A_358 : memref<1x64xf32, #tpu.memory_space<vmem>>) target_semaphore(%arg24 : memref<!tpu.dma_semaphore, #tpu.memory_space<semaphore_mem>>)
          %mul3A_361 = arith.constant 16 : i32
          %mul3A_362 = arith.muli %scan3A_116, %mul3A_361 : i32
          %add3A_363 = arith.constant 9 : i32
          %add3A_364 = arith.addi %mul3A_362, %add3A_363 : i32
          %slice3A_365 = vector.extract_strided_slice %get3A_142 {offsets = [9], sizes = [1], strides = [1]} : vector<16xi32> to vector<1xi32>
          %squeeze3A_366 = vector.extract %slice3A_365[0] : i32 from vector<1xi32>
          %dma_start3A_367 = arith.constant 0 : i32
          %dma_start3A_368 = tpu.memref_slice %arg12[%add3A_364, %dma_start3A_367] : memref<80x64xf32, #tpu.memory_space<vmem>> -> memref<1x64xf32, #tpu.memory_space<vmem>>
          %dma_start3A_369 = arith.constant 0 : i32
          %dma_start3A_370 = tpu.memref_slice %arg2[%squeeze3A_366, %dma_start3A_369] : memref<100000x64xf32, #tpu.memory_space<hbm>> -> memref<1x64xf32, #tpu.memory_space<hbm>>
          %dma_start3A_371 = arith.constant 0 : i32
          %dma_start3A_372 = tpu.memref_slice %arg12[%add3A_364, %dma_start3A_371] : memref<80x64xf32, #tpu.memory_space<vmem>> -> memref<1x64xf32, #tpu.memory_space<vmem>>
          %dma_start3A_373 = arith.constant 0 : i32
          %dma_start3A_374 = tpu.memref_slice %arg2[%squeeze3A_366, %dma_start3A_373] : memref<100000x64xf32, #tpu.memory_space<hbm>> -> memref<1x64xf32, #tpu.memory_space<hbm>>
          tpu.enqueue_dma source(%dma_start3A_374 : memref<1x64xf32, #tpu.memory_space<hbm>>) target(%dma_start3A_372 : memref<1x64xf32, #tpu.memory_space<vmem>>) target_semaphore(%arg20 : memref<!tpu.dma_semaphore, #tpu.memory_space<semaphore_mem>>)
          %slice3A_375 = vector.extract_strided_slice %get3A_147 {offsets = [9], sizes = [1], strides = [1]} : vector<16xi32> to vector<1xi32>
          %squeeze3A_376 = vector.extract %slice3A_375[0] : i32 from vector<1xi32>
          %dma_start3A_377 = arith.constant 0 : i32
          %dma_start3A_378 = tpu.memref_slice %arg16[%add3A_364, %dma_start3A_377] : memref<80x64xf32, #tpu.memory_space<vmem>> -> memref<1x64xf32, #tpu.memory_space<vmem>>
          %dma_start3A_379 = arith.constant 0 : i32
          %dma_start3A_380 = tpu.memref_slice %arg3[%squeeze3A_376, %dma_start3A_379] : memref<100000x64xf32, #tpu.memory_space<hbm>> -> memref<1x64xf32, #tpu.memory_space<hbm>>
          %dma_start3A_381 = arith.constant 0 : i32
          %dma_start3A_382 = tpu.memref_slice %arg16[%add3A_364, %dma_start3A_381] : memref<80x64xf32, #tpu.memory_space<vmem>> -> memref<1x64xf32, #tpu.memory_space<vmem>>
          %dma_start3A_383 = arith.constant 0 : i32
          %dma_start3A_384 = tpu.memref_slice %arg3[%squeeze3A_376, %dma_start3A_383] : memref<100000x64xf32, #tpu.memory_space<hbm>> -> memref<1x64xf32, #tpu.memory_space<hbm>>
          tpu.enqueue_dma source(%dma_start3A_384 : memref<1x64xf32, #tpu.memory_space<hbm>>) target(%dma_start3A_382 : memref<1x64xf32, #tpu.memory_space<vmem>>) target_semaphore(%arg24 : memref<!tpu.dma_semaphore, #tpu.memory_space<semaphore_mem>>)
          %mul3A_385 = arith.constant 16 : i32
          %mul3A_386 = arith.muli %scan3A_116, %mul3A_385 : i32
          %add3A_387 = arith.constant 10 : i32
          %add3A_388 = arith.addi %mul3A_386, %add3A_387 : i32
          %slice3A_389 = vector.extract_strided_slice %get3A_142 {offsets = [10], sizes = [1], strides = [1]} : vector<16xi32> to vector<1xi32>
          %squeeze3A_390 = vector.extract %slice3A_389[0] : i32 from vector<1xi32>
          %dma_start3A_391 = arith.constant 0 : i32
          %dma_start3A_392 = tpu.memref_slice %arg12[%add3A_388, %dma_start3A_391] : memref<80x64xf32, #tpu.memory_space<vmem>> -> memref<1x64xf32, #tpu.memory_space<vmem>>
          %dma_start3A_393 = arith.constant 0 : i32
          %dma_start3A_394 = tpu.memref_slice %arg2[%squeeze3A_390, %dma_start3A_393] : memref<100000x64xf32, #tpu.memory_space<hbm>> -> memref<1x64xf32, #tpu.memory_space<hbm>>
          %dma_start3A_395 = arith.constant 0 : i32
          %dma_start3A_396 = tpu.memref_slice %arg12[%add3A_388, %dma_start3A_395] : memref<80x64xf32, #tpu.memory_space<vmem>> -> memref<1x64xf32, #tpu.memory_space<vmem>>
          %dma_start3A_397 = arith.constant 0 : i32
          %dma_start3A_398 = tpu.memref_slice %arg2[%squeeze3A_390, %dma_start3A_397] : memref<100000x64xf32, #tpu.memory_space<hbm>> -> memref<1x64xf32, #tpu.memory_space<hbm>>
          tpu.enqueue_dma source(%dma_start3A_398 : memref<1x64xf32, #tpu.memory_space<hbm>>) target(%dma_start3A_396 : memref<1x64xf32, #tpu.memory_space<vmem>>) target_semaphore(%arg20 : memref<!tpu.dma_semaphore, #tpu.memory_space<semaphore_mem>>)
          %slice3A_399 = vector.extract_strided_slice %get3A_147 {offsets = [10], sizes = [1], strides = [1]} : vector<16xi32> to vector<1xi32>
          %squeeze3A_400 = vector.extract %slice3A_399[0] : i32 from vector<1xi32>
          %dma_start3A_401 = arith.constant 0 : i32
          %dma_start3A_402 = tpu.memref_slice %arg16[%add3A_388, %dma_start3A_401] : memref<80x64xf32, #tpu.memory_space<vmem>> -> memref<1x64xf32, #tpu.memory_space<vmem>>
          %dma_start3A_403 = arith.constant 0 : i32
          %dma_start3A_404 = tpu.memref_slice %arg3[%squeeze3A_400, %dma_start3A_403] : memref<100000x64xf32, #tpu.memory_space<hbm>> -> memref<1x64xf32, #tpu.memory_space<hbm>>
          %dma_start3A_405 = arith.constant 0 : i32
          %dma_start3A_406 = tpu.memref_slice %arg16[%add3A_388, %dma_start3A_405] : memref<80x64xf32, #tpu.memory_space<vmem>> -> memref<1x64xf32, #tpu.memory_space<vmem>>
          %dma_start3A_407 = arith.constant 0 : i32
          %dma_start3A_408 = tpu.memref_slice %arg3[%squeeze3A_400, %dma_start3A_407] : memref<100000x64xf32, #tpu.memory_space<hbm>> -> memref<1x64xf32, #tpu.memory_space<hbm>>
          tpu.enqueue_dma source(%dma_start3A_408 : memref<1x64xf32, #tpu.memory_space<hbm>>) target(%dma_start3A_406 : memref<1x64xf32, #tpu.memory_space<vmem>>) target_semaphore(%arg24 : memref<!tpu.dma_semaphore, #tpu.memory_space<semaphore_mem>>)
          %mul3A_409 = arith.constant 16 : i32
          %mul3A_410 = arith.muli %scan3A_116, %mul3A_409 : i32
          %add3A_411 = arith.constant 11 : i32
          %add3A_412 = arith.addi %mul3A_410, %add3A_411 : i32
          %slice3A_413 = vector.extract_strided_slice %get3A_142 {offsets = [11], sizes = [1], strides = [1]} : vector<16xi32> to vector<1xi32>
          %squeeze3A_414 = vector.extract %slice3A_413[0] : i32 from vector<1xi32>
          %dma_start3A_415 = arith.constant 0 : i32
          %dma_start3A_416 = tpu.memref_slice %arg12[%add3A_412, %dma_start3A_415] : memref<80x64xf32, #tpu.memory_space<vmem>> -> memref<1x64xf32, #tpu.memory_space<vmem>>
          %dma_start3A_417 = arith.constant 0 : i32
          %dma_start3A_418 = tpu.memref_slice %arg2[%squeeze3A_414, %dma_start3A_417] : memref<100000x64xf32, #tpu.memory_space<hbm>> -> memref<1x64xf32, #tpu.memory_space<hbm>>
          %dma_start3A_419 = arith.constant 0 : i32
          %dma_start3A_420 = tpu.memref_slice %arg12[%add3A_412, %dma_start3A_419] : memref<80x64xf32, #tpu.memory_space<vmem>> -> memref<1x64xf32, #tpu.memory_space<vmem>>
          %dma_start3A_421 = arith.constant 0 : i32
          %dma_start3A_422 = tpu.memref_slice %arg2[%squeeze3A_414, %dma_start3A_421] : memref<100000x64xf32, #tpu.memory_space<hbm>> -> memref<1x64xf32, #tpu.memory_space<hbm>>
          tpu.enqueue_dma source(%dma_start3A_422 : memref<1x64xf32, #tpu.memory_space<hbm>>) target(%dma_start3A_420 : memref<1x64xf32, #tpu.memory_space<vmem>>) target_semaphore(%arg20 : memref<!tpu.dma_semaphore, #tpu.memory_space<semaphore_mem>>)
          %slice3A_423 = vector.extract_strided_slice %get3A_147 {offsets = [11], sizes = [1], strides = [1]} : vector<16xi32> to vector<1xi32>
          %squeeze3A_424 = vector.extract %slice3A_423[0] : i32 from vector<1xi32>
          %dma_start3A_425 = arith.constant 0 : i32
          %dma_start3A_426 = tpu.memref_slice %arg16[%add3A_412, %dma_start3A_425] : memref<80x64xf32, #tpu.memory_space<vmem>> -> memref<1x64xf32, #tpu.memory_space<vmem>>
          %dma_start3A_427 = arith.constant 0 : i32
          %dma_start3A_428 = tpu.memref_slice %arg3[%squeeze3A_424, %dma_start3A_427] : memref<100000x64xf32, #tpu.memory_space<hbm>> -> memref<1x64xf32, #tpu.memory_space<hbm>>
          %dma_start3A_429 = arith.constant 0 : i32
          %dma_start3A_430 = tpu.memref_slice %arg16[%add3A_412, %dma_start3A_429] : memref<80x64xf32, #tpu.memory_space<vmem>> -> memref<1x64xf32, #tpu.memory_space<vmem>>
          %dma_start3A_431 = arith.constant 0 : i32
          %dma_start3A_432 = tpu.memref_slice %arg3[%squeeze3A_424, %dma_start3A_431] : memref<100000x64xf32, #tpu.memory_space<hbm>> -> memref<1x64xf32, #tpu.memory_space<hbm>>
          tpu.enqueue_dma source(%dma_start3A_432 : memref<1x64xf32, #tpu.memory_space<hbm>>) target(%dma_start3A_430 : memref<1x64xf32, #tpu.memory_space<vmem>>) target_semaphore(%arg24 : memref<!tpu.dma_semaphore, #tpu.memory_space<semaphore_mem>>)
          %mul3A_433 = arith.constant 16 : i32
          %mul3A_434 = arith.muli %scan3A_116, %mul3A_433 : i32
          %add3A_435 = arith.constant 12 : i32
          %add3A_436 = arith.addi %mul3A_434, %add3A_435 : i32
          %slice3A_437 = vector.extract_strided_slice %get3A_142 {offsets = [12], sizes = [1], strides = [1]} : vector<16xi32> to vector<1xi32>
          %squeeze3A_438 = vector.extract %slice3A_437[0] : i32 from vector<1xi32>
          %dma_start3A_439 = arith.constant 0 : i32
          %dma_start3A_440 = tpu.memref_slice %arg12[%add3A_436, %dma_start3A_439] : memref<80x64xf32, #tpu.memory_space<vmem>> -> memref<1x64xf32, #tpu.memory_space<vmem>>
          %dma_start3A_441 = arith.constant 0 : i32
          %dma_start3A_442 = tpu.memref_slice %arg2[%squeeze3A_438, %dma_start3A_441] : memref<100000x64xf32, #tpu.memory_space<hbm>> -> memref<1x64xf32, #tpu.memory_space<hbm>>
          %dma_start3A_443 = arith.constant 0 : i32
          %dma_start3A_444 = tpu.memref_slice %arg12[%add3A_436, %dma_start3A_443] : memref<80x64xf32, #tpu.memory_space<vmem>> -> memref<1x64xf32, #tpu.memory_space<vmem>>
          %dma_start3A_445 = arith.constant 0 : i32
          %dma_start3A_446 = tpu.memref_slice %arg2[%squeeze3A_438, %dma_start3A_445] : memref<100000x64xf32, #tpu.memory_space<hbm>> -> memref<1x64xf32, #tpu.memory_space<hbm>>
          tpu.enqueue_dma source(%dma_start3A_446 : memref<1x64xf32, #tpu.memory_space<hbm>>) target(%dma_start3A_444 : memref<1x64xf32, #tpu.memory_space<vmem>>) target_semaphore(%arg20 : memref<!tpu.dma_semaphore, #tpu.memory_space<semaphore_mem>>)
          %slice3A_447 = vector.extract_strided_slice %get3A_147 {offsets = [12], sizes = [1], strides = [1]} : vector<16xi32> to vector<1xi32>
          %squeeze3A_448 = vector.extract %slice3A_447[0] : i32 from vector<1xi32>
          %dma_start3A_449 = arith.constant 0 : i32
          %dma_start3A_450 = tpu.memref_slice %arg16[%add3A_436, %dma_start3A_449] : memref<80x64xf32, #tpu.memory_space<vmem>> -> memref<1x64xf32, #tpu.memory_space<vmem>>
          %dma_start3A_451 = arith.constant 0 : i32
          %dma_start3A_452 = tpu.memref_slice %arg3[%squeeze3A_448, %dma_start3A_451] : memref<100000x64xf32, #tpu.memory_space<hbm>> -> memref<1x64xf32, #tpu.memory_space<hbm>>
          %dma_start3A_453 = arith.constant 0 : i32
          %dma_start3A_454 = tpu.memref_slice %arg16[%add3A_436, %dma_start3A_453] : memref<80x64xf32, #tpu.memory_space<vmem>> -> memref<1x64xf32, #tpu.memory_space<vmem>>
          %dma_start3A_455 = arith.constant 0 : i32
          %dma_start3A_456 = tpu.memref_slice %arg3[%squeeze3A_448, %dma_start3A_455] : memref<100000x64xf32, #tpu.memory_space<hbm>> -> memref<1x64xf32, #tpu.memory_space<hbm>>
          tpu.enqueue_dma source(%dma_start3A_456 : memref<1x64xf32, #tpu.memory_space<hbm>>) target(%dma_start3A_454 : memref<1x64xf32, #tpu.memory_space<vmem>>) target_semaphore(%arg24 : memref<!tpu.dma_semaphore, #tpu.memory_space<semaphore_mem>>)
          %mul3A_457 = arith.constant 16 : i32
          %mul3A_458 = arith.muli %scan3A_116, %mul3A_457 : i32
          %add3A_459 = arith.constant 13 : i32
          %add3A_460 = arith.addi %mul3A_458, %add3A_459 : i32
          %slice3A_461 = vector.extract_strided_slice %get3A_142 {offsets = [13], sizes = [1], strides = [1]} : vector<16xi32> to vector<1xi32>
          %squeeze3A_462 = vector.extract %slice3A_461[0] : i32 from vector<1xi32>
          %dma_start3A_463 = arith.constant 0 : i32
          %dma_start3A_464 = tpu.memref_slice %arg12[%add3A_460, %dma_start3A_463] : memref<80x64xf32, #tpu.memory_space<vmem>> -> memref<1x64xf32, #tpu.memory_space<vmem>>
          %dma_start3A_465 = arith.constant 0 : i32
          %dma_start3A_466 = tpu.memref_slice %arg2[%squeeze3A_462, %dma_start3A_465] : memref<100000x64xf32, #tpu.memory_space<hbm>> -> memref<1x64xf32, #tpu.memory_space<hbm>>
          %dma_start3A_467 = arith.constant 0 : i32
          %dma_start3A_468 = tpu.memref_slice %arg12[%add3A_460, %dma_start3A_467] : memref<80x64xf32, #tpu.memory_space<vmem>> -> memref<1x64xf32, #tpu.memory_space<vmem>>
          %dma_start3A_469 = arith.constant 0 : i32
          %dma_start3A_470 = tpu.memref_slice %arg2[%squeeze3A_462, %dma_start3A_469] : memref<100000x64xf32, #tpu.memory_space<hbm>> -> memref<1x64xf32, #tpu.memory_space<hbm>>
          tpu.enqueue_dma source(%dma_start3A_470 : memref<1x64xf32, #tpu.memory_space<hbm>>) target(%dma_start3A_468 : memref<1x64xf32, #tpu.memory_space<vmem>>) target_semaphore(%arg20 : memref<!tpu.dma_semaphore, #tpu.memory_space<semaphore_mem>>)
          %slice3A_471 = vector.extract_strided_slice %get3A_147 {offsets = [13], sizes = [1], strides = [1]} : vector<16xi32> to vector<1xi32>
          %squeeze3A_472 = vector.extract %slice3A_471[0] : i32 from vector<1xi32>
          %dma_start3A_473 = arith.constant 0 : i32
          %dma_start3A_474 = tpu.memref_slice %arg16[%add3A_460, %dma_start3A_473] : memref<80x64xf32, #tpu.memory_space<vmem>> -> memref<1x64xf32, #tpu.memory_space<vmem>>
          %dma_start3A_475 = arith.constant 0 : i32
          %dma_start3A_476 = tpu.memref_slice %arg3[%squeeze3A_472, %dma_start3A_475] : memref<100000x64xf32, #tpu.memory_space<hbm>> -> memref<1x64xf32, #tpu.memory_space<hbm>>
          %dma_start3A_477 = arith.constant 0 : i32
          %dma_start3A_478 = tpu.memref_slice %arg16[%add3A_460, %dma_start3A_477] : memref<80x64xf32, #tpu.memory_space<vmem>> -> memref<1x64xf32, #tpu.memory_space<vmem>>
          %dma_start3A_479 = arith.constant 0 : i32
          %dma_start3A_480 = tpu.memref_slice %arg3[%squeeze3A_472, %dma_start3A_479] : memref<100000x64xf32, #tpu.memory_space<hbm>> -> memref<1x64xf32, #tpu.memory_space<hbm>>
          tpu.enqueue_dma source(%dma_start3A_480 : memref<1x64xf32, #tpu.memory_space<hbm>>) target(%dma_start3A_478 : memref<1x64xf32, #tpu.memory_space<vmem>>) target_semaphore(%arg24 : memref<!tpu.dma_semaphore, #tpu.memory_space<semaphore_mem>>)
          %mul3A_481 = arith.constant 16 : i32
          %mul3A_482 = arith.muli %scan3A_116, %mul3A_481 : i32
          %add3A_483 = arith.constant 14 : i32
          %add3A_484 = arith.addi %mul3A_482, %add3A_483 : i32
          %slice3A_485 = vector.extract_strided_slice %get3A_142 {offsets = [14], sizes = [1], strides = [1]} : vector<16xi32> to vector<1xi32>
          %squeeze3A_486 = vector.extract %slice3A_485[0] : i32 from vector<1xi32>
          %dma_start3A_487 = arith.constant 0 : i32
          %dma_start3A_488 = tpu.memref_slice %arg12[%add3A_484, %dma_start3A_487] : memref<80x64xf32, #tpu.memory_space<vmem>> -> memref<1x64xf32, #tpu.memory_space<vmem>>
          %dma_start3A_489 = arith.constant 0 : i32
          %dma_start3A_490 = tpu.memref_slice %arg2[%squeeze3A_486, %dma_start3A_489] : memref<100000x64xf32, #tpu.memory_space<hbm>> -> memref<1x64xf32, #tpu.memory_space<hbm>>
          %dma_start3A_491 = arith.constant 0 : i32
          %dma_start3A_492 = tpu.memref_slice %arg12[%add3A_484, %dma_start3A_491] : memref<80x64xf32, #tpu.memory_space<vmem>> -> memref<1x64xf32, #tpu.memory_space<vmem>>
          %dma_start3A_493 = arith.constant 0 : i32
          %dma_start3A_494 = tpu.memref_slice %arg2[%squeeze3A_486, %dma_start3A_493] : memref<100000x64xf32, #tpu.memory_space<hbm>> -> memref<1x64xf32, #tpu.memory_space<hbm>>
          tpu.enqueue_dma source(%dma_start3A_494 : memref<1x64xf32, #tpu.memory_space<hbm>>) target(%dma_start3A_492 : memref<1x64xf32, #tpu.memory_space<vmem>>) target_semaphore(%arg20 : memref<!tpu.dma_semaphore, #tpu.memory_space<semaphore_mem>>)
          %slice3A_495 = vector.extract_strided_slice %get3A_147 {offsets = [14], sizes = [1], strides = [1]} : vector<16xi32> to vector<1xi32>
          %squeeze3A_496 = vector.extract %slice3A_495[0] : i32 from vector<1xi32>
          %dma_start3A_497 = arith.constant 0 : i32
          %dma_start3A_498 = tpu.memref_slice %arg16[%add3A_484, %dma_start3A_497] : memref<80x64xf32, #tpu.memory_space<vmem>> -> memref<1x64xf32, #tpu.memory_space<vmem>>
          %dma_start3A_499 = arith.constant 0 : i32
          %dma_start3A_500 = tpu.memref_slice %arg3[%squeeze3A_496, %dma_start3A_499] : memref<100000x64xf32, #tpu.memory_space<hbm>> -> memref<1x64xf32, #tpu.memory_space<hbm>>
          %dma_start3A_501 = arith.constant 0 : i32
          %dma_start3A_502 = tpu.memref_slice %arg16[%add3A_484, %dma_start3A_501] : memref<80x64xf32, #tpu.memory_space<vmem>> -> memref<1x64xf32, #tpu.memory_space<vmem>>
          %dma_start3A_503 = arith.constant 0 : i32
          %dma_start3A_504 = tpu.memref_slice %arg3[%squeeze3A_496, %dma_start3A_503] : memref<100000x64xf32, #tpu.memory_space<hbm>> -> memref<1x64xf32, #tpu.memory_space<hbm>>
          tpu.enqueue_dma source(%dma_start3A_504 : memref<1x64xf32, #tpu.memory_space<hbm>>) target(%dma_start3A_502 : memref<1x64xf32, #tpu.memory_space<vmem>>) target_semaphore(%arg24 : memref<!tpu.dma_semaphore, #tpu.memory_space<semaphore_mem>>)
          %mul3A_505 = arith.constant 16 : i32
          %mul3A_506 = arith.muli %scan3A_116, %mul3A_505 : i32
          %add3A_507 = arith.constant 15 : i32
          %add3A_508 = arith.addi %mul3A_506, %add3A_507 : i32
          %slice3A_509 = vector.extract_strided_slice %get3A_142 {offsets = [15], sizes = [1], strides = [1]} : vector<16xi32> to vector<1xi32>
          %squeeze3A_510 = vector.extract %slice3A_509[0] : i32 from vector<1xi32>
          %dma_start3A_511 = arith.constant 0 : i32
          %dma_start3A_512 = tpu.memref_slice %arg12[%add3A_508, %dma_start3A_511] : memref<80x64xf32, #tpu.memory_space<vmem>> -> memref<1x64xf32, #tpu.memory_space<vmem>>
          %dma_start3A_513 = arith.constant 0 : i32
          %dma_start3A_514 = tpu.memref_slice %arg2[%squeeze3A_510, %dma_start3A_513] : memref<100000x64xf32, #tpu.memory_space<hbm>> -> memref<1x64xf32, #tpu.memory_space<hbm>>
          %dma_start3A_515 = arith.constant 0 : i32
          %dma_start3A_516 = tpu.memref_slice %arg12[%add3A_508, %dma_start3A_515] : memref<80x64xf32, #tpu.memory_space<vmem>> -> memref<1x64xf32, #tpu.memory_space<vmem>>
          %dma_start3A_517 = arith.constant 0 : i32
          %dma_start3A_518 = tpu.memref_slice %arg2[%squeeze3A_510, %dma_start3A_517] : memref<100000x64xf32, #tpu.memory_space<hbm>> -> memref<1x64xf32, #tpu.memory_space<hbm>>
          tpu.enqueue_dma source(%dma_start3A_518 : memref<1x64xf32, #tpu.memory_space<hbm>>) target(%dma_start3A_516 : memref<1x64xf32, #tpu.memory_space<vmem>>) target_semaphore(%arg20 : memref<!tpu.dma_semaphore, #tpu.memory_space<semaphore_mem>>)
          %slice3A_519 = vector.extract_strided_slice %get3A_147 {offsets = [15], sizes = [1], strides = [1]} : vector<16xi32> to vector<1xi32>
          %squeeze3A_520 = vector.extract %slice3A_519[0] : i32 from vector<1xi32>
          %dma_start3A_521 = arith.constant 0 : i32
          %dma_start3A_522 = tpu.memref_slice %arg16[%add3A_508, %dma_start3A_521] : memref<80x64xf32, #tpu.memory_space<vmem>> -> memref<1x64xf32, #tpu.memory_space<vmem>>
          %dma_start3A_523 = arith.constant 0 : i32
          %dma_start3A_524 = tpu.memref_slice %arg3[%squeeze3A_520, %dma_start3A_523] : memref<100000x64xf32, #tpu.memory_space<hbm>> -> memref<1x64xf32, #tpu.memory_space<hbm>>
          %dma_start3A_525 = arith.constant 0 : i32
          %dma_start3A_526 = tpu.memref_slice %arg16[%add3A_508, %dma_start3A_525] : memref<80x64xf32, #tpu.memory_space<vmem>> -> memref<1x64xf32, #tpu.memory_space<vmem>>
          %dma_start3A_527 = arith.constant 0 : i32
          %dma_start3A_528 = tpu.memref_slice %arg3[%squeeze3A_520, %dma_start3A_527] : memref<100000x64xf32, #tpu.memory_space<hbm>> -> memref<1x64xf32, #tpu.memory_space<hbm>>
          tpu.enqueue_dma source(%dma_start3A_528 : memref<1x64xf32, #tpu.memory_space<hbm>>) target(%dma_start3A_526 : memref<1x64xf32, #tpu.memory_space<vmem>>) target_semaphore(%arg24 : memref<!tpu.dma_semaphore, #tpu.memory_space<semaphore_mem>>)
        } else {
        }
        %mul3A_119 = arith.constant 16 : i32
        %mul3A_120 = arith.muli %scan3A_116, %mul3A_119 : i32
        %add3A_121 = vector.broadcast %mul3A_120 : i32 to vector<16xi32>
        %add3A_122 = arith.addi %iota3A, %add3A_121 : vector<16xi32>
        %broadcast_in_dim3A = arith.constant 0.000000e+00 : f32
        %broadcast_in_dim3A_123 = vector.broadcast %broadcast_in_dim3A : f32 to vector<16xf32>
        %scan3A_124 = arith.constant 0 : i32
        %scan3A_125 = arith.constant 8 : i32
        %scan3A_126 = arith.addi %scan3A_124, %scan3A_125 : i32
        %scan3A_127 = arith.constant 1 : i32
        %scan3A_128:4 = scf.for %scan3A_139 = %scan3A_124 to %scan3A_126 step %scan3A_127 iter_args(%scan3A_140 = %broadcast_in_dim3A_123, %scan3A_141 = %broadcast_in_dim3A_123, %scan3A_142 = %broadcast_in_dim3A_123, %scan3A_143 = %broadcast_in_dim3A_123) -> (vector<16xf32>, vector<16xf32>, vector<16xf32>, vector<16xf32>)  : i32 {
          %mul3A_144 = arith.constant 8 : i32
          %mul3A_145 = arith.muli %scan3A_139, %mul3A_144 : i32
          %add3A_146 = vector.broadcast %mul3A_145 : i32 to vector<16xi32>
          %add3A_147 = arith.addi %iota3A, %add3A_146 : vector<16xi32>
          %add3A_148 = arith.constant 0 : i32
          %add3A_149 = vector.broadcast %add3A_148 : i32 to vector<16xi32>
          %add3A_150 = arith.addi %add3A_147, %add3A_149 : vector<16xi32>
          %and3A = arith.constant 63 : i32
          %and3A_151 = vector.broadcast %and3A : i32 to vector<16xi32>
          %and3A_152 = arith.andi %add3A_150, %and3A_151 : vector<16xi32>
          %gather3A = tpu.vector_load_idx %arg10[%add3A_122, %and3A_152] : memref<80x64xf32, #tpu.memory_space<vmem>>[vector<16xi32>, vector<16xi32>], vector<16xf32>,
          %gather3A_153 = tpu.vector_load_idx %arg14[%add3A_122, %and3A_152] : memref<80x64xf32, #tpu.memory_space<vmem>>[vector<16xi32>, vector<16xi32>], vector<16xf32>,
          %mul3A_154 = arith.mulf %gather3A, %gather3A_153 : vector<16xf32>
          %mul3A_155 = arith.constant 8 : i32
          %mul3A_156 = arith.muli %scan3A_139, %mul3A_155 : i32
          %add3A_157 = vector.broadcast %mul3A_156 : i32 to vector<16xi32>
          %add3A_158 = arith.addi %iota3A, %add3A_157 : vector<16xi32>
          %add3A_159 = arith.constant 1 : i32
          %add3A_160 = vector.broadcast %add3A_159 : i32 to vector<16xi32>
          %add3A_161 = arith.addi %add3A_158, %add3A_160 : vector<16xi32>
          %and3A_162 = arith.constant 63 : i32
          %and3A_163 = vector.broadcast %and3A_162 : i32 to vector<16xi32>
          %and3A_164 = arith.andi %add3A_161, %and3A_163 : vector<16xi32>
          %gather3A_165 = tpu.vector_load_idx %arg10[%add3A_122, %and3A_164] : memref<80x64xf32, #tpu.memory_space<vmem>>[vector<16xi32>, vector<16xi32>], vector<16xf32>,
          %gather3A_166 = tpu.vector_load_idx %arg14[%add3A_122, %and3A_164] : memref<80x64xf32, #tpu.memory_space<vmem>>[vector<16xi32>, vector<16xi32>], vector<16xf32>,
          %mul3A_167 = arith.mulf %gather3A_165, %gather3A_166 : vector<16xf32>
          %mul3A_168 = arith.constant 8 : i32
          %mul3A_169 = arith.muli %scan3A_139, %mul3A_168 : i32
          %add3A_170 = vector.broadcast %mul3A_169 : i32 to vector<16xi32>
          %add3A_171 = arith.addi %iota3A, %add3A_170 : vector<16xi32>
          %add3A_172 = arith.constant 2 : i32
          %add3A_173 = vector.broadcast %add3A_172 : i32 to vector<16xi32>
          %add3A_174 = arith.addi %add3A_171, %add3A_173 : vector<16xi32>
          %and3A_175 = arith.constant 63 : i32
          %and3A_176 = vector.broadcast %and3A_175 : i32 to vector<16xi32>
          %and3A_177 = arith.andi %add3A_174, %and3A_176 : vector<16xi32>
          %gather3A_178 = tpu.vector_load_idx %arg10[%add3A_122, %and3A_177] : memref<80x64xf32, #tpu.memory_space<vmem>>[vector<16xi32>, vector<16xi32>], vector<16xf32>,
          %gather3A_179 = tpu.vector_load_idx %arg14[%add3A_122, %and3A_177] : memref<80x64xf32, #tpu.memory_space<vmem>>[vector<16xi32>, vector<16xi32>], vector<16xf32>,
          %mul3A_180 = arith.mulf %gather3A_178, %gather3A_179 : vector<16xf32>
          %mul3A_181 = arith.constant 8 : i32
          %mul3A_182 = arith.muli %scan3A_139, %mul3A_181 : i32
          %add3A_183 = vector.broadcast %mul3A_182 : i32 to vector<16xi32>
          %add3A_184 = arith.addi %iota3A, %add3A_183 : vector<16xi32>
          %add3A_185 = arith.constant 3 : i32
          %add3A_186 = vector.broadcast %add3A_185 : i32 to vector<16xi32>
          %add3A_187 = arith.addi %add3A_184, %add3A_186 : vector<16xi32>
          %and3A_188 = arith.constant 63 : i32
          %and3A_189 = vector.broadcast %and3A_188 : i32 to vector<16xi32>
          %and3A_190 = arith.andi %add3A_187, %and3A_189 : vector<16xi32>
          %gather3A_191 = tpu.vector_load_idx %arg10[%add3A_122, %and3A_190] : memref<80x64xf32, #tpu.memory_space<vmem>>[vector<16xi32>, vector<16xi32>], vector<16xf32>,
          %gather3A_192 = tpu.vector_load_idx %arg14[%add3A_122, %and3A_190] : memref<80x64xf32, #tpu.memory_space<vmem>>[vector<16xi32>, vector<16xi32>], vector<16xf32>,
          %mul3A_193 = arith.mulf %gather3A_191, %gather3A_192 : vector<16xf32>
          %mul3A_194 = arith.constant 8 : i32
          %mul3A_195 = arith.muli %scan3A_139, %mul3A_194 : i32
          %add3A_196 = vector.broadcast %mul3A_195 : i32 to vector<16xi32>
          %add3A_197 = arith.addi %iota3A, %add3A_196 : vector<16xi32>
          %add3A_198 = arith.constant 4 : i32
          %add3A_199 = vector.broadcast %add3A_198 : i32 to vector<16xi32>
          %add3A_200 = arith.addi %add3A_197, %add3A_199 : vector<16xi32>
          %and3A_201 = arith.constant 63 : i32
          %and3A_202 = vector.broadcast %and3A_201 : i32 to vector<16xi32>
          %and3A_203 = arith.andi %add3A_200, %and3A_202 : vector<16xi32>
          %gather3A_204 = tpu.vector_load_idx %arg10[%add3A_122, %and3A_203] : memref<80x64xf32, #tpu.memory_space<vmem>>[vector<16xi32>, vector<16xi32>], vector<16xf32>,
          %gather3A_205 = tpu.vector_load_idx %arg14[%add3A_122, %and3A_203] : memref<80x64xf32, #tpu.memory_space<vmem>>[vector<16xi32>, vector<16xi32>], vector<16xf32>,
          %mul3A_206 = arith.mulf %gather3A_204, %gather3A_205 : vector<16xf32>
          %mul3A_207 = arith.constant 8 : i32
          %mul3A_208 = arith.muli %scan3A_139, %mul3A_207 : i32
          %add3A_209 = vector.broadcast %mul3A_208 : i32 to vector<16xi32>
          %add3A_210 = arith.addi %iota3A, %add3A_209 : vector<16xi32>
          %add3A_211 = arith.constant 5 : i32
          %add3A_212 = vector.broadcast %add3A_211 : i32 to vector<16xi32>
          %add3A_213 = arith.addi %add3A_210, %add3A_212 : vector<16xi32>
          %and3A_214 = arith.constant 63 : i32
          %and3A_215 = vector.broadcast %and3A_214 : i32 to vector<16xi32>
          %and3A_216 = arith.andi %add3A_213, %and3A_215 : vector<16xi32>
          %gather3A_217 = tpu.vector_load_idx %arg10[%add3A_122, %and3A_216] : memref<80x64xf32, #tpu.memory_space<vmem>>[vector<16xi32>, vector<16xi32>], vector<16xf32>,
          %gather3A_218 = tpu.vector_load_idx %arg14[%add3A_122, %and3A_216] : memref<80x64xf32, #tpu.memory_space<vmem>>[vector<16xi32>, vector<16xi32>], vector<16xf32>,
          %mul3A_219 = arith.mulf %gather3A_217, %gather3A_218 : vector<16xf32>
          %mul3A_220 = arith.constant 8 : i32
          %mul3A_221 = arith.muli %scan3A_139, %mul3A_220 : i32
          %add3A_222 = vector.broadcast %mul3A_221 : i32 to vector<16xi32>
          %add3A_223 = arith.addi %iota3A, %add3A_222 : vector<16xi32>
          %add3A_224 = arith.constant 6 : i32
          %add3A_225 = vector.broadcast %add3A_224 : i32 to vector<16xi32>
          %add3A_226 = arith.addi %add3A_223, %add3A_225 : vector<16xi32>
          %and3A_227 = arith.constant 63 : i32
          %and3A_228 = vector.broadcast %and3A_227 : i32 to vector<16xi32>
          %and3A_229 = arith.andi %add3A_226, %and3A_228 : vector<16xi32>
          %gather3A_230 = tpu.vector_load_idx %arg10[%add3A_122, %and3A_229] : memref<80x64xf32, #tpu.memory_space<vmem>>[vector<16xi32>, vector<16xi32>], vector<16xf32>,
          %gather3A_231 = tpu.vector_load_idx %arg14[%add3A_122, %and3A_229] : memref<80x64xf32, #tpu.memory_space<vmem>>[vector<16xi32>, vector<16xi32>], vector<16xf32>,
          %mul3A_232 = arith.mulf %gather3A_230, %gather3A_231 : vector<16xf32>
          %mul3A_233 = arith.constant 8 : i32
          %mul3A_234 = arith.muli %scan3A_139, %mul3A_233 : i32
          %add3A_235 = vector.broadcast %mul3A_234 : i32 to vector<16xi32>
          %add3A_236 = arith.addi %iota3A, %add3A_235 : vector<16xi32>
          %add3A_237 = arith.constant 7 : i32
          %add3A_238 = vector.broadcast %add3A_237 : i32 to vector<16xi32>
          %add3A_239 = arith.addi %add3A_236, %add3A_238 : vector<16xi32>
          %and3A_240 = arith.constant 63 : i32
          %and3A_241 = vector.broadcast %and3A_240 : i32 to vector<16xi32>
          %and3A_242 = arith.andi %add3A_239, %and3A_241 : vector<16xi32>
          %gather3A_243 = tpu.vector_load_idx %arg10[%add3A_122, %and3A_242] : memref<80x64xf32, #tpu.memory_space<vmem>>[vector<16xi32>, vector<16xi32>], vector<16xf32>,
          %gather3A_244 = tpu.vector_load_idx %arg14[%add3A_122, %and3A_242] : memref<80x64xf32, #tpu.memory_space<vmem>>[vector<16xi32>, vector<16xi32>], vector<16xf32>,
          %mul3A_245 = arith.mulf %gather3A_243, %gather3A_244 : vector<16xf32>
          %add3A_246 = arith.addf %scan3A_140, %mul3A_154 : vector<16xf32>
          %add3A_247 = arith.addf %add3A_246, %mul3A_167 : vector<16xf32>
          %add3A_248 = arith.addf %scan3A_141, %mul3A_180 : vector<16xf32>
          %add3A_249 = arith.addf %add3A_248, %mul3A_193 : vector<16xf32>
          %add3A_250 = arith.addf %scan3A_142, %mul3A_206 : vector<16xf32>
          %add3A_251 = arith.addf %add3A_250, %mul3A_219 : vector<16xf32>
          %add3A_252 = arith.addf %scan3A_143, %mul3A_232 : vector<16xf32>
          %add3A_253 = arith.addf %add3A_252, %mul3A_245 : vector<16xf32>
          scf.yield %add3A_247, %add3A_249, %add3A_251, %add3A_253 : vector<16xf32>, vector<16xf32>, vector<16xf32>, vector<16xf32>
        }
        %scan3A_129 = arith.constant 8 : i32
        %add3A_130 = arith.addf %scan3A_128#0, %scan3A_128#1 : vector<16xf32>
        %add3A_131 = arith.addf %scan3A_128#2, %scan3A_128#3 : vector<16xf32>
        %add3A_132 = arith.addf %add3A_130, %add3A_131 : vector<16xf32>
        %mul3A_133 = arith.constant 80 : i32
        %mul3A_134 = arith.muli %add3A_24, %mul3A_133 : i32
        %mul3A_135 = arith.constant 16 : i32
        %mul3A_136 = arith.muli %scan3A_116, %mul3A_135 : i32
        %add3A_137 = arith.addi %mul3A_134, %mul3A_136 : i32
        %swap3A = arith.index_cast %add3A_137 : i32 to index
        %swap3A_138 = tpu.vector_load %arg9[%swap3A] {strides = array<i32>} : memref<2560xf32, #tpu.memory_space<vmem>>, vector<16xf32>,
        tpu.vector_store %arg9[%swap3A], %add3A_132 {strides = array<i32>} : memref<2560xf32, #tpu.memory_space<vmem>>, vector<16xf32>,
      }
      %scan3A_43 = arith.constant 5 : i32
      %mul3A_44 = arith.constant 4 : i32
      %mul3A_45 = arith.muli %scan3A_20, %mul3A_44 : i32
      %add3A_46 = arith.constant 1 : i32
      %add3A_47 = arith.addi %mul3A_45, %add3A_46 : i32
      %dma_wait3A_48 = arith.constant 0 : i32
      %dma_wait3A_49 = arith.constant 0 : i32
      %dma_wait3A_50 = tpu.memref_slice %arg2[%dma_wait3A_48, %dma_wait3A_49] : memref<100000x64xf32, #tpu.memory_space<hbm>> -> memref<80x64xf32, #tpu.memory_space<hbm>>
      %dma_wait3A_51 = arith.constant 0 : i32
      %dma_wait3A_52 = arith.constant 0 : i32
      %dma_wait3A_53 = tpu.memref_slice %arg2[%dma_wait3A_51, %dma_wait3A_52] : memref<100000x64xf32, #tpu.memory_space<hbm>> -> memref<80x64xf32, #tpu.memory_space<hbm>>
      tpu.wait_dma2 semaphore(%arg19 : memref<!tpu.dma_semaphore, #tpu.memory_space<semaphore_mem>>) src(%dma_wait3A_53 : memref<80x64xf32, #tpu.memory_space<hbm>>) dst(%arg11 : memref<80x64xf32, #tpu.memory_space<vmem>>)
      %dma_wait3A_54 = arith.constant 0 : i32
      %dma_wait3A_55 = arith.constant 0 : i32
      %dma_wait3A_56 = tpu.memref_slice %arg3[%dma_wait3A_54, %dma_wait3A_55] : memref<100000x64xf32, #tpu.memory_space<hbm>> -> memref<80x64xf32, #tpu.memory_space<hbm>>
      %dma_wait3A_57 = arith.constant 0 : i32
      %dma_wait3A_58 = arith.constant 0 : i32
      %dma_wait3A_59 = tpu.memref_slice %arg3[%dma_wait3A_57, %dma_wait3A_58] : memref<100000x64xf32, #tpu.memory_space<hbm>> -> memref<80x64xf32, #tpu.memory_space<hbm>>
      tpu.wait_dma2 semaphore(%arg23 : memref<!tpu.dma_semaphore, #tpu.memory_space<semaphore_mem>>) src(%dma_wait3A_59 : memref<80x64xf32, #tpu.memory_space<hbm>>) dst(%arg15 : memref<80x64xf32, #tpu.memory_space<vmem>>)
      %add3A_60 = arith.constant 2 : i32
      %add3A_61 = arith.addi %add3A_47, %add3A_60 : i32
      %scan3A_62 = arith.constant 0 : i32
      %scan3A_63 = arith.constant 0 : i32
      %scan3A_64 = arith.constant 5 : i32
      %scan3A_65 = arith.addi %scan3A_63, %scan3A_64 : i32
      %scan3A_66 = arith.constant 1 : i32
      scf.for %scan3A_116 = %scan3A_63 to %scan3A_65 step %scan3A_66  : i32 {
        %lt3A = arith.constant 32 : i32
        %lt3A_117 = arith.cmpi slt, %add3A_61, %lt3A : i32
        %convert_element_type3A = arith.extui %lt3A_117 : i1 to i32
        %cond3A = arith.constant 0 : i32
        %cond3A_118 = arith.cmpi ne, %convert_element_type3A, %cond3A : i32
        scf.if %cond3A_118 {
          %mul3A_139 = arith.constant 16 : i32
          %mul3A_140 = arith.muli %scan3A_116, %mul3A_139 : i32
          %get3A = arith.index_cast %add3A_61 : i32 to index
          %get3A_141 = arith.index_cast %mul3A_140 : i32 to index
          %get3A_142 = tpu.vector_load %arg7[%get3A, %get3A_141] {strides = array<i32>} : memref<32x80xi32, #tpu.memory_space<vmem>>, vector<16xi32>,
          %mul3A_143 = arith.constant 16 : i32
          %mul3A_144 = arith.muli %scan3A_116, %mul3A_143 : i32
          %get3A_145 = arith.index_cast %add3A_61 : i32 to index
          %get3A_146 = arith.index_cast %mul3A_144 : i32 to index
          %get3A_147 = tpu.vector_load %arg8[%get3A_145, %get3A_146] {strides = array<i32>} : memref<32x80xi32, #tpu.memory_space<vmem>>, vector<16xi32>,
          %mul3A_148 = arith.constant 16 : i32
          %mul3A_149 = arith.muli %scan3A_116, %mul3A_148 : i32
          %add3A_150 = arith.constant 0 : i32
          %add3A_151 = arith.addi %mul3A_149, %add3A_150 : i32
          %slice3A = vector.extract_strided_slice %get3A_142 {offsets = [0], sizes = [1], strides = [1]} : vector<16xi32> to vector<1xi32>
          %squeeze3A = vector.extract %slice3A[0] : i32 from vector<1xi32>
          %dma_start3A = arith.constant 0 : i32
          %dma_start3A_152 = tpu.memref_slice %arg13[%add3A_151, %dma_start3A] : memref<80x64xf32, #tpu.memory_space<vmem>> -> memref<1x64xf32, #tpu.memory_space<vmem>>
          %dma_start3A_153 = arith.constant 0 : i32
          %dma_start3A_154 = tpu.memref_slice %arg2[%squeeze3A, %dma_start3A_153] : memref<100000x64xf32, #tpu.memory_space<hbm>> -> memref<1x64xf32, #tpu.memory_space<hbm>>
          %dma_start3A_155 = arith.constant 0 : i32
          %dma_start3A_156 = tpu.memref_slice %arg13[%add3A_151, %dma_start3A_155] : memref<80x64xf32, #tpu.memory_space<vmem>> -> memref<1x64xf32, #tpu.memory_space<vmem>>
          %dma_start3A_157 = arith.constant 0 : i32
          %dma_start3A_158 = tpu.memref_slice %arg2[%squeeze3A, %dma_start3A_157] : memref<100000x64xf32, #tpu.memory_space<hbm>> -> memref<1x64xf32, #tpu.memory_space<hbm>>
          tpu.enqueue_dma source(%dma_start3A_158 : memref<1x64xf32, #tpu.memory_space<hbm>>) target(%dma_start3A_156 : memref<1x64xf32, #tpu.memory_space<vmem>>) target_semaphore(%arg21 : memref<!tpu.dma_semaphore, #tpu.memory_space<semaphore_mem>>)
          %slice3A_159 = vector.extract_strided_slice %get3A_147 {offsets = [0], sizes = [1], strides = [1]} : vector<16xi32> to vector<1xi32>
          %squeeze3A_160 = vector.extract %slice3A_159[0] : i32 from vector<1xi32>
          %dma_start3A_161 = arith.constant 0 : i32
          %dma_start3A_162 = tpu.memref_slice %arg17[%add3A_151, %dma_start3A_161] : memref<80x64xf32, #tpu.memory_space<vmem>> -> memref<1x64xf32, #tpu.memory_space<vmem>>
          %dma_start3A_163 = arith.constant 0 : i32
          %dma_start3A_164 = tpu.memref_slice %arg3[%squeeze3A_160, %dma_start3A_163] : memref<100000x64xf32, #tpu.memory_space<hbm>> -> memref<1x64xf32, #tpu.memory_space<hbm>>
          %dma_start3A_165 = arith.constant 0 : i32
          %dma_start3A_166 = tpu.memref_slice %arg17[%add3A_151, %dma_start3A_165] : memref<80x64xf32, #tpu.memory_space<vmem>> -> memref<1x64xf32, #tpu.memory_space<vmem>>
          %dma_start3A_167 = arith.constant 0 : i32
          %dma_start3A_168 = tpu.memref_slice %arg3[%squeeze3A_160, %dma_start3A_167] : memref<100000x64xf32, #tpu.memory_space<hbm>> -> memref<1x64xf32, #tpu.memory_space<hbm>>
          tpu.enqueue_dma source(%dma_start3A_168 : memref<1x64xf32, #tpu.memory_space<hbm>>) target(%dma_start3A_166 : memref<1x64xf32, #tpu.memory_space<vmem>>) target_semaphore(%arg25 : memref<!tpu.dma_semaphore, #tpu.memory_space<semaphore_mem>>)
          %mul3A_169 = arith.constant 16 : i32
          %mul3A_170 = arith.muli %scan3A_116, %mul3A_169 : i32
          %add3A_171 = arith.constant 1 : i32
          %add3A_172 = arith.addi %mul3A_170, %add3A_171 : i32
          %slice3A_173 = vector.extract_strided_slice %get3A_142 {offsets = [1], sizes = [1], strides = [1]} : vector<16xi32> to vector<1xi32>
          %squeeze3A_174 = vector.extract %slice3A_173[0] : i32 from vector<1xi32>
          %dma_start3A_175 = arith.constant 0 : i32
          %dma_start3A_176 = tpu.memref_slice %arg13[%add3A_172, %dma_start3A_175] : memref<80x64xf32, #tpu.memory_space<vmem>> -> memref<1x64xf32, #tpu.memory_space<vmem>>
          %dma_start3A_177 = arith.constant 0 : i32
          %dma_start3A_178 = tpu.memref_slice %arg2[%squeeze3A_174, %dma_start3A_177] : memref<100000x64xf32, #tpu.memory_space<hbm>> -> memref<1x64xf32, #tpu.memory_space<hbm>>
          %dma_start3A_179 = arith.constant 0 : i32
          %dma_start3A_180 = tpu.memref_slice %arg13[%add3A_172, %dma_start3A_179] : memref<80x64xf32, #tpu.memory_space<vmem>> -> memref<1x64xf32, #tpu.memory_space<vmem>>
          %dma_start3A_181 = arith.constant 0 : i32
          %dma_start3A_182 = tpu.memref_slice %arg2[%squeeze3A_174, %dma_start3A_181] : memref<100000x64xf32, #tpu.memory_space<hbm>> -> memref<1x64xf32, #tpu.memory_space<hbm>>
          tpu.enqueue_dma source(%dma_start3A_182 : memref<1x64xf32, #tpu.memory_space<hbm>>) target(%dma_start3A_180 : memref<1x64xf32, #tpu.memory_space<vmem>>) target_semaphore(%arg21 : memref<!tpu.dma_semaphore, #tpu.memory_space<semaphore_mem>>)
          %slice3A_183 = vector.extract_strided_slice %get3A_147 {offsets = [1], sizes = [1], strides = [1]} : vector<16xi32> to vector<1xi32>
          %squeeze3A_184 = vector.extract %slice3A_183[0] : i32 from vector<1xi32>
          %dma_start3A_185 = arith.constant 0 : i32
          %dma_start3A_186 = tpu.memref_slice %arg17[%add3A_172, %dma_start3A_185] : memref<80x64xf32, #tpu.memory_space<vmem>> -> memref<1x64xf32, #tpu.memory_space<vmem>>
          %dma_start3A_187 = arith.constant 0 : i32
          %dma_start3A_188 = tpu.memref_slice %arg3[%squeeze3A_184, %dma_start3A_187] : memref<100000x64xf32, #tpu.memory_space<hbm>> -> memref<1x64xf32, #tpu.memory_space<hbm>>
          %dma_start3A_189 = arith.constant 0 : i32
          %dma_start3A_190 = tpu.memref_slice %arg17[%add3A_172, %dma_start3A_189] : memref<80x64xf32, #tpu.memory_space<vmem>> -> memref<1x64xf32, #tpu.memory_space<vmem>>
          %dma_start3A_191 = arith.constant 0 : i32
          %dma_start3A_192 = tpu.memref_slice %arg3[%squeeze3A_184, %dma_start3A_191] : memref<100000x64xf32, #tpu.memory_space<hbm>> -> memref<1x64xf32, #tpu.memory_space<hbm>>
          tpu.enqueue_dma source(%dma_start3A_192 : memref<1x64xf32, #tpu.memory_space<hbm>>) target(%dma_start3A_190 : memref<1x64xf32, #tpu.memory_space<vmem>>) target_semaphore(%arg25 : memref<!tpu.dma_semaphore, #tpu.memory_space<semaphore_mem>>)
          %mul3A_193 = arith.constant 16 : i32
          %mul3A_194 = arith.muli %scan3A_116, %mul3A_193 : i32
          %add3A_195 = arith.constant 2 : i32
          %add3A_196 = arith.addi %mul3A_194, %add3A_195 : i32
          %slice3A_197 = vector.extract_strided_slice %get3A_142 {offsets = [2], sizes = [1], strides = [1]} : vector<16xi32> to vector<1xi32>
          %squeeze3A_198 = vector.extract %slice3A_197[0] : i32 from vector<1xi32>
          %dma_start3A_199 = arith.constant 0 : i32
          %dma_start3A_200 = tpu.memref_slice %arg13[%add3A_196, %dma_start3A_199] : memref<80x64xf32, #tpu.memory_space<vmem>> -> memref<1x64xf32, #tpu.memory_space<vmem>>
          %dma_start3A_201 = arith.constant 0 : i32
          %dma_start3A_202 = tpu.memref_slice %arg2[%squeeze3A_198, %dma_start3A_201] : memref<100000x64xf32, #tpu.memory_space<hbm>> -> memref<1x64xf32, #tpu.memory_space<hbm>>
          %dma_start3A_203 = arith.constant 0 : i32
          %dma_start3A_204 = tpu.memref_slice %arg13[%add3A_196, %dma_start3A_203] : memref<80x64xf32, #tpu.memory_space<vmem>> -> memref<1x64xf32, #tpu.memory_space<vmem>>
          %dma_start3A_205 = arith.constant 0 : i32
          %dma_start3A_206 = tpu.memref_slice %arg2[%squeeze3A_198, %dma_start3A_205] : memref<100000x64xf32, #tpu.memory_space<hbm>> -> memref<1x64xf32, #tpu.memory_space<hbm>>
          tpu.enqueue_dma source(%dma_start3A_206 : memref<1x64xf32, #tpu.memory_space<hbm>>) target(%dma_start3A_204 : memref<1x64xf32, #tpu.memory_space<vmem>>) target_semaphore(%arg21 : memref<!tpu.dma_semaphore, #tpu.memory_space<semaphore_mem>>)
          %slice3A_207 = vector.extract_strided_slice %get3A_147 {offsets = [2], sizes = [1], strides = [1]} : vector<16xi32> to vector<1xi32>
          %squeeze3A_208 = vector.extract %slice3A_207[0] : i32 from vector<1xi32>
          %dma_start3A_209 = arith.constant 0 : i32
          %dma_start3A_210 = tpu.memref_slice %arg17[%add3A_196, %dma_start3A_209] : memref<80x64xf32, #tpu.memory_space<vmem>> -> memref<1x64xf32, #tpu.memory_space<vmem>>
          %dma_start3A_211 = arith.constant 0 : i32
          %dma_start3A_212 = tpu.memref_slice %arg3[%squeeze3A_208, %dma_start3A_211] : memref<100000x64xf32, #tpu.memory_space<hbm>> -> memref<1x64xf32, #tpu.memory_space<hbm>>
          %dma_start3A_213 = arith.constant 0 : i32
          %dma_start3A_214 = tpu.memref_slice %arg17[%add3A_196, %dma_start3A_213] : memref<80x64xf32, #tpu.memory_space<vmem>> -> memref<1x64xf32, #tpu.memory_space<vmem>>
          %dma_start3A_215 = arith.constant 0 : i32
          %dma_start3A_216 = tpu.memref_slice %arg3[%squeeze3A_208, %dma_start3A_215] : memref<100000x64xf32, #tpu.memory_space<hbm>> -> memref<1x64xf32, #tpu.memory_space<hbm>>
          tpu.enqueue_dma source(%dma_start3A_216 : memref<1x64xf32, #tpu.memory_space<hbm>>) target(%dma_start3A_214 : memref<1x64xf32, #tpu.memory_space<vmem>>) target_semaphore(%arg25 : memref<!tpu.dma_semaphore, #tpu.memory_space<semaphore_mem>>)
          %mul3A_217 = arith.constant 16 : i32
          %mul3A_218 = arith.muli %scan3A_116, %mul3A_217 : i32
          %add3A_219 = arith.constant 3 : i32
          %add3A_220 = arith.addi %mul3A_218, %add3A_219 : i32
          %slice3A_221 = vector.extract_strided_slice %get3A_142 {offsets = [3], sizes = [1], strides = [1]} : vector<16xi32> to vector<1xi32>
          %squeeze3A_222 = vector.extract %slice3A_221[0] : i32 from vector<1xi32>
          %dma_start3A_223 = arith.constant 0 : i32
          %dma_start3A_224 = tpu.memref_slice %arg13[%add3A_220, %dma_start3A_223] : memref<80x64xf32, #tpu.memory_space<vmem>> -> memref<1x64xf32, #tpu.memory_space<vmem>>
          %dma_start3A_225 = arith.constant 0 : i32
          %dma_start3A_226 = tpu.memref_slice %arg2[%squeeze3A_222, %dma_start3A_225] : memref<100000x64xf32, #tpu.memory_space<hbm>> -> memref<1x64xf32, #tpu.memory_space<hbm>>
          %dma_start3A_227 = arith.constant 0 : i32
          %dma_start3A_228 = tpu.memref_slice %arg13[%add3A_220, %dma_start3A_227] : memref<80x64xf32, #tpu.memory_space<vmem>> -> memref<1x64xf32, #tpu.memory_space<vmem>>
          %dma_start3A_229 = arith.constant 0 : i32
          %dma_start3A_230 = tpu.memref_slice %arg2[%squeeze3A_222, %dma_start3A_229] : memref<100000x64xf32, #tpu.memory_space<hbm>> -> memref<1x64xf32, #tpu.memory_space<hbm>>
          tpu.enqueue_dma source(%dma_start3A_230 : memref<1x64xf32, #tpu.memory_space<hbm>>) target(%dma_start3A_228 : memref<1x64xf32, #tpu.memory_space<vmem>>) target_semaphore(%arg21 : memref<!tpu.dma_semaphore, #tpu.memory_space<semaphore_mem>>)
          %slice3A_231 = vector.extract_strided_slice %get3A_147 {offsets = [3], sizes = [1], strides = [1]} : vector<16xi32> to vector<1xi32>
          %squeeze3A_232 = vector.extract %slice3A_231[0] : i32 from vector<1xi32>
          %dma_start3A_233 = arith.constant 0 : i32
          %dma_start3A_234 = tpu.memref_slice %arg17[%add3A_220, %dma_start3A_233] : memref<80x64xf32, #tpu.memory_space<vmem>> -> memref<1x64xf32, #tpu.memory_space<vmem>>
          %dma_start3A_235 = arith.constant 0 : i32
          %dma_start3A_236 = tpu.memref_slice %arg3[%squeeze3A_232, %dma_start3A_235] : memref<100000x64xf32, #tpu.memory_space<hbm>> -> memref<1x64xf32, #tpu.memory_space<hbm>>
          %dma_start3A_237 = arith.constant 0 : i32
          %dma_start3A_238 = tpu.memref_slice %arg17[%add3A_220, %dma_start3A_237] : memref<80x64xf32, #tpu.memory_space<vmem>> -> memref<1x64xf32, #tpu.memory_space<vmem>>
          %dma_start3A_239 = arith.constant 0 : i32
          %dma_start3A_240 = tpu.memref_slice %arg3[%squeeze3A_232, %dma_start3A_239] : memref<100000x64xf32, #tpu.memory_space<hbm>> -> memref<1x64xf32, #tpu.memory_space<hbm>>
          tpu.enqueue_dma source(%dma_start3A_240 : memref<1x64xf32, #tpu.memory_space<hbm>>) target(%dma_start3A_238 : memref<1x64xf32, #tpu.memory_space<vmem>>) target_semaphore(%arg25 : memref<!tpu.dma_semaphore, #tpu.memory_space<semaphore_mem>>)
          %mul3A_241 = arith.constant 16 : i32
          %mul3A_242 = arith.muli %scan3A_116, %mul3A_241 : i32
          %add3A_243 = arith.constant 4 : i32
          %add3A_244 = arith.addi %mul3A_242, %add3A_243 : i32
          %slice3A_245 = vector.extract_strided_slice %get3A_142 {offsets = [4], sizes = [1], strides = [1]} : vector<16xi32> to vector<1xi32>
          %squeeze3A_246 = vector.extract %slice3A_245[0] : i32 from vector<1xi32>
          %dma_start3A_247 = arith.constant 0 : i32
          %dma_start3A_248 = tpu.memref_slice %arg13[%add3A_244, %dma_start3A_247] : memref<80x64xf32, #tpu.memory_space<vmem>> -> memref<1x64xf32, #tpu.memory_space<vmem>>
          %dma_start3A_249 = arith.constant 0 : i32
          %dma_start3A_250 = tpu.memref_slice %arg2[%squeeze3A_246, %dma_start3A_249] : memref<100000x64xf32, #tpu.memory_space<hbm>> -> memref<1x64xf32, #tpu.memory_space<hbm>>
          %dma_start3A_251 = arith.constant 0 : i32
          %dma_start3A_252 = tpu.memref_slice %arg13[%add3A_244, %dma_start3A_251] : memref<80x64xf32, #tpu.memory_space<vmem>> -> memref<1x64xf32, #tpu.memory_space<vmem>>
          %dma_start3A_253 = arith.constant 0 : i32
          %dma_start3A_254 = tpu.memref_slice %arg2[%squeeze3A_246, %dma_start3A_253] : memref<100000x64xf32, #tpu.memory_space<hbm>> -> memref<1x64xf32, #tpu.memory_space<hbm>>
          tpu.enqueue_dma source(%dma_start3A_254 : memref<1x64xf32, #tpu.memory_space<hbm>>) target(%dma_start3A_252 : memref<1x64xf32, #tpu.memory_space<vmem>>) target_semaphore(%arg21 : memref<!tpu.dma_semaphore, #tpu.memory_space<semaphore_mem>>)
          %slice3A_255 = vector.extract_strided_slice %get3A_147 {offsets = [4], sizes = [1], strides = [1]} : vector<16xi32> to vector<1xi32>
          %squeeze3A_256 = vector.extract %slice3A_255[0] : i32 from vector<1xi32>
          %dma_start3A_257 = arith.constant 0 : i32
          %dma_start3A_258 = tpu.memref_slice %arg17[%add3A_244, %dma_start3A_257] : memref<80x64xf32, #tpu.memory_space<vmem>> -> memref<1x64xf32, #tpu.memory_space<vmem>>
          %dma_start3A_259 = arith.constant 0 : i32
          %dma_start3A_260 = tpu.memref_slice %arg3[%squeeze3A_256, %dma_start3A_259] : memref<100000x64xf32, #tpu.memory_space<hbm>> -> memref<1x64xf32, #tpu.memory_space<hbm>>
          %dma_start3A_261 = arith.constant 0 : i32
          %dma_start3A_262 = tpu.memref_slice %arg17[%add3A_244, %dma_start3A_261] : memref<80x64xf32, #tpu.memory_space<vmem>> -> memref<1x64xf32, #tpu.memory_space<vmem>>
          %dma_start3A_263 = arith.constant 0 : i32
          %dma_start3A_264 = tpu.memref_slice %arg3[%squeeze3A_256, %dma_start3A_263] : memref<100000x64xf32, #tpu.memory_space<hbm>> -> memref<1x64xf32, #tpu.memory_space<hbm>>
          tpu.enqueue_dma source(%dma_start3A_264 : memref<1x64xf32, #tpu.memory_space<hbm>>) target(%dma_start3A_262 : memref<1x64xf32, #tpu.memory_space<vmem>>) target_semaphore(%arg25 : memref<!tpu.dma_semaphore, #tpu.memory_space<semaphore_mem>>)
          %mul3A_265 = arith.constant 16 : i32
          %mul3A_266 = arith.muli %scan3A_116, %mul3A_265 : i32
          %add3A_267 = arith.constant 5 : i32
          %add3A_268 = arith.addi %mul3A_266, %add3A_267 : i32
          %slice3A_269 = vector.extract_strided_slice %get3A_142 {offsets = [5], sizes = [1], strides = [1]} : vector<16xi32> to vector<1xi32>
          %squeeze3A_270 = vector.extract %slice3A_269[0] : i32 from vector<1xi32>
          %dma_start3A_271 = arith.constant 0 : i32
          %dma_start3A_272 = tpu.memref_slice %arg13[%add3A_268, %dma_start3A_271] : memref<80x64xf32, #tpu.memory_space<vmem>> -> memref<1x64xf32, #tpu.memory_space<vmem>>
          %dma_start3A_273 = arith.constant 0 : i32
          %dma_start3A_274 = tpu.memref_slice %arg2[%squeeze3A_270, %dma_start3A_273] : memref<100000x64xf32, #tpu.memory_space<hbm>> -> memref<1x64xf32, #tpu.memory_space<hbm>>
          %dma_start3A_275 = arith.constant 0 : i32
          %dma_start3A_276 = tpu.memref_slice %arg13[%add3A_268, %dma_start3A_275] : memref<80x64xf32, #tpu.memory_space<vmem>> -> memref<1x64xf32, #tpu.memory_space<vmem>>
          %dma_start3A_277 = arith.constant 0 : i32
          %dma_start3A_278 = tpu.memref_slice %arg2[%squeeze3A_270, %dma_start3A_277] : memref<100000x64xf32, #tpu.memory_space<hbm>> -> memref<1x64xf32, #tpu.memory_space<hbm>>
          tpu.enqueue_dma source(%dma_start3A_278 : memref<1x64xf32, #tpu.memory_space<hbm>>) target(%dma_start3A_276 : memref<1x64xf32, #tpu.memory_space<vmem>>) target_semaphore(%arg21 : memref<!tpu.dma_semaphore, #tpu.memory_space<semaphore_mem>>)
          %slice3A_279 = vector.extract_strided_slice %get3A_147 {offsets = [5], sizes = [1], strides = [1]} : vector<16xi32> to vector<1xi32>
          %squeeze3A_280 = vector.extract %slice3A_279[0] : i32 from vector<1xi32>
          %dma_start3A_281 = arith.constant 0 : i32
          %dma_start3A_282 = tpu.memref_slice %arg17[%add3A_268, %dma_start3A_281] : memref<80x64xf32, #tpu.memory_space<vmem>> -> memref<1x64xf32, #tpu.memory_space<vmem>>
          %dma_start3A_283 = arith.constant 0 : i32
          %dma_start3A_284 = tpu.memref_slice %arg3[%squeeze3A_280, %dma_start3A_283] : memref<100000x64xf32, #tpu.memory_space<hbm>> -> memref<1x64xf32, #tpu.memory_space<hbm>>
          %dma_start3A_285 = arith.constant 0 : i32
          %dma_start3A_286 = tpu.memref_slice %arg17[%add3A_268, %dma_start3A_285] : memref<80x64xf32, #tpu.memory_space<vmem>> -> memref<1x64xf32, #tpu.memory_space<vmem>>
          %dma_start3A_287 = arith.constant 0 : i32
          %dma_start3A_288 = tpu.memref_slice %arg3[%squeeze3A_280, %dma_start3A_287] : memref<100000x64xf32, #tpu.memory_space<hbm>> -> memref<1x64xf32, #tpu.memory_space<hbm>>
          tpu.enqueue_dma source(%dma_start3A_288 : memref<1x64xf32, #tpu.memory_space<hbm>>) target(%dma_start3A_286 : memref<1x64xf32, #tpu.memory_space<vmem>>) target_semaphore(%arg25 : memref<!tpu.dma_semaphore, #tpu.memory_space<semaphore_mem>>)
          %mul3A_289 = arith.constant 16 : i32
          %mul3A_290 = arith.muli %scan3A_116, %mul3A_289 : i32
          %add3A_291 = arith.constant 6 : i32
          %add3A_292 = arith.addi %mul3A_290, %add3A_291 : i32
          %slice3A_293 = vector.extract_strided_slice %get3A_142 {offsets = [6], sizes = [1], strides = [1]} : vector<16xi32> to vector<1xi32>
          %squeeze3A_294 = vector.extract %slice3A_293[0] : i32 from vector<1xi32>
          %dma_start3A_295 = arith.constant 0 : i32
          %dma_start3A_296 = tpu.memref_slice %arg13[%add3A_292, %dma_start3A_295] : memref<80x64xf32, #tpu.memory_space<vmem>> -> memref<1x64xf32, #tpu.memory_space<vmem>>
          %dma_start3A_297 = arith.constant 0 : i32
          %dma_start3A_298 = tpu.memref_slice %arg2[%squeeze3A_294, %dma_start3A_297] : memref<100000x64xf32, #tpu.memory_space<hbm>> -> memref<1x64xf32, #tpu.memory_space<hbm>>
          %dma_start3A_299 = arith.constant 0 : i32
          %dma_start3A_300 = tpu.memref_slice %arg13[%add3A_292, %dma_start3A_299] : memref<80x64xf32, #tpu.memory_space<vmem>> -> memref<1x64xf32, #tpu.memory_space<vmem>>
          %dma_start3A_301 = arith.constant 0 : i32
          %dma_start3A_302 = tpu.memref_slice %arg2[%squeeze3A_294, %dma_start3A_301] : memref<100000x64xf32, #tpu.memory_space<hbm>> -> memref<1x64xf32, #tpu.memory_space<hbm>>
          tpu.enqueue_dma source(%dma_start3A_302 : memref<1x64xf32, #tpu.memory_space<hbm>>) target(%dma_start3A_300 : memref<1x64xf32, #tpu.memory_space<vmem>>) target_semaphore(%arg21 : memref<!tpu.dma_semaphore, #tpu.memory_space<semaphore_mem>>)
          %slice3A_303 = vector.extract_strided_slice %get3A_147 {offsets = [6], sizes = [1], strides = [1]} : vector<16xi32> to vector<1xi32>
          %squeeze3A_304 = vector.extract %slice3A_303[0] : i32 from vector<1xi32>
          %dma_start3A_305 = arith.constant 0 : i32
          %dma_start3A_306 = tpu.memref_slice %arg17[%add3A_292, %dma_start3A_305] : memref<80x64xf32, #tpu.memory_space<vmem>> -> memref<1x64xf32, #tpu.memory_space<vmem>>
          %dma_start3A_307 = arith.constant 0 : i32
          %dma_start3A_308 = tpu.memref_slice %arg3[%squeeze3A_304, %dma_start3A_307] : memref<100000x64xf32, #tpu.memory_space<hbm>> -> memref<1x64xf32, #tpu.memory_space<hbm>>
          %dma_start3A_309 = arith.constant 0 : i32
          %dma_start3A_310 = tpu.memref_slice %arg17[%add3A_292, %dma_start3A_309] : memref<80x64xf32, #tpu.memory_space<vmem>> -> memref<1x64xf32, #tpu.memory_space<vmem>>
          %dma_start3A_311 = arith.constant 0 : i32
          %dma_start3A_312 = tpu.memref_slice %arg3[%squeeze3A_304, %dma_start3A_311] : memref<100000x64xf32, #tpu.memory_space<hbm>> -> memref<1x64xf32, #tpu.memory_space<hbm>>
          tpu.enqueue_dma source(%dma_start3A_312 : memref<1x64xf32, #tpu.memory_space<hbm>>) target(%dma_start3A_310 : memref<1x64xf32, #tpu.memory_space<vmem>>) target_semaphore(%arg25 : memref<!tpu.dma_semaphore, #tpu.memory_space<semaphore_mem>>)
          %mul3A_313 = arith.constant 16 : i32
          %mul3A_314 = arith.muli %scan3A_116, %mul3A_313 : i32
          %add3A_315 = arith.constant 7 : i32
          %add3A_316 = arith.addi %mul3A_314, %add3A_315 : i32
          %slice3A_317 = vector.extract_strided_slice %get3A_142 {offsets = [7], sizes = [1], strides = [1]} : vector<16xi32> to vector<1xi32>
          %squeeze3A_318 = vector.extract %slice3A_317[0] : i32 from vector<1xi32>
          %dma_start3A_319 = arith.constant 0 : i32
          %dma_start3A_320 = tpu.memref_slice %arg13[%add3A_316, %dma_start3A_319] : memref<80x64xf32, #tpu.memory_space<vmem>> -> memref<1x64xf32, #tpu.memory_space<vmem>>
          %dma_start3A_321 = arith.constant 0 : i32
          %dma_start3A_322 = tpu.memref_slice %arg2[%squeeze3A_318, %dma_start3A_321] : memref<100000x64xf32, #tpu.memory_space<hbm>> -> memref<1x64xf32, #tpu.memory_space<hbm>>
          %dma_start3A_323 = arith.constant 0 : i32
          %dma_start3A_324 = tpu.memref_slice %arg13[%add3A_316, %dma_start3A_323] : memref<80x64xf32, #tpu.memory_space<vmem>> -> memref<1x64xf32, #tpu.memory_space<vmem>>
          %dma_start3A_325 = arith.constant 0 : i32
          %dma_start3A_326 = tpu.memref_slice %arg2[%squeeze3A_318, %dma_start3A_325] : memref<100000x64xf32, #tpu.memory_space<hbm>> -> memref<1x64xf32, #tpu.memory_space<hbm>>
          tpu.enqueue_dma source(%dma_start3A_326 : memref<1x64xf32, #tpu.memory_space<hbm>>) target(%dma_start3A_324 : memref<1x64xf32, #tpu.memory_space<vmem>>) target_semaphore(%arg21 : memref<!tpu.dma_semaphore, #tpu.memory_space<semaphore_mem>>)
          %slice3A_327 = vector.extract_strided_slice %get3A_147 {offsets = [7], sizes = [1], strides = [1]} : vector<16xi32> to vector<1xi32>
          %squeeze3A_328 = vector.extract %slice3A_327[0] : i32 from vector<1xi32>
          %dma_start3A_329 = arith.constant 0 : i32
          %dma_start3A_330 = tpu.memref_slice %arg17[%add3A_316, %dma_start3A_329] : memref<80x64xf32, #tpu.memory_space<vmem>> -> memref<1x64xf32, #tpu.memory_space<vmem>>
          %dma_start3A_331 = arith.constant 0 : i32
          %dma_start3A_332 = tpu.memref_slice %arg3[%squeeze3A_328, %dma_start3A_331] : memref<100000x64xf32, #tpu.memory_space<hbm>> -> memref<1x64xf32, #tpu.memory_space<hbm>>
          %dma_start3A_333 = arith.constant 0 : i32
          %dma_start3A_334 = tpu.memref_slice %arg17[%add3A_316, %dma_start3A_333] : memref<80x64xf32, #tpu.memory_space<vmem>> -> memref<1x64xf32, #tpu.memory_space<vmem>>
          %dma_start3A_335 = arith.constant 0 : i32
          %dma_start3A_336 = tpu.memref_slice %arg3[%squeeze3A_328, %dma_start3A_335] : memref<100000x64xf32, #tpu.memory_space<hbm>> -> memref<1x64xf32, #tpu.memory_space<hbm>>
          tpu.enqueue_dma source(%dma_start3A_336 : memref<1x64xf32, #tpu.memory_space<hbm>>) target(%dma_start3A_334 : memref<1x64xf32, #tpu.memory_space<vmem>>) target_semaphore(%arg25 : memref<!tpu.dma_semaphore, #tpu.memory_space<semaphore_mem>>)
          %mul3A_337 = arith.constant 16 : i32
          %mul3A_338 = arith.muli %scan3A_116, %mul3A_337 : i32
          %add3A_339 = arith.constant 8 : i32
          %add3A_340 = arith.addi %mul3A_338, %add3A_339 : i32
          %slice3A_341 = vector.extract_strided_slice %get3A_142 {offsets = [8], sizes = [1], strides = [1]} : vector<16xi32> to vector<1xi32>
          %squeeze3A_342 = vector.extract %slice3A_341[0] : i32 from vector<1xi32>
          %dma_start3A_343 = arith.constant 0 : i32
          %dma_start3A_344 = tpu.memref_slice %arg13[%add3A_340, %dma_start3A_343] : memref<80x64xf32, #tpu.memory_space<vmem>> -> memref<1x64xf32, #tpu.memory_space<vmem>>
          %dma_start3A_345 = arith.constant 0 : i32
          %dma_start3A_346 = tpu.memref_slice %arg2[%squeeze3A_342, %dma_start3A_345] : memref<100000x64xf32, #tpu.memory_space<hbm>> -> memref<1x64xf32, #tpu.memory_space<hbm>>
          %dma_start3A_347 = arith.constant 0 : i32
          %dma_start3A_348 = tpu.memref_slice %arg13[%add3A_340, %dma_start3A_347] : memref<80x64xf32, #tpu.memory_space<vmem>> -> memref<1x64xf32, #tpu.memory_space<vmem>>
          %dma_start3A_349 = arith.constant 0 : i32
          %dma_start3A_350 = tpu.memref_slice %arg2[%squeeze3A_342, %dma_start3A_349] : memref<100000x64xf32, #tpu.memory_space<hbm>> -> memref<1x64xf32, #tpu.memory_space<hbm>>
          tpu.enqueue_dma source(%dma_start3A_350 : memref<1x64xf32, #tpu.memory_space<hbm>>) target(%dma_start3A_348 : memref<1x64xf32, #tpu.memory_space<vmem>>) target_semaphore(%arg21 : memref<!tpu.dma_semaphore, #tpu.memory_space<semaphore_mem>>)
          %slice3A_351 = vector.extract_strided_slice %get3A_147 {offsets = [8], sizes = [1], strides = [1]} : vector<16xi32> to vector<1xi32>
          %squeeze3A_352 = vector.extract %slice3A_351[0] : i32 from vector<1xi32>
          %dma_start3A_353 = arith.constant 0 : i32
          %dma_start3A_354 = tpu.memref_slice %arg17[%add3A_340, %dma_start3A_353] : memref<80x64xf32, #tpu.memory_space<vmem>> -> memref<1x64xf32, #tpu.memory_space<vmem>>
          %dma_start3A_355 = arith.constant 0 : i32
          %dma_start3A_356 = tpu.memref_slice %arg3[%squeeze3A_352, %dma_start3A_355] : memref<100000x64xf32, #tpu.memory_space<hbm>> -> memref<1x64xf32, #tpu.memory_space<hbm>>
          %dma_start3A_357 = arith.constant 0 : i32
          %dma_start3A_358 = tpu.memref_slice %arg17[%add3A_340, %dma_start3A_357] : memref<80x64xf32, #tpu.memory_space<vmem>> -> memref<1x64xf32, #tpu.memory_space<vmem>>
          %dma_start3A_359 = arith.constant 0 : i32
          %dma_start3A_360 = tpu.memref_slice %arg3[%squeeze3A_352, %dma_start3A_359] : memref<100000x64xf32, #tpu.memory_space<hbm>> -> memref<1x64xf32, #tpu.memory_space<hbm>>
          tpu.enqueue_dma source(%dma_start3A_360 : memref<1x64xf32, #tpu.memory_space<hbm>>) target(%dma_start3A_358 : memref<1x64xf32, #tpu.memory_space<vmem>>) target_semaphore(%arg25 : memref<!tpu.dma_semaphore, #tpu.memory_space<semaphore_mem>>)
          %mul3A_361 = arith.constant 16 : i32
          %mul3A_362 = arith.muli %scan3A_116, %mul3A_361 : i32
          %add3A_363 = arith.constant 9 : i32
          %add3A_364 = arith.addi %mul3A_362, %add3A_363 : i32
          %slice3A_365 = vector.extract_strided_slice %get3A_142 {offsets = [9], sizes = [1], strides = [1]} : vector<16xi32> to vector<1xi32>
          %squeeze3A_366 = vector.extract %slice3A_365[0] : i32 from vector<1xi32>
          %dma_start3A_367 = arith.constant 0 : i32
          %dma_start3A_368 = tpu.memref_slice %arg13[%add3A_364, %dma_start3A_367] : memref<80x64xf32, #tpu.memory_space<vmem>> -> memref<1x64xf32, #tpu.memory_space<vmem>>
          %dma_start3A_369 = arith.constant 0 : i32
          %dma_start3A_370 = tpu.memref_slice %arg2[%squeeze3A_366, %dma_start3A_369] : memref<100000x64xf32, #tpu.memory_space<hbm>> -> memref<1x64xf32, #tpu.memory_space<hbm>>
          %dma_start3A_371 = arith.constant 0 : i32
          %dma_start3A_372 = tpu.memref_slice %arg13[%add3A_364, %dma_start3A_371] : memref<80x64xf32, #tpu.memory_space<vmem>> -> memref<1x64xf32, #tpu.memory_space<vmem>>
          %dma_start3A_373 = arith.constant 0 : i32
          %dma_start3A_374 = tpu.memref_slice %arg2[%squeeze3A_366, %dma_start3A_373] : memref<100000x64xf32, #tpu.memory_space<hbm>> -> memref<1x64xf32, #tpu.memory_space<hbm>>
          tpu.enqueue_dma source(%dma_start3A_374 : memref<1x64xf32, #tpu.memory_space<hbm>>) target(%dma_start3A_372 : memref<1x64xf32, #tpu.memory_space<vmem>>) target_semaphore(%arg21 : memref<!tpu.dma_semaphore, #tpu.memory_space<semaphore_mem>>)
          %slice3A_375 = vector.extract_strided_slice %get3A_147 {offsets = [9], sizes = [1], strides = [1]} : vector<16xi32> to vector<1xi32>
          %squeeze3A_376 = vector.extract %slice3A_375[0] : i32 from vector<1xi32>
          %dma_start3A_377 = arith.constant 0 : i32
          %dma_start3A_378 = tpu.memref_slice %arg17[%add3A_364, %dma_start3A_377] : memref<80x64xf32, #tpu.memory_space<vmem>> -> memref<1x64xf32, #tpu.memory_space<vmem>>
          %dma_start3A_379 = arith.constant 0 : i32
          %dma_start3A_380 = tpu.memref_slice %arg3[%squeeze3A_376, %dma_start3A_379] : memref<100000x64xf32, #tpu.memory_space<hbm>> -> memref<1x64xf32, #tpu.memory_space<hbm>>
          %dma_start3A_381 = arith.constant 0 : i32
          %dma_start3A_382 = tpu.memref_slice %arg17[%add3A_364, %dma_start3A_381] : memref<80x64xf32, #tpu.memory_space<vmem>> -> memref<1x64xf32, #tpu.memory_space<vmem>>
          %dma_start3A_383 = arith.constant 0 : i32
          %dma_start3A_384 = tpu.memref_slice %arg3[%squeeze3A_376, %dma_start3A_383] : memref<100000x64xf32, #tpu.memory_space<hbm>> -> memref<1x64xf32, #tpu.memory_space<hbm>>
          tpu.enqueue_dma source(%dma_start3A_384 : memref<1x64xf32, #tpu.memory_space<hbm>>) target(%dma_start3A_382 : memref<1x64xf32, #tpu.memory_space<vmem>>) target_semaphore(%arg25 : memref<!tpu.dma_semaphore, #tpu.memory_space<semaphore_mem>>)
          %mul3A_385 = arith.constant 16 : i32
          %mul3A_386 = arith.muli %scan3A_116, %mul3A_385 : i32
          %add3A_387 = arith.constant 10 : i32
          %add3A_388 = arith.addi %mul3A_386, %add3A_387 : i32
          %slice3A_389 = vector.extract_strided_slice %get3A_142 {offsets = [10], sizes = [1], strides = [1]} : vector<16xi32> to vector<1xi32>
          %squeeze3A_390 = vector.extract %slice3A_389[0] : i32 from vector<1xi32>
          %dma_start3A_391 = arith.constant 0 : i32
          %dma_start3A_392 = tpu.memref_slice %arg13[%add3A_388, %dma_start3A_391] : memref<80x64xf32, #tpu.memory_space<vmem>> -> memref<1x64xf32, #tpu.memory_space<vmem>>
          %dma_start3A_393 = arith.constant 0 : i32
          %dma_start3A_394 = tpu.memref_slice %arg2[%squeeze3A_390, %dma_start3A_393] : memref<100000x64xf32, #tpu.memory_space<hbm>> -> memref<1x64xf32, #tpu.memory_space<hbm>>
          %dma_start3A_395 = arith.constant 0 : i32
          %dma_start3A_396 = tpu.memref_slice %arg13[%add3A_388, %dma_start3A_395] : memref<80x64xf32, #tpu.memory_space<vmem>> -> memref<1x64xf32, #tpu.memory_space<vmem>>
          %dma_start3A_397 = arith.constant 0 : i32
          %dma_start3A_398 = tpu.memref_slice %arg2[%squeeze3A_390, %dma_start3A_397] : memref<100000x64xf32, #tpu.memory_space<hbm>> -> memref<1x64xf32, #tpu.memory_space<hbm>>
          tpu.enqueue_dma source(%dma_start3A_398 : memref<1x64xf32, #tpu.memory_space<hbm>>) target(%dma_start3A_396 : memref<1x64xf32, #tpu.memory_space<vmem>>) target_semaphore(%arg21 : memref<!tpu.dma_semaphore, #tpu.memory_space<semaphore_mem>>)
          %slice3A_399 = vector.extract_strided_slice %get3A_147 {offsets = [10], sizes = [1], strides = [1]} : vector<16xi32> to vector<1xi32>
          %squeeze3A_400 = vector.extract %slice3A_399[0] : i32 from vector<1xi32>
          %dma_start3A_401 = arith.constant 0 : i32
          %dma_start3A_402 = tpu.memref_slice %arg17[%add3A_388, %dma_start3A_401] : memref<80x64xf32, #tpu.memory_space<vmem>> -> memref<1x64xf32, #tpu.memory_space<vmem>>
          %dma_start3A_403 = arith.constant 0 : i32
          %dma_start3A_404 = tpu.memref_slice %arg3[%squeeze3A_400, %dma_start3A_403] : memref<100000x64xf32, #tpu.memory_space<hbm>> -> memref<1x64xf32, #tpu.memory_space<hbm>>
          %dma_start3A_405 = arith.constant 0 : i32
          %dma_start3A_406 = tpu.memref_slice %arg17[%add3A_388, %dma_start3A_405] : memref<80x64xf32, #tpu.memory_space<vmem>> -> memref<1x64xf32, #tpu.memory_space<vmem>>
          %dma_start3A_407 = arith.constant 0 : i32
          %dma_start3A_408 = tpu.memref_slice %arg3[%squeeze3A_400, %dma_start3A_407] : memref<100000x64xf32, #tpu.memory_space<hbm>> -> memref<1x64xf32, #tpu.memory_space<hbm>>
          tpu.enqueue_dma source(%dma_start3A_408 : memref<1x64xf32, #tpu.memory_space<hbm>>) target(%dma_start3A_406 : memref<1x64xf32, #tpu.memory_space<vmem>>) target_semaphore(%arg25 : memref<!tpu.dma_semaphore, #tpu.memory_space<semaphore_mem>>)
          %mul3A_409 = arith.constant 16 : i32
          %mul3A_410 = arith.muli %scan3A_116, %mul3A_409 : i32
          %add3A_411 = arith.constant 11 : i32
          %add3A_412 = arith.addi %mul3A_410, %add3A_411 : i32
          %slice3A_413 = vector.extract_strided_slice %get3A_142 {offsets = [11], sizes = [1], strides = [1]} : vector<16xi32> to vector<1xi32>
          %squeeze3A_414 = vector.extract %slice3A_413[0] : i32 from vector<1xi32>
          %dma_start3A_415 = arith.constant 0 : i32
          %dma_start3A_416 = tpu.memref_slice %arg13[%add3A_412, %dma_start3A_415] : memref<80x64xf32, #tpu.memory_space<vmem>> -> memref<1x64xf32, #tpu.memory_space<vmem>>
          %dma_start3A_417 = arith.constant 0 : i32
          %dma_start3A_418 = tpu.memref_slice %arg2[%squeeze3A_414, %dma_start3A_417] : memref<100000x64xf32, #tpu.memory_space<hbm>> -> memref<1x64xf32, #tpu.memory_space<hbm>>
          %dma_start3A_419 = arith.constant 0 : i32
          %dma_start3A_420 = tpu.memref_slice %arg13[%add3A_412, %dma_start3A_419] : memref<80x64xf32, #tpu.memory_space<vmem>> -> memref<1x64xf32, #tpu.memory_space<vmem>>
          %dma_start3A_421 = arith.constant 0 : i32
          %dma_start3A_422 = tpu.memref_slice %arg2[%squeeze3A_414, %dma_start3A_421] : memref<100000x64xf32, #tpu.memory_space<hbm>> -> memref<1x64xf32, #tpu.memory_space<hbm>>
          tpu.enqueue_dma source(%dma_start3A_422 : memref<1x64xf32, #tpu.memory_space<hbm>>) target(%dma_start3A_420 : memref<1x64xf32, #tpu.memory_space<vmem>>) target_semaphore(%arg21 : memref<!tpu.dma_semaphore, #tpu.memory_space<semaphore_mem>>)
          %slice3A_423 = vector.extract_strided_slice %get3A_147 {offsets = [11], sizes = [1], strides = [1]} : vector<16xi32> to vector<1xi32>
          %squeeze3A_424 = vector.extract %slice3A_423[0] : i32 from vector<1xi32>
          %dma_start3A_425 = arith.constant 0 : i32
          %dma_start3A_426 = tpu.memref_slice %arg17[%add3A_412, %dma_start3A_425] : memref<80x64xf32, #tpu.memory_space<vmem>> -> memref<1x64xf32, #tpu.memory_space<vmem>>
          %dma_start3A_427 = arith.constant 0 : i32
          %dma_start3A_428 = tpu.memref_slice %arg3[%squeeze3A_424, %dma_start3A_427] : memref<100000x64xf32, #tpu.memory_space<hbm>> -> memref<1x64xf32, #tpu.memory_space<hbm>>
          %dma_start3A_429 = arith.constant 0 : i32
          %dma_start3A_430 = tpu.memref_slice %arg17[%add3A_412, %dma_start3A_429] : memref<80x64xf32, #tpu.memory_space<vmem>> -> memref<1x64xf32, #tpu.memory_space<vmem>>
          %dma_start3A_431 = arith.constant 0 : i32
          %dma_start3A_432 = tpu.memref_slice %arg3[%squeeze3A_424, %dma_start3A_431] : memref<100000x64xf32, #tpu.memory_space<hbm>> -> memref<1x64xf32, #tpu.memory_space<hbm>>
          tpu.enqueue_dma source(%dma_start3A_432 : memref<1x64xf32, #tpu.memory_space<hbm>>) target(%dma_start3A_430 : memref<1x64xf32, #tpu.memory_space<vmem>>) target_semaphore(%arg25 : memref<!tpu.dma_semaphore, #tpu.memory_space<semaphore_mem>>)
          %mul3A_433 = arith.constant 16 : i32
          %mul3A_434 = arith.muli %scan3A_116, %mul3A_433 : i32
          %add3A_435 = arith.constant 12 : i32
          %add3A_436 = arith.addi %mul3A_434, %add3A_435 : i32
          %slice3A_437 = vector.extract_strided_slice %get3A_142 {offsets = [12], sizes = [1], strides = [1]} : vector<16xi32> to vector<1xi32>
          %squeeze3A_438 = vector.extract %slice3A_437[0] : i32 from vector<1xi32>
          %dma_start3A_439 = arith.constant 0 : i32
          %dma_start3A_440 = tpu.memref_slice %arg13[%add3A_436, %dma_start3A_439] : memref<80x64xf32, #tpu.memory_space<vmem>> -> memref<1x64xf32, #tpu.memory_space<vmem>>
          %dma_start3A_441 = arith.constant 0 : i32
          %dma_start3A_442 = tpu.memref_slice %arg2[%squeeze3A_438, %dma_start3A_441] : memref<100000x64xf32, #tpu.memory_space<hbm>> -> memref<1x64xf32, #tpu.memory_space<hbm>>
          %dma_start3A_443 = arith.constant 0 : i32
          %dma_start3A_444 = tpu.memref_slice %arg13[%add3A_436, %dma_start3A_443] : memref<80x64xf32, #tpu.memory_space<vmem>> -> memref<1x64xf32, #tpu.memory_space<vmem>>
          %dma_start3A_445 = arith.constant 0 : i32
          %dma_start3A_446 = tpu.memref_slice %arg2[%squeeze3A_438, %dma_start3A_445] : memref<100000x64xf32, #tpu.memory_space<hbm>> -> memref<1x64xf32, #tpu.memory_space<hbm>>
          tpu.enqueue_dma source(%dma_start3A_446 : memref<1x64xf32, #tpu.memory_space<hbm>>) target(%dma_start3A_444 : memref<1x64xf32, #tpu.memory_space<vmem>>) target_semaphore(%arg21 : memref<!tpu.dma_semaphore, #tpu.memory_space<semaphore_mem>>)
          %slice3A_447 = vector.extract_strided_slice %get3A_147 {offsets = [12], sizes = [1], strides = [1]} : vector<16xi32> to vector<1xi32>
          %squeeze3A_448 = vector.extract %slice3A_447[0] : i32 from vector<1xi32>
          %dma_start3A_449 = arith.constant 0 : i32
          %dma_start3A_450 = tpu.memref_slice %arg17[%add3A_436, %dma_start3A_449] : memref<80x64xf32, #tpu.memory_space<vmem>> -> memref<1x64xf32, #tpu.memory_space<vmem>>
          %dma_start3A_451 = arith.constant 0 : i32
          %dma_start3A_452 = tpu.memref_slice %arg3[%squeeze3A_448, %dma_start3A_451] : memref<100000x64xf32, #tpu.memory_space<hbm>> -> memref<1x64xf32, #tpu.memory_space<hbm>>
          %dma_start3A_453 = arith.constant 0 : i32
          %dma_start3A_454 = tpu.memref_slice %arg17[%add3A_436, %dma_start3A_453] : memref<80x64xf32, #tpu.memory_space<vmem>> -> memref<1x64xf32, #tpu.memory_space<vmem>>
          %dma_start3A_455 = arith.constant 0 : i32
          %dma_start3A_456 = tpu.memref_slice %arg3[%squeeze3A_448, %dma_start3A_455] : memref<100000x64xf32, #tpu.memory_space<hbm>> -> memref<1x64xf32, #tpu.memory_space<hbm>>
          tpu.enqueue_dma source(%dma_start3A_456 : memref<1x64xf32, #tpu.memory_space<hbm>>) target(%dma_start3A_454 : memref<1x64xf32, #tpu.memory_space<vmem>>) target_semaphore(%arg25 : memref<!tpu.dma_semaphore, #tpu.memory_space<semaphore_mem>>)
          %mul3A_457 = arith.constant 16 : i32
          %mul3A_458 = arith.muli %scan3A_116, %mul3A_457 : i32
          %add3A_459 = arith.constant 13 : i32
          %add3A_460 = arith.addi %mul3A_458, %add3A_459 : i32
          %slice3A_461 = vector.extract_strided_slice %get3A_142 {offsets = [13], sizes = [1], strides = [1]} : vector<16xi32> to vector<1xi32>
          %squeeze3A_462 = vector.extract %slice3A_461[0] : i32 from vector<1xi32>
          %dma_start3A_463 = arith.constant 0 : i32
          %dma_start3A_464 = tpu.memref_slice %arg13[%add3A_460, %dma_start3A_463] : memref<80x64xf32, #tpu.memory_space<vmem>> -> memref<1x64xf32, #tpu.memory_space<vmem>>
          %dma_start3A_465 = arith.constant 0 : i32
          %dma_start3A_466 = tpu.memref_slice %arg2[%squeeze3A_462, %dma_start3A_465] : memref<100000x64xf32, #tpu.memory_space<hbm>> -> memref<1x64xf32, #tpu.memory_space<hbm>>
          %dma_start3A_467 = arith.constant 0 : i32
          %dma_start3A_468 = tpu.memref_slice %arg13[%add3A_460, %dma_start3A_467] : memref<80x64xf32, #tpu.memory_space<vmem>> -> memref<1x64xf32, #tpu.memory_space<vmem>>
          %dma_start3A_469 = arith.constant 0 : i32
          %dma_start3A_470 = tpu.memref_slice %arg2[%squeeze3A_462, %dma_start3A_469] : memref<100000x64xf32, #tpu.memory_space<hbm>> -> memref<1x64xf32, #tpu.memory_space<hbm>>
          tpu.enqueue_dma source(%dma_start3A_470 : memref<1x64xf32, #tpu.memory_space<hbm>>) target(%dma_start3A_468 : memref<1x64xf32, #tpu.memory_space<vmem>>) target_semaphore(%arg21 : memref<!tpu.dma_semaphore, #tpu.memory_space<semaphore_mem>>)
          %slice3A_471 = vector.extract_strided_slice %get3A_147 {offsets = [13], sizes = [1], strides = [1]} : vector<16xi32> to vector<1xi32>
          %squeeze3A_472 = vector.extract %slice3A_471[0] : i32 from vector<1xi32>
          %dma_start3A_473 = arith.constant 0 : i32
          %dma_start3A_474 = tpu.memref_slice %arg17[%add3A_460, %dma_start3A_473] : memref<80x64xf32, #tpu.memory_space<vmem>> -> memref<1x64xf32, #tpu.memory_space<vmem>>
          %dma_start3A_475 = arith.constant 0 : i32
          %dma_start3A_476 = tpu.memref_slice %arg3[%squeeze3A_472, %dma_start3A_475] : memref<100000x64xf32, #tpu.memory_space<hbm>> -> memref<1x64xf32, #tpu.memory_space<hbm>>
          %dma_start3A_477 = arith.constant 0 : i32
          %dma_start3A_478 = tpu.memref_slice %arg17[%add3A_460, %dma_start3A_477] : memref<80x64xf32, #tpu.memory_space<vmem>> -> memref<1x64xf32, #tpu.memory_space<vmem>>
          %dma_start3A_479 = arith.constant 0 : i32
          %dma_start3A_480 = tpu.memref_slice %arg3[%squeeze3A_472, %dma_start3A_479] : memref<100000x64xf32, #tpu.memory_space<hbm>> -> memref<1x64xf32, #tpu.memory_space<hbm>>
          tpu.enqueue_dma source(%dma_start3A_480 : memref<1x64xf32, #tpu.memory_space<hbm>>) target(%dma_start3A_478 : memref<1x64xf32, #tpu.memory_space<vmem>>) target_semaphore(%arg25 : memref<!tpu.dma_semaphore, #tpu.memory_space<semaphore_mem>>)
          %mul3A_481 = arith.constant 16 : i32
          %mul3A_482 = arith.muli %scan3A_116, %mul3A_481 : i32
          %add3A_483 = arith.constant 14 : i32
          %add3A_484 = arith.addi %mul3A_482, %add3A_483 : i32
          %slice3A_485 = vector.extract_strided_slice %get3A_142 {offsets = [14], sizes = [1], strides = [1]} : vector<16xi32> to vector<1xi32>
          %squeeze3A_486 = vector.extract %slice3A_485[0] : i32 from vector<1xi32>
          %dma_start3A_487 = arith.constant 0 : i32
          %dma_start3A_488 = tpu.memref_slice %arg13[%add3A_484, %dma_start3A_487] : memref<80x64xf32, #tpu.memory_space<vmem>> -> memref<1x64xf32, #tpu.memory_space<vmem>>
          %dma_start3A_489 = arith.constant 0 : i32
          %dma_start3A_490 = tpu.memref_slice %arg2[%squeeze3A_486, %dma_start3A_489] : memref<100000x64xf32, #tpu.memory_space<hbm>> -> memref<1x64xf32, #tpu.memory_space<hbm>>
          %dma_start3A_491 = arith.constant 0 : i32
          %dma_start3A_492 = tpu.memref_slice %arg13[%add3A_484, %dma_start3A_491] : memref<80x64xf32, #tpu.memory_space<vmem>> -> memref<1x64xf32, #tpu.memory_space<vmem>>
          %dma_start3A_493 = arith.constant 0 : i32
          %dma_start3A_494 = tpu.memref_slice %arg2[%squeeze3A_486, %dma_start3A_493] : memref<100000x64xf32, #tpu.memory_space<hbm>> -> memref<1x64xf32, #tpu.memory_space<hbm>>
          tpu.enqueue_dma source(%dma_start3A_494 : memref<1x64xf32, #tpu.memory_space<hbm>>) target(%dma_start3A_492 : memref<1x64xf32, #tpu.memory_space<vmem>>) target_semaphore(%arg21 : memref<!tpu.dma_semaphore, #tpu.memory_space<semaphore_mem>>)
          %slice3A_495 = vector.extract_strided_slice %get3A_147 {offsets = [14], sizes = [1], strides = [1]} : vector<16xi32> to vector<1xi32>
          %squeeze3A_496 = vector.extract %slice3A_495[0] : i32 from vector<1xi32>
          %dma_start3A_497 = arith.constant 0 : i32
          %dma_start3A_498 = tpu.memref_slice %arg17[%add3A_484, %dma_start3A_497] : memref<80x64xf32, #tpu.memory_space<vmem>> -> memref<1x64xf32, #tpu.memory_space<vmem>>
          %dma_start3A_499 = arith.constant 0 : i32
          %dma_start3A_500 = tpu.memref_slice %arg3[%squeeze3A_496, %dma_start3A_499] : memref<100000x64xf32, #tpu.memory_space<hbm>> -> memref<1x64xf32, #tpu.memory_space<hbm>>
          %dma_start3A_501 = arith.constant 0 : i32
          %dma_start3A_502 = tpu.memref_slice %arg17[%add3A_484, %dma_start3A_501] : memref<80x64xf32, #tpu.memory_space<vmem>> -> memref<1x64xf32, #tpu.memory_space<vmem>>
          %dma_start3A_503 = arith.constant 0 : i32
          %dma_start3A_504 = tpu.memref_slice %arg3[%squeeze3A_496, %dma_start3A_503] : memref<100000x64xf32, #tpu.memory_space<hbm>> -> memref<1x64xf32, #tpu.memory_space<hbm>>
          tpu.enqueue_dma source(%dma_start3A_504 : memref<1x64xf32, #tpu.memory_space<hbm>>) target(%dma_start3A_502 : memref<1x64xf32, #tpu.memory_space<vmem>>) target_semaphore(%arg25 : memref<!tpu.dma_semaphore, #tpu.memory_space<semaphore_mem>>)
          %mul3A_505 = arith.constant 16 : i32
          %mul3A_506 = arith.muli %scan3A_116, %mul3A_505 : i32
          %add3A_507 = arith.constant 15 : i32
          %add3A_508 = arith.addi %mul3A_506, %add3A_507 : i32
          %slice3A_509 = vector.extract_strided_slice %get3A_142 {offsets = [15], sizes = [1], strides = [1]} : vector<16xi32> to vector<1xi32>
          %squeeze3A_510 = vector.extract %slice3A_509[0] : i32 from vector<1xi32>
          %dma_start3A_511 = arith.constant 0 : i32
          %dma_start3A_512 = tpu.memref_slice %arg13[%add3A_508, %dma_start3A_511] : memref<80x64xf32, #tpu.memory_space<vmem>> -> memref<1x64xf32, #tpu.memory_space<vmem>>
          %dma_start3A_513 = arith.constant 0 : i32
          %dma_start3A_514 = tpu.memref_slice %arg2[%squeeze3A_510, %dma_start3A_513] : memref<100000x64xf32, #tpu.memory_space<hbm>> -> memref<1x64xf32, #tpu.memory_space<hbm>>
          %dma_start3A_515 = arith.constant 0 : i32
          %dma_start3A_516 = tpu.memref_slice %arg13[%add3A_508, %dma_start3A_515] : memref<80x64xf32, #tpu.memory_space<vmem>> -> memref<1x64xf32, #tpu.memory_space<vmem>>
          %dma_start3A_517 = arith.constant 0 : i32
          %dma_start3A_518 = tpu.memref_slice %arg2[%squeeze3A_510, %dma_start3A_517] : memref<100000x64xf32, #tpu.memory_space<hbm>> -> memref<1x64xf32, #tpu.memory_space<hbm>>
          tpu.enqueue_dma source(%dma_start3A_518 : memref<1x64xf32, #tpu.memory_space<hbm>>) target(%dma_start3A_516 : memref<1x64xf32, #tpu.memory_space<vmem>>) target_semaphore(%arg21 : memref<!tpu.dma_semaphore, #tpu.memory_space<semaphore_mem>>)
          %slice3A_519 = vector.extract_strided_slice %get3A_147 {offsets = [15], sizes = [1], strides = [1]} : vector<16xi32> to vector<1xi32>
          %squeeze3A_520 = vector.extract %slice3A_519[0] : i32 from vector<1xi32>
          %dma_start3A_521 = arith.constant 0 : i32
          %dma_start3A_522 = tpu.memref_slice %arg17[%add3A_508, %dma_start3A_521] : memref<80x64xf32, #tpu.memory_space<vmem>> -> memref<1x64xf32, #tpu.memory_space<vmem>>
          %dma_start3A_523 = arith.constant 0 : i32
          %dma_start3A_524 = tpu.memref_slice %arg3[%squeeze3A_520, %dma_start3A_523] : memref<100000x64xf32, #tpu.memory_space<hbm>> -> memref<1x64xf32, #tpu.memory_space<hbm>>
          %dma_start3A_525 = arith.constant 0 : i32
          %dma_start3A_526 = tpu.memref_slice %arg17[%add3A_508, %dma_start3A_525] : memref<80x64xf32, #tpu.memory_space<vmem>> -> memref<1x64xf32, #tpu.memory_space<vmem>>
          %dma_start3A_527 = arith.constant 0 : i32
          %dma_start3A_528 = tpu.memref_slice %arg3[%squeeze3A_520, %dma_start3A_527] : memref<100000x64xf32, #tpu.memory_space<hbm>> -> memref<1x64xf32, #tpu.memory_space<hbm>>
          tpu.enqueue_dma source(%dma_start3A_528 : memref<1x64xf32, #tpu.memory_space<hbm>>) target(%dma_start3A_526 : memref<1x64xf32, #tpu.memory_space<vmem>>) target_semaphore(%arg25 : memref<!tpu.dma_semaphore, #tpu.memory_space<semaphore_mem>>)
        } else {
        }
        %mul3A_119 = arith.constant 16 : i32
        %mul3A_120 = arith.muli %scan3A_116, %mul3A_119 : i32
        %add3A_121 = vector.broadcast %mul3A_120 : i32 to vector<16xi32>
        %add3A_122 = arith.addi %iota3A, %add3A_121 : vector<16xi32>
        %broadcast_in_dim3A = arith.constant 0.000000e+00 : f32
        %broadcast_in_dim3A_123 = vector.broadcast %broadcast_in_dim3A : f32 to vector<16xf32>
        %scan3A_124 = arith.constant 0 : i32
        %scan3A_125 = arith.constant 8 : i32
        %scan3A_126 = arith.addi %scan3A_124, %scan3A_125 : i32
        %scan3A_127 = arith.constant 1 : i32
        %scan3A_128:4 = scf.for %scan3A_139 = %scan3A_124 to %scan3A_126 step %scan3A_127 iter_args(%scan3A_140 = %broadcast_in_dim3A_123, %scan3A_141 = %broadcast_in_dim3A_123, %scan3A_142 = %broadcast_in_dim3A_123, %scan3A_143 = %broadcast_in_dim3A_123) -> (vector<16xf32>, vector<16xf32>, vector<16xf32>, vector<16xf32>)  : i32 {
          %mul3A_144 = arith.constant 8 : i32
          %mul3A_145 = arith.muli %scan3A_139, %mul3A_144 : i32
          %add3A_146 = vector.broadcast %mul3A_145 : i32 to vector<16xi32>
          %add3A_147 = arith.addi %iota3A, %add3A_146 : vector<16xi32>
          %add3A_148 = arith.constant 0 : i32
          %add3A_149 = vector.broadcast %add3A_148 : i32 to vector<16xi32>
          %add3A_150 = arith.addi %add3A_147, %add3A_149 : vector<16xi32>
          %and3A = arith.constant 63 : i32
          %and3A_151 = vector.broadcast %and3A : i32 to vector<16xi32>
          %and3A_152 = arith.andi %add3A_150, %and3A_151 : vector<16xi32>
          %gather3A = tpu.vector_load_idx %arg11[%add3A_122, %and3A_152] : memref<80x64xf32, #tpu.memory_space<vmem>>[vector<16xi32>, vector<16xi32>], vector<16xf32>,
          %gather3A_153 = tpu.vector_load_idx %arg15[%add3A_122, %and3A_152] : memref<80x64xf32, #tpu.memory_space<vmem>>[vector<16xi32>, vector<16xi32>], vector<16xf32>,
          %mul3A_154 = arith.mulf %gather3A, %gather3A_153 : vector<16xf32>
          %mul3A_155 = arith.constant 8 : i32
          %mul3A_156 = arith.muli %scan3A_139, %mul3A_155 : i32
          %add3A_157 = vector.broadcast %mul3A_156 : i32 to vector<16xi32>
          %add3A_158 = arith.addi %iota3A, %add3A_157 : vector<16xi32>
          %add3A_159 = arith.constant 1 : i32
          %add3A_160 = vector.broadcast %add3A_159 : i32 to vector<16xi32>
          %add3A_161 = arith.addi %add3A_158, %add3A_160 : vector<16xi32>
          %and3A_162 = arith.constant 63 : i32
          %and3A_163 = vector.broadcast %and3A_162 : i32 to vector<16xi32>
          %and3A_164 = arith.andi %add3A_161, %and3A_163 : vector<16xi32>
          %gather3A_165 = tpu.vector_load_idx %arg11[%add3A_122, %and3A_164] : memref<80x64xf32, #tpu.memory_space<vmem>>[vector<16xi32>, vector<16xi32>], vector<16xf32>,
          %gather3A_166 = tpu.vector_load_idx %arg15[%add3A_122, %and3A_164] : memref<80x64xf32, #tpu.memory_space<vmem>>[vector<16xi32>, vector<16xi32>], vector<16xf32>,
          %mul3A_167 = arith.mulf %gather3A_165, %gather3A_166 : vector<16xf32>
          %mul3A_168 = arith.constant 8 : i32
          %mul3A_169 = arith.muli %scan3A_139, %mul3A_168 : i32
          %add3A_170 = vector.broadcast %mul3A_169 : i32 to vector<16xi32>
          %add3A_171 = arith.addi %iota3A, %add3A_170 : vector<16xi32>
          %add3A_172 = arith.constant 2 : i32
          %add3A_173 = vector.broadcast %add3A_172 : i32 to vector<16xi32>
          %add3A_174 = arith.addi %add3A_171, %add3A_173 : vector<16xi32>
          %and3A_175 = arith.constant 63 : i32
          %and3A_176 = vector.broadcast %and3A_175 : i32 to vector<16xi32>
          %and3A_177 = arith.andi %add3A_174, %and3A_176 : vector<16xi32>
          %gather3A_178 = tpu.vector_load_idx %arg11[%add3A_122, %and3A_177] : memref<80x64xf32, #tpu.memory_space<vmem>>[vector<16xi32>, vector<16xi32>], vector<16xf32>,
          %gather3A_179 = tpu.vector_load_idx %arg15[%add3A_122, %and3A_177] : memref<80x64xf32, #tpu.memory_space<vmem>>[vector<16xi32>, vector<16xi32>], vector<16xf32>,
          %mul3A_180 = arith.mulf %gather3A_178, %gather3A_179 : vector<16xf32>
          %mul3A_181 = arith.constant 8 : i32
          %mul3A_182 = arith.muli %scan3A_139, %mul3A_181 : i32
          %add3A_183 = vector.broadcast %mul3A_182 : i32 to vector<16xi32>
          %add3A_184 = arith.addi %iota3A, %add3A_183 : vector<16xi32>
          %add3A_185 = arith.constant 3 : i32
          %add3A_186 = vector.broadcast %add3A_185 : i32 to vector<16xi32>
          %add3A_187 = arith.addi %add3A_184, %add3A_186 : vector<16xi32>
          %and3A_188 = arith.constant 63 : i32
          %and3A_189 = vector.broadcast %and3A_188 : i32 to vector<16xi32>
          %and3A_190 = arith.andi %add3A_187, %and3A_189 : vector<16xi32>
          %gather3A_191 = tpu.vector_load_idx %arg11[%add3A_122, %and3A_190] : memref<80x64xf32, #tpu.memory_space<vmem>>[vector<16xi32>, vector<16xi32>], vector<16xf32>,
          %gather3A_192 = tpu.vector_load_idx %arg15[%add3A_122, %and3A_190] : memref<80x64xf32, #tpu.memory_space<vmem>>[vector<16xi32>, vector<16xi32>], vector<16xf32>,
          %mul3A_193 = arith.mulf %gather3A_191, %gather3A_192 : vector<16xf32>
          %mul3A_194 = arith.constant 8 : i32
          %mul3A_195 = arith.muli %scan3A_139, %mul3A_194 : i32
          %add3A_196 = vector.broadcast %mul3A_195 : i32 to vector<16xi32>
          %add3A_197 = arith.addi %iota3A, %add3A_196 : vector<16xi32>
          %add3A_198 = arith.constant 4 : i32
          %add3A_199 = vector.broadcast %add3A_198 : i32 to vector<16xi32>
          %add3A_200 = arith.addi %add3A_197, %add3A_199 : vector<16xi32>
          %and3A_201 = arith.constant 63 : i32
          %and3A_202 = vector.broadcast %and3A_201 : i32 to vector<16xi32>
          %and3A_203 = arith.andi %add3A_200, %and3A_202 : vector<16xi32>
          %gather3A_204 = tpu.vector_load_idx %arg11[%add3A_122, %and3A_203] : memref<80x64xf32, #tpu.memory_space<vmem>>[vector<16xi32>, vector<16xi32>], vector<16xf32>,
          %gather3A_205 = tpu.vector_load_idx %arg15[%add3A_122, %and3A_203] : memref<80x64xf32, #tpu.memory_space<vmem>>[vector<16xi32>, vector<16xi32>], vector<16xf32>,
          %mul3A_206 = arith.mulf %gather3A_204, %gather3A_205 : vector<16xf32>
          %mul3A_207 = arith.constant 8 : i32
          %mul3A_208 = arith.muli %scan3A_139, %mul3A_207 : i32
          %add3A_209 = vector.broadcast %mul3A_208 : i32 to vector<16xi32>
          %add3A_210 = arith.addi %iota3A, %add3A_209 : vector<16xi32>
          %add3A_211 = arith.constant 5 : i32
          %add3A_212 = vector.broadcast %add3A_211 : i32 to vector<16xi32>
          %add3A_213 = arith.addi %add3A_210, %add3A_212 : vector<16xi32>
          %and3A_214 = arith.constant 63 : i32
          %and3A_215 = vector.broadcast %and3A_214 : i32 to vector<16xi32>
          %and3A_216 = arith.andi %add3A_213, %and3A_215 : vector<16xi32>
          %gather3A_217 = tpu.vector_load_idx %arg11[%add3A_122, %and3A_216] : memref<80x64xf32, #tpu.memory_space<vmem>>[vector<16xi32>, vector<16xi32>], vector<16xf32>,
          %gather3A_218 = tpu.vector_load_idx %arg15[%add3A_122, %and3A_216] : memref<80x64xf32, #tpu.memory_space<vmem>>[vector<16xi32>, vector<16xi32>], vector<16xf32>,
          %mul3A_219 = arith.mulf %gather3A_217, %gather3A_218 : vector<16xf32>
          %mul3A_220 = arith.constant 8 : i32
          %mul3A_221 = arith.muli %scan3A_139, %mul3A_220 : i32
          %add3A_222 = vector.broadcast %mul3A_221 : i32 to vector<16xi32>
          %add3A_223 = arith.addi %iota3A, %add3A_222 : vector<16xi32>
          %add3A_224 = arith.constant 6 : i32
          %add3A_225 = vector.broadcast %add3A_224 : i32 to vector<16xi32>
          %add3A_226 = arith.addi %add3A_223, %add3A_225 : vector<16xi32>
          %and3A_227 = arith.constant 63 : i32
          %and3A_228 = vector.broadcast %and3A_227 : i32 to vector<16xi32>
          %and3A_229 = arith.andi %add3A_226, %and3A_228 : vector<16xi32>
          %gather3A_230 = tpu.vector_load_idx %arg11[%add3A_122, %and3A_229] : memref<80x64xf32, #tpu.memory_space<vmem>>[vector<16xi32>, vector<16xi32>], vector<16xf32>,
          %gather3A_231 = tpu.vector_load_idx %arg15[%add3A_122, %and3A_229] : memref<80x64xf32, #tpu.memory_space<vmem>>[vector<16xi32>, vector<16xi32>], vector<16xf32>,
          %mul3A_232 = arith.mulf %gather3A_230, %gather3A_231 : vector<16xf32>
          %mul3A_233 = arith.constant 8 : i32
          %mul3A_234 = arith.muli %scan3A_139, %mul3A_233 : i32
          %add3A_235 = vector.broadcast %mul3A_234 : i32 to vector<16xi32>
          %add3A_236 = arith.addi %iota3A, %add3A_235 : vector<16xi32>
          %add3A_237 = arith.constant 7 : i32
          %add3A_238 = vector.broadcast %add3A_237 : i32 to vector<16xi32>
          %add3A_239 = arith.addi %add3A_236, %add3A_238 : vector<16xi32>
          %and3A_240 = arith.constant 63 : i32
          %and3A_241 = vector.broadcast %and3A_240 : i32 to vector<16xi32>
          %and3A_242 = arith.andi %add3A_239, %and3A_241 : vector<16xi32>
          %gather3A_243 = tpu.vector_load_idx %arg11[%add3A_122, %and3A_242] : memref<80x64xf32, #tpu.memory_space<vmem>>[vector<16xi32>, vector<16xi32>], vector<16xf32>,
          %gather3A_244 = tpu.vector_load_idx %arg15[%add3A_122, %and3A_242] : memref<80x64xf32, #tpu.memory_space<vmem>>[vector<16xi32>, vector<16xi32>], vector<16xf32>,
          %mul3A_245 = arith.mulf %gather3A_243, %gather3A_244 : vector<16xf32>
          %add3A_246 = arith.addf %scan3A_140, %mul3A_154 : vector<16xf32>
          %add3A_247 = arith.addf %add3A_246, %mul3A_167 : vector<16xf32>
          %add3A_248 = arith.addf %scan3A_141, %mul3A_180 : vector<16xf32>
          %add3A_249 = arith.addf %add3A_248, %mul3A_193 : vector<16xf32>
          %add3A_250 = arith.addf %scan3A_142, %mul3A_206 : vector<16xf32>
          %add3A_251 = arith.addf %add3A_250, %mul3A_219 : vector<16xf32>
          %add3A_252 = arith.addf %scan3A_143, %mul3A_232 : vector<16xf32>
          %add3A_253 = arith.addf %add3A_252, %mul3A_245 : vector<16xf32>
          scf.yield %add3A_247, %add3A_249, %add3A_251, %add3A_253 : vector<16xf32>, vector<16xf32>, vector<16xf32>, vector<16xf32>
        }
        %scan3A_129 = arith.constant 8 : i32
        %add3A_130 = arith.addf %scan3A_128#0, %scan3A_128#1 : vector<16xf32>
        %add3A_131 = arith.addf %scan3A_128#2, %scan3A_128#3 : vector<16xf32>
        %add3A_132 = arith.addf %add3A_130, %add3A_131 : vector<16xf32>
        %mul3A_133 = arith.constant 80 : i32
        %mul3A_134 = arith.muli %add3A_47, %mul3A_133 : i32
        %mul3A_135 = arith.constant 16 : i32
        %mul3A_136 = arith.muli %scan3A_116, %mul3A_135 : i32
        %add3A_137 = arith.addi %mul3A_134, %mul3A_136 : i32
        %swap3A = arith.index_cast %add3A_137 : i32 to index
        %swap3A_138 = tpu.vector_load %arg9[%swap3A] {strides = array<i32>} : memref<2560xf32, #tpu.memory_space<vmem>>, vector<16xf32>,
        tpu.vector_store %arg9[%swap3A], %add3A_132 {strides = array<i32>} : memref<2560xf32, #tpu.memory_space<vmem>>, vector<16xf32>,
      }
      %scan3A_67 = arith.constant 5 : i32
      %mul3A_68 = arith.constant 4 : i32
      %mul3A_69 = arith.muli %scan3A_20, %mul3A_68 : i32
      %add3A_70 = arith.constant 2 : i32
      %add3A_71 = arith.addi %mul3A_69, %add3A_70 : i32
      %dma_wait3A_72 = arith.constant 0 : i32
      %dma_wait3A_73 = arith.constant 0 : i32
      %dma_wait3A_74 = tpu.memref_slice %arg2[%dma_wait3A_72, %dma_wait3A_73] : memref<100000x64xf32, #tpu.memory_space<hbm>> -> memref<80x64xf32, #tpu.memory_space<hbm>>
      %dma_wait3A_75 = arith.constant 0 : i32
      %dma_wait3A_76 = arith.constant 0 : i32
      %dma_wait3A_77 = tpu.memref_slice %arg2[%dma_wait3A_75, %dma_wait3A_76] : memref<100000x64xf32, #tpu.memory_space<hbm>> -> memref<80x64xf32, #tpu.memory_space<hbm>>
      tpu.wait_dma2 semaphore(%arg20 : memref<!tpu.dma_semaphore, #tpu.memory_space<semaphore_mem>>) src(%dma_wait3A_77 : memref<80x64xf32, #tpu.memory_space<hbm>>) dst(%arg12 : memref<80x64xf32, #tpu.memory_space<vmem>>)
      %dma_wait3A_78 = arith.constant 0 : i32
      %dma_wait3A_79 = arith.constant 0 : i32
      %dma_wait3A_80 = tpu.memref_slice %arg3[%dma_wait3A_78, %dma_wait3A_79] : memref<100000x64xf32, #tpu.memory_space<hbm>> -> memref<80x64xf32, #tpu.memory_space<hbm>>
      %dma_wait3A_81 = arith.constant 0 : i32
      %dma_wait3A_82 = arith.constant 0 : i32
      %dma_wait3A_83 = tpu.memref_slice %arg3[%dma_wait3A_81, %dma_wait3A_82] : memref<100000x64xf32, #tpu.memory_space<hbm>> -> memref<80x64xf32, #tpu.memory_space<hbm>>
      tpu.wait_dma2 semaphore(%arg24 : memref<!tpu.dma_semaphore, #tpu.memory_space<semaphore_mem>>) src(%dma_wait3A_83 : memref<80x64xf32, #tpu.memory_space<hbm>>) dst(%arg16 : memref<80x64xf32, #tpu.memory_space<vmem>>)
      %add3A_84 = arith.constant 2 : i32
      %add3A_85 = arith.addi %add3A_71, %add3A_84 : i32
      %scan3A_86 = arith.constant 0 : i32
      %scan3A_87 = arith.constant 0 : i32
      %scan3A_88 = arith.constant 5 : i32
      %scan3A_89 = arith.addi %scan3A_87, %scan3A_88 : i32
      %scan3A_90 = arith.constant 1 : i32
      scf.for %scan3A_116 = %scan3A_87 to %scan3A_89 step %scan3A_90  : i32 {
        %lt3A = arith.constant 32 : i32
        %lt3A_117 = arith.cmpi slt, %add3A_85, %lt3A : i32
        %convert_element_type3A = arith.extui %lt3A_117 : i1 to i32
        %cond3A = arith.constant 0 : i32
        %cond3A_118 = arith.cmpi ne, %convert_element_type3A, %cond3A : i32
        scf.if %cond3A_118 {
          %mul3A_139 = arith.constant 16 : i32
          %mul3A_140 = arith.muli %scan3A_116, %mul3A_139 : i32
          %get3A = arith.index_cast %add3A_85 : i32 to index
          %get3A_141 = arith.index_cast %mul3A_140 : i32 to index
          %get3A_142 = tpu.vector_load %arg7[%get3A, %get3A_141] {strides = array<i32>} : memref<32x80xi32, #tpu.memory_space<vmem>>, vector<16xi32>,
          %mul3A_143 = arith.constant 16 : i32
          %mul3A_144 = arith.muli %scan3A_116, %mul3A_143 : i32
          %get3A_145 = arith.index_cast %add3A_85 : i32 to index
          %get3A_146 = arith.index_cast %mul3A_144 : i32 to index
          %get3A_147 = tpu.vector_load %arg8[%get3A_145, %get3A_146] {strides = array<i32>} : memref<32x80xi32, #tpu.memory_space<vmem>>, vector<16xi32>,
          %mul3A_148 = arith.constant 16 : i32
          %mul3A_149 = arith.muli %scan3A_116, %mul3A_148 : i32
          %add3A_150 = arith.constant 0 : i32
          %add3A_151 = arith.addi %mul3A_149, %add3A_150 : i32
          %slice3A = vector.extract_strided_slice %get3A_142 {offsets = [0], sizes = [1], strides = [1]} : vector<16xi32> to vector<1xi32>
          %squeeze3A = vector.extract %slice3A[0] : i32 from vector<1xi32>
          %dma_start3A = arith.constant 0 : i32
          %dma_start3A_152 = tpu.memref_slice %arg10[%add3A_151, %dma_start3A] : memref<80x64xf32, #tpu.memory_space<vmem>> -> memref<1x64xf32, #tpu.memory_space<vmem>>
          %dma_start3A_153 = arith.constant 0 : i32
          %dma_start3A_154 = tpu.memref_slice %arg2[%squeeze3A, %dma_start3A_153] : memref<100000x64xf32, #tpu.memory_space<hbm>> -> memref<1x64xf32, #tpu.memory_space<hbm>>
          %dma_start3A_155 = arith.constant 0 : i32
          %dma_start3A_156 = tpu.memref_slice %arg10[%add3A_151, %dma_start3A_155] : memref<80x64xf32, #tpu.memory_space<vmem>> -> memref<1x64xf32, #tpu.memory_space<vmem>>
          %dma_start3A_157 = arith.constant 0 : i32
          %dma_start3A_158 = tpu.memref_slice %arg2[%squeeze3A, %dma_start3A_157] : memref<100000x64xf32, #tpu.memory_space<hbm>> -> memref<1x64xf32, #tpu.memory_space<hbm>>
          tpu.enqueue_dma source(%dma_start3A_158 : memref<1x64xf32, #tpu.memory_space<hbm>>) target(%dma_start3A_156 : memref<1x64xf32, #tpu.memory_space<vmem>>) target_semaphore(%arg18 : memref<!tpu.dma_semaphore, #tpu.memory_space<semaphore_mem>>)
          %slice3A_159 = vector.extract_strided_slice %get3A_147 {offsets = [0], sizes = [1], strides = [1]} : vector<16xi32> to vector<1xi32>
          %squeeze3A_160 = vector.extract %slice3A_159[0] : i32 from vector<1xi32>
          %dma_start3A_161 = arith.constant 0 : i32
          %dma_start3A_162 = tpu.memref_slice %arg14[%add3A_151, %dma_start3A_161] : memref<80x64xf32, #tpu.memory_space<vmem>> -> memref<1x64xf32, #tpu.memory_space<vmem>>
          %dma_start3A_163 = arith.constant 0 : i32
          %dma_start3A_164 = tpu.memref_slice %arg3[%squeeze3A_160, %dma_start3A_163] : memref<100000x64xf32, #tpu.memory_space<hbm>> -> memref<1x64xf32, #tpu.memory_space<hbm>>
          %dma_start3A_165 = arith.constant 0 : i32
          %dma_start3A_166 = tpu.memref_slice %arg14[%add3A_151, %dma_start3A_165] : memref<80x64xf32, #tpu.memory_space<vmem>> -> memref<1x64xf32, #tpu.memory_space<vmem>>
          %dma_start3A_167 = arith.constant 0 : i32
          %dma_start3A_168 = tpu.memref_slice %arg3[%squeeze3A_160, %dma_start3A_167] : memref<100000x64xf32, #tpu.memory_space<hbm>> -> memref<1x64xf32, #tpu.memory_space<hbm>>
          tpu.enqueue_dma source(%dma_start3A_168 : memref<1x64xf32, #tpu.memory_space<hbm>>) target(%dma_start3A_166 : memref<1x64xf32, #tpu.memory_space<vmem>>) target_semaphore(%arg22 : memref<!tpu.dma_semaphore, #tpu.memory_space<semaphore_mem>>)
          %mul3A_169 = arith.constant 16 : i32
          %mul3A_170 = arith.muli %scan3A_116, %mul3A_169 : i32
          %add3A_171 = arith.constant 1 : i32
          %add3A_172 = arith.addi %mul3A_170, %add3A_171 : i32
          %slice3A_173 = vector.extract_strided_slice %get3A_142 {offsets = [1], sizes = [1], strides = [1]} : vector<16xi32> to vector<1xi32>
          %squeeze3A_174 = vector.extract %slice3A_173[0] : i32 from vector<1xi32>
          %dma_start3A_175 = arith.constant 0 : i32
          %dma_start3A_176 = tpu.memref_slice %arg10[%add3A_172, %dma_start3A_175] : memref<80x64xf32, #tpu.memory_space<vmem>> -> memref<1x64xf32, #tpu.memory_space<vmem>>
          %dma_start3A_177 = arith.constant 0 : i32
          %dma_start3A_178 = tpu.memref_slice %arg2[%squeeze3A_174, %dma_start3A_177] : memref<100000x64xf32, #tpu.memory_space<hbm>> -> memref<1x64xf32, #tpu.memory_space<hbm>>
          %dma_start3A_179 = arith.constant 0 : i32
          %dma_start3A_180 = tpu.memref_slice %arg10[%add3A_172, %dma_start3A_179] : memref<80x64xf32, #tpu.memory_space<vmem>> -> memref<1x64xf32, #tpu.memory_space<vmem>>
          %dma_start3A_181 = arith.constant 0 : i32
          %dma_start3A_182 = tpu.memref_slice %arg2[%squeeze3A_174, %dma_start3A_181] : memref<100000x64xf32, #tpu.memory_space<hbm>> -> memref<1x64xf32, #tpu.memory_space<hbm>>
          tpu.enqueue_dma source(%dma_start3A_182 : memref<1x64xf32, #tpu.memory_space<hbm>>) target(%dma_start3A_180 : memref<1x64xf32, #tpu.memory_space<vmem>>) target_semaphore(%arg18 : memref<!tpu.dma_semaphore, #tpu.memory_space<semaphore_mem>>)
          %slice3A_183 = vector.extract_strided_slice %get3A_147 {offsets = [1], sizes = [1], strides = [1]} : vector<16xi32> to vector<1xi32>
          %squeeze3A_184 = vector.extract %slice3A_183[0] : i32 from vector<1xi32>
          %dma_start3A_185 = arith.constant 0 : i32
          %dma_start3A_186 = tpu.memref_slice %arg14[%add3A_172, %dma_start3A_185] : memref<80x64xf32, #tpu.memory_space<vmem>> -> memref<1x64xf32, #tpu.memory_space<vmem>>
          %dma_start3A_187 = arith.constant 0 : i32
          %dma_start3A_188 = tpu.memref_slice %arg3[%squeeze3A_184, %dma_start3A_187] : memref<100000x64xf32, #tpu.memory_space<hbm>> -> memref<1x64xf32, #tpu.memory_space<hbm>>
          %dma_start3A_189 = arith.constant 0 : i32
          %dma_start3A_190 = tpu.memref_slice %arg14[%add3A_172, %dma_start3A_189] : memref<80x64xf32, #tpu.memory_space<vmem>> -> memref<1x64xf32, #tpu.memory_space<vmem>>
          %dma_start3A_191 = arith.constant 0 : i32
          %dma_start3A_192 = tpu.memref_slice %arg3[%squeeze3A_184, %dma_start3A_191] : memref<100000x64xf32, #tpu.memory_space<hbm>> -> memref<1x64xf32, #tpu.memory_space<hbm>>
          tpu.enqueue_dma source(%dma_start3A_192 : memref<1x64xf32, #tpu.memory_space<hbm>>) target(%dma_start3A_190 : memref<1x64xf32, #tpu.memory_space<vmem>>) target_semaphore(%arg22 : memref<!tpu.dma_semaphore, #tpu.memory_space<semaphore_mem>>)
          %mul3A_193 = arith.constant 16 : i32
          %mul3A_194 = arith.muli %scan3A_116, %mul3A_193 : i32
          %add3A_195 = arith.constant 2 : i32
          %add3A_196 = arith.addi %mul3A_194, %add3A_195 : i32
          %slice3A_197 = vector.extract_strided_slice %get3A_142 {offsets = [2], sizes = [1], strides = [1]} : vector<16xi32> to vector<1xi32>
          %squeeze3A_198 = vector.extract %slice3A_197[0] : i32 from vector<1xi32>
          %dma_start3A_199 = arith.constant 0 : i32
          %dma_start3A_200 = tpu.memref_slice %arg10[%add3A_196, %dma_start3A_199] : memref<80x64xf32, #tpu.memory_space<vmem>> -> memref<1x64xf32, #tpu.memory_space<vmem>>
          %dma_start3A_201 = arith.constant 0 : i32
          %dma_start3A_202 = tpu.memref_slice %arg2[%squeeze3A_198, %dma_start3A_201] : memref<100000x64xf32, #tpu.memory_space<hbm>> -> memref<1x64xf32, #tpu.memory_space<hbm>>
          %dma_start3A_203 = arith.constant 0 : i32
          %dma_start3A_204 = tpu.memref_slice %arg10[%add3A_196, %dma_start3A_203] : memref<80x64xf32, #tpu.memory_space<vmem>> -> memref<1x64xf32, #tpu.memory_space<vmem>>
          %dma_start3A_205 = arith.constant 0 : i32
          %dma_start3A_206 = tpu.memref_slice %arg2[%squeeze3A_198, %dma_start3A_205] : memref<100000x64xf32, #tpu.memory_space<hbm>> -> memref<1x64xf32, #tpu.memory_space<hbm>>
          tpu.enqueue_dma source(%dma_start3A_206 : memref<1x64xf32, #tpu.memory_space<hbm>>) target(%dma_start3A_204 : memref<1x64xf32, #tpu.memory_space<vmem>>) target_semaphore(%arg18 : memref<!tpu.dma_semaphore, #tpu.memory_space<semaphore_mem>>)
          %slice3A_207 = vector.extract_strided_slice %get3A_147 {offsets = [2], sizes = [1], strides = [1]} : vector<16xi32> to vector<1xi32>
          %squeeze3A_208 = vector.extract %slice3A_207[0] : i32 from vector<1xi32>
          %dma_start3A_209 = arith.constant 0 : i32
          %dma_start3A_210 = tpu.memref_slice %arg14[%add3A_196, %dma_start3A_209] : memref<80x64xf32, #tpu.memory_space<vmem>> -> memref<1x64xf32, #tpu.memory_space<vmem>>
          %dma_start3A_211 = arith.constant 0 : i32
          %dma_start3A_212 = tpu.memref_slice %arg3[%squeeze3A_208, %dma_start3A_211] : memref<100000x64xf32, #tpu.memory_space<hbm>> -> memref<1x64xf32, #tpu.memory_space<hbm>>
          %dma_start3A_213 = arith.constant 0 : i32
          %dma_start3A_214 = tpu.memref_slice %arg14[%add3A_196, %dma_start3A_213] : memref<80x64xf32, #tpu.memory_space<vmem>> -> memref<1x64xf32, #tpu.memory_space<vmem>>
          %dma_start3A_215 = arith.constant 0 : i32
          %dma_start3A_216 = tpu.memref_slice %arg3[%squeeze3A_208, %dma_start3A_215] : memref<100000x64xf32, #tpu.memory_space<hbm>> -> memref<1x64xf32, #tpu.memory_space<hbm>>
          tpu.enqueue_dma source(%dma_start3A_216 : memref<1x64xf32, #tpu.memory_space<hbm>>) target(%dma_start3A_214 : memref<1x64xf32, #tpu.memory_space<vmem>>) target_semaphore(%arg22 : memref<!tpu.dma_semaphore, #tpu.memory_space<semaphore_mem>>)
          %mul3A_217 = arith.constant 16 : i32
          %mul3A_218 = arith.muli %scan3A_116, %mul3A_217 : i32
          %add3A_219 = arith.constant 3 : i32
          %add3A_220 = arith.addi %mul3A_218, %add3A_219 : i32
          %slice3A_221 = vector.extract_strided_slice %get3A_142 {offsets = [3], sizes = [1], strides = [1]} : vector<16xi32> to vector<1xi32>
          %squeeze3A_222 = vector.extract %slice3A_221[0] : i32 from vector<1xi32>
          %dma_start3A_223 = arith.constant 0 : i32
          %dma_start3A_224 = tpu.memref_slice %arg10[%add3A_220, %dma_start3A_223] : memref<80x64xf32, #tpu.memory_space<vmem>> -> memref<1x64xf32, #tpu.memory_space<vmem>>
          %dma_start3A_225 = arith.constant 0 : i32
          %dma_start3A_226 = tpu.memref_slice %arg2[%squeeze3A_222, %dma_start3A_225] : memref<100000x64xf32, #tpu.memory_space<hbm>> -> memref<1x64xf32, #tpu.memory_space<hbm>>
          %dma_start3A_227 = arith.constant 0 : i32
          %dma_start3A_228 = tpu.memref_slice %arg10[%add3A_220, %dma_start3A_227] : memref<80x64xf32, #tpu.memory_space<vmem>> -> memref<1x64xf32, #tpu.memory_space<vmem>>
          %dma_start3A_229 = arith.constant 0 : i32
          %dma_start3A_230 = tpu.memref_slice %arg2[%squeeze3A_222, %dma_start3A_229] : memref<100000x64xf32, #tpu.memory_space<hbm>> -> memref<1x64xf32, #tpu.memory_space<hbm>>
          tpu.enqueue_dma source(%dma_start3A_230 : memref<1x64xf32, #tpu.memory_space<hbm>>) target(%dma_start3A_228 : memref<1x64xf32, #tpu.memory_space<vmem>>) target_semaphore(%arg18 : memref<!tpu.dma_semaphore, #tpu.memory_space<semaphore_mem>>)
          %slice3A_231 = vector.extract_strided_slice %get3A_147 {offsets = [3], sizes = [1], strides = [1]} : vector<16xi32> to vector<1xi32>
          %squeeze3A_232 = vector.extract %slice3A_231[0] : i32 from vector<1xi32>
          %dma_start3A_233 = arith.constant 0 : i32
          %dma_start3A_234 = tpu.memref_slice %arg14[%add3A_220, %dma_start3A_233] : memref<80x64xf32, #tpu.memory_space<vmem>> -> memref<1x64xf32, #tpu.memory_space<vmem>>
          %dma_start3A_235 = arith.constant 0 : i32
          %dma_start3A_236 = tpu.memref_slice %arg3[%squeeze3A_232, %dma_start3A_235] : memref<100000x64xf32, #tpu.memory_space<hbm>> -> memref<1x64xf32, #tpu.memory_space<hbm>>
          %dma_start3A_237 = arith.constant 0 : i32
          %dma_start3A_238 = tpu.memref_slice %arg14[%add3A_220, %dma_start3A_237] : memref<80x64xf32, #tpu.memory_space<vmem>> -> memref<1x64xf32, #tpu.memory_space<vmem>>
          %dma_start3A_239 = arith.constant 0 : i32
          %dma_start3A_240 = tpu.memref_slice %arg3[%squeeze3A_232, %dma_start3A_239] : memref<100000x64xf32, #tpu.memory_space<hbm>> -> memref<1x64xf32, #tpu.memory_space<hbm>>
          tpu.enqueue_dma source(%dma_start3A_240 : memref<1x64xf32, #tpu.memory_space<hbm>>) target(%dma_start3A_238 : memref<1x64xf32, #tpu.memory_space<vmem>>) target_semaphore(%arg22 : memref<!tpu.dma_semaphore, #tpu.memory_space<semaphore_mem>>)
          %mul3A_241 = arith.constant 16 : i32
          %mul3A_242 = arith.muli %scan3A_116, %mul3A_241 : i32
          %add3A_243 = arith.constant 4 : i32
          %add3A_244 = arith.addi %mul3A_242, %add3A_243 : i32
          %slice3A_245 = vector.extract_strided_slice %get3A_142 {offsets = [4], sizes = [1], strides = [1]} : vector<16xi32> to vector<1xi32>
          %squeeze3A_246 = vector.extract %slice3A_245[0] : i32 from vector<1xi32>
          %dma_start3A_247 = arith.constant 0 : i32
          %dma_start3A_248 = tpu.memref_slice %arg10[%add3A_244, %dma_start3A_247] : memref<80x64xf32, #tpu.memory_space<vmem>> -> memref<1x64xf32, #tpu.memory_space<vmem>>
          %dma_start3A_249 = arith.constant 0 : i32
          %dma_start3A_250 = tpu.memref_slice %arg2[%squeeze3A_246, %dma_start3A_249] : memref<100000x64xf32, #tpu.memory_space<hbm>> -> memref<1x64xf32, #tpu.memory_space<hbm>>
          %dma_start3A_251 = arith.constant 0 : i32
          %dma_start3A_252 = tpu.memref_slice %arg10[%add3A_244, %dma_start3A_251] : memref<80x64xf32, #tpu.memory_space<vmem>> -> memref<1x64xf32, #tpu.memory_space<vmem>>
          %dma_start3A_253 = arith.constant 0 : i32
          %dma_start3A_254 = tpu.memref_slice %arg2[%squeeze3A_246, %dma_start3A_253] : memref<100000x64xf32, #tpu.memory_space<hbm>> -> memref<1x64xf32, #tpu.memory_space<hbm>>
          tpu.enqueue_dma source(%dma_start3A_254 : memref<1x64xf32, #tpu.memory_space<hbm>>) target(%dma_start3A_252 : memref<1x64xf32, #tpu.memory_space<vmem>>) target_semaphore(%arg18 : memref<!tpu.dma_semaphore, #tpu.memory_space<semaphore_mem>>)
          %slice3A_255 = vector.extract_strided_slice %get3A_147 {offsets = [4], sizes = [1], strides = [1]} : vector<16xi32> to vector<1xi32>
          %squeeze3A_256 = vector.extract %slice3A_255[0] : i32 from vector<1xi32>
          %dma_start3A_257 = arith.constant 0 : i32
          %dma_start3A_258 = tpu.memref_slice %arg14[%add3A_244, %dma_start3A_257] : memref<80x64xf32, #tpu.memory_space<vmem>> -> memref<1x64xf32, #tpu.memory_space<vmem>>
          %dma_start3A_259 = arith.constant 0 : i32
          %dma_start3A_260 = tpu.memref_slice %arg3[%squeeze3A_256, %dma_start3A_259] : memref<100000x64xf32, #tpu.memory_space<hbm>> -> memref<1x64xf32, #tpu.memory_space<hbm>>
          %dma_start3A_261 = arith.constant 0 : i32
          %dma_start3A_262 = tpu.memref_slice %arg14[%add3A_244, %dma_start3A_261] : memref<80x64xf32, #tpu.memory_space<vmem>> -> memref<1x64xf32, #tpu.memory_space<vmem>>
          %dma_start3A_263 = arith.constant 0 : i32
          %dma_start3A_264 = tpu.memref_slice %arg3[%squeeze3A_256, %dma_start3A_263] : memref<100000x64xf32, #tpu.memory_space<hbm>> -> memref<1x64xf32, #tpu.memory_space<hbm>>
          tpu.enqueue_dma source(%dma_start3A_264 : memref<1x64xf32, #tpu.memory_space<hbm>>) target(%dma_start3A_262 : memref<1x64xf32, #tpu.memory_space<vmem>>) target_semaphore(%arg22 : memref<!tpu.dma_semaphore, #tpu.memory_space<semaphore_mem>>)
          %mul3A_265 = arith.constant 16 : i32
          %mul3A_266 = arith.muli %scan3A_116, %mul3A_265 : i32
          %add3A_267 = arith.constant 5 : i32
          %add3A_268 = arith.addi %mul3A_266, %add3A_267 : i32
          %slice3A_269 = vector.extract_strided_slice %get3A_142 {offsets = [5], sizes = [1], strides = [1]} : vector<16xi32> to vector<1xi32>
          %squeeze3A_270 = vector.extract %slice3A_269[0] : i32 from vector<1xi32>
          %dma_start3A_271 = arith.constant 0 : i32
          %dma_start3A_272 = tpu.memref_slice %arg10[%add3A_268, %dma_start3A_271] : memref<80x64xf32, #tpu.memory_space<vmem>> -> memref<1x64xf32, #tpu.memory_space<vmem>>
          %dma_start3A_273 = arith.constant 0 : i32
          %dma_start3A_274 = tpu.memref_slice %arg2[%squeeze3A_270, %dma_start3A_273] : memref<100000x64xf32, #tpu.memory_space<hbm>> -> memref<1x64xf32, #tpu.memory_space<hbm>>
          %dma_start3A_275 = arith.constant 0 : i32
          %dma_start3A_276 = tpu.memref_slice %arg10[%add3A_268, %dma_start3A_275] : memref<80x64xf32, #tpu.memory_space<vmem>> -> memref<1x64xf32, #tpu.memory_space<vmem>>
          %dma_start3A_277 = arith.constant 0 : i32
          %dma_start3A_278 = tpu.memref_slice %arg2[%squeeze3A_270, %dma_start3A_277] : memref<100000x64xf32, #tpu.memory_space<hbm>> -> memref<1x64xf32, #tpu.memory_space<hbm>>
          tpu.enqueue_dma source(%dma_start3A_278 : memref<1x64xf32, #tpu.memory_space<hbm>>) target(%dma_start3A_276 : memref<1x64xf32, #tpu.memory_space<vmem>>) target_semaphore(%arg18 : memref<!tpu.dma_semaphore, #tpu.memory_space<semaphore_mem>>)
          %slice3A_279 = vector.extract_strided_slice %get3A_147 {offsets = [5], sizes = [1], strides = [1]} : vector<16xi32> to vector<1xi32>
          %squeeze3A_280 = vector.extract %slice3A_279[0] : i32 from vector<1xi32>
          %dma_start3A_281 = arith.constant 0 : i32
          %dma_start3A_282 = tpu.memref_slice %arg14[%add3A_268, %dma_start3A_281] : memref<80x64xf32, #tpu.memory_space<vmem>> -> memref<1x64xf32, #tpu.memory_space<vmem>>
          %dma_start3A_283 = arith.constant 0 : i32
          %dma_start3A_284 = tpu.memref_slice %arg3[%squeeze3A_280, %dma_start3A_283] : memref<100000x64xf32, #tpu.memory_space<hbm>> -> memref<1x64xf32, #tpu.memory_space<hbm>>
          %dma_start3A_285 = arith.constant 0 : i32
          %dma_start3A_286 = tpu.memref_slice %arg14[%add3A_268, %dma_start3A_285] : memref<80x64xf32, #tpu.memory_space<vmem>> -> memref<1x64xf32, #tpu.memory_space<vmem>>
          %dma_start3A_287 = arith.constant 0 : i32
          %dma_start3A_288 = tpu.memref_slice %arg3[%squeeze3A_280, %dma_start3A_287] : memref<100000x64xf32, #tpu.memory_space<hbm>> -> memref<1x64xf32, #tpu.memory_space<hbm>>
          tpu.enqueue_dma source(%dma_start3A_288 : memref<1x64xf32, #tpu.memory_space<hbm>>) target(%dma_start3A_286 : memref<1x64xf32, #tpu.memory_space<vmem>>) target_semaphore(%arg22 : memref<!tpu.dma_semaphore, #tpu.memory_space<semaphore_mem>>)
          %mul3A_289 = arith.constant 16 : i32
          %mul3A_290 = arith.muli %scan3A_116, %mul3A_289 : i32
          %add3A_291 = arith.constant 6 : i32
          %add3A_292 = arith.addi %mul3A_290, %add3A_291 : i32
          %slice3A_293 = vector.extract_strided_slice %get3A_142 {offsets = [6], sizes = [1], strides = [1]} : vector<16xi32> to vector<1xi32>
          %squeeze3A_294 = vector.extract %slice3A_293[0] : i32 from vector<1xi32>
          %dma_start3A_295 = arith.constant 0 : i32
          %dma_start3A_296 = tpu.memref_slice %arg10[%add3A_292, %dma_start3A_295] : memref<80x64xf32, #tpu.memory_space<vmem>> -> memref<1x64xf32, #tpu.memory_space<vmem>>
          %dma_start3A_297 = arith.constant 0 : i32
          %dma_start3A_298 = tpu.memref_slice %arg2[%squeeze3A_294, %dma_start3A_297] : memref<100000x64xf32, #tpu.memory_space<hbm>> -> memref<1x64xf32, #tpu.memory_space<hbm>>
          %dma_start3A_299 = arith.constant 0 : i32
          %dma_start3A_300 = tpu.memref_slice %arg10[%add3A_292, %dma_start3A_299] : memref<80x64xf32, #tpu.memory_space<vmem>> -> memref<1x64xf32, #tpu.memory_space<vmem>>
          %dma_start3A_301 = arith.constant 0 : i32
          %dma_start3A_302 = tpu.memref_slice %arg2[%squeeze3A_294, %dma_start3A_301] : memref<100000x64xf32, #tpu.memory_space<hbm>> -> memref<1x64xf32, #tpu.memory_space<hbm>>
          tpu.enqueue_dma source(%dma_start3A_302 : memref<1x64xf32, #tpu.memory_space<hbm>>) target(%dma_start3A_300 : memref<1x64xf32, #tpu.memory_space<vmem>>) target_semaphore(%arg18 : memref<!tpu.dma_semaphore, #tpu.memory_space<semaphore_mem>>)
          %slice3A_303 = vector.extract_strided_slice %get3A_147 {offsets = [6], sizes = [1], strides = [1]} : vector<16xi32> to vector<1xi32>
          %squeeze3A_304 = vector.extract %slice3A_303[0] : i32 from vector<1xi32>
          %dma_start3A_305 = arith.constant 0 : i32
          %dma_start3A_306 = tpu.memref_slice %arg14[%add3A_292, %dma_start3A_305] : memref<80x64xf32, #tpu.memory_space<vmem>> -> memref<1x64xf32, #tpu.memory_space<vmem>>
          %dma_start3A_307 = arith.constant 0 : i32
          %dma_start3A_308 = tpu.memref_slice %arg3[%squeeze3A_304, %dma_start3A_307] : memref<100000x64xf32, #tpu.memory_space<hbm>> -> memref<1x64xf32, #tpu.memory_space<hbm>>
          %dma_start3A_309 = arith.constant 0 : i32
          %dma_start3A_310 = tpu.memref_slice %arg14[%add3A_292, %dma_start3A_309] : memref<80x64xf32, #tpu.memory_space<vmem>> -> memref<1x64xf32, #tpu.memory_space<vmem>>
          %dma_start3A_311 = arith.constant 0 : i32
          %dma_start3A_312 = tpu.memref_slice %arg3[%squeeze3A_304, %dma_start3A_311] : memref<100000x64xf32, #tpu.memory_space<hbm>> -> memref<1x64xf32, #tpu.memory_space<hbm>>
          tpu.enqueue_dma source(%dma_start3A_312 : memref<1x64xf32, #tpu.memory_space<hbm>>) target(%dma_start3A_310 : memref<1x64xf32, #tpu.memory_space<vmem>>) target_semaphore(%arg22 : memref<!tpu.dma_semaphore, #tpu.memory_space<semaphore_mem>>)
          %mul3A_313 = arith.constant 16 : i32
          %mul3A_314 = arith.muli %scan3A_116, %mul3A_313 : i32
          %add3A_315 = arith.constant 7 : i32
          %add3A_316 = arith.addi %mul3A_314, %add3A_315 : i32
          %slice3A_317 = vector.extract_strided_slice %get3A_142 {offsets = [7], sizes = [1], strides = [1]} : vector<16xi32> to vector<1xi32>
          %squeeze3A_318 = vector.extract %slice3A_317[0] : i32 from vector<1xi32>
          %dma_start3A_319 = arith.constant 0 : i32
          %dma_start3A_320 = tpu.memref_slice %arg10[%add3A_316, %dma_start3A_319] : memref<80x64xf32, #tpu.memory_space<vmem>> -> memref<1x64xf32, #tpu.memory_space<vmem>>
          %dma_start3A_321 = arith.constant 0 : i32
          %dma_start3A_322 = tpu.memref_slice %arg2[%squeeze3A_318, %dma_start3A_321] : memref<100000x64xf32, #tpu.memory_space<hbm>> -> memref<1x64xf32, #tpu.memory_space<hbm>>
          %dma_start3A_323 = arith.constant 0 : i32
          %dma_start3A_324 = tpu.memref_slice %arg10[%add3A_316, %dma_start3A_323] : memref<80x64xf32, #tpu.memory_space<vmem>> -> memref<1x64xf32, #tpu.memory_space<vmem>>
          %dma_start3A_325 = arith.constant 0 : i32
          %dma_start3A_326 = tpu.memref_slice %arg2[%squeeze3A_318, %dma_start3A_325] : memref<100000x64xf32, #tpu.memory_space<hbm>> -> memref<1x64xf32, #tpu.memory_space<hbm>>
          tpu.enqueue_dma source(%dma_start3A_326 : memref<1x64xf32, #tpu.memory_space<hbm>>) target(%dma_start3A_324 : memref<1x64xf32, #tpu.memory_space<vmem>>) target_semaphore(%arg18 : memref<!tpu.dma_semaphore, #tpu.memory_space<semaphore_mem>>)
          %slice3A_327 = vector.extract_strided_slice %get3A_147 {offsets = [7], sizes = [1], strides = [1]} : vector<16xi32> to vector<1xi32>
          %squeeze3A_328 = vector.extract %slice3A_327[0] : i32 from vector<1xi32>
          %dma_start3A_329 = arith.constant 0 : i32
          %dma_start3A_330 = tpu.memref_slice %arg14[%add3A_316, %dma_start3A_329] : memref<80x64xf32, #tpu.memory_space<vmem>> -> memref<1x64xf32, #tpu.memory_space<vmem>>
          %dma_start3A_331 = arith.constant 0 : i32
          %dma_start3A_332 = tpu.memref_slice %arg3[%squeeze3A_328, %dma_start3A_331] : memref<100000x64xf32, #tpu.memory_space<hbm>> -> memref<1x64xf32, #tpu.memory_space<hbm>>
          %dma_start3A_333 = arith.constant 0 : i32
          %dma_start3A_334 = tpu.memref_slice %arg14[%add3A_316, %dma_start3A_333] : memref<80x64xf32, #tpu.memory_space<vmem>> -> memref<1x64xf32, #tpu.memory_space<vmem>>
          %dma_start3A_335 = arith.constant 0 : i32
          %dma_start3A_336 = tpu.memref_slice %arg3[%squeeze3A_328, %dma_start3A_335] : memref<100000x64xf32, #tpu.memory_space<hbm>> -> memref<1x64xf32, #tpu.memory_space<hbm>>
          tpu.enqueue_dma source(%dma_start3A_336 : memref<1x64xf32, #tpu.memory_space<hbm>>) target(%dma_start3A_334 : memref<1x64xf32, #tpu.memory_space<vmem>>) target_semaphore(%arg22 : memref<!tpu.dma_semaphore, #tpu.memory_space<semaphore_mem>>)
          %mul3A_337 = arith.constant 16 : i32
          %mul3A_338 = arith.muli %scan3A_116, %mul3A_337 : i32
          %add3A_339 = arith.constant 8 : i32
          %add3A_340 = arith.addi %mul3A_338, %add3A_339 : i32
          %slice3A_341 = vector.extract_strided_slice %get3A_142 {offsets = [8], sizes = [1], strides = [1]} : vector<16xi32> to vector<1xi32>
          %squeeze3A_342 = vector.extract %slice3A_341[0] : i32 from vector<1xi32>
          %dma_start3A_343 = arith.constant 0 : i32
          %dma_start3A_344 = tpu.memref_slice %arg10[%add3A_340, %dma_start3A_343] : memref<80x64xf32, #tpu.memory_space<vmem>> -> memref<1x64xf32, #tpu.memory_space<vmem>>
          %dma_start3A_345 = arith.constant 0 : i32
          %dma_start3A_346 = tpu.memref_slice %arg2[%squeeze3A_342, %dma_start3A_345] : memref<100000x64xf32, #tpu.memory_space<hbm>> -> memref<1x64xf32, #tpu.memory_space<hbm>>
          %dma_start3A_347 = arith.constant 0 : i32
          %dma_start3A_348 = tpu.memref_slice %arg10[%add3A_340, %dma_start3A_347] : memref<80x64xf32, #tpu.memory_space<vmem>> -> memref<1x64xf32, #tpu.memory_space<vmem>>
          %dma_start3A_349 = arith.constant 0 : i32
          %dma_start3A_350 = tpu.memref_slice %arg2[%squeeze3A_342, %dma_start3A_349] : memref<100000x64xf32, #tpu.memory_space<hbm>> -> memref<1x64xf32, #tpu.memory_space<hbm>>
          tpu.enqueue_dma source(%dma_start3A_350 : memref<1x64xf32, #tpu.memory_space<hbm>>) target(%dma_start3A_348 : memref<1x64xf32, #tpu.memory_space<vmem>>) target_semaphore(%arg18 : memref<!tpu.dma_semaphore, #tpu.memory_space<semaphore_mem>>)
          %slice3A_351 = vector.extract_strided_slice %get3A_147 {offsets = [8], sizes = [1], strides = [1]} : vector<16xi32> to vector<1xi32>
          %squeeze3A_352 = vector.extract %slice3A_351[0] : i32 from vector<1xi32>
          %dma_start3A_353 = arith.constant 0 : i32
          %dma_start3A_354 = tpu.memref_slice %arg14[%add3A_340, %dma_start3A_353] : memref<80x64xf32, #tpu.memory_space<vmem>> -> memref<1x64xf32, #tpu.memory_space<vmem>>
          %dma_start3A_355 = arith.constant 0 : i32
          %dma_start3A_356 = tpu.memref_slice %arg3[%squeeze3A_352, %dma_start3A_355] : memref<100000x64xf32, #tpu.memory_space<hbm>> -> memref<1x64xf32, #tpu.memory_space<hbm>>
          %dma_start3A_357 = arith.constant 0 : i32
          %dma_start3A_358 = tpu.memref_slice %arg14[%add3A_340, %dma_start3A_357] : memref<80x64xf32, #tpu.memory_space<vmem>> -> memref<1x64xf32, #tpu.memory_space<vmem>>
          %dma_start3A_359 = arith.constant 0 : i32
          %dma_start3A_360 = tpu.memref_slice %arg3[%squeeze3A_352, %dma_start3A_359] : memref<100000x64xf32, #tpu.memory_space<hbm>> -> memref<1x64xf32, #tpu.memory_space<hbm>>
          tpu.enqueue_dma source(%dma_start3A_360 : memref<1x64xf32, #tpu.memory_space<hbm>>) target(%dma_start3A_358 : memref<1x64xf32, #tpu.memory_space<vmem>>) target_semaphore(%arg22 : memref<!tpu.dma_semaphore, #tpu.memory_space<semaphore_mem>>)
          %mul3A_361 = arith.constant 16 : i32
          %mul3A_362 = arith.muli %scan3A_116, %mul3A_361 : i32
          %add3A_363 = arith.constant 9 : i32
          %add3A_364 = arith.addi %mul3A_362, %add3A_363 : i32
          %slice3A_365 = vector.extract_strided_slice %get3A_142 {offsets = [9], sizes = [1], strides = [1]} : vector<16xi32> to vector<1xi32>
          %squeeze3A_366 = vector.extract %slice3A_365[0] : i32 from vector<1xi32>
          %dma_start3A_367 = arith.constant 0 : i32
          %dma_start3A_368 = tpu.memref_slice %arg10[%add3A_364, %dma_start3A_367] : memref<80x64xf32, #tpu.memory_space<vmem>> -> memref<1x64xf32, #tpu.memory_space<vmem>>
          %dma_start3A_369 = arith.constant 0 : i32
          %dma_start3A_370 = tpu.memref_slice %arg2[%squeeze3A_366, %dma_start3A_369] : memref<100000x64xf32, #tpu.memory_space<hbm>> -> memref<1x64xf32, #tpu.memory_space<hbm>>
          %dma_start3A_371 = arith.constant 0 : i32
          %dma_start3A_372 = tpu.memref_slice %arg10[%add3A_364, %dma_start3A_371] : memref<80x64xf32, #tpu.memory_space<vmem>> -> memref<1x64xf32, #tpu.memory_space<vmem>>
          %dma_start3A_373 = arith.constant 0 : i32
          %dma_start3A_374 = tpu.memref_slice %arg2[%squeeze3A_366, %dma_start3A_373] : memref<100000x64xf32, #tpu.memory_space<hbm>> -> memref<1x64xf32, #tpu.memory_space<hbm>>
          tpu.enqueue_dma source(%dma_start3A_374 : memref<1x64xf32, #tpu.memory_space<hbm>>) target(%dma_start3A_372 : memref<1x64xf32, #tpu.memory_space<vmem>>) target_semaphore(%arg18 : memref<!tpu.dma_semaphore, #tpu.memory_space<semaphore_mem>>)
          %slice3A_375 = vector.extract_strided_slice %get3A_147 {offsets = [9], sizes = [1], strides = [1]} : vector<16xi32> to vector<1xi32>
          %squeeze3A_376 = vector.extract %slice3A_375[0] : i32 from vector<1xi32>
          %dma_start3A_377 = arith.constant 0 : i32
          %dma_start3A_378 = tpu.memref_slice %arg14[%add3A_364, %dma_start3A_377] : memref<80x64xf32, #tpu.memory_space<vmem>> -> memref<1x64xf32, #tpu.memory_space<vmem>>
          %dma_start3A_379 = arith.constant 0 : i32
          %dma_start3A_380 = tpu.memref_slice %arg3[%squeeze3A_376, %dma_start3A_379] : memref<100000x64xf32, #tpu.memory_space<hbm>> -> memref<1x64xf32, #tpu.memory_space<hbm>>
          %dma_start3A_381 = arith.constant 0 : i32
          %dma_start3A_382 = tpu.memref_slice %arg14[%add3A_364, %dma_start3A_381] : memref<80x64xf32, #tpu.memory_space<vmem>> -> memref<1x64xf32, #tpu.memory_space<vmem>>
          %dma_start3A_383 = arith.constant 0 : i32
          %dma_start3A_384 = tpu.memref_slice %arg3[%squeeze3A_376, %dma_start3A_383] : memref<100000x64xf32, #tpu.memory_space<hbm>> -> memref<1x64xf32, #tpu.memory_space<hbm>>
          tpu.enqueue_dma source(%dma_start3A_384 : memref<1x64xf32, #tpu.memory_space<hbm>>) target(%dma_start3A_382 : memref<1x64xf32, #tpu.memory_space<vmem>>) target_semaphore(%arg22 : memref<!tpu.dma_semaphore, #tpu.memory_space<semaphore_mem>>)
          %mul3A_385 = arith.constant 16 : i32
          %mul3A_386 = arith.muli %scan3A_116, %mul3A_385 : i32
          %add3A_387 = arith.constant 10 : i32
          %add3A_388 = arith.addi %mul3A_386, %add3A_387 : i32
          %slice3A_389 = vector.extract_strided_slice %get3A_142 {offsets = [10], sizes = [1], strides = [1]} : vector<16xi32> to vector<1xi32>
          %squeeze3A_390 = vector.extract %slice3A_389[0] : i32 from vector<1xi32>
          %dma_start3A_391 = arith.constant 0 : i32
          %dma_start3A_392 = tpu.memref_slice %arg10[%add3A_388, %dma_start3A_391] : memref<80x64xf32, #tpu.memory_space<vmem>> -> memref<1x64xf32, #tpu.memory_space<vmem>>
          %dma_start3A_393 = arith.constant 0 : i32
          %dma_start3A_394 = tpu.memref_slice %arg2[%squeeze3A_390, %dma_start3A_393] : memref<100000x64xf32, #tpu.memory_space<hbm>> -> memref<1x64xf32, #tpu.memory_space<hbm>>
          %dma_start3A_395 = arith.constant 0 : i32
          %dma_start3A_396 = tpu.memref_slice %arg10[%add3A_388, %dma_start3A_395] : memref<80x64xf32, #tpu.memory_space<vmem>> -> memref<1x64xf32, #tpu.memory_space<vmem>>
          %dma_start3A_397 = arith.constant 0 : i32
          %dma_start3A_398 = tpu.memref_slice %arg2[%squeeze3A_390, %dma_start3A_397] : memref<100000x64xf32, #tpu.memory_space<hbm>> -> memref<1x64xf32, #tpu.memory_space<hbm>>
          tpu.enqueue_dma source(%dma_start3A_398 : memref<1x64xf32, #tpu.memory_space<hbm>>) target(%dma_start3A_396 : memref<1x64xf32, #tpu.memory_space<vmem>>) target_semaphore(%arg18 : memref<!tpu.dma_semaphore, #tpu.memory_space<semaphore_mem>>)
          %slice3A_399 = vector.extract_strided_slice %get3A_147 {offsets = [10], sizes = [1], strides = [1]} : vector<16xi32> to vector<1xi32>
          %squeeze3A_400 = vector.extract %slice3A_399[0] : i32 from vector<1xi32>
          %dma_start3A_401 = arith.constant 0 : i32
          %dma_start3A_402 = tpu.memref_slice %arg14[%add3A_388, %dma_start3A_401] : memref<80x64xf32, #tpu.memory_space<vmem>> -> memref<1x64xf32, #tpu.memory_space<vmem>>
          %dma_start3A_403 = arith.constant 0 : i32
          %dma_start3A_404 = tpu.memref_slice %arg3[%squeeze3A_400, %dma_start3A_403] : memref<100000x64xf32, #tpu.memory_space<hbm>> -> memref<1x64xf32, #tpu.memory_space<hbm>>
          %dma_start3A_405 = arith.constant 0 : i32
          %dma_start3A_406 = tpu.memref_slice %arg14[%add3A_388, %dma_start3A_405] : memref<80x64xf32, #tpu.memory_space<vmem>> -> memref<1x64xf32, #tpu.memory_space<vmem>>
          %dma_start3A_407 = arith.constant 0 : i32
          %dma_start3A_408 = tpu.memref_slice %arg3[%squeeze3A_400, %dma_start3A_407] : memref<100000x64xf32, #tpu.memory_space<hbm>> -> memref<1x64xf32, #tpu.memory_space<hbm>>
          tpu.enqueue_dma source(%dma_start3A_408 : memref<1x64xf32, #tpu.memory_space<hbm>>) target(%dma_start3A_406 : memref<1x64xf32, #tpu.memory_space<vmem>>) target_semaphore(%arg22 : memref<!tpu.dma_semaphore, #tpu.memory_space<semaphore_mem>>)
          %mul3A_409 = arith.constant 16 : i32
          %mul3A_410 = arith.muli %scan3A_116, %mul3A_409 : i32
          %add3A_411 = arith.constant 11 : i32
          %add3A_412 = arith.addi %mul3A_410, %add3A_411 : i32
          %slice3A_413 = vector.extract_strided_slice %get3A_142 {offsets = [11], sizes = [1], strides = [1]} : vector<16xi32> to vector<1xi32>
          %squeeze3A_414 = vector.extract %slice3A_413[0] : i32 from vector<1xi32>
          %dma_start3A_415 = arith.constant 0 : i32
          %dma_start3A_416 = tpu.memref_slice %arg10[%add3A_412, %dma_start3A_415] : memref<80x64xf32, #tpu.memory_space<vmem>> -> memref<1x64xf32, #tpu.memory_space<vmem>>
          %dma_start3A_417 = arith.constant 0 : i32
          %dma_start3A_418 = tpu.memref_slice %arg2[%squeeze3A_414, %dma_start3A_417] : memref<100000x64xf32, #tpu.memory_space<hbm>> -> memref<1x64xf32, #tpu.memory_space<hbm>>
          %dma_start3A_419 = arith.constant 0 : i32
          %dma_start3A_420 = tpu.memref_slice %arg10[%add3A_412, %dma_start3A_419] : memref<80x64xf32, #tpu.memory_space<vmem>> -> memref<1x64xf32, #tpu.memory_space<vmem>>
          %dma_start3A_421 = arith.constant 0 : i32
          %dma_start3A_422 = tpu.memref_slice %arg2[%squeeze3A_414, %dma_start3A_421] : memref<100000x64xf32, #tpu.memory_space<hbm>> -> memref<1x64xf32, #tpu.memory_space<hbm>>
          tpu.enqueue_dma source(%dma_start3A_422 : memref<1x64xf32, #tpu.memory_space<hbm>>) target(%dma_start3A_420 : memref<1x64xf32, #tpu.memory_space<vmem>>) target_semaphore(%arg18 : memref<!tpu.dma_semaphore, #tpu.memory_space<semaphore_mem>>)
          %slice3A_423 = vector.extract_strided_slice %get3A_147 {offsets = [11], sizes = [1], strides = [1]} : vector<16xi32> to vector<1xi32>
          %squeeze3A_424 = vector.extract %slice3A_423[0] : i32 from vector<1xi32>
          %dma_start3A_425 = arith.constant 0 : i32
          %dma_start3A_426 = tpu.memref_slice %arg14[%add3A_412, %dma_start3A_425] : memref<80x64xf32, #tpu.memory_space<vmem>> -> memref<1x64xf32, #tpu.memory_space<vmem>>
          %dma_start3A_427 = arith.constant 0 : i32
          %dma_start3A_428 = tpu.memref_slice %arg3[%squeeze3A_424, %dma_start3A_427] : memref<100000x64xf32, #tpu.memory_space<hbm>> -> memref<1x64xf32, #tpu.memory_space<hbm>>
          %dma_start3A_429 = arith.constant 0 : i32
          %dma_start3A_430 = tpu.memref_slice %arg14[%add3A_412, %dma_start3A_429] : memref<80x64xf32, #tpu.memory_space<vmem>> -> memref<1x64xf32, #tpu.memory_space<vmem>>
          %dma_start3A_431 = arith.constant 0 : i32
          %dma_start3A_432 = tpu.memref_slice %arg3[%squeeze3A_424, %dma_start3A_431] : memref<100000x64xf32, #tpu.memory_space<hbm>> -> memref<1x64xf32, #tpu.memory_space<hbm>>
          tpu.enqueue_dma source(%dma_start3A_432 : memref<1x64xf32, #tpu.memory_space<hbm>>) target(%dma_start3A_430 : memref<1x64xf32, #tpu.memory_space<vmem>>) target_semaphore(%arg22 : memref<!tpu.dma_semaphore, #tpu.memory_space<semaphore_mem>>)
          %mul3A_433 = arith.constant 16 : i32
          %mul3A_434 = arith.muli %scan3A_116, %mul3A_433 : i32
          %add3A_435 = arith.constant 12 : i32
          %add3A_436 = arith.addi %mul3A_434, %add3A_435 : i32
          %slice3A_437 = vector.extract_strided_slice %get3A_142 {offsets = [12], sizes = [1], strides = [1]} : vector<16xi32> to vector<1xi32>
          %squeeze3A_438 = vector.extract %slice3A_437[0] : i32 from vector<1xi32>
          %dma_start3A_439 = arith.constant 0 : i32
          %dma_start3A_440 = tpu.memref_slice %arg10[%add3A_436, %dma_start3A_439] : memref<80x64xf32, #tpu.memory_space<vmem>> -> memref<1x64xf32, #tpu.memory_space<vmem>>
          %dma_start3A_441 = arith.constant 0 : i32
          %dma_start3A_442 = tpu.memref_slice %arg2[%squeeze3A_438, %dma_start3A_441] : memref<100000x64xf32, #tpu.memory_space<hbm>> -> memref<1x64xf32, #tpu.memory_space<hbm>>
          %dma_start3A_443 = arith.constant 0 : i32
          %dma_start3A_444 = tpu.memref_slice %arg10[%add3A_436, %dma_start3A_443] : memref<80x64xf32, #tpu.memory_space<vmem>> -> memref<1x64xf32, #tpu.memory_space<vmem>>
          %dma_start3A_445 = arith.constant 0 : i32
          %dma_start3A_446 = tpu.memref_slice %arg2[%squeeze3A_438, %dma_start3A_445] : memref<100000x64xf32, #tpu.memory_space<hbm>> -> memref<1x64xf32, #tpu.memory_space<hbm>>
          tpu.enqueue_dma source(%dma_start3A_446 : memref<1x64xf32, #tpu.memory_space<hbm>>) target(%dma_start3A_444 : memref<1x64xf32, #tpu.memory_space<vmem>>) target_semaphore(%arg18 : memref<!tpu.dma_semaphore, #tpu.memory_space<semaphore_mem>>)
          %slice3A_447 = vector.extract_strided_slice %get3A_147 {offsets = [12], sizes = [1], strides = [1]} : vector<16xi32> to vector<1xi32>
          %squeeze3A_448 = vector.extract %slice3A_447[0] : i32 from vector<1xi32>
          %dma_start3A_449 = arith.constant 0 : i32
          %dma_start3A_450 = tpu.memref_slice %arg14[%add3A_436, %dma_start3A_449] : memref<80x64xf32, #tpu.memory_space<vmem>> -> memref<1x64xf32, #tpu.memory_space<vmem>>
          %dma_start3A_451 = arith.constant 0 : i32
          %dma_start3A_452 = tpu.memref_slice %arg3[%squeeze3A_448, %dma_start3A_451] : memref<100000x64xf32, #tpu.memory_space<hbm>> -> memref<1x64xf32, #tpu.memory_space<hbm>>
          %dma_start3A_453 = arith.constant 0 : i32
          %dma_start3A_454 = tpu.memref_slice %arg14[%add3A_436, %dma_start3A_453] : memref<80x64xf32, #tpu.memory_space<vmem>> -> memref<1x64xf32, #tpu.memory_space<vmem>>
          %dma_start3A_455 = arith.constant 0 : i32
          %dma_start3A_456 = tpu.memref_slice %arg3[%squeeze3A_448, %dma_start3A_455] : memref<100000x64xf32, #tpu.memory_space<hbm>> -> memref<1x64xf32, #tpu.memory_space<hbm>>
          tpu.enqueue_dma source(%dma_start3A_456 : memref<1x64xf32, #tpu.memory_space<hbm>>) target(%dma_start3A_454 : memref<1x64xf32, #tpu.memory_space<vmem>>) target_semaphore(%arg22 : memref<!tpu.dma_semaphore, #tpu.memory_space<semaphore_mem>>)
          %mul3A_457 = arith.constant 16 : i32
          %mul3A_458 = arith.muli %scan3A_116, %mul3A_457 : i32
          %add3A_459 = arith.constant 13 : i32
          %add3A_460 = arith.addi %mul3A_458, %add3A_459 : i32
          %slice3A_461 = vector.extract_strided_slice %get3A_142 {offsets = [13], sizes = [1], strides = [1]} : vector<16xi32> to vector<1xi32>
          %squeeze3A_462 = vector.extract %slice3A_461[0] : i32 from vector<1xi32>
          %dma_start3A_463 = arith.constant 0 : i32
          %dma_start3A_464 = tpu.memref_slice %arg10[%add3A_460, %dma_start3A_463] : memref<80x64xf32, #tpu.memory_space<vmem>> -> memref<1x64xf32, #tpu.memory_space<vmem>>
          %dma_start3A_465 = arith.constant 0 : i32
          %dma_start3A_466 = tpu.memref_slice %arg2[%squeeze3A_462, %dma_start3A_465] : memref<100000x64xf32, #tpu.memory_space<hbm>> -> memref<1x64xf32, #tpu.memory_space<hbm>>
          %dma_start3A_467 = arith.constant 0 : i32
          %dma_start3A_468 = tpu.memref_slice %arg10[%add3A_460, %dma_start3A_467] : memref<80x64xf32, #tpu.memory_space<vmem>> -> memref<1x64xf32, #tpu.memory_space<vmem>>
          %dma_start3A_469 = arith.constant 0 : i32
          %dma_start3A_470 = tpu.memref_slice %arg2[%squeeze3A_462, %dma_start3A_469] : memref<100000x64xf32, #tpu.memory_space<hbm>> -> memref<1x64xf32, #tpu.memory_space<hbm>>
          tpu.enqueue_dma source(%dma_start3A_470 : memref<1x64xf32, #tpu.memory_space<hbm>>) target(%dma_start3A_468 : memref<1x64xf32, #tpu.memory_space<vmem>>) target_semaphore(%arg18 : memref<!tpu.dma_semaphore, #tpu.memory_space<semaphore_mem>>)
          %slice3A_471 = vector.extract_strided_slice %get3A_147 {offsets = [13], sizes = [1], strides = [1]} : vector<16xi32> to vector<1xi32>
          %squeeze3A_472 = vector.extract %slice3A_471[0] : i32 from vector<1xi32>
          %dma_start3A_473 = arith.constant 0 : i32
          %dma_start3A_474 = tpu.memref_slice %arg14[%add3A_460, %dma_start3A_473] : memref<80x64xf32, #tpu.memory_space<vmem>> -> memref<1x64xf32, #tpu.memory_space<vmem>>
          %dma_start3A_475 = arith.constant 0 : i32
          %dma_start3A_476 = tpu.memref_slice %arg3[%squeeze3A_472, %dma_start3A_475] : memref<100000x64xf32, #tpu.memory_space<hbm>> -> memref<1x64xf32, #tpu.memory_space<hbm>>
          %dma_start3A_477 = arith.constant 0 : i32
          %dma_start3A_478 = tpu.memref_slice %arg14[%add3A_460, %dma_start3A_477] : memref<80x64xf32, #tpu.memory_space<vmem>> -> memref<1x64xf32, #tpu.memory_space<vmem>>
          %dma_start3A_479 = arith.constant 0 : i32
          %dma_start3A_480 = tpu.memref_slice %arg3[%squeeze3A_472, %dma_start3A_479] : memref<100000x64xf32, #tpu.memory_space<hbm>> -> memref<1x64xf32, #tpu.memory_space<hbm>>
          tpu.enqueue_dma source(%dma_start3A_480 : memref<1x64xf32, #tpu.memory_space<hbm>>) target(%dma_start3A_478 : memref<1x64xf32, #tpu.memory_space<vmem>>) target_semaphore(%arg22 : memref<!tpu.dma_semaphore, #tpu.memory_space<semaphore_mem>>)
          %mul3A_481 = arith.constant 16 : i32
          %mul3A_482 = arith.muli %scan3A_116, %mul3A_481 : i32
          %add3A_483 = arith.constant 14 : i32
          %add3A_484 = arith.addi %mul3A_482, %add3A_483 : i32
          %slice3A_485 = vector.extract_strided_slice %get3A_142 {offsets = [14], sizes = [1], strides = [1]} : vector<16xi32> to vector<1xi32>
          %squeeze3A_486 = vector.extract %slice3A_485[0] : i32 from vector<1xi32>
          %dma_start3A_487 = arith.constant 0 : i32
          %dma_start3A_488 = tpu.memref_slice %arg10[%add3A_484, %dma_start3A_487] : memref<80x64xf32, #tpu.memory_space<vmem>> -> memref<1x64xf32, #tpu.memory_space<vmem>>
          %dma_start3A_489 = arith.constant 0 : i32
          %dma_start3A_490 = tpu.memref_slice %arg2[%squeeze3A_486, %dma_start3A_489] : memref<100000x64xf32, #tpu.memory_space<hbm>> -> memref<1x64xf32, #tpu.memory_space<hbm>>
          %dma_start3A_491 = arith.constant 0 : i32
          %dma_start3A_492 = tpu.memref_slice %arg10[%add3A_484, %dma_start3A_491] : memref<80x64xf32, #tpu.memory_space<vmem>> -> memref<1x64xf32, #tpu.memory_space<vmem>>
          %dma_start3A_493 = arith.constant 0 : i32
          %dma_start3A_494 = tpu.memref_slice %arg2[%squeeze3A_486, %dma_start3A_493] : memref<100000x64xf32, #tpu.memory_space<hbm>> -> memref<1x64xf32, #tpu.memory_space<hbm>>
          tpu.enqueue_dma source(%dma_start3A_494 : memref<1x64xf32, #tpu.memory_space<hbm>>) target(%dma_start3A_492 : memref<1x64xf32, #tpu.memory_space<vmem>>) target_semaphore(%arg18 : memref<!tpu.dma_semaphore, #tpu.memory_space<semaphore_mem>>)
          %slice3A_495 = vector.extract_strided_slice %get3A_147 {offsets = [14], sizes = [1], strides = [1]} : vector<16xi32> to vector<1xi32>
          %squeeze3A_496 = vector.extract %slice3A_495[0] : i32 from vector<1xi32>
          %dma_start3A_497 = arith.constant 0 : i32
          %dma_start3A_498 = tpu.memref_slice %arg14[%add3A_484, %dma_start3A_497] : memref<80x64xf32, #tpu.memory_space<vmem>> -> memref<1x64xf32, #tpu.memory_space<vmem>>
          %dma_start3A_499 = arith.constant 0 : i32
          %dma_start3A_500 = tpu.memref_slice %arg3[%squeeze3A_496, %dma_start3A_499] : memref<100000x64xf32, #tpu.memory_space<hbm>> -> memref<1x64xf32, #tpu.memory_space<hbm>>
          %dma_start3A_501 = arith.constant 0 : i32
          %dma_start3A_502 = tpu.memref_slice %arg14[%add3A_484, %dma_start3A_501] : memref<80x64xf32, #tpu.memory_space<vmem>> -> memref<1x64xf32, #tpu.memory_space<vmem>>
          %dma_start3A_503 = arith.constant 0 : i32
          %dma_start3A_504 = tpu.memref_slice %arg3[%squeeze3A_496, %dma_start3A_503] : memref<100000x64xf32, #tpu.memory_space<hbm>> -> memref<1x64xf32, #tpu.memory_space<hbm>>
          tpu.enqueue_dma source(%dma_start3A_504 : memref<1x64xf32, #tpu.memory_space<hbm>>) target(%dma_start3A_502 : memref<1x64xf32, #tpu.memory_space<vmem>>) target_semaphore(%arg22 : memref<!tpu.dma_semaphore, #tpu.memory_space<semaphore_mem>>)
          %mul3A_505 = arith.constant 16 : i32
          %mul3A_506 = arith.muli %scan3A_116, %mul3A_505 : i32
          %add3A_507 = arith.constant 15 : i32
          %add3A_508 = arith.addi %mul3A_506, %add3A_507 : i32
          %slice3A_509 = vector.extract_strided_slice %get3A_142 {offsets = [15], sizes = [1], strides = [1]} : vector<16xi32> to vector<1xi32>
          %squeeze3A_510 = vector.extract %slice3A_509[0] : i32 from vector<1xi32>
          %dma_start3A_511 = arith.constant 0 : i32
          %dma_start3A_512 = tpu.memref_slice %arg10[%add3A_508, %dma_start3A_511] : memref<80x64xf32, #tpu.memory_space<vmem>> -> memref<1x64xf32, #tpu.memory_space<vmem>>
          %dma_start3A_513 = arith.constant 0 : i32
          %dma_start3A_514 = tpu.memref_slice %arg2[%squeeze3A_510, %dma_start3A_513] : memref<100000x64xf32, #tpu.memory_space<hbm>> -> memref<1x64xf32, #tpu.memory_space<hbm>>
          %dma_start3A_515 = arith.constant 0 : i32
          %dma_start3A_516 = tpu.memref_slice %arg10[%add3A_508, %dma_start3A_515] : memref<80x64xf32, #tpu.memory_space<vmem>> -> memref<1x64xf32, #tpu.memory_space<vmem>>
          %dma_start3A_517 = arith.constant 0 : i32
          %dma_start3A_518 = tpu.memref_slice %arg2[%squeeze3A_510, %dma_start3A_517] : memref<100000x64xf32, #tpu.memory_space<hbm>> -> memref<1x64xf32, #tpu.memory_space<hbm>>
          tpu.enqueue_dma source(%dma_start3A_518 : memref<1x64xf32, #tpu.memory_space<hbm>>) target(%dma_start3A_516 : memref<1x64xf32, #tpu.memory_space<vmem>>) target_semaphore(%arg18 : memref<!tpu.dma_semaphore, #tpu.memory_space<semaphore_mem>>)
          %slice3A_519 = vector.extract_strided_slice %get3A_147 {offsets = [15], sizes = [1], strides = [1]} : vector<16xi32> to vector<1xi32>
          %squeeze3A_520 = vector.extract %slice3A_519[0] : i32 from vector<1xi32>
          %dma_start3A_521 = arith.constant 0 : i32
          %dma_start3A_522 = tpu.memref_slice %arg14[%add3A_508, %dma_start3A_521] : memref<80x64xf32, #tpu.memory_space<vmem>> -> memref<1x64xf32, #tpu.memory_space<vmem>>
          %dma_start3A_523 = arith.constant 0 : i32
          %dma_start3A_524 = tpu.memref_slice %arg3[%squeeze3A_520, %dma_start3A_523] : memref<100000x64xf32, #tpu.memory_space<hbm>> -> memref<1x64xf32, #tpu.memory_space<hbm>>
          %dma_start3A_525 = arith.constant 0 : i32
          %dma_start3A_526 = tpu.memref_slice %arg14[%add3A_508, %dma_start3A_525] : memref<80x64xf32, #tpu.memory_space<vmem>> -> memref<1x64xf32, #tpu.memory_space<vmem>>
          %dma_start3A_527 = arith.constant 0 : i32
          %dma_start3A_528 = tpu.memref_slice %arg3[%squeeze3A_520, %dma_start3A_527] : memref<100000x64xf32, #tpu.memory_space<hbm>> -> memref<1x64xf32, #tpu.memory_space<hbm>>
          tpu.enqueue_dma source(%dma_start3A_528 : memref<1x64xf32, #tpu.memory_space<hbm>>) target(%dma_start3A_526 : memref<1x64xf32, #tpu.memory_space<vmem>>) target_semaphore(%arg22 : memref<!tpu.dma_semaphore, #tpu.memory_space<semaphore_mem>>)
        } else {
        }
        %mul3A_119 = arith.constant 16 : i32
        %mul3A_120 = arith.muli %scan3A_116, %mul3A_119 : i32
        %add3A_121 = vector.broadcast %mul3A_120 : i32 to vector<16xi32>
        %add3A_122 = arith.addi %iota3A, %add3A_121 : vector<16xi32>
        %broadcast_in_dim3A = arith.constant 0.000000e+00 : f32
        %broadcast_in_dim3A_123 = vector.broadcast %broadcast_in_dim3A : f32 to vector<16xf32>
        %scan3A_124 = arith.constant 0 : i32
        %scan3A_125 = arith.constant 8 : i32
        %scan3A_126 = arith.addi %scan3A_124, %scan3A_125 : i32
        %scan3A_127 = arith.constant 1 : i32
        %scan3A_128:4 = scf.for %scan3A_139 = %scan3A_124 to %scan3A_126 step %scan3A_127 iter_args(%scan3A_140 = %broadcast_in_dim3A_123, %scan3A_141 = %broadcast_in_dim3A_123, %scan3A_142 = %broadcast_in_dim3A_123, %scan3A_143 = %broadcast_in_dim3A_123) -> (vector<16xf32>, vector<16xf32>, vector<16xf32>, vector<16xf32>)  : i32 {
          %mul3A_144 = arith.constant 8 : i32
          %mul3A_145 = arith.muli %scan3A_139, %mul3A_144 : i32
          %add3A_146 = vector.broadcast %mul3A_145 : i32 to vector<16xi32>
          %add3A_147 = arith.addi %iota3A, %add3A_146 : vector<16xi32>
          %add3A_148 = arith.constant 0 : i32
          %add3A_149 = vector.broadcast %add3A_148 : i32 to vector<16xi32>
          %add3A_150 = arith.addi %add3A_147, %add3A_149 : vector<16xi32>
          %and3A = arith.constant 63 : i32
          %and3A_151 = vector.broadcast %and3A : i32 to vector<16xi32>
          %and3A_152 = arith.andi %add3A_150, %and3A_151 : vector<16xi32>
          %gather3A = tpu.vector_load_idx %arg12[%add3A_122, %and3A_152] : memref<80x64xf32, #tpu.memory_space<vmem>>[vector<16xi32>, vector<16xi32>], vector<16xf32>,
          %gather3A_153 = tpu.vector_load_idx %arg16[%add3A_122, %and3A_152] : memref<80x64xf32, #tpu.memory_space<vmem>>[vector<16xi32>, vector<16xi32>], vector<16xf32>,
          %mul3A_154 = arith.mulf %gather3A, %gather3A_153 : vector<16xf32>
          %mul3A_155 = arith.constant 8 : i32
          %mul3A_156 = arith.muli %scan3A_139, %mul3A_155 : i32
          %add3A_157 = vector.broadcast %mul3A_156 : i32 to vector<16xi32>
          %add3A_158 = arith.addi %iota3A, %add3A_157 : vector<16xi32>
          %add3A_159 = arith.constant 1 : i32
          %add3A_160 = vector.broadcast %add3A_159 : i32 to vector<16xi32>
          %add3A_161 = arith.addi %add3A_158, %add3A_160 : vector<16xi32>
          %and3A_162 = arith.constant 63 : i32
          %and3A_163 = vector.broadcast %and3A_162 : i32 to vector<16xi32>
          %and3A_164 = arith.andi %add3A_161, %and3A_163 : vector<16xi32>
          %gather3A_165 = tpu.vector_load_idx %arg12[%add3A_122, %and3A_164] : memref<80x64xf32, #tpu.memory_space<vmem>>[vector<16xi32>, vector<16xi32>], vector<16xf32>,
          %gather3A_166 = tpu.vector_load_idx %arg16[%add3A_122, %and3A_164] : memref<80x64xf32, #tpu.memory_space<vmem>>[vector<16xi32>, vector<16xi32>], vector<16xf32>,
          %mul3A_167 = arith.mulf %gather3A_165, %gather3A_166 : vector<16xf32>
          %mul3A_168 = arith.constant 8 : i32
          %mul3A_169 = arith.muli %scan3A_139, %mul3A_168 : i32
          %add3A_170 = vector.broadcast %mul3A_169 : i32 to vector<16xi32>
          %add3A_171 = arith.addi %iota3A, %add3A_170 : vector<16xi32>
          %add3A_172 = arith.constant 2 : i32
          %add3A_173 = vector.broadcast %add3A_172 : i32 to vector<16xi32>
          %add3A_174 = arith.addi %add3A_171, %add3A_173 : vector<16xi32>
          %and3A_175 = arith.constant 63 : i32
          %and3A_176 = vector.broadcast %and3A_175 : i32 to vector<16xi32>
          %and3A_177 = arith.andi %add3A_174, %and3A_176 : vector<16xi32>
          %gather3A_178 = tpu.vector_load_idx %arg12[%add3A_122, %and3A_177] : memref<80x64xf32, #tpu.memory_space<vmem>>[vector<16xi32>, vector<16xi32>], vector<16xf32>,
          %gather3A_179 = tpu.vector_load_idx %arg16[%add3A_122, %and3A_177] : memref<80x64xf32, #tpu.memory_space<vmem>>[vector<16xi32>, vector<16xi32>], vector<16xf32>,
          %mul3A_180 = arith.mulf %gather3A_178, %gather3A_179 : vector<16xf32>
          %mul3A_181 = arith.constant 8 : i32
          %mul3A_182 = arith.muli %scan3A_139, %mul3A_181 : i32
          %add3A_183 = vector.broadcast %mul3A_182 : i32 to vector<16xi32>
          %add3A_184 = arith.addi %iota3A, %add3A_183 : vector<16xi32>
          %add3A_185 = arith.constant 3 : i32
          %add3A_186 = vector.broadcast %add3A_185 : i32 to vector<16xi32>
          %add3A_187 = arith.addi %add3A_184, %add3A_186 : vector<16xi32>
          %and3A_188 = arith.constant 63 : i32
          %and3A_189 = vector.broadcast %and3A_188 : i32 to vector<16xi32>
          %and3A_190 = arith.andi %add3A_187, %and3A_189 : vector<16xi32>
          %gather3A_191 = tpu.vector_load_idx %arg12[%add3A_122, %and3A_190] : memref<80x64xf32, #tpu.memory_space<vmem>>[vector<16xi32>, vector<16xi32>], vector<16xf32>,
          %gather3A_192 = tpu.vector_load_idx %arg16[%add3A_122, %and3A_190] : memref<80x64xf32, #tpu.memory_space<vmem>>[vector<16xi32>, vector<16xi32>], vector<16xf32>,
          %mul3A_193 = arith.mulf %gather3A_191, %gather3A_192 : vector<16xf32>
          %mul3A_194 = arith.constant 8 : i32
          %mul3A_195 = arith.muli %scan3A_139, %mul3A_194 : i32
          %add3A_196 = vector.broadcast %mul3A_195 : i32 to vector<16xi32>
          %add3A_197 = arith.addi %iota3A, %add3A_196 : vector<16xi32>
          %add3A_198 = arith.constant 4 : i32
          %add3A_199 = vector.broadcast %add3A_198 : i32 to vector<16xi32>
          %add3A_200 = arith.addi %add3A_197, %add3A_199 : vector<16xi32>
          %and3A_201 = arith.constant 63 : i32
          %and3A_202 = vector.broadcast %and3A_201 : i32 to vector<16xi32>
          %and3A_203 = arith.andi %add3A_200, %and3A_202 : vector<16xi32>
          %gather3A_204 = tpu.vector_load_idx %arg12[%add3A_122, %and3A_203] : memref<80x64xf32, #tpu.memory_space<vmem>>[vector<16xi32>, vector<16xi32>], vector<16xf32>,
          %gather3A_205 = tpu.vector_load_idx %arg16[%add3A_122, %and3A_203] : memref<80x64xf32, #tpu.memory_space<vmem>>[vector<16xi32>, vector<16xi32>], vector<16xf32>,
          %mul3A_206 = arith.mulf %gather3A_204, %gather3A_205 : vector<16xf32>
          %mul3A_207 = arith.constant 8 : i32
          %mul3A_208 = arith.muli %scan3A_139, %mul3A_207 : i32
          %add3A_209 = vector.broadcast %mul3A_208 : i32 to vector<16xi32>
          %add3A_210 = arith.addi %iota3A, %add3A_209 : vector<16xi32>
          %add3A_211 = arith.constant 5 : i32
          %add3A_212 = vector.broadcast %add3A_211 : i32 to vector<16xi32>
          %add3A_213 = arith.addi %add3A_210, %add3A_212 : vector<16xi32>
          %and3A_214 = arith.constant 63 : i32
          %and3A_215 = vector.broadcast %and3A_214 : i32 to vector<16xi32>
          %and3A_216 = arith.andi %add3A_213, %and3A_215 : vector<16xi32>
          %gather3A_217 = tpu.vector_load_idx %arg12[%add3A_122, %and3A_216] : memref<80x64xf32, #tpu.memory_space<vmem>>[vector<16xi32>, vector<16xi32>], vector<16xf32>,
          %gather3A_218 = tpu.vector_load_idx %arg16[%add3A_122, %and3A_216] : memref<80x64xf32, #tpu.memory_space<vmem>>[vector<16xi32>, vector<16xi32>], vector<16xf32>,
          %mul3A_219 = arith.mulf %gather3A_217, %gather3A_218 : vector<16xf32>
          %mul3A_220 = arith.constant 8 : i32
          %mul3A_221 = arith.muli %scan3A_139, %mul3A_220 : i32
          %add3A_222 = vector.broadcast %mul3A_221 : i32 to vector<16xi32>
          %add3A_223 = arith.addi %iota3A, %add3A_222 : vector<16xi32>
          %add3A_224 = arith.constant 6 : i32
          %add3A_225 = vector.broadcast %add3A_224 : i32 to vector<16xi32>
          %add3A_226 = arith.addi %add3A_223, %add3A_225 : vector<16xi32>
          %and3A_227 = arith.constant 63 : i32
          %and3A_228 = vector.broadcast %and3A_227 : i32 to vector<16xi32>
          %and3A_229 = arith.andi %add3A_226, %and3A_228 : vector<16xi32>
          %gather3A_230 = tpu.vector_load_idx %arg12[%add3A_122, %and3A_229] : memref<80x64xf32, #tpu.memory_space<vmem>>[vector<16xi32>, vector<16xi32>], vector<16xf32>,
          %gather3A_231 = tpu.vector_load_idx %arg16[%add3A_122, %and3A_229] : memref<80x64xf32, #tpu.memory_space<vmem>>[vector<16xi32>, vector<16xi32>], vector<16xf32>,
          %mul3A_232 = arith.mulf %gather3A_230, %gather3A_231 : vector<16xf32>
          %mul3A_233 = arith.constant 8 : i32
          %mul3A_234 = arith.muli %scan3A_139, %mul3A_233 : i32
          %add3A_235 = vector.broadcast %mul3A_234 : i32 to vector<16xi32>
          %add3A_236 = arith.addi %iota3A, %add3A_235 : vector<16xi32>
          %add3A_237 = arith.constant 7 : i32
          %add3A_238 = vector.broadcast %add3A_237 : i32 to vector<16xi32>
          %add3A_239 = arith.addi %add3A_236, %add3A_238 : vector<16xi32>
          %and3A_240 = arith.constant 63 : i32
          %and3A_241 = vector.broadcast %and3A_240 : i32 to vector<16xi32>
          %and3A_242 = arith.andi %add3A_239, %and3A_241 : vector<16xi32>
          %gather3A_243 = tpu.vector_load_idx %arg12[%add3A_122, %and3A_242] : memref<80x64xf32, #tpu.memory_space<vmem>>[vector<16xi32>, vector<16xi32>], vector<16xf32>,
          %gather3A_244 = tpu.vector_load_idx %arg16[%add3A_122, %and3A_242] : memref<80x64xf32, #tpu.memory_space<vmem>>[vector<16xi32>, vector<16xi32>], vector<16xf32>,
          %mul3A_245 = arith.mulf %gather3A_243, %gather3A_244 : vector<16xf32>
          %add3A_246 = arith.addf %scan3A_140, %mul3A_154 : vector<16xf32>
          %add3A_247 = arith.addf %add3A_246, %mul3A_167 : vector<16xf32>
          %add3A_248 = arith.addf %scan3A_141, %mul3A_180 : vector<16xf32>
          %add3A_249 = arith.addf %add3A_248, %mul3A_193 : vector<16xf32>
          %add3A_250 = arith.addf %scan3A_142, %mul3A_206 : vector<16xf32>
          %add3A_251 = arith.addf %add3A_250, %mul3A_219 : vector<16xf32>
          %add3A_252 = arith.addf %scan3A_143, %mul3A_232 : vector<16xf32>
          %add3A_253 = arith.addf %add3A_252, %mul3A_245 : vector<16xf32>
          scf.yield %add3A_247, %add3A_249, %add3A_251, %add3A_253 : vector<16xf32>, vector<16xf32>, vector<16xf32>, vector<16xf32>
        }
        %scan3A_129 = arith.constant 8 : i32
        %add3A_130 = arith.addf %scan3A_128#0, %scan3A_128#1 : vector<16xf32>
        %add3A_131 = arith.addf %scan3A_128#2, %scan3A_128#3 : vector<16xf32>
        %add3A_132 = arith.addf %add3A_130, %add3A_131 : vector<16xf32>
        %mul3A_133 = arith.constant 80 : i32
        %mul3A_134 = arith.muli %add3A_71, %mul3A_133 : i32
        %mul3A_135 = arith.constant 16 : i32
        %mul3A_136 = arith.muli %scan3A_116, %mul3A_135 : i32
        %add3A_137 = arith.addi %mul3A_134, %mul3A_136 : i32
        %swap3A = arith.index_cast %add3A_137 : i32 to index
        %swap3A_138 = tpu.vector_load %arg9[%swap3A] {strides = array<i32>} : memref<2560xf32, #tpu.memory_space<vmem>>, vector<16xf32>,
        tpu.vector_store %arg9[%swap3A], %add3A_132 {strides = array<i32>} : memref<2560xf32, #tpu.memory_space<vmem>>, vector<16xf32>,
      }
      %scan3A_91 = arith.constant 5 : i32
      %mul3A_92 = arith.constant 4 : i32
      %mul3A_93 = arith.muli %scan3A_20, %mul3A_92 : i32
      %add3A_94 = arith.constant 3 : i32
      %add3A_95 = arith.addi %mul3A_93, %add3A_94 : i32
      %dma_wait3A_96 = arith.constant 0 : i32
      %dma_wait3A_97 = arith.constant 0 : i32
      %dma_wait3A_98 = tpu.memref_slice %arg2[%dma_wait3A_96, %dma_wait3A_97] : memref<100000x64xf32, #tpu.memory_space<hbm>> -> memref<80x64xf32, #tpu.memory_space<hbm>>
      %dma_wait3A_99 = arith.constant 0 : i32
      %dma_wait3A_100 = arith.constant 0 : i32
      %dma_wait3A_101 = tpu.memref_slice %arg2[%dma_wait3A_99, %dma_wait3A_100] : memref<100000x64xf32, #tpu.memory_space<hbm>> -> memref<80x64xf32, #tpu.memory_space<hbm>>
      tpu.wait_dma2 semaphore(%arg21 : memref<!tpu.dma_semaphore, #tpu.memory_space<semaphore_mem>>) src(%dma_wait3A_101 : memref<80x64xf32, #tpu.memory_space<hbm>>) dst(%arg13 : memref<80x64xf32, #tpu.memory_space<vmem>>)
      %dma_wait3A_102 = arith.constant 0 : i32
      %dma_wait3A_103 = arith.constant 0 : i32
      %dma_wait3A_104 = tpu.memref_slice %arg3[%dma_wait3A_102, %dma_wait3A_103] : memref<100000x64xf32, #tpu.memory_space<hbm>> -> memref<80x64xf32, #tpu.memory_space<hbm>>
      %dma_wait3A_105 = arith.constant 0 : i32
      %dma_wait3A_106 = arith.constant 0 : i32
      %dma_wait3A_107 = tpu.memref_slice %arg3[%dma_wait3A_105, %dma_wait3A_106] : memref<100000x64xf32, #tpu.memory_space<hbm>> -> memref<80x64xf32, #tpu.memory_space<hbm>>
      tpu.wait_dma2 semaphore(%arg25 : memref<!tpu.dma_semaphore, #tpu.memory_space<semaphore_mem>>) src(%dma_wait3A_107 : memref<80x64xf32, #tpu.memory_space<hbm>>) dst(%arg17 : memref<80x64xf32, #tpu.memory_space<vmem>>)
      %add3A_108 = arith.constant 2 : i32
      %add3A_109 = arith.addi %add3A_95, %add3A_108 : i32
      %scan3A_110 = arith.constant 0 : i32
      %scan3A_111 = arith.constant 0 : i32
      %scan3A_112 = arith.constant 5 : i32
      %scan3A_113 = arith.addi %scan3A_111, %scan3A_112 : i32
      %scan3A_114 = arith.constant 1 : i32
      scf.for %scan3A_116 = %scan3A_111 to %scan3A_113 step %scan3A_114  : i32 {
        %lt3A = arith.constant 32 : i32
        %lt3A_117 = arith.cmpi slt, %add3A_109, %lt3A : i32
        %convert_element_type3A = arith.extui %lt3A_117 : i1 to i32
        %cond3A = arith.constant 0 : i32
        %cond3A_118 = arith.cmpi ne, %convert_element_type3A, %cond3A : i32
        scf.if %cond3A_118 {
          %mul3A_139 = arith.constant 16 : i32
          %mul3A_140 = arith.muli %scan3A_116, %mul3A_139 : i32
          %get3A = arith.index_cast %add3A_109 : i32 to index
          %get3A_141 = arith.index_cast %mul3A_140 : i32 to index
          %get3A_142 = tpu.vector_load %arg7[%get3A, %get3A_141] {strides = array<i32>} : memref<32x80xi32, #tpu.memory_space<vmem>>, vector<16xi32>,
          %mul3A_143 = arith.constant 16 : i32
          %mul3A_144 = arith.muli %scan3A_116, %mul3A_143 : i32
          %get3A_145 = arith.index_cast %add3A_109 : i32 to index
          %get3A_146 = arith.index_cast %mul3A_144 : i32 to index
          %get3A_147 = tpu.vector_load %arg8[%get3A_145, %get3A_146] {strides = array<i32>} : memref<32x80xi32, #tpu.memory_space<vmem>>, vector<16xi32>,
          %mul3A_148 = arith.constant 16 : i32
          %mul3A_149 = arith.muli %scan3A_116, %mul3A_148 : i32
          %add3A_150 = arith.constant 0 : i32
          %add3A_151 = arith.addi %mul3A_149, %add3A_150 : i32
          %slice3A = vector.extract_strided_slice %get3A_142 {offsets = [0], sizes = [1], strides = [1]} : vector<16xi32> to vector<1xi32>
          %squeeze3A = vector.extract %slice3A[0] : i32 from vector<1xi32>
          %dma_start3A = arith.constant 0 : i32
          %dma_start3A_152 = tpu.memref_slice %arg11[%add3A_151, %dma_start3A] : memref<80x64xf32, #tpu.memory_space<vmem>> -> memref<1x64xf32, #tpu.memory_space<vmem>>
          %dma_start3A_153 = arith.constant 0 : i32
          %dma_start3A_154 = tpu.memref_slice %arg2[%squeeze3A, %dma_start3A_153] : memref<100000x64xf32, #tpu.memory_space<hbm>> -> memref<1x64xf32, #tpu.memory_space<hbm>>
          %dma_start3A_155 = arith.constant 0 : i32
          %dma_start3A_156 = tpu.memref_slice %arg11[%add3A_151, %dma_start3A_155] : memref<80x64xf32, #tpu.memory_space<vmem>> -> memref<1x64xf32, #tpu.memory_space<vmem>>
          %dma_start3A_157 = arith.constant 0 : i32
          %dma_start3A_158 = tpu.memref_slice %arg2[%squeeze3A, %dma_start3A_157] : memref<100000x64xf32, #tpu.memory_space<hbm>> -> memref<1x64xf32, #tpu.memory_space<hbm>>
          tpu.enqueue_dma source(%dma_start3A_158 : memref<1x64xf32, #tpu.memory_space<hbm>>) target(%dma_start3A_156 : memref<1x64xf32, #tpu.memory_space<vmem>>) target_semaphore(%arg19 : memref<!tpu.dma_semaphore, #tpu.memory_space<semaphore_mem>>)
          %slice3A_159 = vector.extract_strided_slice %get3A_147 {offsets = [0], sizes = [1], strides = [1]} : vector<16xi32> to vector<1xi32>
          %squeeze3A_160 = vector.extract %slice3A_159[0] : i32 from vector<1xi32>
          %dma_start3A_161 = arith.constant 0 : i32
          %dma_start3A_162 = tpu.memref_slice %arg15[%add3A_151, %dma_start3A_161] : memref<80x64xf32, #tpu.memory_space<vmem>> -> memref<1x64xf32, #tpu.memory_space<vmem>>
          %dma_start3A_163 = arith.constant 0 : i32
          %dma_start3A_164 = tpu.memref_slice %arg3[%squeeze3A_160, %dma_start3A_163] : memref<100000x64xf32, #tpu.memory_space<hbm>> -> memref<1x64xf32, #tpu.memory_space<hbm>>
          %dma_start3A_165 = arith.constant 0 : i32
          %dma_start3A_166 = tpu.memref_slice %arg15[%add3A_151, %dma_start3A_165] : memref<80x64xf32, #tpu.memory_space<vmem>> -> memref<1x64xf32, #tpu.memory_space<vmem>>
          %dma_start3A_167 = arith.constant 0 : i32
          %dma_start3A_168 = tpu.memref_slice %arg3[%squeeze3A_160, %dma_start3A_167] : memref<100000x64xf32, #tpu.memory_space<hbm>> -> memref<1x64xf32, #tpu.memory_space<hbm>>
          tpu.enqueue_dma source(%dma_start3A_168 : memref<1x64xf32, #tpu.memory_space<hbm>>) target(%dma_start3A_166 : memref<1x64xf32, #tpu.memory_space<vmem>>) target_semaphore(%arg23 : memref<!tpu.dma_semaphore, #tpu.memory_space<semaphore_mem>>)
          %mul3A_169 = arith.constant 16 : i32
          %mul3A_170 = arith.muli %scan3A_116, %mul3A_169 : i32
          %add3A_171 = arith.constant 1 : i32
          %add3A_172 = arith.addi %mul3A_170, %add3A_171 : i32
          %slice3A_173 = vector.extract_strided_slice %get3A_142 {offsets = [1], sizes = [1], strides = [1]} : vector<16xi32> to vector<1xi32>
          %squeeze3A_174 = vector.extract %slice3A_173[0] : i32 from vector<1xi32>
          %dma_start3A_175 = arith.constant 0 : i32
          %dma_start3A_176 = tpu.memref_slice %arg11[%add3A_172, %dma_start3A_175] : memref<80x64xf32, #tpu.memory_space<vmem>> -> memref<1x64xf32, #tpu.memory_space<vmem>>
          %dma_start3A_177 = arith.constant 0 : i32
          %dma_start3A_178 = tpu.memref_slice %arg2[%squeeze3A_174, %dma_start3A_177] : memref<100000x64xf32, #tpu.memory_space<hbm>> -> memref<1x64xf32, #tpu.memory_space<hbm>>
          %dma_start3A_179 = arith.constant 0 : i32
          %dma_start3A_180 = tpu.memref_slice %arg11[%add3A_172, %dma_start3A_179] : memref<80x64xf32, #tpu.memory_space<vmem>> -> memref<1x64xf32, #tpu.memory_space<vmem>>
          %dma_start3A_181 = arith.constant 0 : i32
          %dma_start3A_182 = tpu.memref_slice %arg2[%squeeze3A_174, %dma_start3A_181] : memref<100000x64xf32, #tpu.memory_space<hbm>> -> memref<1x64xf32, #tpu.memory_space<hbm>>
          tpu.enqueue_dma source(%dma_start3A_182 : memref<1x64xf32, #tpu.memory_space<hbm>>) target(%dma_start3A_180 : memref<1x64xf32, #tpu.memory_space<vmem>>) target_semaphore(%arg19 : memref<!tpu.dma_semaphore, #tpu.memory_space<semaphore_mem>>)
          %slice3A_183 = vector.extract_strided_slice %get3A_147 {offsets = [1], sizes = [1], strides = [1]} : vector<16xi32> to vector<1xi32>
          %squeeze3A_184 = vector.extract %slice3A_183[0] : i32 from vector<1xi32>
          %dma_start3A_185 = arith.constant 0 : i32
          %dma_start3A_186 = tpu.memref_slice %arg15[%add3A_172, %dma_start3A_185] : memref<80x64xf32, #tpu.memory_space<vmem>> -> memref<1x64xf32, #tpu.memory_space<vmem>>
          %dma_start3A_187 = arith.constant 0 : i32
          %dma_start3A_188 = tpu.memref_slice %arg3[%squeeze3A_184, %dma_start3A_187] : memref<100000x64xf32, #tpu.memory_space<hbm>> -> memref<1x64xf32, #tpu.memory_space<hbm>>
          %dma_start3A_189 = arith.constant 0 : i32
          %dma_start3A_190 = tpu.memref_slice %arg15[%add3A_172, %dma_start3A_189] : memref<80x64xf32, #tpu.memory_space<vmem>> -> memref<1x64xf32, #tpu.memory_space<vmem>>
          %dma_start3A_191 = arith.constant 0 : i32
          %dma_start3A_192 = tpu.memref_slice %arg3[%squeeze3A_184, %dma_start3A_191] : memref<100000x64xf32, #tpu.memory_space<hbm>> -> memref<1x64xf32, #tpu.memory_space<hbm>>
          tpu.enqueue_dma source(%dma_start3A_192 : memref<1x64xf32, #tpu.memory_space<hbm>>) target(%dma_start3A_190 : memref<1x64xf32, #tpu.memory_space<vmem>>) target_semaphore(%arg23 : memref<!tpu.dma_semaphore, #tpu.memory_space<semaphore_mem>>)
          %mul3A_193 = arith.constant 16 : i32
          %mul3A_194 = arith.muli %scan3A_116, %mul3A_193 : i32
          %add3A_195 = arith.constant 2 : i32
          %add3A_196 = arith.addi %mul3A_194, %add3A_195 : i32
          %slice3A_197 = vector.extract_strided_slice %get3A_142 {offsets = [2], sizes = [1], strides = [1]} : vector<16xi32> to vector<1xi32>
          %squeeze3A_198 = vector.extract %slice3A_197[0] : i32 from vector<1xi32>
          %dma_start3A_199 = arith.constant 0 : i32
          %dma_start3A_200 = tpu.memref_slice %arg11[%add3A_196, %dma_start3A_199] : memref<80x64xf32, #tpu.memory_space<vmem>> -> memref<1x64xf32, #tpu.memory_space<vmem>>
          %dma_start3A_201 = arith.constant 0 : i32
          %dma_start3A_202 = tpu.memref_slice %arg2[%squeeze3A_198, %dma_start3A_201] : memref<100000x64xf32, #tpu.memory_space<hbm>> -> memref<1x64xf32, #tpu.memory_space<hbm>>
          %dma_start3A_203 = arith.constant 0 : i32
          %dma_start3A_204 = tpu.memref_slice %arg11[%add3A_196, %dma_start3A_203] : memref<80x64xf32, #tpu.memory_space<vmem>> -> memref<1x64xf32, #tpu.memory_space<vmem>>
          %dma_start3A_205 = arith.constant 0 : i32
          %dma_start3A_206 = tpu.memref_slice %arg2[%squeeze3A_198, %dma_start3A_205] : memref<100000x64xf32, #tpu.memory_space<hbm>> -> memref<1x64xf32, #tpu.memory_space<hbm>>
          tpu.enqueue_dma source(%dma_start3A_206 : memref<1x64xf32, #tpu.memory_space<hbm>>) target(%dma_start3A_204 : memref<1x64xf32, #tpu.memory_space<vmem>>) target_semaphore(%arg19 : memref<!tpu.dma_semaphore, #tpu.memory_space<semaphore_mem>>)
          %slice3A_207 = vector.extract_strided_slice %get3A_147 {offsets = [2], sizes = [1], strides = [1]} : vector<16xi32> to vector<1xi32>
          %squeeze3A_208 = vector.extract %slice3A_207[0] : i32 from vector<1xi32>
          %dma_start3A_209 = arith.constant 0 : i32
          %dma_start3A_210 = tpu.memref_slice %arg15[%add3A_196, %dma_start3A_209] : memref<80x64xf32, #tpu.memory_space<vmem>> -> memref<1x64xf32, #tpu.memory_space<vmem>>
          %dma_start3A_211 = arith.constant 0 : i32
          %dma_start3A_212 = tpu.memref_slice %arg3[%squeeze3A_208, %dma_start3A_211] : memref<100000x64xf32, #tpu.memory_space<hbm>> -> memref<1x64xf32, #tpu.memory_space<hbm>>
          %dma_start3A_213 = arith.constant 0 : i32
          %dma_start3A_214 = tpu.memref_slice %arg15[%add3A_196, %dma_start3A_213] : memref<80x64xf32, #tpu.memory_space<vmem>> -> memref<1x64xf32, #tpu.memory_space<vmem>>
          %dma_start3A_215 = arith.constant 0 : i32
          %dma_start3A_216 = tpu.memref_slice %arg3[%squeeze3A_208, %dma_start3A_215] : memref<100000x64xf32, #tpu.memory_space<hbm>> -> memref<1x64xf32, #tpu.memory_space<hbm>>
          tpu.enqueue_dma source(%dma_start3A_216 : memref<1x64xf32, #tpu.memory_space<hbm>>) target(%dma_start3A_214 : memref<1x64xf32, #tpu.memory_space<vmem>>) target_semaphore(%arg23 : memref<!tpu.dma_semaphore, #tpu.memory_space<semaphore_mem>>)
          %mul3A_217 = arith.constant 16 : i32
          %mul3A_218 = arith.muli %scan3A_116, %mul3A_217 : i32
          %add3A_219 = arith.constant 3 : i32
          %add3A_220 = arith.addi %mul3A_218, %add3A_219 : i32
          %slice3A_221 = vector.extract_strided_slice %get3A_142 {offsets = [3], sizes = [1], strides = [1]} : vector<16xi32> to vector<1xi32>
          %squeeze3A_222 = vector.extract %slice3A_221[0] : i32 from vector<1xi32>
          %dma_start3A_223 = arith.constant 0 : i32
          %dma_start3A_224 = tpu.memref_slice %arg11[%add3A_220, %dma_start3A_223] : memref<80x64xf32, #tpu.memory_space<vmem>> -> memref<1x64xf32, #tpu.memory_space<vmem>>
          %dma_start3A_225 = arith.constant 0 : i32
          %dma_start3A_226 = tpu.memref_slice %arg2[%squeeze3A_222, %dma_start3A_225] : memref<100000x64xf32, #tpu.memory_space<hbm>> -> memref<1x64xf32, #tpu.memory_space<hbm>>
          %dma_start3A_227 = arith.constant 0 : i32
          %dma_start3A_228 = tpu.memref_slice %arg11[%add3A_220, %dma_start3A_227] : memref<80x64xf32, #tpu.memory_space<vmem>> -> memref<1x64xf32, #tpu.memory_space<vmem>>
          %dma_start3A_229 = arith.constant 0 : i32
          %dma_start3A_230 = tpu.memref_slice %arg2[%squeeze3A_222, %dma_start3A_229] : memref<100000x64xf32, #tpu.memory_space<hbm>> -> memref<1x64xf32, #tpu.memory_space<hbm>>
          tpu.enqueue_dma source(%dma_start3A_230 : memref<1x64xf32, #tpu.memory_space<hbm>>) target(%dma_start3A_228 : memref<1x64xf32, #tpu.memory_space<vmem>>) target_semaphore(%arg19 : memref<!tpu.dma_semaphore, #tpu.memory_space<semaphore_mem>>)
          %slice3A_231 = vector.extract_strided_slice %get3A_147 {offsets = [3], sizes = [1], strides = [1]} : vector<16xi32> to vector<1xi32>
          %squeeze3A_232 = vector.extract %slice3A_231[0] : i32 from vector<1xi32>
          %dma_start3A_233 = arith.constant 0 : i32
          %dma_start3A_234 = tpu.memref_slice %arg15[%add3A_220, %dma_start3A_233] : memref<80x64xf32, #tpu.memory_space<vmem>> -> memref<1x64xf32, #tpu.memory_space<vmem>>
          %dma_start3A_235 = arith.constant 0 : i32
          %dma_start3A_236 = tpu.memref_slice %arg3[%squeeze3A_232, %dma_start3A_235] : memref<100000x64xf32, #tpu.memory_space<hbm>> -> memref<1x64xf32, #tpu.memory_space<hbm>>
          %dma_start3A_237 = arith.constant 0 : i32
          %dma_start3A_238 = tpu.memref_slice %arg15[%add3A_220, %dma_start3A_237] : memref<80x64xf32, #tpu.memory_space<vmem>> -> memref<1x64xf32, #tpu.memory_space<vmem>>
          %dma_start3A_239 = arith.constant 0 : i32
          %dma_start3A_240 = tpu.memref_slice %arg3[%squeeze3A_232, %dma_start3A_239] : memref<100000x64xf32, #tpu.memory_space<hbm>> -> memref<1x64xf32, #tpu.memory_space<hbm>>
          tpu.enqueue_dma source(%dma_start3A_240 : memref<1x64xf32, #tpu.memory_space<hbm>>) target(%dma_start3A_238 : memref<1x64xf32, #tpu.memory_space<vmem>>) target_semaphore(%arg23 : memref<!tpu.dma_semaphore, #tpu.memory_space<semaphore_mem>>)
          %mul3A_241 = arith.constant 16 : i32
          %mul3A_242 = arith.muli %scan3A_116, %mul3A_241 : i32
          %add3A_243 = arith.constant 4 : i32
          %add3A_244 = arith.addi %mul3A_242, %add3A_243 : i32
          %slice3A_245 = vector.extract_strided_slice %get3A_142 {offsets = [4], sizes = [1], strides = [1]} : vector<16xi32> to vector<1xi32>
          %squeeze3A_246 = vector.extract %slice3A_245[0] : i32 from vector<1xi32>
          %dma_start3A_247 = arith.constant 0 : i32
          %dma_start3A_248 = tpu.memref_slice %arg11[%add3A_244, %dma_start3A_247] : memref<80x64xf32, #tpu.memory_space<vmem>> -> memref<1x64xf32, #tpu.memory_space<vmem>>
          %dma_start3A_249 = arith.constant 0 : i32
          %dma_start3A_250 = tpu.memref_slice %arg2[%squeeze3A_246, %dma_start3A_249] : memref<100000x64xf32, #tpu.memory_space<hbm>> -> memref<1x64xf32, #tpu.memory_space<hbm>>
          %dma_start3A_251 = arith.constant 0 : i32
          %dma_start3A_252 = tpu.memref_slice %arg11[%add3A_244, %dma_start3A_251] : memref<80x64xf32, #tpu.memory_space<vmem>> -> memref<1x64xf32, #tpu.memory_space<vmem>>
          %dma_start3A_253 = arith.constant 0 : i32
          %dma_start3A_254 = tpu.memref_slice %arg2[%squeeze3A_246, %dma_start3A_253] : memref<100000x64xf32, #tpu.memory_space<hbm>> -> memref<1x64xf32, #tpu.memory_space<hbm>>
          tpu.enqueue_dma source(%dma_start3A_254 : memref<1x64xf32, #tpu.memory_space<hbm>>) target(%dma_start3A_252 : memref<1x64xf32, #tpu.memory_space<vmem>>) target_semaphore(%arg19 : memref<!tpu.dma_semaphore, #tpu.memory_space<semaphore_mem>>)
          %slice3A_255 = vector.extract_strided_slice %get3A_147 {offsets = [4], sizes = [1], strides = [1]} : vector<16xi32> to vector<1xi32>
          %squeeze3A_256 = vector.extract %slice3A_255[0] : i32 from vector<1xi32>
          %dma_start3A_257 = arith.constant 0 : i32
          %dma_start3A_258 = tpu.memref_slice %arg15[%add3A_244, %dma_start3A_257] : memref<80x64xf32, #tpu.memory_space<vmem>> -> memref<1x64xf32, #tpu.memory_space<vmem>>
          %dma_start3A_259 = arith.constant 0 : i32
          %dma_start3A_260 = tpu.memref_slice %arg3[%squeeze3A_256, %dma_start3A_259] : memref<100000x64xf32, #tpu.memory_space<hbm>> -> memref<1x64xf32, #tpu.memory_space<hbm>>
          %dma_start3A_261 = arith.constant 0 : i32
          %dma_start3A_262 = tpu.memref_slice %arg15[%add3A_244, %dma_start3A_261] : memref<80x64xf32, #tpu.memory_space<vmem>> -> memref<1x64xf32, #tpu.memory_space<vmem>>
          %dma_start3A_263 = arith.constant 0 : i32
          %dma_start3A_264 = tpu.memref_slice %arg3[%squeeze3A_256, %dma_start3A_263] : memref<100000x64xf32, #tpu.memory_space<hbm>> -> memref<1x64xf32, #tpu.memory_space<hbm>>
          tpu.enqueue_dma source(%dma_start3A_264 : memref<1x64xf32, #tpu.memory_space<hbm>>) target(%dma_start3A_262 : memref<1x64xf32, #tpu.memory_space<vmem>>) target_semaphore(%arg23 : memref<!tpu.dma_semaphore, #tpu.memory_space<semaphore_mem>>)
          %mul3A_265 = arith.constant 16 : i32
          %mul3A_266 = arith.muli %scan3A_116, %mul3A_265 : i32
          %add3A_267 = arith.constant 5 : i32
          %add3A_268 = arith.addi %mul3A_266, %add3A_267 : i32
          %slice3A_269 = vector.extract_strided_slice %get3A_142 {offsets = [5], sizes = [1], strides = [1]} : vector<16xi32> to vector<1xi32>
          %squeeze3A_270 = vector.extract %slice3A_269[0] : i32 from vector<1xi32>
          %dma_start3A_271 = arith.constant 0 : i32
          %dma_start3A_272 = tpu.memref_slice %arg11[%add3A_268, %dma_start3A_271] : memref<80x64xf32, #tpu.memory_space<vmem>> -> memref<1x64xf32, #tpu.memory_space<vmem>>
          %dma_start3A_273 = arith.constant 0 : i32
          %dma_start3A_274 = tpu.memref_slice %arg2[%squeeze3A_270, %dma_start3A_273] : memref<100000x64xf32, #tpu.memory_space<hbm>> -> memref<1x64xf32, #tpu.memory_space<hbm>>
          %dma_start3A_275 = arith.constant 0 : i32
          %dma_start3A_276 = tpu.memref_slice %arg11[%add3A_268, %dma_start3A_275] : memref<80x64xf32, #tpu.memory_space<vmem>> -> memref<1x64xf32, #tpu.memory_space<vmem>>
          %dma_start3A_277 = arith.constant 0 : i32
          %dma_start3A_278 = tpu.memref_slice %arg2[%squeeze3A_270, %dma_start3A_277] : memref<100000x64xf32, #tpu.memory_space<hbm>> -> memref<1x64xf32, #tpu.memory_space<hbm>>
          tpu.enqueue_dma source(%dma_start3A_278 : memref<1x64xf32, #tpu.memory_space<hbm>>) target(%dma_start3A_276 : memref<1x64xf32, #tpu.memory_space<vmem>>) target_semaphore(%arg19 : memref<!tpu.dma_semaphore, #tpu.memory_space<semaphore_mem>>)
          %slice3A_279 = vector.extract_strided_slice %get3A_147 {offsets = [5], sizes = [1], strides = [1]} : vector<16xi32> to vector<1xi32>
          %squeeze3A_280 = vector.extract %slice3A_279[0] : i32 from vector<1xi32>
          %dma_start3A_281 = arith.constant 0 : i32
          %dma_start3A_282 = tpu.memref_slice %arg15[%add3A_268, %dma_start3A_281] : memref<80x64xf32, #tpu.memory_space<vmem>> -> memref<1x64xf32, #tpu.memory_space<vmem>>
          %dma_start3A_283 = arith.constant 0 : i32
          %dma_start3A_284 = tpu.memref_slice %arg3[%squeeze3A_280, %dma_start3A_283] : memref<100000x64xf32, #tpu.memory_space<hbm>> -> memref<1x64xf32, #tpu.memory_space<hbm>>
          %dma_start3A_285 = arith.constant 0 : i32
          %dma_start3A_286 = tpu.memref_slice %arg15[%add3A_268, %dma_start3A_285] : memref<80x64xf32, #tpu.memory_space<vmem>> -> memref<1x64xf32, #tpu.memory_space<vmem>>
          %dma_start3A_287 = arith.constant 0 : i32
          %dma_start3A_288 = tpu.memref_slice %arg3[%squeeze3A_280, %dma_start3A_287] : memref<100000x64xf32, #tpu.memory_space<hbm>> -> memref<1x64xf32, #tpu.memory_space<hbm>>
          tpu.enqueue_dma source(%dma_start3A_288 : memref<1x64xf32, #tpu.memory_space<hbm>>) target(%dma_start3A_286 : memref<1x64xf32, #tpu.memory_space<vmem>>) target_semaphore(%arg23 : memref<!tpu.dma_semaphore, #tpu.memory_space<semaphore_mem>>)
          %mul3A_289 = arith.constant 16 : i32
          %mul3A_290 = arith.muli %scan3A_116, %mul3A_289 : i32
          %add3A_291 = arith.constant 6 : i32
          %add3A_292 = arith.addi %mul3A_290, %add3A_291 : i32
          %slice3A_293 = vector.extract_strided_slice %get3A_142 {offsets = [6], sizes = [1], strides = [1]} : vector<16xi32> to vector<1xi32>
          %squeeze3A_294 = vector.extract %slice3A_293[0] : i32 from vector<1xi32>
          %dma_start3A_295 = arith.constant 0 : i32
          %dma_start3A_296 = tpu.memref_slice %arg11[%add3A_292, %dma_start3A_295] : memref<80x64xf32, #tpu.memory_space<vmem>> -> memref<1x64xf32, #tpu.memory_space<vmem>>
          %dma_start3A_297 = arith.constant 0 : i32
          %dma_start3A_298 = tpu.memref_slice %arg2[%squeeze3A_294, %dma_start3A_297] : memref<100000x64xf32, #tpu.memory_space<hbm>> -> memref<1x64xf32, #tpu.memory_space<hbm>>
          %dma_start3A_299 = arith.constant 0 : i32
          %dma_start3A_300 = tpu.memref_slice %arg11[%add3A_292, %dma_start3A_299] : memref<80x64xf32, #tpu.memory_space<vmem>> -> memref<1x64xf32, #tpu.memory_space<vmem>>
          %dma_start3A_301 = arith.constant 0 : i32
          %dma_start3A_302 = tpu.memref_slice %arg2[%squeeze3A_294, %dma_start3A_301] : memref<100000x64xf32, #tpu.memory_space<hbm>> -> memref<1x64xf32, #tpu.memory_space<hbm>>
          tpu.enqueue_dma source(%dma_start3A_302 : memref<1x64xf32, #tpu.memory_space<hbm>>) target(%dma_start3A_300 : memref<1x64xf32, #tpu.memory_space<vmem>>) target_semaphore(%arg19 : memref<!tpu.dma_semaphore, #tpu.memory_space<semaphore_mem>>)
          %slice3A_303 = vector.extract_strided_slice %get3A_147 {offsets = [6], sizes = [1], strides = [1]} : vector<16xi32> to vector<1xi32>
          %squeeze3A_304 = vector.extract %slice3A_303[0] : i32 from vector<1xi32>
          %dma_start3A_305 = arith.constant 0 : i32
          %dma_start3A_306 = tpu.memref_slice %arg15[%add3A_292, %dma_start3A_305] : memref<80x64xf32, #tpu.memory_space<vmem>> -> memref<1x64xf32, #tpu.memory_space<vmem>>
          %dma_start3A_307 = arith.constant 0 : i32
          %dma_start3A_308 = tpu.memref_slice %arg3[%squeeze3A_304, %dma_start3A_307] : memref<100000x64xf32, #tpu.memory_space<hbm>> -> memref<1x64xf32, #tpu.memory_space<hbm>>
          %dma_start3A_309 = arith.constant 0 : i32
          %dma_start3A_310 = tpu.memref_slice %arg15[%add3A_292, %dma_start3A_309] : memref<80x64xf32, #tpu.memory_space<vmem>> -> memref<1x64xf32, #tpu.memory_space<vmem>>
          %dma_start3A_311 = arith.constant 0 : i32
          %dma_start3A_312 = tpu.memref_slice %arg3[%squeeze3A_304, %dma_start3A_311] : memref<100000x64xf32, #tpu.memory_space<hbm>> -> memref<1x64xf32, #tpu.memory_space<hbm>>
          tpu.enqueue_dma source(%dma_start3A_312 : memref<1x64xf32, #tpu.memory_space<hbm>>) target(%dma_start3A_310 : memref<1x64xf32, #tpu.memory_space<vmem>>) target_semaphore(%arg23 : memref<!tpu.dma_semaphore, #tpu.memory_space<semaphore_mem>>)
          %mul3A_313 = arith.constant 16 : i32
          %mul3A_314 = arith.muli %scan3A_116, %mul3A_313 : i32
          %add3A_315 = arith.constant 7 : i32
          %add3A_316 = arith.addi %mul3A_314, %add3A_315 : i32
          %slice3A_317 = vector.extract_strided_slice %get3A_142 {offsets = [7], sizes = [1], strides = [1]} : vector<16xi32> to vector<1xi32>
          %squeeze3A_318 = vector.extract %slice3A_317[0] : i32 from vector<1xi32>
          %dma_start3A_319 = arith.constant 0 : i32
          %dma_start3A_320 = tpu.memref_slice %arg11[%add3A_316, %dma_start3A_319] : memref<80x64xf32, #tpu.memory_space<vmem>> -> memref<1x64xf32, #tpu.memory_space<vmem>>
          %dma_start3A_321 = arith.constant 0 : i32
          %dma_start3A_322 = tpu.memref_slice %arg2[%squeeze3A_318, %dma_start3A_321] : memref<100000x64xf32, #tpu.memory_space<hbm>> -> memref<1x64xf32, #tpu.memory_space<hbm>>
          %dma_start3A_323 = arith.constant 0 : i32
          %dma_start3A_324 = tpu.memref_slice %arg11[%add3A_316, %dma_start3A_323] : memref<80x64xf32, #tpu.memory_space<vmem>> -> memref<1x64xf32, #tpu.memory_space<vmem>>
          %dma_start3A_325 = arith.constant 0 : i32
          %dma_start3A_326 = tpu.memref_slice %arg2[%squeeze3A_318, %dma_start3A_325] : memref<100000x64xf32, #tpu.memory_space<hbm>> -> memref<1x64xf32, #tpu.memory_space<hbm>>
          tpu.enqueue_dma source(%dma_start3A_326 : memref<1x64xf32, #tpu.memory_space<hbm>>) target(%dma_start3A_324 : memref<1x64xf32, #tpu.memory_space<vmem>>) target_semaphore(%arg19 : memref<!tpu.dma_semaphore, #tpu.memory_space<semaphore_mem>>)
          %slice3A_327 = vector.extract_strided_slice %get3A_147 {offsets = [7], sizes = [1], strides = [1]} : vector<16xi32> to vector<1xi32>
          %squeeze3A_328 = vector.extract %slice3A_327[0] : i32 from vector<1xi32>
          %dma_start3A_329 = arith.constant 0 : i32
          %dma_start3A_330 = tpu.memref_slice %arg15[%add3A_316, %dma_start3A_329] : memref<80x64xf32, #tpu.memory_space<vmem>> -> memref<1x64xf32, #tpu.memory_space<vmem>>
          %dma_start3A_331 = arith.constant 0 : i32
          %dma_start3A_332 = tpu.memref_slice %arg3[%squeeze3A_328, %dma_start3A_331] : memref<100000x64xf32, #tpu.memory_space<hbm>> -> memref<1x64xf32, #tpu.memory_space<hbm>>
          %dma_start3A_333 = arith.constant 0 : i32
          %dma_start3A_334 = tpu.memref_slice %arg15[%add3A_316, %dma_start3A_333] : memref<80x64xf32, #tpu.memory_space<vmem>> -> memref<1x64xf32, #tpu.memory_space<vmem>>
          %dma_start3A_335 = arith.constant 0 : i32
          %dma_start3A_336 = tpu.memref_slice %arg3[%squeeze3A_328, %dma_start3A_335] : memref<100000x64xf32, #tpu.memory_space<hbm>> -> memref<1x64xf32, #tpu.memory_space<hbm>>
          tpu.enqueue_dma source(%dma_start3A_336 : memref<1x64xf32, #tpu.memory_space<hbm>>) target(%dma_start3A_334 : memref<1x64xf32, #tpu.memory_space<vmem>>) target_semaphore(%arg23 : memref<!tpu.dma_semaphore, #tpu.memory_space<semaphore_mem>>)
          %mul3A_337 = arith.constant 16 : i32
          %mul3A_338 = arith.muli %scan3A_116, %mul3A_337 : i32
          %add3A_339 = arith.constant 8 : i32
          %add3A_340 = arith.addi %mul3A_338, %add3A_339 : i32
          %slice3A_341 = vector.extract_strided_slice %get3A_142 {offsets = [8], sizes = [1], strides = [1]} : vector<16xi32> to vector<1xi32>
          %squeeze3A_342 = vector.extract %slice3A_341[0] : i32 from vector<1xi32>
          %dma_start3A_343 = arith.constant 0 : i32
          %dma_start3A_344 = tpu.memref_slice %arg11[%add3A_340, %dma_start3A_343] : memref<80x64xf32, #tpu.memory_space<vmem>> -> memref<1x64xf32, #tpu.memory_space<vmem>>
          %dma_start3A_345 = arith.constant 0 : i32
          %dma_start3A_346 = tpu.memref_slice %arg2[%squeeze3A_342, %dma_start3A_345] : memref<100000x64xf32, #tpu.memory_space<hbm>> -> memref<1x64xf32, #tpu.memory_space<hbm>>
          %dma_start3A_347 = arith.constant 0 : i32
          %dma_start3A_348 = tpu.memref_slice %arg11[%add3A_340, %dma_start3A_347] : memref<80x64xf32, #tpu.memory_space<vmem>> -> memref<1x64xf32, #tpu.memory_space<vmem>>
          %dma_start3A_349 = arith.constant 0 : i32
          %dma_start3A_350 = tpu.memref_slice %arg2[%squeeze3A_342, %dma_start3A_349] : memref<100000x64xf32, #tpu.memory_space<hbm>> -> memref<1x64xf32, #tpu.memory_space<hbm>>
          tpu.enqueue_dma source(%dma_start3A_350 : memref<1x64xf32, #tpu.memory_space<hbm>>) target(%dma_start3A_348 : memref<1x64xf32, #tpu.memory_space<vmem>>) target_semaphore(%arg19 : memref<!tpu.dma_semaphore, #tpu.memory_space<semaphore_mem>>)
          %slice3A_351 = vector.extract_strided_slice %get3A_147 {offsets = [8], sizes = [1], strides = [1]} : vector<16xi32> to vector<1xi32>
          %squeeze3A_352 = vector.extract %slice3A_351[0] : i32 from vector<1xi32>
          %dma_start3A_353 = arith.constant 0 : i32
          %dma_start3A_354 = tpu.memref_slice %arg15[%add3A_340, %dma_start3A_353] : memref<80x64xf32, #tpu.memory_space<vmem>> -> memref<1x64xf32, #tpu.memory_space<vmem>>
          %dma_start3A_355 = arith.constant 0 : i32
          %dma_start3A_356 = tpu.memref_slice %arg3[%squeeze3A_352, %dma_start3A_355] : memref<100000x64xf32, #tpu.memory_space<hbm>> -> memref<1x64xf32, #tpu.memory_space<hbm>>
          %dma_start3A_357 = arith.constant 0 : i32
          %dma_start3A_358 = tpu.memref_slice %arg15[%add3A_340, %dma_start3A_357] : memref<80x64xf32, #tpu.memory_space<vmem>> -> memref<1x64xf32, #tpu.memory_space<vmem>>
          %dma_start3A_359 = arith.constant 0 : i32
          %dma_start3A_360 = tpu.memref_slice %arg3[%squeeze3A_352, %dma_start3A_359] : memref<100000x64xf32, #tpu.memory_space<hbm>> -> memref<1x64xf32, #tpu.memory_space<hbm>>
          tpu.enqueue_dma source(%dma_start3A_360 : memref<1x64xf32, #tpu.memory_space<hbm>>) target(%dma_start3A_358 : memref<1x64xf32, #tpu.memory_space<vmem>>) target_semaphore(%arg23 : memref<!tpu.dma_semaphore, #tpu.memory_space<semaphore_mem>>)
          %mul3A_361 = arith.constant 16 : i32
          %mul3A_362 = arith.muli %scan3A_116, %mul3A_361 : i32
          %add3A_363 = arith.constant 9 : i32
          %add3A_364 = arith.addi %mul3A_362, %add3A_363 : i32
          %slice3A_365 = vector.extract_strided_slice %get3A_142 {offsets = [9], sizes = [1], strides = [1]} : vector<16xi32> to vector<1xi32>
          %squeeze3A_366 = vector.extract %slice3A_365[0] : i32 from vector<1xi32>
          %dma_start3A_367 = arith.constant 0 : i32
          %dma_start3A_368 = tpu.memref_slice %arg11[%add3A_364, %dma_start3A_367] : memref<80x64xf32, #tpu.memory_space<vmem>> -> memref<1x64xf32, #tpu.memory_space<vmem>>
          %dma_start3A_369 = arith.constant 0 : i32
          %dma_start3A_370 = tpu.memref_slice %arg2[%squeeze3A_366, %dma_start3A_369] : memref<100000x64xf32, #tpu.memory_space<hbm>> -> memref<1x64xf32, #tpu.memory_space<hbm>>
          %dma_start3A_371 = arith.constant 0 : i32
          %dma_start3A_372 = tpu.memref_slice %arg11[%add3A_364, %dma_start3A_371] : memref<80x64xf32, #tpu.memory_space<vmem>> -> memref<1x64xf32, #tpu.memory_space<vmem>>
          %dma_start3A_373 = arith.constant 0 : i32
          %dma_start3A_374 = tpu.memref_slice %arg2[%squeeze3A_366, %dma_start3A_373] : memref<100000x64xf32, #tpu.memory_space<hbm>> -> memref<1x64xf32, #tpu.memory_space<hbm>>
          tpu.enqueue_dma source(%dma_start3A_374 : memref<1x64xf32, #tpu.memory_space<hbm>>) target(%dma_start3A_372 : memref<1x64xf32, #tpu.memory_space<vmem>>) target_semaphore(%arg19 : memref<!tpu.dma_semaphore, #tpu.memory_space<semaphore_mem>>)
          %slice3A_375 = vector.extract_strided_slice %get3A_147 {offsets = [9], sizes = [1], strides = [1]} : vector<16xi32> to vector<1xi32>
          %squeeze3A_376 = vector.extract %slice3A_375[0] : i32 from vector<1xi32>
          %dma_start3A_377 = arith.constant 0 : i32
          %dma_start3A_378 = tpu.memref_slice %arg15[%add3A_364, %dma_start3A_377] : memref<80x64xf32, #tpu.memory_space<vmem>> -> memref<1x64xf32, #tpu.memory_space<vmem>>
          %dma_start3A_379 = arith.constant 0 : i32
          %dma_start3A_380 = tpu.memref_slice %arg3[%squeeze3A_376, %dma_start3A_379] : memref<100000x64xf32, #tpu.memory_space<hbm>> -> memref<1x64xf32, #tpu.memory_space<hbm>>
          %dma_start3A_381 = arith.constant 0 : i32
          %dma_start3A_382 = tpu.memref_slice %arg15[%add3A_364, %dma_start3A_381] : memref<80x64xf32, #tpu.memory_space<vmem>> -> memref<1x64xf32, #tpu.memory_space<vmem>>
          %dma_start3A_383 = arith.constant 0 : i32
          %dma_start3A_384 = tpu.memref_slice %arg3[%squeeze3A_376, %dma_start3A_383] : memref<100000x64xf32, #tpu.memory_space<hbm>> -> memref<1x64xf32, #tpu.memory_space<hbm>>
          tpu.enqueue_dma source(%dma_start3A_384 : memref<1x64xf32, #tpu.memory_space<hbm>>) target(%dma_start3A_382 : memref<1x64xf32, #tpu.memory_space<vmem>>) target_semaphore(%arg23 : memref<!tpu.dma_semaphore, #tpu.memory_space<semaphore_mem>>)
          %mul3A_385 = arith.constant 16 : i32
          %mul3A_386 = arith.muli %scan3A_116, %mul3A_385 : i32
          %add3A_387 = arith.constant 10 : i32
          %add3A_388 = arith.addi %mul3A_386, %add3A_387 : i32
          %slice3A_389 = vector.extract_strided_slice %get3A_142 {offsets = [10], sizes = [1], strides = [1]} : vector<16xi32> to vector<1xi32>
          %squeeze3A_390 = vector.extract %slice3A_389[0] : i32 from vector<1xi32>
          %dma_start3A_391 = arith.constant 0 : i32
          %dma_start3A_392 = tpu.memref_slice %arg11[%add3A_388, %dma_start3A_391] : memref<80x64xf32, #tpu.memory_space<vmem>> -> memref<1x64xf32, #tpu.memory_space<vmem>>
          %dma_start3A_393 = arith.constant 0 : i32
          %dma_start3A_394 = tpu.memref_slice %arg2[%squeeze3A_390, %dma_start3A_393] : memref<100000x64xf32, #tpu.memory_space<hbm>> -> memref<1x64xf32, #tpu.memory_space<hbm>>
          %dma_start3A_395 = arith.constant 0 : i32
          %dma_start3A_396 = tpu.memref_slice %arg11[%add3A_388, %dma_start3A_395] : memref<80x64xf32, #tpu.memory_space<vmem>> -> memref<1x64xf32, #tpu.memory_space<vmem>>
          %dma_start3A_397 = arith.constant 0 : i32
          %dma_start3A_398 = tpu.memref_slice %arg2[%squeeze3A_390, %dma_start3A_397] : memref<100000x64xf32, #tpu.memory_space<hbm>> -> memref<1x64xf32, #tpu.memory_space<hbm>>
          tpu.enqueue_dma source(%dma_start3A_398 : memref<1x64xf32, #tpu.memory_space<hbm>>) target(%dma_start3A_396 : memref<1x64xf32, #tpu.memory_space<vmem>>) target_semaphore(%arg19 : memref<!tpu.dma_semaphore, #tpu.memory_space<semaphore_mem>>)
          %slice3A_399 = vector.extract_strided_slice %get3A_147 {offsets = [10], sizes = [1], strides = [1]} : vector<16xi32> to vector<1xi32>
          %squeeze3A_400 = vector.extract %slice3A_399[0] : i32 from vector<1xi32>
          %dma_start3A_401 = arith.constant 0 : i32
          %dma_start3A_402 = tpu.memref_slice %arg15[%add3A_388, %dma_start3A_401] : memref<80x64xf32, #tpu.memory_space<vmem>> -> memref<1x64xf32, #tpu.memory_space<vmem>>
          %dma_start3A_403 = arith.constant 0 : i32
          %dma_start3A_404 = tpu.memref_slice %arg3[%squeeze3A_400, %dma_start3A_403] : memref<100000x64xf32, #tpu.memory_space<hbm>> -> memref<1x64xf32, #tpu.memory_space<hbm>>
          %dma_start3A_405 = arith.constant 0 : i32
          %dma_start3A_406 = tpu.memref_slice %arg15[%add3A_388, %dma_start3A_405] : memref<80x64xf32, #tpu.memory_space<vmem>> -> memref<1x64xf32, #tpu.memory_space<vmem>>
          %dma_start3A_407 = arith.constant 0 : i32
          %dma_start3A_408 = tpu.memref_slice %arg3[%squeeze3A_400, %dma_start3A_407] : memref<100000x64xf32, #tpu.memory_space<hbm>> -> memref<1x64xf32, #tpu.memory_space<hbm>>
          tpu.enqueue_dma source(%dma_start3A_408 : memref<1x64xf32, #tpu.memory_space<hbm>>) target(%dma_start3A_406 : memref<1x64xf32, #tpu.memory_space<vmem>>) target_semaphore(%arg23 : memref<!tpu.dma_semaphore, #tpu.memory_space<semaphore_mem>>)
          %mul3A_409 = arith.constant 16 : i32
          %mul3A_410 = arith.muli %scan3A_116, %mul3A_409 : i32
          %add3A_411 = arith.constant 11 : i32
          %add3A_412 = arith.addi %mul3A_410, %add3A_411 : i32
          %slice3A_413 = vector.extract_strided_slice %get3A_142 {offsets = [11], sizes = [1], strides = [1]} : vector<16xi32> to vector<1xi32>
          %squeeze3A_414 = vector.extract %slice3A_413[0] : i32 from vector<1xi32>
          %dma_start3A_415 = arith.constant 0 : i32
          %dma_start3A_416 = tpu.memref_slice %arg11[%add3A_412, %dma_start3A_415] : memref<80x64xf32, #tpu.memory_space<vmem>> -> memref<1x64xf32, #tpu.memory_space<vmem>>
          %dma_start3A_417 = arith.constant 0 : i32
          %dma_start3A_418 = tpu.memref_slice %arg2[%squeeze3A_414, %dma_start3A_417] : memref<100000x64xf32, #tpu.memory_space<hbm>> -> memref<1x64xf32, #tpu.memory_space<hbm>>
          %dma_start3A_419 = arith.constant 0 : i32
          %dma_start3A_420 = tpu.memref_slice %arg11[%add3A_412, %dma_start3A_419] : memref<80x64xf32, #tpu.memory_space<vmem>> -> memref<1x64xf32, #tpu.memory_space<vmem>>
          %dma_start3A_421 = arith.constant 0 : i32
          %dma_start3A_422 = tpu.memref_slice %arg2[%squeeze3A_414, %dma_start3A_421] : memref<100000x64xf32, #tpu.memory_space<hbm>> -> memref<1x64xf32, #tpu.memory_space<hbm>>
          tpu.enqueue_dma source(%dma_start3A_422 : memref<1x64xf32, #tpu.memory_space<hbm>>) target(%dma_start3A_420 : memref<1x64xf32, #tpu.memory_space<vmem>>) target_semaphore(%arg19 : memref<!tpu.dma_semaphore, #tpu.memory_space<semaphore_mem>>)
          %slice3A_423 = vector.extract_strided_slice %get3A_147 {offsets = [11], sizes = [1], strides = [1]} : vector<16xi32> to vector<1xi32>
          %squeeze3A_424 = vector.extract %slice3A_423[0] : i32 from vector<1xi32>
          %dma_start3A_425 = arith.constant 0 : i32
          %dma_start3A_426 = tpu.memref_slice %arg15[%add3A_412, %dma_start3A_425] : memref<80x64xf32, #tpu.memory_space<vmem>> -> memref<1x64xf32, #tpu.memory_space<vmem>>
          %dma_start3A_427 = arith.constant 0 : i32
          %dma_start3A_428 = tpu.memref_slice %arg3[%squeeze3A_424, %dma_start3A_427] : memref<100000x64xf32, #tpu.memory_space<hbm>> -> memref<1x64xf32, #tpu.memory_space<hbm>>
          %dma_start3A_429 = arith.constant 0 : i32
          %dma_start3A_430 = tpu.memref_slice %arg15[%add3A_412, %dma_start3A_429] : memref<80x64xf32, #tpu.memory_space<vmem>> -> memref<1x64xf32, #tpu.memory_space<vmem>>
          %dma_start3A_431 = arith.constant 0 : i32
          %dma_start3A_432 = tpu.memref_slice %arg3[%squeeze3A_424, %dma_start3A_431] : memref<100000x64xf32, #tpu.memory_space<hbm>> -> memref<1x64xf32, #tpu.memory_space<hbm>>
          tpu.enqueue_dma source(%dma_start3A_432 : memref<1x64xf32, #tpu.memory_space<hbm>>) target(%dma_start3A_430 : memref<1x64xf32, #tpu.memory_space<vmem>>) target_semaphore(%arg23 : memref<!tpu.dma_semaphore, #tpu.memory_space<semaphore_mem>>)
          %mul3A_433 = arith.constant 16 : i32
          %mul3A_434 = arith.muli %scan3A_116, %mul3A_433 : i32
          %add3A_435 = arith.constant 12 : i32
          %add3A_436 = arith.addi %mul3A_434, %add3A_435 : i32
          %slice3A_437 = vector.extract_strided_slice %get3A_142 {offsets = [12], sizes = [1], strides = [1]} : vector<16xi32> to vector<1xi32>
          %squeeze3A_438 = vector.extract %slice3A_437[0] : i32 from vector<1xi32>
          %dma_start3A_439 = arith.constant 0 : i32
          %dma_start3A_440 = tpu.memref_slice %arg11[%add3A_436, %dma_start3A_439] : memref<80x64xf32, #tpu.memory_space<vmem>> -> memref<1x64xf32, #tpu.memory_space<vmem>>
          %dma_start3A_441 = arith.constant 0 : i32
          %dma_start3A_442 = tpu.memref_slice %arg2[%squeeze3A_438, %dma_start3A_441] : memref<100000x64xf32, #tpu.memory_space<hbm>> -> memref<1x64xf32, #tpu.memory_space<hbm>>
          %dma_start3A_443 = arith.constant 0 : i32
          %dma_start3A_444 = tpu.memref_slice %arg11[%add3A_436, %dma_start3A_443] : memref<80x64xf32, #tpu.memory_space<vmem>> -> memref<1x64xf32, #tpu.memory_space<vmem>>
          %dma_start3A_445 = arith.constant 0 : i32
          %dma_start3A_446 = tpu.memref_slice %arg2[%squeeze3A_438, %dma_start3A_445] : memref<100000x64xf32, #tpu.memory_space<hbm>> -> memref<1x64xf32, #tpu.memory_space<hbm>>
          tpu.enqueue_dma source(%dma_start3A_446 : memref<1x64xf32, #tpu.memory_space<hbm>>) target(%dma_start3A_444 : memref<1x64xf32, #tpu.memory_space<vmem>>) target_semaphore(%arg19 : memref<!tpu.dma_semaphore, #tpu.memory_space<semaphore_mem>>)
          %slice3A_447 = vector.extract_strided_slice %get3A_147 {offsets = [12], sizes = [1], strides = [1]} : vector<16xi32> to vector<1xi32>
          %squeeze3A_448 = vector.extract %slice3A_447[0] : i32 from vector<1xi32>
          %dma_start3A_449 = arith.constant 0 : i32
          %dma_start3A_450 = tpu.memref_slice %arg15[%add3A_436, %dma_start3A_449] : memref<80x64xf32, #tpu.memory_space<vmem>> -> memref<1x64xf32, #tpu.memory_space<vmem>>
          %dma_start3A_451 = arith.constant 0 : i32
          %dma_start3A_452 = tpu.memref_slice %arg3[%squeeze3A_448, %dma_start3A_451] : memref<100000x64xf32, #tpu.memory_space<hbm>> -> memref<1x64xf32, #tpu.memory_space<hbm>>
          %dma_start3A_453 = arith.constant 0 : i32
          %dma_start3A_454 = tpu.memref_slice %arg15[%add3A_436, %dma_start3A_453] : memref<80x64xf32, #tpu.memory_space<vmem>> -> memref<1x64xf32, #tpu.memory_space<vmem>>
          %dma_start3A_455 = arith.constant 0 : i32
          %dma_start3A_456 = tpu.memref_slice %arg3[%squeeze3A_448, %dma_start3A_455] : memref<100000x64xf32, #tpu.memory_space<hbm>> -> memref<1x64xf32, #tpu.memory_space<hbm>>
          tpu.enqueue_dma source(%dma_start3A_456 : memref<1x64xf32, #tpu.memory_space<hbm>>) target(%dma_start3A_454 : memref<1x64xf32, #tpu.memory_space<vmem>>) target_semaphore(%arg23 : memref<!tpu.dma_semaphore, #tpu.memory_space<semaphore_mem>>)
          %mul3A_457 = arith.constant 16 : i32
          %mul3A_458 = arith.muli %scan3A_116, %mul3A_457 : i32
          %add3A_459 = arith.constant 13 : i32
          %add3A_460 = arith.addi %mul3A_458, %add3A_459 : i32
          %slice3A_461 = vector.extract_strided_slice %get3A_142 {offsets = [13], sizes = [1], strides = [1]} : vector<16xi32> to vector<1xi32>
          %squeeze3A_462 = vector.extract %slice3A_461[0] : i32 from vector<1xi32>
          %dma_start3A_463 = arith.constant 0 : i32
          %dma_start3A_464 = tpu.memref_slice %arg11[%add3A_460, %dma_start3A_463] : memref<80x64xf32, #tpu.memory_space<vmem>> -> memref<1x64xf32, #tpu.memory_space<vmem>>
          %dma_start3A_465 = arith.constant 0 : i32
          %dma_start3A_466 = tpu.memref_slice %arg2[%squeeze3A_462, %dma_start3A_465] : memref<100000x64xf32, #tpu.memory_space<hbm>> -> memref<1x64xf32, #tpu.memory_space<hbm>>
          %dma_start3A_467 = arith.constant 0 : i32
          %dma_start3A_468 = tpu.memref_slice %arg11[%add3A_460, %dma_start3A_467] : memref<80x64xf32, #tpu.memory_space<vmem>> -> memref<1x64xf32, #tpu.memory_space<vmem>>
          %dma_start3A_469 = arith.constant 0 : i32
          %dma_start3A_470 = tpu.memref_slice %arg2[%squeeze3A_462, %dma_start3A_469] : memref<100000x64xf32, #tpu.memory_space<hbm>> -> memref<1x64xf32, #tpu.memory_space<hbm>>
          tpu.enqueue_dma source(%dma_start3A_470 : memref<1x64xf32, #tpu.memory_space<hbm>>) target(%dma_start3A_468 : memref<1x64xf32, #tpu.memory_space<vmem>>) target_semaphore(%arg19 : memref<!tpu.dma_semaphore, #tpu.memory_space<semaphore_mem>>)
          %slice3A_471 = vector.extract_strided_slice %get3A_147 {offsets = [13], sizes = [1], strides = [1]} : vector<16xi32> to vector<1xi32>
          %squeeze3A_472 = vector.extract %slice3A_471[0] : i32 from vector<1xi32>
          %dma_start3A_473 = arith.constant 0 : i32
          %dma_start3A_474 = tpu.memref_slice %arg15[%add3A_460, %dma_start3A_473] : memref<80x64xf32, #tpu.memory_space<vmem>> -> memref<1x64xf32, #tpu.memory_space<vmem>>
          %dma_start3A_475 = arith.constant 0 : i32
          %dma_start3A_476 = tpu.memref_slice %arg3[%squeeze3A_472, %dma_start3A_475] : memref<100000x64xf32, #tpu.memory_space<hbm>> -> memref<1x64xf32, #tpu.memory_space<hbm>>
          %dma_start3A_477 = arith.constant 0 : i32
          %dma_start3A_478 = tpu.memref_slice %arg15[%add3A_460, %dma_start3A_477] : memref<80x64xf32, #tpu.memory_space<vmem>> -> memref<1x64xf32, #tpu.memory_space<vmem>>
          %dma_start3A_479 = arith.constant 0 : i32
          %dma_start3A_480 = tpu.memref_slice %arg3[%squeeze3A_472, %dma_start3A_479] : memref<100000x64xf32, #tpu.memory_space<hbm>> -> memref<1x64xf32, #tpu.memory_space<hbm>>
          tpu.enqueue_dma source(%dma_start3A_480 : memref<1x64xf32, #tpu.memory_space<hbm>>) target(%dma_start3A_478 : memref<1x64xf32, #tpu.memory_space<vmem>>) target_semaphore(%arg23 : memref<!tpu.dma_semaphore, #tpu.memory_space<semaphore_mem>>)
          %mul3A_481 = arith.constant 16 : i32
          %mul3A_482 = arith.muli %scan3A_116, %mul3A_481 : i32
          %add3A_483 = arith.constant 14 : i32
          %add3A_484 = arith.addi %mul3A_482, %add3A_483 : i32
          %slice3A_485 = vector.extract_strided_slice %get3A_142 {offsets = [14], sizes = [1], strides = [1]} : vector<16xi32> to vector<1xi32>
          %squeeze3A_486 = vector.extract %slice3A_485[0] : i32 from vector<1xi32>
          %dma_start3A_487 = arith.constant 0 : i32
          %dma_start3A_488 = tpu.memref_slice %arg11[%add3A_484, %dma_start3A_487] : memref<80x64xf32, #tpu.memory_space<vmem>> -> memref<1x64xf32, #tpu.memory_space<vmem>>
          %dma_start3A_489 = arith.constant 0 : i32
          %dma_start3A_490 = tpu.memref_slice %arg2[%squeeze3A_486, %dma_start3A_489] : memref<100000x64xf32, #tpu.memory_space<hbm>> -> memref<1x64xf32, #tpu.memory_space<hbm>>
          %dma_start3A_491 = arith.constant 0 : i32
          %dma_start3A_492 = tpu.memref_slice %arg11[%add3A_484, %dma_start3A_491] : memref<80x64xf32, #tpu.memory_space<vmem>> -> memref<1x64xf32, #tpu.memory_space<vmem>>
          %dma_start3A_493 = arith.constant 0 : i32
          %dma_start3A_494 = tpu.memref_slice %arg2[%squeeze3A_486, %dma_start3A_493] : memref<100000x64xf32, #tpu.memory_space<hbm>> -> memref<1x64xf32, #tpu.memory_space<hbm>>
          tpu.enqueue_dma source(%dma_start3A_494 : memref<1x64xf32, #tpu.memory_space<hbm>>) target(%dma_start3A_492 : memref<1x64xf32, #tpu.memory_space<vmem>>) target_semaphore(%arg19 : memref<!tpu.dma_semaphore, #tpu.memory_space<semaphore_mem>>)
          %slice3A_495 = vector.extract_strided_slice %get3A_147 {offsets = [14], sizes = [1], strides = [1]} : vector<16xi32> to vector<1xi32>
          %squeeze3A_496 = vector.extract %slice3A_495[0] : i32 from vector<1xi32>
          %dma_start3A_497 = arith.constant 0 : i32
          %dma_start3A_498 = tpu.memref_slice %arg15[%add3A_484, %dma_start3A_497] : memref<80x64xf32, #tpu.memory_space<vmem>> -> memref<1x64xf32, #tpu.memory_space<vmem>>
          %dma_start3A_499 = arith.constant 0 : i32
          %dma_start3A_500 = tpu.memref_slice %arg3[%squeeze3A_496, %dma_start3A_499] : memref<100000x64xf32, #tpu.memory_space<hbm>> -> memref<1x64xf32, #tpu.memory_space<hbm>>
          %dma_start3A_501 = arith.constant 0 : i32
          %dma_start3A_502 = tpu.memref_slice %arg15[%add3A_484, %dma_start3A_501] : memref<80x64xf32, #tpu.memory_space<vmem>> -> memref<1x64xf32, #tpu.memory_space<vmem>>
          %dma_start3A_503 = arith.constant 0 : i32
          %dma_start3A_504 = tpu.memref_slice %arg3[%squeeze3A_496, %dma_start3A_503] : memref<100000x64xf32, #tpu.memory_space<hbm>> -> memref<1x64xf32, #tpu.memory_space<hbm>>
          tpu.enqueue_dma source(%dma_start3A_504 : memref<1x64xf32, #tpu.memory_space<hbm>>) target(%dma_start3A_502 : memref<1x64xf32, #tpu.memory_space<vmem>>) target_semaphore(%arg23 : memref<!tpu.dma_semaphore, #tpu.memory_space<semaphore_mem>>)
          %mul3A_505 = arith.constant 16 : i32
          %mul3A_506 = arith.muli %scan3A_116, %mul3A_505 : i32
          %add3A_507 = arith.constant 15 : i32
          %add3A_508 = arith.addi %mul3A_506, %add3A_507 : i32
          %slice3A_509 = vector.extract_strided_slice %get3A_142 {offsets = [15], sizes = [1], strides = [1]} : vector<16xi32> to vector<1xi32>
          %squeeze3A_510 = vector.extract %slice3A_509[0] : i32 from vector<1xi32>
          %dma_start3A_511 = arith.constant 0 : i32
          %dma_start3A_512 = tpu.memref_slice %arg11[%add3A_508, %dma_start3A_511] : memref<80x64xf32, #tpu.memory_space<vmem>> -> memref<1x64xf32, #tpu.memory_space<vmem>>
          %dma_start3A_513 = arith.constant 0 : i32
          %dma_start3A_514 = tpu.memref_slice %arg2[%squeeze3A_510, %dma_start3A_513] : memref<100000x64xf32, #tpu.memory_space<hbm>> -> memref<1x64xf32, #tpu.memory_space<hbm>>
          %dma_start3A_515 = arith.constant 0 : i32
          %dma_start3A_516 = tpu.memref_slice %arg11[%add3A_508, %dma_start3A_515] : memref<80x64xf32, #tpu.memory_space<vmem>> -> memref<1x64xf32, #tpu.memory_space<vmem>>
          %dma_start3A_517 = arith.constant 0 : i32
          %dma_start3A_518 = tpu.memref_slice %arg2[%squeeze3A_510, %dma_start3A_517] : memref<100000x64xf32, #tpu.memory_space<hbm>> -> memref<1x64xf32, #tpu.memory_space<hbm>>
          tpu.enqueue_dma source(%dma_start3A_518 : memref<1x64xf32, #tpu.memory_space<hbm>>) target(%dma_start3A_516 : memref<1x64xf32, #tpu.memory_space<vmem>>) target_semaphore(%arg19 : memref<!tpu.dma_semaphore, #tpu.memory_space<semaphore_mem>>)
          %slice3A_519 = vector.extract_strided_slice %get3A_147 {offsets = [15], sizes = [1], strides = [1]} : vector<16xi32> to vector<1xi32>
          %squeeze3A_520 = vector.extract %slice3A_519[0] : i32 from vector<1xi32>
          %dma_start3A_521 = arith.constant 0 : i32
          %dma_start3A_522 = tpu.memref_slice %arg15[%add3A_508, %dma_start3A_521] : memref<80x64xf32, #tpu.memory_space<vmem>> -> memref<1x64xf32, #tpu.memory_space<vmem>>
          %dma_start3A_523 = arith.constant 0 : i32
          %dma_start3A_524 = tpu.memref_slice %arg3[%squeeze3A_520, %dma_start3A_523] : memref<100000x64xf32, #tpu.memory_space<hbm>> -> memref<1x64xf32, #tpu.memory_space<hbm>>
          %dma_start3A_525 = arith.constant 0 : i32
          %dma_start3A_526 = tpu.memref_slice %arg15[%add3A_508, %dma_start3A_525] : memref<80x64xf32, #tpu.memory_space<vmem>> -> memref<1x64xf32, #tpu.memory_space<vmem>>
          %dma_start3A_527 = arith.constant 0 : i32
          %dma_start3A_528 = tpu.memref_slice %arg3[%squeeze3A_520, %dma_start3A_527] : memref<100000x64xf32, #tpu.memory_space<hbm>> -> memref<1x64xf32, #tpu.memory_space<hbm>>
          tpu.enqueue_dma source(%dma_start3A_528 : memref<1x64xf32, #tpu.memory_space<hbm>>) target(%dma_start3A_526 : memref<1x64xf32, #tpu.memory_space<vmem>>) target_semaphore(%arg23 : memref<!tpu.dma_semaphore, #tpu.memory_space<semaphore_mem>>)
        } else {
        }
        %mul3A_119 = arith.constant 16 : i32
        %mul3A_120 = arith.muli %scan3A_116, %mul3A_119 : i32
        %add3A_121 = vector.broadcast %mul3A_120 : i32 to vector<16xi32>
        %add3A_122 = arith.addi %iota3A, %add3A_121 : vector<16xi32>
        %broadcast_in_dim3A = arith.constant 0.000000e+00 : f32
        %broadcast_in_dim3A_123 = vector.broadcast %broadcast_in_dim3A : f32 to vector<16xf32>
        %scan3A_124 = arith.constant 0 : i32
        %scan3A_125 = arith.constant 8 : i32
        %scan3A_126 = arith.addi %scan3A_124, %scan3A_125 : i32
        %scan3A_127 = arith.constant 1 : i32
        %scan3A_128:4 = scf.for %scan3A_139 = %scan3A_124 to %scan3A_126 step %scan3A_127 iter_args(%scan3A_140 = %broadcast_in_dim3A_123, %scan3A_141 = %broadcast_in_dim3A_123, %scan3A_142 = %broadcast_in_dim3A_123, %scan3A_143 = %broadcast_in_dim3A_123) -> (vector<16xf32>, vector<16xf32>, vector<16xf32>, vector<16xf32>)  : i32 {
          %mul3A_144 = arith.constant 8 : i32
          %mul3A_145 = arith.muli %scan3A_139, %mul3A_144 : i32
          %add3A_146 = vector.broadcast %mul3A_145 : i32 to vector<16xi32>
          %add3A_147 = arith.addi %iota3A, %add3A_146 : vector<16xi32>
          %add3A_148 = arith.constant 0 : i32
          %add3A_149 = vector.broadcast %add3A_148 : i32 to vector<16xi32>
          %add3A_150 = arith.addi %add3A_147, %add3A_149 : vector<16xi32>
          %and3A = arith.constant 63 : i32
          %and3A_151 = vector.broadcast %and3A : i32 to vector<16xi32>
          %and3A_152 = arith.andi %add3A_150, %and3A_151 : vector<16xi32>
          %gather3A = tpu.vector_load_idx %arg13[%add3A_122, %and3A_152] : memref<80x64xf32, #tpu.memory_space<vmem>>[vector<16xi32>, vector<16xi32>], vector<16xf32>,
          %gather3A_153 = tpu.vector_load_idx %arg17[%add3A_122, %and3A_152] : memref<80x64xf32, #tpu.memory_space<vmem>>[vector<16xi32>, vector<16xi32>], vector<16xf32>,
          %mul3A_154 = arith.mulf %gather3A, %gather3A_153 : vector<16xf32>
          %mul3A_155 = arith.constant 8 : i32
          %mul3A_156 = arith.muli %scan3A_139, %mul3A_155 : i32
          %add3A_157 = vector.broadcast %mul3A_156 : i32 to vector<16xi32>
          %add3A_158 = arith.addi %iota3A, %add3A_157 : vector<16xi32>
          %add3A_159 = arith.constant 1 : i32
          %add3A_160 = vector.broadcast %add3A_159 : i32 to vector<16xi32>
          %add3A_161 = arith.addi %add3A_158, %add3A_160 : vector<16xi32>
          %and3A_162 = arith.constant 63 : i32
          %and3A_163 = vector.broadcast %and3A_162 : i32 to vector<16xi32>
          %and3A_164 = arith.andi %add3A_161, %and3A_163 : vector<16xi32>
          %gather3A_165 = tpu.vector_load_idx %arg13[%add3A_122, %and3A_164] : memref<80x64xf32, #tpu.memory_space<vmem>>[vector<16xi32>, vector<16xi32>], vector<16xf32>,
          %gather3A_166 = tpu.vector_load_idx %arg17[%add3A_122, %and3A_164] : memref<80x64xf32, #tpu.memory_space<vmem>>[vector<16xi32>, vector<16xi32>], vector<16xf32>,
          %mul3A_167 = arith.mulf %gather3A_165, %gather3A_166 : vector<16xf32>
          %mul3A_168 = arith.constant 8 : i32
          %mul3A_169 = arith.muli %scan3A_139, %mul3A_168 : i32
          %add3A_170 = vector.broadcast %mul3A_169 : i32 to vector<16xi32>
          %add3A_171 = arith.addi %iota3A, %add3A_170 : vector<16xi32>
          %add3A_172 = arith.constant 2 : i32
          %add3A_173 = vector.broadcast %add3A_172 : i32 to vector<16xi32>
          %add3A_174 = arith.addi %add3A_171, %add3A_173 : vector<16xi32>
          %and3A_175 = arith.constant 63 : i32
          %and3A_176 = vector.broadcast %and3A_175 : i32 to vector<16xi32>
          %and3A_177 = arith.andi %add3A_174, %and3A_176 : vector<16xi32>
          %gather3A_178 = tpu.vector_load_idx %arg13[%add3A_122, %and3A_177] : memref<80x64xf32, #tpu.memory_space<vmem>>[vector<16xi32>, vector<16xi32>], vector<16xf32>,
          %gather3A_179 = tpu.vector_load_idx %arg17[%add3A_122, %and3A_177] : memref<80x64xf32, #tpu.memory_space<vmem>>[vector<16xi32>, vector<16xi32>], vector<16xf32>,
          %mul3A_180 = arith.mulf %gather3A_178, %gather3A_179 : vector<16xf32>
          %mul3A_181 = arith.constant 8 : i32
          %mul3A_182 = arith.muli %scan3A_139, %mul3A_181 : i32
          %add3A_183 = vector.broadcast %mul3A_182 : i32 to vector<16xi32>
          %add3A_184 = arith.addi %iota3A, %add3A_183 : vector<16xi32>
          %add3A_185 = arith.constant 3 : i32
          %add3A_186 = vector.broadcast %add3A_185 : i32 to vector<16xi32>
          %add3A_187 = arith.addi %add3A_184, %add3A_186 : vector<16xi32>
          %and3A_188 = arith.constant 63 : i32
          %and3A_189 = vector.broadcast %and3A_188 : i32 to vector<16xi32>
          %and3A_190 = arith.andi %add3A_187, %and3A_189 : vector<16xi32>
          %gather3A_191 = tpu.vector_load_idx %arg13[%add3A_122, %and3A_190] : memref<80x64xf32, #tpu.memory_space<vmem>>[vector<16xi32>, vector<16xi32>], vector<16xf32>,
          %gather3A_192 = tpu.vector_load_idx %arg17[%add3A_122, %and3A_190] : memref<80x64xf32, #tpu.memory_space<vmem>>[vector<16xi32>, vector<16xi32>], vector<16xf32>,
          %mul3A_193 = arith.mulf %gather3A_191, %gather3A_192 : vector<16xf32>
          %mul3A_194 = arith.constant 8 : i32
          %mul3A_195 = arith.muli %scan3A_139, %mul3A_194 : i32
          %add3A_196 = vector.broadcast %mul3A_195 : i32 to vector<16xi32>
          %add3A_197 = arith.addi %iota3A, %add3A_196 : vector<16xi32>
          %add3A_198 = arith.constant 4 : i32
          %add3A_199 = vector.broadcast %add3A_198 : i32 to vector<16xi32>
          %add3A_200 = arith.addi %add3A_197, %add3A_199 : vector<16xi32>
          %and3A_201 = arith.constant 63 : i32
          %and3A_202 = vector.broadcast %and3A_201 : i32 to vector<16xi32>
          %and3A_203 = arith.andi %add3A_200, %and3A_202 : vector<16xi32>
          %gather3A_204 = tpu.vector_load_idx %arg13[%add3A_122, %and3A_203] : memref<80x64xf32, #tpu.memory_space<vmem>>[vector<16xi32>, vector<16xi32>], vector<16xf32>,
          %gather3A_205 = tpu.vector_load_idx %arg17[%add3A_122, %and3A_203] : memref<80x64xf32, #tpu.memory_space<vmem>>[vector<16xi32>, vector<16xi32>], vector<16xf32>,
          %mul3A_206 = arith.mulf %gather3A_204, %gather3A_205 : vector<16xf32>
          %mul3A_207 = arith.constant 8 : i32
          %mul3A_208 = arith.muli %scan3A_139, %mul3A_207 : i32
          %add3A_209 = vector.broadcast %mul3A_208 : i32 to vector<16xi32>
          %add3A_210 = arith.addi %iota3A, %add3A_209 : vector<16xi32>
          %add3A_211 = arith.constant 5 : i32
          %add3A_212 = vector.broadcast %add3A_211 : i32 to vector<16xi32>
          %add3A_213 = arith.addi %add3A_210, %add3A_212 : vector<16xi32>
          %and3A_214 = arith.constant 63 : i32
          %and3A_215 = vector.broadcast %and3A_214 : i32 to vector<16xi32>
          %and3A_216 = arith.andi %add3A_213, %and3A_215 : vector<16xi32>
          %gather3A_217 = tpu.vector_load_idx %arg13[%add3A_122, %and3A_216] : memref<80x64xf32, #tpu.memory_space<vmem>>[vector<16xi32>, vector<16xi32>], vector<16xf32>,
          %gather3A_218 = tpu.vector_load_idx %arg17[%add3A_122, %and3A_216] : memref<80x64xf32, #tpu.memory_space<vmem>>[vector<16xi32>, vector<16xi32>], vector<16xf32>,
          %mul3A_219 = arith.mulf %gather3A_217, %gather3A_218 : vector<16xf32>
          %mul3A_220 = arith.constant 8 : i32
          %mul3A_221 = arith.muli %scan3A_139, %mul3A_220 : i32
          %add3A_222 = vector.broadcast %mul3A_221 : i32 to vector<16xi32>
          %add3A_223 = arith.addi %iota3A, %add3A_222 : vector<16xi32>
          %add3A_224 = arith.constant 6 : i32
          %add3A_225 = vector.broadcast %add3A_224 : i32 to vector<16xi32>
          %add3A_226 = arith.addi %add3A_223, %add3A_225 : vector<16xi32>
          %and3A_227 = arith.constant 63 : i32
          %and3A_228 = vector.broadcast %and3A_227 : i32 to vector<16xi32>
          %and3A_229 = arith.andi %add3A_226, %and3A_228 : vector<16xi32>
          %gather3A_230 = tpu.vector_load_idx %arg13[%add3A_122, %and3A_229] : memref<80x64xf32, #tpu.memory_space<vmem>>[vector<16xi32>, vector<16xi32>], vector<16xf32>,
          %gather3A_231 = tpu.vector_load_idx %arg17[%add3A_122, %and3A_229] : memref<80x64xf32, #tpu.memory_space<vmem>>[vector<16xi32>, vector<16xi32>], vector<16xf32>,
          %mul3A_232 = arith.mulf %gather3A_230, %gather3A_231 : vector<16xf32>
          %mul3A_233 = arith.constant 8 : i32
          %mul3A_234 = arith.muli %scan3A_139, %mul3A_233 : i32
          %add3A_235 = vector.broadcast %mul3A_234 : i32 to vector<16xi32>
          %add3A_236 = arith.addi %iota3A, %add3A_235 : vector<16xi32>
          %add3A_237 = arith.constant 7 : i32
          %add3A_238 = vector.broadcast %add3A_237 : i32 to vector<16xi32>
          %add3A_239 = arith.addi %add3A_236, %add3A_238 : vector<16xi32>
          %and3A_240 = arith.constant 63 : i32
          %and3A_241 = vector.broadcast %and3A_240 : i32 to vector<16xi32>
          %and3A_242 = arith.andi %add3A_239, %and3A_241 : vector<16xi32>
          %gather3A_243 = tpu.vector_load_idx %arg13[%add3A_122, %and3A_242] : memref<80x64xf32, #tpu.memory_space<vmem>>[vector<16xi32>, vector<16xi32>], vector<16xf32>,
          %gather3A_244 = tpu.vector_load_idx %arg17[%add3A_122, %and3A_242] : memref<80x64xf32, #tpu.memory_space<vmem>>[vector<16xi32>, vector<16xi32>], vector<16xf32>,
          %mul3A_245 = arith.mulf %gather3A_243, %gather3A_244 : vector<16xf32>
          %add3A_246 = arith.addf %scan3A_140, %mul3A_154 : vector<16xf32>
          %add3A_247 = arith.addf %add3A_246, %mul3A_167 : vector<16xf32>
          %add3A_248 = arith.addf %scan3A_141, %mul3A_180 : vector<16xf32>
          %add3A_249 = arith.addf %add3A_248, %mul3A_193 : vector<16xf32>
          %add3A_250 = arith.addf %scan3A_142, %mul3A_206 : vector<16xf32>
          %add3A_251 = arith.addf %add3A_250, %mul3A_219 : vector<16xf32>
          %add3A_252 = arith.addf %scan3A_143, %mul3A_232 : vector<16xf32>
          %add3A_253 = arith.addf %add3A_252, %mul3A_245 : vector<16xf32>
          scf.yield %add3A_247, %add3A_249, %add3A_251, %add3A_253 : vector<16xf32>, vector<16xf32>, vector<16xf32>, vector<16xf32>
        }
        %scan3A_129 = arith.constant 8 : i32
        %add3A_130 = arith.addf %scan3A_128#0, %scan3A_128#1 : vector<16xf32>
        %add3A_131 = arith.addf %scan3A_128#2, %scan3A_128#3 : vector<16xf32>
        %add3A_132 = arith.addf %add3A_130, %add3A_131 : vector<16xf32>
        %mul3A_133 = arith.constant 80 : i32
        %mul3A_134 = arith.muli %add3A_95, %mul3A_133 : i32
        %mul3A_135 = arith.constant 16 : i32
        %mul3A_136 = arith.muli %scan3A_116, %mul3A_135 : i32
        %add3A_137 = arith.addi %mul3A_134, %mul3A_136 : i32
        %swap3A = arith.index_cast %add3A_137 : i32 to index
        %swap3A_138 = tpu.vector_load %arg9[%swap3A] {strides = array<i32>} : memref<2560xf32, #tpu.memory_space<vmem>>, vector<16xf32>,
        tpu.vector_store %arg9[%swap3A], %add3A_132 {strides = array<i32>} : memref<2560xf32, #tpu.memory_space<vmem>>, vector<16xf32>,
      }
      %scan3A_115 = arith.constant 5 : i32
    }
    %scan3A_17 = arith.constant 8 : i32
    %mul3A_18 = arith.constant 2560 : i32
    %mul3A_19 = arith.muli %add3A, %mul3A_18 : i32
    "tpu.region"() ({
      %run_scoped3A = tpu.sem_alloc : memref<!tpu.dma_semaphore, #tpu.memory_space<semaphore_mem>>
      %dma_start3A = tpu.memref_slice %arg6[%mul3A_19] : memref<81920xf32, #tpu.memory_space<hbm>> -> memref<2560xf32, #tpu.memory_space<hbm>>
      %dma_start3A_20 = tpu.memref_slice %arg6[%mul3A_19] : memref<81920xf32, #tpu.memory_space<hbm>> -> memref<2560xf32, #tpu.memory_space<hbm>>
      tpu.enqueue_dma source(%arg9 : memref<2560xf32, #tpu.memory_space<vmem>>) target(%dma_start3A_20 : memref<2560xf32, #tpu.memory_space<hbm>>) target_semaphore(%run_scoped3A : memref<!tpu.dma_semaphore, #tpu.memory_space<semaphore_mem>>)
      %dma_wait3A = tpu.memref_slice %arg6[%mul3A_19] : memref<81920xf32, #tpu.memory_space<hbm>> -> memref<2560xf32, #tpu.memory_space<hbm>>
      %dma_wait3A_21 = tpu.memref_slice %arg6[%mul3A_19] : memref<81920xf32, #tpu.memory_space<hbm>> -> memref<2560xf32, #tpu.memory_space<hbm>>
      tpu.wait_dma2 semaphore(%run_scoped3A : memref<!tpu.dma_semaphore, #tpu.memory_space<semaphore_mem>>) src(%arg9 : memref<2560xf32, #tpu.memory_space<vmem>>) dst(%dma_wait3A_21 : memref<2560xf32, #tpu.memory_space<hbm>>)
      tpu.yield
    }) : () -> ()
    return
  }
}

</mosaic_0001>

<sc_bundles>
// kernel: _run_sc.3.cloned.1.call-start
scs
__scs_entry_jumppad:
0x0: {  	(pc) =	sbr.rel $0x88, $3  }
0x1: {  	(tag) =	ssettag $0x0;
	lr =	simm.s32 $0x1  }
0x2: {  	[smem:$0x3F9D] =	sst lr;
	_ =	strace $0xD0000000  }
0x3: {  	_ = 	snop  }
0x4: {  	_ = 	snop  }
0x5: {  	_ = 	snop  }
0x6: {  	_ = 	snop  }
0x7: {  	_ = 	snop  }
__scs_overlays_trampoline_lowered:
0x8: {  	[smem:$0x3FAC] =	sst s0  }
0x9: {  	[smem:$0x3FAD] =	sst s1  }
0xa: {  	[smem:$0x3FAE] =	sst s2  }
0xb: {  	[smem:$0x3FAF] =	sst s3  }
0xc: {  	[smem:$0x3FB0] =	sst s4  }
0xd: {  	[smem:$0x3FB1] =	sst s5  }
0xe: {  	[smem:$0x3FB2] =	sst s6  }
0xf: {  	[smem:$0x3FB3] =	sst s7  }
0x10: {  	[smem:$0x3FB4] =	sst s8  }
0x11: {  	[smem:$0x3FB5] =	sst s9;
	s0 =	simm.s32 @!p0 $0x0  }
0x12: {  	s1 =	sld [smem:$0x3F9B];
	s0 =	simm.s32 @p0 $0x1  }
0x13: {  	[smem:$0x3FB6] =	sst s0;
	s0 =	simm.s32 @!p1 $0x0  }
0x14: {  	s2 =	sld [smem:$0x3F9A];
	s0 =	simm.s32 @p1 $0x1  }
0x15: {  	[smem:$0x3FB7] =	sst s0;
	s0 =	simm.s32 @!p2 $0x0  }
0x16: {  	s3 =	sld [smem:$0x3FDB];
	s0 =	simm.s32 @p2 $0x1  }
0x17: {  	s4 =	simm.s32 $0x1BF5;
	[smem:$0x3FB9] =	sst s0  }
0x18: {  	s0 =	sld [smem:$0x3F9C];
	_ =	swait.ge [sflag:s4], $0x0  }
0x19: {  	s7 =	sld [smem:$0x3F9D]  }
0x1a: {  	s8 =	sadd.s32 $0xFFFFE003, lr  }
0x1b: {  	s9 =	sadd.s32 $0xFFFFFEF7, lr;
	s5 =	simm.s32 $0xFFFFFFFF;
	p2 =	slt.u32 s8, $0xFFFFF086  }
0x1c: {  	p1 =	slt.u32 s9, $0xF7A;
	s5 =	simm.s32 @!p2 $0x0  }
0x1d: {  	s5 =	simm.s32 @p1 $0x1;
	p0 =	seq.s32 s7, s2  }
0x1e: {  	s7 =	smul.u32 @!p0 $0xF7A, s2;
	p2 =	seq.s32 @!p0 s5, $0x0  }
0x1f: {  	s9 =	smul.u32 $0xF7A, s1;
	s8 =	simm.s32 @!p0 $0x1BF5;
	p2 =	por !p2, p0  }
0x20: {  	[sflag:s8] =	ssyncset.s32 @!p0 $0xFFFFF086;
	s6 =	sadd.s32 @!p0 s3, s7;
	s7 =	simm.s32 @!p0 $0x108  }
0x21: {  	s3 =	sadd.s32 s3, s9;
	s6 =	sadd.s32 @!p0 $0x88, s6;
	s7 =	simm.s32 @p2 $0x1082  }
0x22: {  	[simem:s7], [sflag:s8] =	dma.local @!p0 [hbm:s6], $0xF7A  }
0x23: {  	s9 =	sor.u32 $0xD0000000, s2;
	s6 =	simm.s32 $0x108;
	_ =	swait.ge @!p0 [sflag:s8], $0x0  }
0x24: {  	s3 =	sadd.s32 $0x88, s3;
	s6 =	simm.s32 @!p1 $0x1082;
	[sflag:s4] =	ssyncset.s32 $0xFFFFF086  }
0x25: {  	[simem:s6], [sflag:s4] =	dma.local [hbm:s3], $0xF7A  }
0x26: {  	[smem:$0x3F9D] =	sst s1;
	(tag) =	ssettag s2;
	_ =	strace s9  }
0x27: {  	s1 =	sld [smem:$0x3FAD]  }
0x28: {  	s2 =	sld [smem:$0x3FAE]  }
0x29: {  	s4 =	sld [smem:$0x3FB0]  }
0x2a: {  	p0 =	seq.s32 s5, $0x0;
	s5 =	sld [smem:$0x3FB1]  }
0x2b: {  	s6 =	sld [smem:$0x3FB2]  }
0x2c: {  	s7 =	sld [smem:$0x3FB3]  }
0x2d: {  	s3 =	simm.s32 $0x108;
	s8 =	sld [smem:$0x3FB4]  }
0x2e: {  	s3 =	simm.s32 @!p0 $0x1082;
	s9 =	sld [smem:$0x3FB5]  }
0x2f: {  	lr =	sadd.s32 s0, s3;
	s0 =	sld [smem:$0x3FAC]  }
0x30: {  	s3 =	sld [smem:$0x3FAF]  }
0x31: {  	[smem:$0x3FB8] =	sst s10  }
0x32: {  	s10 =	sld [smem:$0x3FB6];
	_ =	sdelay $0x3  }
0x33: {  	p0 =	seq.s32 s10, $0x1;
	s10 =	sld [smem:$0x3FB8];
	_ =	sdelay $0x3  }
0x34: {  	[smem:$0x3FB8] =	sst s10  }
0x35: {  	s10 =	sld [smem:$0x3FB7];
	_ =	sdelay $0x3  }
0x36: {  	p1 =	seq.s32 s10, $0x1;
	s10 =	sld [smem:$0x3FB8];
	_ =	sdelay $0x3  }
0x37: {  	[smem:$0x3FB8] =	sst s10  }
0x38: {  	s10 =	sld [smem:$0x3FB9]  }
0x39: {  	_ = 	snop;
	(pc) =	sbr.ind lr, $3  }
0x3a: {  	_ = 	snop  }
0x3b: {  	_ = 	snop  }
0x3c: {  	p2 =	seq.s32 s10, $0x1;
	s10 =	sld [smem:$0x3FB8]  }
0x3d: {  	_ =	shalt  }
0x3e: {  	_ =	shalt  }
0x3f: {  	_ =	shalt  }
0x40: {  	_ =	shalt  }
0x41: {  	_ =	shalt  }
0x42: {  	_ =	shalt  }
0x43: {  	_ =	shalt  }
0x44: {  	_ =	shalt  }
0x45: {  	_ =	shalt  }
0x46: {  	_ =	shalt  }
0x47: {  	_ =	shalt  }
0x48: {  	_ =	shalt  }
0x49: {  	_ =	shalt  }
0x4a: {  	_ =	shalt  }
0x4b: {  	_ =	shalt  }
0x4c: {  	_ =	shalt  }
0x4d: {  	_ =	shalt  }
0x4e: {  	_ =	shalt  }
0x4f: {  	_ =	shalt  }
0x50: {  	_ =	shalt  }
0x51: {  	_ =	shalt  }
0x52: {  	_ =	shalt  }
0x53: {  	_ =	shalt  }
0x54: {  	_ =	shalt  }
0x55: {  	_ =	shalt  }
0x56: {  	_ =	shalt  }
0x57: {  	_ =	shalt  }
0x58: {  	_ =	shalt  }
0x59: {  	_ =	shalt  }
0x5a: {  	_ =	shalt  }
0x5b: {  	_ =	shalt  }
0x5c: {  	_ =	shalt  }
0x5d: {  	_ =	shalt  }
0x5e: {  	_ =	shalt  }
0x5f: {  	_ =	shalt  }
0x60: {  	_ =	shalt  }
0x61: {  	_ =	shalt  }
0x62: {  	_ =	shalt  }
0x63: {  	_ =	shalt  }
0x64: {  	_ =	shalt  }
0x65: {  	_ =	shalt  }
0x66: {  	_ =	shalt  }
0x67: {  	_ =	shalt  }
0x68: {  	_ =	shalt  }
0x69: {  	_ =	shalt  }
0x6a: {  	_ =	shalt  }
0x6b: {  	_ =	shalt  }
0x6c: {  	_ =	shalt  }
0x6d: {  	_ =	shalt  }
0x6e: {  	_ =	shalt  }
0x6f: {  	_ =	shalt  }
0x70: {  	_ =	shalt  }
0x71: {  	_ =	shalt  }
0x72: {  	_ =	shalt  }
0x73: {  	_ =	shalt  }
0x74: {  	_ =	shalt  }
0x75: {  	_ =	shalt  }
0x76: {  	_ =	shalt  }
0x77: {  	_ =	shalt  }
0x78: {  	_ =	shalt  }
0x79: {  	_ =	shalt  }
0x7a: {  	_ =	shalt  }
0x7b: {  	_ =	shalt  }
0x7c: {  	_ =	shalt  }
0x7d: {  	_ =	shalt  }
0x7e: {  	_ =	shalt  }
0x7f: {  	_ =	shalt  }
0x80: {  	_ =	shalt  }
0x81: {  	_ =	shalt  }
0x82: {  	_ =	shalt  }
0x83: {  	_ =	shalt  }
0x84: {  	_ =	shalt  }
0x85: {  	_ =	shalt  }
0x86: {  	_ =	shalt  }
0x87: {  	_ =	shalt  }
.Lfunc_end0:
.L_simem_size_0:
called_computation_lowered:
.L_overlay_start_0:
0x88: {  	s2 =	sld [smem:$0x3FD9]  }
0x89: {  	s3 =	sld [smem:$0x3FFE];
	_ =	sdelay $0x1  }
0x8a: {  	s1 =	srdreg.scid  }
0x8b: {  	s0 =	sand.u32 $0x1, s1  }
0x8c: {  	s17 =	sshll.u32 s0, $0xA;
	s2 =	sadd.s32 s3, s2  }
0x8d: {  	s2 =	sadd.s32 s2, s17  }
0x8e: {  	[smem:$0x3FC4] =	sst s2  }
0x8f: {  	_ = 	snop  }
0x90: {  	s2 =	sld [smem:$0x3FC7]  }
0x91: {  	s18 =	sld [smem:$0x3FC6]  }
0x92: {  	s4 =	sld [smem:$0x3FD0];
	(tm) =	ssettm $0x1  }
0x93: {  	s5 =	sld [smem:$0x3FFB];
	_ =	sdelay $0x3  }
0x94: {  	_ =	strace s5  }
0x95: {  	s5 =	sld [smem:$0x3FFC];
	_ =	sdelay $0x3  }
0x96: {  	_ =	strace s5  }
0x97: {  	s5 =	sld [smem:$0x3FFD];
	_ =	sdelay $0x3  }
0x98: {  	_ =	strace s5  }
0x99: {  	_ =	strace $0x8FFFFFFF  }
0x9a: {  	s19 =	sld [smem:$0x3FDB];
	_ =	sdelay $0x1  }
0x9b: {  	s6 =	simm.s32 $_scs_section_size  }
0x9c: {  	s7 =	simm.s32 $_size__tile_overlayer_lowered;
	s8 =	simm.s32 $_tile_overlayer_lowered  }
0x9d: {  	s22 =	simm.s32 $0x1BFF;
	s21 =	sshll.u32 s8, $0x1;
	s5 =	sadd.s32 s6, s19  }
0x9e: {  	s9 =	simm.s32 $0x0;
	s20 =	sshll.u32 s7, $0x1;
	s7 =	sadd.s32 s21, s5  }
0x9f: {  	[timem:s9], [sflag:s22] =	dma.local [hbm:s7], s20  }
0xa0: {  	_ =	swait.ge [sflag:s22], s20  }
0xa1: {  	s6 =	ssub.s32 $0x0, s20;
	[sflag:s22] =	ssyncset.done $0x0  }
0xa2: {  	[sflag:s22] =	ssyncadd.s32 s6;
	_ =	sdelay $0x1  }
0xa3: {  	s23 =	simm.s32 $0x1B8B  }
0xa4: {  	_ =	swait.ge [sflag:s23], $0x1  }
0xa5: {  	[sflag:s23] =	ssyncset.done $0x0  }
0xa6: {  	s25 =	simm.s32 $0x1B8E;
	s24 =	sld [smem:$0x3FFE];
	[sflag:s23] =	ssyncadd.s32 $0xFFFFFFFF  }
0xa7: {  	s26 =	simm.s32 $execute0_lowered;
	[smem:$0x3FD2] =	sst s25  }
0xa8: {  	s7 =	sshll.u32 s26, $0x1;
	_ =	strace $0x80000046;
	[dreg:$0x1] =	wrdreg $0xFFFFFFFF  }
0xa9: {  	s28 =	simm.s32 $_size_execute0_lowered;
	s5 =	sadd.s32 s5, s7;
	[dreg:$0x0] =	wrdreg $0x0  }
0xaa: {  	s7 =	sshll.u32 s28, $0x1;
	[dreg:$0x2] =	wrdreg s5  }
0xab: {  	[dreg:$0x3] =	wrdreg s7  }
0xac: {  	[dreg:$0x4] =	wrdreg $0xC0  }
0xad: {  	_ =	task [dreg:s9], $0x5FFFF  }
0xae: {  	[dreg:$0x1] =	wrdreg $0xFFFFFFFF  }
0xaf: {  	[dreg:$0x0] =	wrdreg $0x60  }
0xb0: {  	[dreg:$0x2] =	wrdreg s24  }
0xb1: {  	[dreg:$0x3] =	wrdreg s2  }
0xb2: {  	[dreg:$0x4] =	wrdreg s18  }
0xb3: {  	[dreg:$0x5] =	wrdreg s4  }
0xb4: {  	[dreg:$0x6] =	wrdreg $0x9  }
0xb5: {  	_ =	task.clear_ibuf [dreg:s9], $0x7FFFF;
	_ =	strace $0x90000046  }
0xb6: {  	s29 =	simm.s32 $0x9;
	_ =	strace $0x80000048  }
0xb7: {  	_ =	swait.ge [sflag:s29], $0x1  }
0xb8: {  	[sflag:s29] =	ssyncadd.s32 $0xFFFFFFFF  }
0xb9: {  	_ =	strace $0x90000048  }
0xba: {  	_ =	sfence  }
0xbb: {  	s30 =	sld [smem:$0x0];
	_ =	sdelay $0x2  }
0xbc: {  	s31 =	sshll.u32 s1, $0xD;
	s1 =	sshrl.u32 s1, $0x2  }
0xbd: {  	s3 =	sand.u32 $0x4000, s31;
	s1 =	sadd.s32 s1, s30  }
0xbe: {  	s0 =	sor.u32 s3, s0;
	s1 =	sshll.u32 s1, $0x11  }
0xbf: {  	s0 =	sor.u32 s1, s0  }
0xc0: {  	s0 =	sadd.s32 $0x8F2B, s0  }
0xc1: {  	[sflag:s0] =	ssyncadd.remote.s32 $0x1  }
0xc2: {  	_ =	sfence.sel $0xFFFF  }
0xc3: {  	[dreg:$0x0] =	wrdreg $0xFFFFFFFF;
	(pc) =	sbr.abs _section_cstart, $3  }
0xc4: {  	[dreg:$0x1] =	wrdreg $0xFFFFFFFF  }
0xc5: {  	_ =	task.clear_ibuf [dreg:s9], $0x2FFFF;
	_ =	strace $0x9FFFFFFF  }
0xc6: {  	(tm) =	ssettm $0x7FFFFFFF  }
0xc7: {  	_ =	shalt  }
tec
execute0_lowered:
.L_overlay_start_1:
0x0: {  	(tag) =	ssettag $0x1  }
0x1: {  	s0 =	rddreg [dreg:$0x0]  }
0x2: {  	s1 =	rddreg [dreg:$0x1]  }
0x3: {  	s2 =	rddreg [dreg:$0x2]  }
0x4: {  	s5 =	rddreg [dreg:$0x3]  }
0x5: {  	s14 =	simm.s32 $0x0;
	s4 =	srdreg.scid;
	s7 =	stileid.u32  }
0x6: {  	s12 =	simm.s32 $0x2A00;
	s13 =	simm.s32 $0xCA00;
	s16 =	simm.s32 $0x5200  }
0x7: {  	s17 =	simm.s32 $0xF200;
	s20 =	simm.s32 $0x7A00;
	s21 =	simm.s32 $0x11A00  }
0x8: {  	s24 =	simm.s32 $0xA200;
	s6 =	sand.u32 $0x1, s4;
	s7 =	sshll.u32 s7, $0x1  }
0x9: {  	[smem:$0x7FF] =	sst s14;
	s28 =	ssub.s32 $0x2, s6;
	s6 =	sor.u32 s6, s7  }
0xa: {  	s3 =	sadd.s32 $0x2000, s0;
	s4 =	sadd.s32 $0x188A00, s0;
	s8 =	sshll.u32 s6, $0x9  }
0xb: {  	_ =	strace $0x80000047;
	s6 =	smul.u32 $0x140, s6;
	s1 =	sadd.s32 s1, s8  }
0xc: {  	v0 =	vlaneseq.u32;
	s29 =	sshrl.u32 s28, $0x1;
	s30 =	sadd.s32 s2, s8;
	[smem:$0x7FA] =	sst s1  }
0xd: {  	v1 =	vmul.u32 $0x80, v0;
	v2 =	vadd.s32 $0x1, v0;
	s0 =	ssub.s32 s28, s29;
	[smem:$0x7FB] =	sst s30;
	s31 =	sadd.s32 s5, s6  }
0xe: {  	s25 =	simm.s32 $0x14200;
	v3 =	vadd.s32 $0x2, v0;
	v4 =	vadd.s32 $0x3, v0;
	v5 =	vadd.s32 $0x4, v0;
	s0 =	smax.u32 s0, $0x1;
	[smem:$0x7FC] =	sst s31  }
0xf: {  	v6 =	vadd.s32 $0x5, v0;
	v7 =	vadd.s32 $0x6, v0;
	v8 =	vadd.s32 $0x7, v0;
	s2 =	simm.s32 $0x9;
	s1 =	simm.s32 $0x0;
	[smem:$0x7FD] =	sst s0  }
.LBB2_1:
0x10: {  	s0 =	sld [smem:$0x7FA];
	_ =	sdelay $0x1  }
0x11: {  	[smem:$0x7F9] =	sst s1  }
0x12: {  	[tilespmem:s14], [sflag:$0x9] =	stream.linear.gather [hbm4b:s0+s14], $0x1000, $0x38;
	[tilespmem:$0x16A00] =	vst v63  }
0x13: {  	_ =	swait.ge [sflag:s2], $0x1000  }
0x14: {  	s19 =	sld [smem:$0x7FB]  }
0x15: {  	[sflag:s2] =	ssyncset.done $0x0  }
0x16: {  	s18 =	simm.s32 $0x1000;
	[sflag:s2] =	ssyncadd.s32 $0xFFFFF000  }
0x17: {  	[tilespmem:s18], [sflag:$0x9] =	stream.linear.gather [hbm4b:s19+s14], $0x1000, $0x38;
	[tilespmem:$0x16A00] =	vst v63  }
0x18: {  	_ =	swait.ge [sflag:s2], $0x1000  }
0x19: {  	[sflag:s2] =	ssyncset.done $0x0  }
0x1a: {  	[sflag:s2] =	ssyncadd.s32 $0xFFFFF000  }
0x1b: {  	v9 =	vld [tilespmem:s14+$0x0]  }
0x1c: {  	v10 =	vld [tilespmem:s18+$0x0];
	_ =	sdelay $0x3  }
0x1d: {  	v9 =	vshll.u32 v9, $0x4  }
0x1e: {  	v10 =	vshll.u32 v10, $0x4;
	(v2sf) =	vpush v9, $0x0  }
0x1f: {  	(v2sf) =	vpush v10, $0x0  }
0x20: {  	(v2sf) =	vpush v9, $0x1;
	_ =	sdelay $0x2  }
0x21: {  	(v2sf) =	vpush v10, $0x1;
	_ =	sdelay $0x1  }
0x22: {  	(v2sf) =	vpush v9, $0x2;
	_ =	sdelay $0x1  }
0x23: {  	(v2sf) =	vpush v10, $0x2;
	_ =	sdelay $0x1  }
0x24: {  	(v2sf) =	vpush v9, $0x3  }
0x25: {  	s31 =	simm.s32 $0x2000;
	s30 =	simm.s32 $0x0  }
0x26: {  	s22 =	simm.s32 $0xCA00;
	s5 =	simm.s32 $0x2C80;
	s6 =	simm.s32 $0x2A00  }
0x27: {  	s7 =	simm.s32 $0x2C00;
	s9 =	simm.s32 $0x2B80;
	s10 =	simm.s32 $0xCB80  }
0x28: {  	s15 =	simm.s32 $0xD000;
	s1 =	simm.s32 $0xCF80;
	s8 =	spop (v2sf);
	(v2sf) =	vpush v10, $0x3  }
0x29: {  	s29 =	simm.s32 $0x0;
	s8 =	sand.u32 $0x1FFFFFF0, s8;
	s11 =	spop (v2sf)  }
0x2a: {  	s8 =	sadd.s32 s3, s8;
	s23 =	sand.u32 $0x1FFFFFF0, s11;
	s26 =	spop (v2sf)  }
0x2b: {  	(v2sf) =	vpush v9, $0x4;
	[tilespmem:s6], [sflag:$0x1] =	stream.linear.gather [hbm4b:s8+s14], $0x80, $0x38;
	[tilespmem:$0x16A00] =	vst v63  }
0x2c: {  	s18 =	simm.s32 $0x2A80;
	s6 =	sadd.s32 s4, s23;
	s8 =	sand.u32 $0x1FFFFFF0, s26  }
0x2d: {  	(v2sf) =	vpush v10, $0x4;
	s28 =	spop (v2sf);
	s23 =	simm.s32 $0xCA80;
	s19 =	sadd.s32 s3, s8  }
0x2e: {  	(v2sf) =	vpush v9, $0x5;
	[tilespmem:s22], [sflag:$0x5] =	stream.linear.gather [hbm4b:s6+s14], $0x80, $0x38;
	[tilespmem:$0x16A00] =	vst v63  }
0x2f: {  	s26 =	spop (v2sf);
	(v2sf) =	vpush v10, $0x5;
	s22 =	sand.u32 $0x1FFFFFF0, s28;
	s28 =	simm.s32 $0x2B00  }
0x30: {  	[tilespmem:s18], [sflag:$0x1] =	stream.linear.gather [hbm4b:s19+s14], $0x80, $0x38;
	[tilespmem:$0x16A00] =	vst v63  }
0x31: {  	(v2sf) =	vpush v9, $0x6;
	s6 =	sand.u32 $0x1FFFFFF0, s26;
	s11 =	spop (v2sf);
	s8 =	sadd.s32 s4, s22  }
0x32: {  	[tilespmem:s23], [sflag:$0x5] =	stream.linear.gather [hbm4b:s8+s14], $0x80, $0x38;
	[tilespmem:$0x16A00] =	vst v63  }
0x33: {  	s6 =	sadd.s32 s3, s6;
	s18 =	spop (v2sf);
	s8 =	sand.u32 $0x1FFFFFF0, s11  }
0x34: {  	[tilespmem:s28], [sflag:$0x1] =	stream.linear.gather [hbm4b:s6+s14], $0x80, $0x38;
	[tilespmem:$0x16A00] =	vst v63  }
0x35: {  	(v2sf) =	vpush v10, $0x6;
	s19 =	simm.s32 $0xCB00;
	s23 =	sand.u32 $0x1FFFFFF0, s18;
	s22 =	sadd.s32 s4, s8  }
0x36: {  	[tilespmem:s19], [sflag:$0x5] =	stream.linear.gather [hbm4b:s22+s14], $0x80, $0x38;
	[tilespmem:$0x16A00] =	vst v63  }
0x37: {  	s0 =	simm.s32 $0x2E80;
	s8 =	sadd.s32 s3, s23;
	s28 =	spop (v2sf)  }
0x38: {  	[tilespmem:s9], [sflag:$0x1] =	stream.linear.gather [hbm4b:s8+s14], $0x80, $0x38;
	[tilespmem:$0x16A00] =	vst v63  }
0x39: {  	s2 =	simm.s32 $0xCF00;
	s26 =	simm.s32 $0xCC00;
	(v2sf) =	vpush v9, $0x7;
	s6 =	sand.u32 $0x1FFFFFF0, s28  }
0x3a: {  	s11 =	simm.s32 $0x3080;
	s9 =	spop (v2sf);
	s6 =	sadd.s32 s4, s6  }
0x3b: {  	(v2sf) =	vpush v10, $0x7;
	[tilespmem:s10], [sflag:$0x5] =	stream.linear.gather [hbm4b:s6+s14], $0x80, $0x38;
	[tilespmem:$0x16A00] =	vst v63  }
0x3c: {  	s8 =	sand.u32 $0x1FFFFFF0, s9;
	s18 =	spop (v2sf);
	(v2sf) =	vpush v9, $0x8;
	s6 =	simm.s32 $0xCC80  }
0x3d: {  	s8 =	sadd.s32 s3, s8;
	s9 =	sand.u32 $0x1FFFFFF0, s18;
	s19 =	spop (v2sf)  }
0x3e: {  	(v2sf) =	vpush v10, $0x8;
	s18 =	simm.s32 $0xD080;
	s9 =	sadd.s32 s4, s9;
	s22 =	spop (v2sf)  }
0x3f: {  	(v2sf) =	vpush v9, $0x9;
	[tilespmem:s7], [sflag:$0x1] =	stream.linear.gather [hbm4b:s8+s14], $0x80, $0x38;
	[tilespmem:$0x16A00] =	vst v63  }
0x40: {  	s7 =	simm.s32 $0x2D00;
	s8 =	sand.u32 $0x1FFFFFF0, s19;
	s23 =	spop (v2sf)  }
0x41: {  	(v2sf) =	vpush v10, $0x9;
	[tilespmem:s26], [sflag:$0x5] =	stream.linear.gather [hbm4b:s9+s14], $0x80, $0x38;
	[tilespmem:$0x16A00] =	vst v63  }
0x42: {  	s8 =	sadd.s32 s3, s8;
	s28 =	sand.u32 $0x1FFFFFF0, s23;
	(v2sf) =	vpush v9, $0xA;
	s9 =	sand.u32 $0x1FFFFFF0, s22  }
0x43: {  	[tilespmem:s5], [sflag:$0x1] =	stream.linear.gather [hbm4b:s8+s14], $0x80, $0x38;
	[tilespmem:$0x16A00] =	vst v63  }
0x44: {  	s10 =	spop (v2sf);
	s23 =	simm.s32 $0x2D80;
	(v2sf) =	vpush v10, $0xA;
	s26 =	sadd.s32 s4, s9  }
0x45: {  	[tilespmem:s6], [sflag:$0x5] =	stream.linear.gather [hbm4b:s26+s14], $0x80, $0x38;
	[tilespmem:$0x16A00] =	vst v63  }
0x46: {  	s9 =	simm.s32 $0xCD00;
	s8 =	sadd.s32 s3, s28;
	s6 =	sand.u32 $0x1FFFFFF0, s10  }
0x47: {  	[tilespmem:s7], [sflag:$0x1] =	stream.linear.gather [hbm4b:s8+s14], $0x80, $0x38;
	[tilespmem:$0x16A00] =	vst v63  }
0x48: {  	s5 =	simm.s32 $0x2F00;
	s6 =	sadd.s32 s4, s6;
	s19 =	spop (v2sf)  }
0x49: {  	[tilespmem:s9], [sflag:$0x5] =	stream.linear.gather [hbm4b:s6+s14], $0x80, $0x38;
	[tilespmem:$0x16A00] =	vst v63  }
0x4a: {  	s10 =	simm.s32 $0x2E00;
	(v2sf) =	vpush v9, $0xB;
	s8 =	sand.u32 $0x1FFFFFF0, s19;
	s22 =	spop (v2sf)  }
0x4b: {  	s7 =	simm.s32 $0xCE80;
	s26 =	sadd.s32 s3, s8;
	s9 =	spop (v2sf)  }
0x4c: {  	(v2sf) =	vpush v10, $0xB;
	[tilespmem:s23], [sflag:$0x1] =	stream.linear.gather [hbm4b:s26+s14], $0x80, $0x38;
	[tilespmem:$0x16A00] =	vst v63  }
0x4d: {  	s6 =	simm.s32 $0xCD80;
	s28 =	sand.u32 $0x1FFFFFF0, s22;
	s19 =	spop (v2sf)  }
0x4e: {  	s8 =	sadd.s32 s4, s28;
	s23 =	simm.s32 $0xCE00;
	s22 =	spop (v2sf)  }
0x4f: {  	[tilespmem:s6], [sflag:$0x5] =	stream.linear.gather [hbm4b:s8+s14], $0x80, $0x38;
	[tilespmem:$0x16A00] =	vst v63  }
0x50: {  	(v2sf) =	vpush v9, $0xC;
	s6 =	sand.u32 $0x1FFFFFF0, s9;
	s8 =	sand.u32 $0x1FFFFFF0, s19;
	s9 =	spop (v2sf)  }
0x51: {  	s28 =	sand.u32 $0x1FFFFFF0, s22;
	s6 =	sadd.s32 s3, s6;
	s19 =	spop (v2sf)  }
0x52: {  	(v2sf) =	vpush v10, $0xC;
	[tilespmem:s10], [sflag:$0x1] =	stream.linear.gather [hbm4b:s6+s14], $0x80, $0x38;
	[tilespmem:$0x16A00] =	vst v63  }
0x53: {  	s26 =	sadd.s32 s4, s8;
	s8 =	sadd.s32 s3, s28;
	s22 =	spop (v2sf)  }
0x54: {  	[tilespmem:s23], [sflag:$0x5] =	stream.linear.gather [hbm4b:s26+s14], $0x80, $0x38;
	[tilespmem:$0x16A00] =	vst v63  }
0x55: {  	s10 =	sand.u32 $0x1FFFFFF0, s9;
	s6 =	sand.u32 $0x1FFFFFF0, s19;
	s26 =	sand.u32 $0x1FFFFFF0, s22  }
0x56: {  	[tilespmem:s0], [sflag:$0x1] =	stream.linear.gather [hbm4b:s8+s14], $0x80, $0x38;
	[tilespmem:$0x16A00] =	vst v63  }
0x57: {  	s23 =	sadd.s32 s3, s6;
	s6 =	sadd.s32 s4, s26;
	s0 =	sadd.s32 s4, s10  }
0x58: {  	[tilespmem:s7], [sflag:$0x5] =	stream.linear.gather [hbm4b:s0+s14], $0x80, $0x38;
	[tilespmem:$0x16A00] =	vst v63  }
0x59: {  	s26 =	simm.s32 $0x10;
	s8 =	simm.s32 $0x3000;
	s28 =	spop (v2sf)  }
0x5a: {  	[tilespmem:s5], [sflag:$0x1] =	stream.linear.gather [hbm4b:s23+s14], $0x80, $0x38;
	[tilespmem:$0x16A00] =	vst v63  }
0x5b: {  	s10 =	simm.s32 $0x2F80;
	s7 =	sand.u32 $0x1FFFFFF0, s28;
	s9 =	spop (v2sf)  }
0x5c: {  	(v2sf) =	vpush v9, $0xD;
	[tilespmem:s2], [sflag:$0x5] =	stream.linear.gather [hbm4b:s6+s14], $0x80, $0x38;
	[tilespmem:$0x16A00] =	vst v63  }
0x5d: {  	s5 =	simm.s32 $0xD100;
	(v2sf) =	vpush v10, $0xD;
	s19 =	sadd.s32 s3, s7;
	s22 =	sand.u32 $0x1FFFFFF0, s9  }
0x5e: {  	(v2sf) =	vpush v9, $0xE;
	[tilespmem:s10], [sflag:$0x1] =	stream.linear.gather [hbm4b:s19+s14], $0x80, $0x38;
	[tilespmem:$0x16A00] =	vst v63  }
0x5f: {  	s6 =	simm.s32 $0x1010;
	s23 =	sadd.s32 s4, s22;
	(v2sf) =	vpush v10, $0xE;
	s28 =	spop (v2sf)  }
0x60: {  	(v2sf) =	vpush v9, $0xF;
	[tilespmem:s1], [sflag:$0x5] =	stream.linear.gather [hbm4b:s23+s14], $0x80, $0x38;
	[tilespmem:$0x16A00] =	vst v63  }
0x61: {  	s7 =	simm.s32 $0x3100;
	s0 =	sand.u32 $0x1FFFFFF0, s28;
	(v2sf) =	vpush v10, $0xF;
	s1 =	spop (v2sf)  }
.LBB2_2:
0x62: {  	_ =	sdelay $0x4  }
0x63: {  	s0 =	sadd.s32 s3, s0;
	s1 =	sand.u32 $0x1FFFFFF0, s1  }
0x64: {  	[tilespmem:s8], [sflag:$0x1] =	stream.linear.gather [hbm4b:s0+s29], $0x80, $0x38;
	[tilespmem:$0x16A00] =	vst v63  }
0x65: {  	s10 =	sadd.s32 s4, s1  }
0x66: {  	[tilespmem:s15], [sflag:$0x5] =	stream.linear.gather [hbm4b:s10+s29], $0x80, $0x38;
	[tilespmem:$0x16A00] =	vst v63  }
0x67: {  	s2 =	spop (v2sf)  }
0x68: {  	s14 =	sand.u32 $0x1FFFFFF0, s2;
	s19 =	spop (v2sf)  }
0x69: {  	s22 =	sadd.s32 s3, s14;
	s23 =	sand.u32 $0x1FFFFFF0, s19;
	s28 =	spop (v2sf)  }
0x6a: {  	[tilespmem:s11], [sflag:$0x1] =	stream.linear.gather [hbm4b:s22+s29], $0x80, $0x38;
	[tilespmem:$0x16A00] =	vst v63  }
0x6b: {  	s1 =	sadd.s32 s4, s23;
	s8 =	sand.u32 $0x1FFFFFF0, s28;
	s9 =	spop (v2sf)  }
0x6c: {  	[tilespmem:s18], [sflag:$0x5] =	stream.linear.gather [hbm4b:s1+s29], $0x80, $0x38;
	[tilespmem:$0x16A00] =	vst v63  }
0x6d: {  	s10 =	sadd.s32 s3, s8;
	s11 =	sand.u32 $0x1FFFFFF0, s9;
	s14 =	spop (v2sf)  }
0x6e: {  	[tilespmem:s7], [sflag:$0x1] =	stream.linear.gather [hbm4b:s10+s29], $0x80, $0x38;
	[tilespmem:$0x16A00] =	vst v63  }
0x6f: {  	s15 =	sadd.s32 s4, s11;
	s18 =	sand.u32 $0x1FFFFFF0, s14;
	s19 =	spop (v2sf)  }
0x70: {  	[tilespmem:s5], [sflag:$0x5] =	stream.linear.gather [hbm4b:s15+s29], $0x80, $0x38;
	[tilespmem:$0x16A00] =	vst v63  }
0x71: {  	s22 =	sadd.s32 $0x3180, s30;
	s1 =	sadd.s32 s3, s18;
	s2 =	sand.u32 $0x1FFFFFF0, s19  }
0x72: {  	[tilespmem:s22], [sflag:$0x1] =	stream.linear.gather [hbm4b:s1+s29], $0x80, $0x38;
	[tilespmem:$0x16A00] =	vst v63  }
0x73: {  	s23 =	sadd.s32 $0xD180, s30;
	s28 =	sadd.s32 s4, s2  }
0x74: {  	[tilespmem:s23], [sflag:$0x5] =	stream.linear.gather [hbm4b:s28+s29], $0x80, $0x38;
	[tilespmem:$0x16A00] =	vst v63  }
0x75: {  	v9 =	vld [tilespmem:s26+$0x0]  }
0x76: {  	v11 =	vld [tilespmem:s6+$0x0]  }
0x77: {  	s2 =	smov.u32 s31  }
0x78: {  	s30 =	sshra.s32 s2, $0x2  }
0x79: {  	s5 =	sadd.s32 $0x2C80, s30  }
0x7a: {  	s7 =	sadd.s32 $0x2E80, s30;
	[dreg:$0x17] =	wrdreg s5;
	v10 =	vshll.u32 v9, $0x4  }
0x7b: {  	p0 =	sne.s32 s31, $0x8000;
	s8 =	sadd.s32 $0x2C00, s30;
	[dreg:$0x9] =	wrdreg s7;
	v9 =	vshll.u32 v11, $0x4;
	(v2sf) =	vpush v10, $0x0  }
0x7c: {  	s31 =	sadd.s32 $0x2000, s31;
	s9 =	sadd.s32 $0xCF00, s30;
	[smem:$0x7F6] =	sst s8;
	(v2sf) =	vpush v9, $0x0  }
0x7d: {  	s0 =	sadd.s32 $0xCA00, s30;
	s10 =	sadd.s32 $0xCC00, s30;
	[dreg:$0x5] =	wrdreg s9;
	(v2sf) =	vpush v10, $0x1  }
0x7e: {  	s2 =	sadd.s32 $0xCB80, s30;
	s11 =	sadd.s32 $0xCC80, s30;
	[smem:$0x7F7] =	sst s10  }
0x7f: {  	s15 =	sadd.s32 $0xD000, s30;
	s18 =	sadd.s32 $0x2D00, s30;
	[smem:$0x7F8] =	sst s11;
	(v2sf) =	vpush v9, $0x1  }
0x80: {  	s19 =	sadd.s32 $0x2B00, s30;
	[dreg:$0x1f] =	wrdreg s18;
	s8 =	sadd.s32 $0xCE80, s30  }
0x81: {  	s14 =	sadd.s32 $0x3080, s30;
	s10 =	sadd.s32 $0x2F00, s30;
	[dreg:$0xf] =	wrdreg s8;
	(v2sf) =	vpush v10, $0x2  }
0x82: {  	s9 =	sadd.s32 $0x2B80, s30;
	s11 =	sadd.s32 $0x2D80, s30;
	[dreg:$0xb] =	wrdreg s10  }
0x83: {  	s7 =	sadd.s32 $0xCA80, s30;
	s22 =	sadd.s32 $0xCF80, s30;
	[dreg:$0x1b] =	wrdreg s11;
	(v2sf) =	vpush v9, $0x2  }
0x84: {  	s5 =	sadd.s32 $0xCB00, s30;
	s10 =	sadd.s32 $0x2E00, s30;
	[dreg:$0x7] =	wrdreg s22;
	(v2sf) =	vpush v10, $0x3  }
0x85: {  	s18 =	sadd.s32 $0xD080, s30;
	s11 =	sadd.s32 $0x2F80, s30;
	[dreg:$0x15] =	wrdreg s10  }
0x86: {  	s8 =	sadd.s32 $0x3000, s30;
	s22 =	sadd.s32 $0xCE00, s30;
	[dreg:$0x11] =	wrdreg s11;
	(v2sf) =	vpush v9, $0x3  }
0x87: {  	s1 =	sadd.s32 $0x3100, s30;
	s10 =	sadd.s32 $0xD100, s30;
	[dreg:$0x13] =	wrdreg s22  }
0x88: {  	s29 =	simm.s32 $0x0;
	s28 =	sadd.s32 $0xCD00, s30;
	[dreg:$0xd] =	wrdreg s10;
	(v2sf) =	vpush v10, $0x4  }
0x89: {  	s23 =	sadd.s32 $0x2A00, s30;
	[dreg:$0x1d] =	wrdreg s28;
	s28 =	sadd.s32 $0xCD80, s30  }
0x8a: {  	s22 =	sadd.s32 $0x2A80, s30;
	[dreg:$0x19] =	wrdreg s28;
	s28 =	spop (v2sf)  }
0x8b: {  	s26 =	sadd.s32 $0x10, s26;
	s28 =	sand.u32 $0x1FFFFFF0, s28;
	s11 =	spop (v2sf)  }
0x8c: {  	(v2sf) =	vpush v9, $0x4;
	s28 =	sadd.s32 s3, s28;
	s10 =	sand.u32 $0x1FFFFFF0, s11;
	s11 =	spop (v2sf)  }
0x8d: {  	[tilespmem:s23], [sflag:$0x1] =	stream.linear.gather [hbm4b:s28+s29], $0x80, $0x38;
	[tilespmem:$0x16A00] =	vst v63  }
0x8e: {  	(v2sf) =	vpush v10, $0x5;
	s10 =	sadd.s32 s4, s10;
	s11 =	sand.u32 $0x1FFFFFF0, s11;
	s28 =	spop (v2sf)  }
0x8f: {  	[tilespmem:s0], [sflag:$0x5] =	stream.linear.gather [hbm4b:s10+s29], $0x80, $0x38;
	[tilespmem:$0x16A00] =	vst v63  }
0x90: {  	s11 =	sadd.s32 s3, s11;
	s23 =	sand.u32 $0x1FFFFFF0, s28;
	s28 =	spop (v2sf)  }
0x91: {  	(v2sf) =	vpush v9, $0x5;
	[tilespmem:s22], [sflag:$0x1] =	stream.linear.gather [hbm4b:s11+s29], $0x80, $0x38;
	[tilespmem:$0x16A00] =	vst v63  }
0x92: {  	(v2sf) =	vpush v10, $0x6;
	s22 =	sadd.s32 s4, s23;
	s23 =	sand.u32 $0x1FFFFFF0, s28;
	s28 =	spop (v2sf)  }
0x93: {  	s6 =	sadd.s32 $0x10, s6;
	s11 =	smov.u32 s14;
	s14 =	spop (v2sf)  }
0x94: {  	(v2sf) =	vpush v9, $0x6;
	[tilespmem:s7], [sflag:$0x5] =	stream.linear.gather [hbm4b:s22+s29], $0x80, $0x38;
	[tilespmem:$0x16A00] =	vst v63  }
0x95: {  	s10 =	sand.u32 $0x1FFFFFF0, s28;
	s7 =	sadd.s32 s3, s23;
	s28 =	spop (v2sf)  }
0x96: {  	(v2sf) =	vpush v10, $0x7;
	[tilespmem:s19], [sflag:$0x1] =	stream.linear.gather [hbm4b:s7+s29], $0x80, $0x38;
	[tilespmem:$0x16A00] =	vst v63  }
0x97: {  	s22 =	sadd.s32 s4, s10;
	s23 =	sand.u32 $0x1FFFFFF0, s14;
	s19 =	spop (v2sf)  }
0x98: {  	[tilespmem:s5], [sflag:$0x5] =	stream.linear.gather [hbm4b:s22+s29], $0x80, $0x38;
	[tilespmem:$0x16A00] =	vst v63  }
0x99: {  	(v2sf) =	vpush v9, $0x7;
	s14 =	sand.u32 $0x1FFFFFF0, s28;
	s7 =	sadd.s32 s3, s23;
	s23 =	sand.u32 $0x1FFFFFF0, s19  }
0x9a: {  	[tilespmem:s9], [sflag:$0x1] =	stream.linear.gather [hbm4b:s7+s29], $0x80, $0x38;
	[tilespmem:$0x16A00] =	vst v63  }
0x9b: {  	(v2sf) =	vpush v10, $0x8;
	s22 =	sadd.s32 s4, s14;
	s14 =	sld [smem:$0x7F6];
	s28 =	spop (v2sf)  }
0x9c: {  	[tilespmem:s2], [sflag:$0x5] =	stream.linear.gather [hbm4b:s22+s29], $0x80, $0x38;
	[tilespmem:$0x16A00] =	vst v63  }
0x9d: {  	s5 =	sadd.s32 s3, s23;
	s7 =	smov.u32 s1;
	s10 =	spop (v2sf)  }
0x9e: {  	s9 =	sand.u32 $0x1FFFFFF0, s28;
	s28 =	sld [smem:$0x7F7];
	s22 =	sand.u32 $0x1FFFFFF0, s10  }
0x9f: {  	(v2sf) =	vpush v9, $0x8;
	[tilespmem:s14], [sflag:$0x1] =	stream.linear.gather [hbm4b:s5+s29], $0x80, $0x38;
	[tilespmem:$0x16A00] =	vst v63  }
0xa0: {  	(v2sf) =	vpush v10, $0x9;
	s19 =	sadd.s32 s4, s9;
	s23 =	spop (v2sf);
	s2 =	sadd.s32 s3, s22  }
0xa1: {  	s9 =	sand.u32 $0x1FFFFFF0, s23;
	s10 =	spop (v2sf);
	s14 =	rddreg [dreg:$0x17]  }
0xa2: {  	(v2sf) =	vpush v9, $0x9;
	[tilespmem:s28], [sflag:$0x5] =	stream.linear.gather [hbm4b:s19+s29], $0x80, $0x38;
	[tilespmem:$0x16A00] =	vst v63  }
0xa3: {  	(v2sf) =	vpush v10, $0xA;
	s22 =	sand.u32 $0x1FFFFFF0, s10;
	s28 =	sld [smem:$0x7F8];
	s23 =	spop (v2sf)  }
0xa4: {  	[tilespmem:s14], [sflag:$0x1] =	stream.linear.gather [hbm4b:s2+s29], $0x80, $0x38;
	[tilespmem:$0x16A00] =	vst v63  }
0xa5: {  	s19 =	sadd.s32 s4, s9;
	s5 =	sadd.s32 s3, s22;
	s10 =	spop (v2sf)  }
0xa6: {  	s9 =	sand.u32 $0x1FFFFFF0, s23;
	s14 =	rddreg [dreg:$0x1f];
	s22 =	sand.u32 $0x1FFFFFF0, s10  }
0xa7: {  	(v2sf) =	vpush v9, $0xA;
	[tilespmem:s28], [sflag:$0x5] =	stream.linear.gather [hbm4b:s19+s29], $0x80, $0x38;
	[tilespmem:$0x16A00] =	vst v63  }
0xa8: {  	s23 =	spop (v2sf);
	s19 =	sadd.s32 s4, s9;
	s28 =	rddreg [dreg:$0x1d]  }
0xa9: {  	[tilespmem:s14], [sflag:$0x1] =	stream.linear.gather [hbm4b:s5+s29], $0x80, $0x38;
	[tilespmem:$0x16A00] =	vst v63  }
0xaa: {  	s9 =	sand.u32 $0x1FFFFFF0, s23;
	s10 =	spop (v2sf);
	s5 =	sadd.s32 s3, s22  }
0xab: {  	(v2sf) =	vpush v10, $0xB;
	[tilespmem:s28], [sflag:$0x5] =	stream.linear.gather [hbm4b:s19+s29], $0x80, $0x38;
	[tilespmem:$0x16A00] =	vst v63  }
0xac: {  	s14 =	rddreg [dreg:$0x1b];
	s22 =	sand.u32 $0x1FFFFFF0, s10;
	s19 =	sadd.s32 s4, s9  }
0xad: {  	(v2sf) =	vpush v9, $0xB;
	[tilespmem:s14], [sflag:$0x1] =	stream.linear.gather [hbm4b:s5+s29], $0x80, $0x38;
	[tilespmem:$0x16A00] =	vst v63  }
0xae: {  	s28 =	rddreg [dreg:$0x19];
	s23 =	spop (v2sf);
	s5 =	sadd.s32 s3, s22  }
0xaf: {  	s14 =	rddreg [dreg:$0x15];
	s9 =	sand.u32 $0x1FFFFFF0, s23;
	s10 =	spop (v2sf)  }
0xb0: {  	(v2sf) =	vpush v10, $0xC;
	[tilespmem:s28], [sflag:$0x5] =	stream.linear.gather [hbm4b:s19+s29], $0x80, $0x38;
	[tilespmem:$0x16A00] =	vst v63  }
0xb1: {  	s19 =	sadd.s32 s4, s9;
	s22 =	sand.u32 $0x1FFFFFF0, s10;
	s23 =	spop (v2sf)  }
0xb2: {  	(v2sf) =	vpush v9, $0xC;
	s28 =	rddreg [dreg:$0x13];
	s9 =	sand.u32 $0x1FFFFFF0, s23;
	s10 =	spop (v2sf)  }
0xb3: {  	[tilespmem:s14], [sflag:$0x1] =	stream.linear.gather [hbm4b:s5+s29], $0x80, $0x38;
	[tilespmem:$0x16A00] =	vst v63  }
0xb4: {  	s5 =	sadd.s32 s3, s22;
	s14 =	rddreg [dreg:$0x9];
	s22 =	sand.u32 $0x1FFFFFF0, s10  }
0xb5: {  	[tilespmem:s28], [sflag:$0x5] =	stream.linear.gather [hbm4b:s19+s29], $0x80, $0x38;
	[tilespmem:$0x16A00] =	vst v63  }
0xb6: {  	s19 =	sadd.s32 s4, s9;
	s23 =	spop (v2sf);
	s28 =	rddreg [dreg:$0xf]  }
0xb7: {  	[tilespmem:s14], [sflag:$0x1] =	stream.linear.gather [hbm4b:s5+s29], $0x80, $0x38;
	[tilespmem:$0x16A00] =	vst v63  }
0xb8: {  	s9 =	sadd.s32 s3, s22;
	s10 =	sand.u32 $0x1FFFFFF0, s23;
	s5 =	rddreg [dreg:$0xd]  }
0xb9: {  	[tilespmem:s28], [sflag:$0x5] =	stream.linear.gather [hbm4b:s19+s29], $0x80, $0x38;
	[tilespmem:$0x16A00] =	vst v63  }
0xba: {  	s14 =	spop (v2sf);
	s22 =	sadd.s32 s4, s10;
	s19 =	rddreg [dreg:$0xb]  }
0xbb: {  	[tilespmem:s19], [sflag:$0x1] =	stream.linear.gather [hbm4b:s9+s29], $0x80, $0x38;
	[tilespmem:$0x16A00] =	vst v63  }
0xbc: {  	s23 =	sand.u32 $0x1FFFFFF0, s14;
	s28 =	spop (v2sf);
	s9 =	rddreg [dreg:$0x5]  }
0xbd: {  	(v2sf) =	vpush v10, $0xD;
	[tilespmem:s9], [sflag:$0x5] =	stream.linear.gather [hbm4b:s22+s29], $0x80, $0x38;
	[tilespmem:$0x16A00] =	vst v63  }
.Ltmp0:
0xbe: {  	(v2sf) =	vpush v9, $0xD;
	s14 =	sand.u32 $0x1FFFFFF0, s28;
	s28 =	rddreg [dreg:$0x7];
	(pc) =	sbr.rel @p0 .LBB2_2-.Ltmp0, $4  }
0xbf: {  	(v2sf) =	vpush v10, $0xE;
	s10 =	sadd.s32 s3, s23;
	s19 =	spop (v2sf);
	s22 =	rddreg [dreg:$0x11]  }
0xc0: {  	(v2sf) =	vpush v9, $0xE;
	[tilespmem:s22], [sflag:$0x1] =	stream.linear.gather [hbm4b:s10+s29], $0x80, $0x38;
	[tilespmem:$0x16A00] =	vst v63  }
0xc1: {  	(v2sf) =	vpush v10, $0xF;
	s23 =	sadd.s32 s4, s14;
	s0 =	sand.u32 $0x1FFFFFF0, s19;
	s1 =	spop (v2sf)  }
0xc2: {  	(v2sf) =	vpush v9, $0xF;
	[tilespmem:s28], [sflag:$0x5] =	stream.linear.gather [hbm4b:s23+s29], $0x80, $0x38;
	[tilespmem:$0x16A00] =	vst v63  }
0xc3: {  	_ =	sdelay $0x4  }
0xc4: {  	s0 =	sadd.s32 s3, s0;
	s1 =	sand.u32 $0x1FFFFFF0, s1  }
0xc5: {  	[tilespmem:s8], [sflag:$0x1] =	stream.linear.gather [hbm4b:s0+s29], $0x80, $0x38;
	[tilespmem:$0x16A00] =	vst v63  }
0xc6: {  	s1 =	sadd.s32 s4, s1  }
0xc7: {  	[tilespmem:s15], [sflag:$0x5] =	stream.linear.gather [hbm4b:s1+s29], $0x80, $0x38;
	[tilespmem:$0x16A00] =	vst v63  }
0xc8: {  	s2 =	spop (v2sf)  }
0xc9: {  	s6 =	sand.u32 $0x1FFFFFF0, s2;
	s8 =	spop (v2sf)  }
0xca: {  	s9 =	sadd.s32 s3, s6;
	s10 =	sand.u32 $0x1FFFFFF0, s8;
	s14 =	spop (v2sf)  }
0xcb: {  	[tilespmem:s11], [sflag:$0x1] =	stream.linear.gather [hbm4b:s9+s29], $0x80, $0x38;
	[tilespmem:$0x16A00] =	vst v63  }
0xcc: {  	s15 =	sadd.s32 s4, s10;
	s19 =	sand.u32 $0x1FFFFFF0, s14;
	s22 =	spop (v2sf)  }
0xcd: {  	[tilespmem:s18], [sflag:$0x5] =	stream.linear.gather [hbm4b:s15+s29], $0x80, $0x38;
	[tilespmem:$0x16A00] =	vst v63  }
0xce: {  	s23 =	sadd.s32 s3, s19;
	s26 =	sand.u32 $0x1FFFFFF0, s22;
	s28 =	spop (v2sf)  }
0xcf: {  	[tilespmem:s7], [sflag:$0x1] =	stream.linear.gather [hbm4b:s23+s29], $0x80, $0x38;
	[tilespmem:$0x16A00] =	vst v63  }
0xd0: {  	s1 =	sadd.s32 s4, s26;
	s2 =	sand.u32 $0x1FFFFFF0, s28;
	s6 =	spop (v2sf)  }
0xd1: {  	[tilespmem:s5], [sflag:$0x5] =	stream.linear.gather [hbm4b:s1+s29], $0x80, $0x38;
	[tilespmem:$0x16A00] =	vst v63  }
0xd2: {  	s7 =	sadd.s32 $0x3180, s30;
	s1 =	sadd.s32 s3, s2;
	s2 =	sand.u32 $0x1FFFFFF0, s6  }
0xd3: {  	[tilespmem:s7], [sflag:$0x1] =	stream.linear.gather [hbm4b:s1+s29], $0x80, $0x38;
	[tilespmem:$0x16A00] =	vst v63  }
0xd4: {  	s8 =	sadd.s32 $0xD180, s30;
	s10 =	simm.s32 $0x80;
	s9 =	sadd.s32 s4, s2  }
0xd5: {  	[tilespmem:s8], [sflag:$0x5] =	stream.linear.gather [hbm4b:s9+s29], $0x80, $0x38;
	[tilespmem:$0x16A00] =	vst v63  }
0xd6: {  	v9 =	vld [tilespmem:s10+$0x0]  }
0xd7: {  	s11 =	simm.s32 $0x1080  }
0xd8: {  	v11 =	vld [tilespmem:s11+$0x0];
	_ =	sdelay $0x2  }
0xd9: {  	v10 =	vshll.u32 v9, $0x4  }
0xda: {  	(v2sf) =	vpush v10, $0x0  }
0xdb: {  	v9 =	vshll.u32 v11, $0x4  }
0xdc: {  	(v2sf) =	vpush v9, $0x0;
	_ =	sdelay $0x1  }
0xdd: {  	(v2sf) =	vpush v10, $0x1  }
0xde: {  	(v2sf) =	vpush v9, $0x1;
	_ =	sdelay $0x1  }
0xdf: {  	(v2sf) =	vpush v10, $0x2  }
0xe0: {  	(v2sf) =	vpush v9, $0x2;
	_ =	sdelay $0x1  }
0xe1: {  	(v2sf) =	vpush v10, $0x3;
	_ =	sdelay $0x1  }
0xe2: {  	s31 =	simm.s32 $0x2000;
	(v2sf) =	vpush v9, $0x3  }
0xe3: {  	s0 =	simm.s32 $0x5680;
	s14 =	simm.s32 $0xF200;
	s30 =	simm.s32 $0x0  }
0xe4: {  	s23 =	simm.s32 $0x5280;
	s6 =	simm.s32 $0x5200;
	s2 =	simm.s32 $0xF700  }
0xe5: {  	s1 =	simm.s32 $0x5480;
	s8 =	simm.s32 $0x5400;
	s15 =	spop (v2sf)  }
0xe6: {  	s9 =	simm.s32 $0x5380;
	s11 =	simm.s32 $0xF280;
	s7 =	sand.u32 $0x1FFFFFF0, s15  }
0xe7: {  	s10 =	spop (v2sf);
	s15 =	simm.s32 $0x5300;
	s7 =	sadd.s32 s3, s7  }
0xe8: {  	(v2sf) =	vpush v10, $0x4;
	[tilespmem:s6], [sflag:$0x2] =	stream.linear.gather [hbm4b:s7+s29], $0x80, $0x38;
	[tilespmem:$0x16A00] =	vst v63  }
0xe9: {  	(v2sf) =	vpush v9, $0x4;
	s18 =	sand.u32 $0x1FFFFFF0, s10;
	s19 =	spop (v2sf);
	s6 =	simm.s32 $0xF380  }
0xea: {  	s7 =	sadd.s32 s4, s18;
	s10 =	sand.u32 $0x1FFFFFF0, s19;
	s22 =	spop (v2sf)  }
0xeb: {  	(v2sf) =	vpush v10, $0x5;
	[tilespmem:s14], [sflag:$0x6] =	stream.linear.gather [hbm4b:s7+s29], $0x80, $0x38;
	[tilespmem:$0x16A00] =	vst v63  }
0xec: {  	s26 =	sadd.s32 s3, s10;
	s28 =	sand.u32 $0x1FFFFFF0, s22;
	s14 =	spop (v2sf)  }
0xed: {  	(v2sf) =	vpush v9, $0x5;
	s22 =	simm.s32 $0xF300;
	s7 =	sand.u32 $0x1FFFFFF0, s14;
	s18 =	spop (v2sf)  }
0xee: {  	(v2sf) =	vpush v10, $0x6;
	[tilespmem:s23], [sflag:$0x2] =	stream.linear.gather [hbm4b:s26+s29], $0x80, $0x38;
	[tilespmem:$0x16A00] =	vst v63  }
0xef: {  	s10 =	sadd.s32 s4, s28;
	s7 =	sadd.s32 s3, s7;
	s19 =	spop (v2sf)  }
0xf0: {  	[tilespmem:s11], [sflag:$0x6] =	stream.linear.gather [hbm4b:s10+s29], $0x80, $0x38;
	[tilespmem:$0x16A00] =	vst v63  }
0xf1: {  	s26 =	sand.u32 $0x1FFFFFF0, s19;
	s28 =	spop (v2sf);
	s10 =	sand.u32 $0x1FFFFFF0, s18  }
0xf2: {  	(v2sf) =	vpush v9, $0x6;
	[tilespmem:s15], [sflag:$0x2] =	stream.linear.gather [hbm4b:s7+s29], $0x80, $0x38;
	[tilespmem:$0x16A00] =	vst v63  }
0xf3: {  	s11 =	simm.s32 $0xF400;
	s5 =	sand.u32 $0x1FFFFFF0, s28;
	s23 =	sadd.s32 s4, s10  }
0xf4: {  	(v2sf) =	vpush v10, $0x7;
	[tilespmem:s22], [sflag:$0x6] =	stream.linear.gather [hbm4b:s23+s29], $0x80, $0x38;
	[tilespmem:$0x16A00] =	vst v63  }
0xf5: {  	s28 =	simm.s32 $0x5500;
	s10 =	sadd.s32 s3, s26;
	s5 =	sadd.s32 s4, s5  }
0xf6: {  	(v2sf) =	vpush v9, $0x7;
	[tilespmem:s9], [sflag:$0x2] =	stream.linear.gather [hbm4b:s10+s29], $0x80, $0x38;
	[tilespmem:$0x16A00] =	vst v63  }
0xf7: {  	s15 =	simm.s32 $0xF800;
	s23 =	simm.s32 $0xF480;
	s14 =	spop (v2sf)  }
0xf8: {  	s9 =	sand.u32 $0x1FFFFFF0, s14;
	s18 =	spop (v2sf);
	s14 =	simm.s32 $0x5880  }
0xf9: {  	(v2sf) =	vpush v10, $0x8;
	[tilespmem:s6], [sflag:$0x6] =	stream.linear.gather [hbm4b:s5+s29], $0x80, $0x38;
	[tilespmem:$0x16A00] =	vst v63  }
0xfa: {  	s19 =	sadd.s32 s3, s9;
	s22 =	sand.u32 $0x1FFFFFF0, s18;
	s26 =	spop (v2sf)  }
0xfb: {  	(v2sf) =	vpush v9, $0x8;
	[tilespmem:s8], [sflag:$0x2] =	stream.linear.gather [hbm4b:s19+s29], $0x80, $0x38;
	[tilespmem:$0x16A00] =	vst v63  }
0xfc: {  	s6 =	sadd.s32 s4, s22;
	s8 =	sand.u32 $0x1FFFFFF0, s26;
	s9 =	spop (v2sf)  }
0xfd: {  	(v2sf) =	vpush v10, $0x9;
	s7 =	sadd.s32 s3, s8;
	s8 =	sand.u32 $0x1FFFFFF0, s9;
	s10 =	spop (v2sf)  }
0xfe: {  	(v2sf) =	vpush v9, $0x9;
	[tilespmem:s11], [sflag:$0x6] =	stream.linear.gather [hbm4b:s6+s29], $0x80, $0x38;
	[tilespmem:$0x16A00] =	vst v63  }
0xff: {  	s9 =	simm.s32 $0x5580;
	s11 =	sadd.s32 s4, s8;
	s18 =	sand.u32 $0x1FFFFFF0, s10  }
0x100: {  	(v2sf) =	vpush v10, $0xA;
	[tilespmem:s1], [sflag:$0x2] =	stream.linear.gather [hbm4b:s7+s29], $0x80, $0x38;
	[tilespmem:$0x16A00] =	vst v63  }
0x101: {  	s10 =	simm.s32 $0xF880;
	s19 =	spop (v2sf);
	(v2sf) =	vpush v9, $0xA;
	s22 =	sadd.s32 s3, s18  }
0x102: {  	[tilespmem:s23], [sflag:$0x6] =	stream.linear.gather [hbm4b:s11+s29], $0x80, $0x38;
	[tilespmem:$0x16A00] =	vst v63  }
0x103: {  	s5 =	sand.u32 $0x1FFFFFF0, s19;
	s19 =	simm.s32 $0xF580;
	s26 =	spop (v2sf);
	(v2sf) =	vpush v10, $0xB  }
0x104: {  	[tilespmem:s28], [sflag:$0x2] =	stream.linear.gather [hbm4b:s22+s29], $0x80, $0x38;
	[tilespmem:$0x16A00] =	vst v63  }
0x105: {  	s1 =	simm.s32 $0xF780;
	s5 =	sadd.s32 s4, s5;
	s28 =	spop (v2sf)  }
0x106: {  	s7 =	sand.u32 $0x1FFFFFF0, s26;
	s23 =	simm.s32 $0xF500;
	s18 =	sand.u32 $0x1FFFFFF0, s28  }
0x107: {  	[tilespmem:s23], [sflag:$0x6] =	stream.linear.gather [hbm4b:s5+s29], $0x80, $0x38;
	[tilespmem:$0x16A00] =	vst v63  }
0x108: {  	s11 =	sadd.s32 s3, s7;
	s7 =	sadd.s32 s4, s18;
	s22 =	spop (v2sf)  }
0x109: {  	(v2sf) =	vpush v9, $0xB;
	[tilespmem:s9], [sflag:$0x2] =	stream.linear.gather [hbm4b:s11+s29], $0x80, $0x38;
	[tilespmem:$0x16A00] =	vst v63  }
0x10a: {  	s23 =	simm.s32 $0x5600;
	s5 =	simm.s32 $0xF900;
	s26 =	spop (v2sf)  }
0x10b: {  	[tilespmem:s19], [sflag:$0x6] =	stream.linear.gather [hbm4b:s7+s29], $0x80, $0x38;
	[tilespmem:$0x16A00] =	vst v63  }
0x10c: {  	s6 =	sand.u32 $0x1FFFFFF0, s22;
	s9 =	simm.s32 $0xF600;
	s28 =	spop (v2sf)  }
0x10d: {  	(v2sf) =	vpush v10, $0xC;
	s6 =	sadd.s32 s3, s6;
	s7 =	sand.u32 $0x1FFFFFF0, s26;
	s22 =	spop (v2sf)  }
0x10e: {  	[tilespmem:s23], [sflag:$0x2] =	stream.linear.gather [hbm4b:s6+s29], $0x80, $0x38;
	[tilespmem:$0x16A00] =	vst v63  }
0x10f: {  	(v2sf) =	vpush v9, $0xC;
	s19 =	simm.s32 $0xF680;
	s18 =	sand.u32 $0x1FFFFFF0, s28;
	s26 =	spop (v2sf)  }
0x110: {  	s11 =	sadd.s32 s4, s7;
	s7 =	sadd.s32 s3, s18;
	s28 =	spop (v2sf)  }
0x111: {  	[tilespmem:s9], [sflag:$0x6] =	stream.linear.gather [hbm4b:s11+s29], $0x80, $0x38;
	[tilespmem:$0x16A00] =	vst v63  }
0x112: {  	s23 =	simm.s32 $0x5700;
	s6 =	sand.u32 $0x1FFFFFF0, s22;
	s8 =	spop (v2sf)  }
0x113: {  	[tilespmem:s0], [sflag:$0x2] =	stream.linear.gather [hbm4b:s7+s29], $0x80, $0x38;
	[tilespmem:$0x16A00] =	vst v63  }
0x114: {  	s6 =	sadd.s32 s4, s6;
	s7 =	sand.u32 $0x1FFFFFF0, s26;
	s11 =	sand.u32 $0x1FFFFFF0, s8  }
0x115: {  	[tilespmem:s19], [sflag:$0x6] =	stream.linear.gather [hbm4b:s6+s29], $0x80, $0x38;
	[tilespmem:$0x16A00] =	vst v63  }
0x116: {  	s22 =	sadd.s32 s3, s11;
	s6 =	sadd.s32 s3, s7;
	s7 =	sand.u32 $0x1FFFFFF0, s28  }
0x117: {  	[tilespmem:s23], [sflag:$0x2] =	stream.linear.gather [hbm4b:s6+s29], $0x80, $0x38;
	[tilespmem:$0x16A00] =	vst v63  }
0x118: {  	s19 =	simm.s32 $0x5780;
	s9 =	sadd.s32 s4, s7;
	s18 =	spop (v2sf)  }
0x119: {  	(v2sf) =	vpush v10, $0xD;
	[tilespmem:s2], [sflag:$0x6] =	stream.linear.gather [hbm4b:s9+s29], $0x80, $0x38;
	[tilespmem:$0x16A00] =	vst v63  }
0x11a: {  	(v2sf) =	vpush v9, $0xD;
	s7 =	simm.s32 $0x5900;
	s23 =	sand.u32 $0x1FFFFFF0, s18;
	s6 =	simm.s32 $0x1090  }
0x11b: {  	(v2sf) =	vpush v10, $0xE;
	[tilespmem:s19], [sflag:$0x2] =	stream.linear.gather [hbm4b:s22+s29], $0x80, $0x38;
	[tilespmem:$0x16A00] =	vst v63  }
0x11c: {  	(v2sf) =	vpush v9, $0xE;
	s26 =	sadd.s32 s4, s23;
	s9 =	simm.s32 $0x5800;
	s28 =	spop (v2sf)  }
0x11d: {  	(v2sf) =	vpush v10, $0xF;
	[tilespmem:s1], [sflag:$0x6] =	stream.linear.gather [hbm4b:s26+s29], $0x80, $0x38;
	[tilespmem:$0x16A00] =	vst v63  }
0x11e: {  	(v2sf) =	vpush v9, $0xF;
	s0 =	sand.u32 $0x1FFFFFF0, s28;
	s26 =	simm.s32 $0x90;
	s1 =	spop (v2sf)  }
.LBB2_4:
0x11f: {  	_ =	sdelay $0x4  }
0x120: {  	s0 =	sadd.s32 s3, s0;
	s1 =	sand.u32 $0x1FFFFFF0, s1  }
0x121: {  	[tilespmem:s9], [sflag:$0x2] =	stream.linear.gather [hbm4b:s0+s29], $0x80, $0x38;
	[tilespmem:$0x16A00] =	vst v63  }
0x122: {  	s22 =	sadd.s32 s4, s1  }
0x123: {  	[tilespmem:s15], [sflag:$0x6] =	stream.linear.gather [hbm4b:s22+s29], $0x80, $0x38;
	[tilespmem:$0x16A00] =	vst v63  }
0x124: {  	s2 =	spop (v2sf)  }
0x125: {  	s23 =	sand.u32 $0x1FFFFFF0, s2;
	s28 =	spop (v2sf)  }
0x126: {  	s8 =	sadd.s32 s3, s23;
	s9 =	sand.u32 $0x1FFFFFF0, s28;
	s11 =	spop (v2sf)  }
0x127: {  	[tilespmem:s14], [sflag:$0x2] =	stream.linear.gather [hbm4b:s8+s29], $0x80, $0x38;
	[tilespmem:$0x16A00] =	vst v63  }
0x128: {  	s15 =	sadd.s32 s4, s9;
	s18 =	sand.u32 $0x1FFFFFF0, s11;
	s19 =	spop (v2sf)  }
0x129: {  	[tilespmem:s10], [sflag:$0x6] =	stream.linear.gather [hbm4b:s15+s29], $0x80, $0x38;
	[tilespmem:$0x16A00] =	vst v63  }
0x12a: {  	s22 =	sadd.s32 s3, s18;
	s23 =	sand.u32 $0x1FFFFFF0, s19;
	s28 =	spop (v2sf)  }
0x12b: {  	[tilespmem:s7], [sflag:$0x2] =	stream.linear.gather [hbm4b:s22+s29], $0x80, $0x38;
	[tilespmem:$0x16A00] =	vst v63  }
0x12c: {  	s1 =	sadd.s32 s4, s23;
	s2 =	sand.u32 $0x1FFFFFF0, s28;
	s7 =	spop (v2sf)  }
0x12d: {  	[tilespmem:s5], [sflag:$0x6] =	stream.linear.gather [hbm4b:s1+s29], $0x80, $0x38;
	[tilespmem:$0x16A00] =	vst v63  }
0x12e: {  	s8 =	sadd.s32 $0x5980, s30;
	s1 =	sadd.s32 s3, s2;
	s2 =	sand.u32 $0x1FFFFFF0, s7  }
0x12f: {  	[tilespmem:s8], [sflag:$0x2] =	stream.linear.gather [hbm4b:s1+s29], $0x80, $0x38;
	[tilespmem:$0x16A00] =	vst v63  }
0x130: {  	s9 =	sadd.s32 $0xF980, s30;
	s10 =	sadd.s32 s4, s2  }
0x131: {  	[tilespmem:s9], [sflag:$0x6] =	stream.linear.gather [hbm4b:s10+s29], $0x80, $0x38;
	[tilespmem:$0x16A00] =	vst v63  }
0x132: {  	v9 =	vld [tilespmem:s26+$0x0]  }
0x133: {  	v11 =	vld [tilespmem:s6+$0x0]  }
0x134: {  	s11 =	smov.u32 s31  }
0x135: {  	s30 =	sshra.s32 s11, $0x2  }
0x136: {  	s14 =	sadd.s32 $0x5480, s30  }
0x137: {  	s15 =	sadd.s32 $0x5680, s30;
	[dreg:$0x18] =	wrdreg s14;
	v10 =	vshll.u32 v9, $0x4  }
0x138: {  	s18 =	sadd.s32 $0x5400, s30;
	[dreg:$0xa] =	wrdreg s15;
	v9 =	vshll.u32 v11, $0x4;
	(v2sf) =	vpush v10, $0x0  }
0x139: {  	p0 =	sne.s32 s31, $0x8000;
	s19 =	sadd.s32 $0xF700, s30;
	[smem:$0x7F2] =	sst s18;
	(v2sf) =	vpush v9, $0x0  }
0x13a: {  	s31 =	sadd.s32 $0x2000, s31;
	s28 =	sadd.s32 $0xF480, s30;
	[dreg:$0x6] =	wrdreg s19;
	(v2sf) =	vpush v10, $0x1  }
0x13b: {  	s0 =	sadd.s32 $0xF200, s30;
	s11 =	sadd.s32 $0xF680, s30;
	[smem:$0x7F4] =	sst s28  }
0x13c: {  	s23 =	sadd.s32 $0x5200, s30;
	[dreg:$0x10] =	wrdreg s11;
	s28 =	sadd.s32 $0x5580, s30;
	(v2sf) =	vpush v9, $0x1  }
0x13d: {  	s18 =	sadd.s32 $0xF380, s30;
	s11 =	sadd.s32 $0x5600, s30;
	[dreg:$0x1c] =	wrdreg s28  }
0x13e: {  	s15 =	sadd.s32 $0xF800, s30;
	s22 =	sadd.s32 $0xF400, s30;
	[dreg:$0x16] =	wrdreg s11;
	(v2sf) =	vpush v10, $0x2  }
0x13f: {  	s19 =	sadd.s32 $0x5300, s30;
	s28 =	sadd.s32 $0xF900, s30;
	[smem:$0x7F3] =	sst s22  }
0x140: {  	s14 =	sadd.s32 $0x5880, s30;
	s11 =	sadd.s32 $0x5780, s30;
	[dreg:$0xe] =	wrdreg s28;
	(v2sf) =	vpush v9, $0x2  }
0x141: {  	s22 =	sadd.s32 $0x5700, s30;
	[dreg:$0x12] =	wrdreg s11;
	s7 =	sadd.s32 $0xF280, s30;
	(v2sf) =	vpush v10, $0x3  }
0x142: {  	s5 =	sadd.s32 $0xF300, s30;
	[dreg:$0xc] =	wrdreg s22;
	s8 =	sadd.s32 $0x5500, s30  }
0x143: {  	s22 =	sadd.s32 $0x5280, s30;
	[smem:$0x7F5] =	sst s8;
	s9 =	sadd.s32 $0xF780, s30;
	(v2sf) =	vpush v9, $0x3  }
0x144: {  	s2 =	sadd.s32 $0x5900, s30;
	s10 =	sadd.s32 $0xF500, s30;
	[dreg:$0x8] =	wrdreg s9  }
0x145: {  	s1 =	sadd.s32 $0x5380, s30;
	s8 =	sadd.s32 $0xF880, s30;
	[dreg:$0x1e] =	wrdreg s10;
	(v2sf) =	vpush v10, $0x4  }
0x146: {  	s9 =	sadd.s32 $0xF600, s30;
	s10 =	sadd.s32 $0xF580, s30;
	s6 =	sadd.s32 $0x10, s6  }
0x147: {  	s26 =	sadd.s32 $0x10, s26;
	[dreg:$0x14] =	wrdreg s9;
	s28 =	spop (v2sf)  }
0x148: {  	[dreg:$0x1a] =	wrdreg s10;
	s28 =	sand.u32 $0x1FFFFFF0, s28;
	s11 =	spop (v2sf)  }
0x149: {  	(v2sf) =	vpush v9, $0x4;
	s28 =	sadd.s32 s3, s28;
	s10 =	sand.u32 $0x1FFFFFF0, s11;
	s11 =	spop (v2sf)  }
0x14a: {  	[tilespmem:s23], [sflag:$0x2] =	stream.linear.gather [hbm4b:s28+s29], $0x80, $0x38;
	[tilespmem:$0x16A00] =	vst v63  }
0x14b: {  	(v2sf) =	vpush v10, $0x5;
	s10 =	sadd.s32 s4, s10;
	s11 =	sand.u32 $0x1FFFFFF0, s11;
	s28 =	spop (v2sf)  }
0x14c: {  	[tilespmem:s0], [sflag:$0x6] =	stream.linear.gather [hbm4b:s10+s29], $0x80, $0x38;
	[tilespmem:$0x16A00] =	vst v63  }
0x14d: {  	(v2sf) =	vpush v9, $0x5;
	s11 =	sadd.s32 s3, s11;
	s23 =	sand.u32 $0x1FFFFFF0, s28;
	s28 =	spop (v2sf)  }
0x14e: {  	[tilespmem:s22], [sflag:$0x2] =	stream.linear.gather [hbm4b:s11+s29], $0x80, $0x38;
	[tilespmem:$0x16A00] =	vst v63  }
0x14f: {  	(v2sf) =	vpush v10, $0x6;
	s22 =	sadd.s32 s4, s23;
	s23 =	sand.u32 $0x1FFFFFF0, s28;
	s28 =	spop (v2sf)  }
0x150: {  	s9 =	sadd.s32 $0x5800, s30;
	s10 =	sand.u32 $0x1FFFFFF0, s28;
	s11 =	spop (v2sf)  }
0x151: {  	(v2sf) =	vpush v9, $0x6;
	[tilespmem:s7], [sflag:$0x6] =	stream.linear.gather [hbm4b:s22+s29], $0x80, $0x38;
	[tilespmem:$0x16A00] =	vst v63  }
0x152: {  	(v2sf) =	vpush v10, $0x7;
	s7 =	sadd.s32 s3, s23;
	s22 =	sadd.s32 s4, s10;
	s28 =	spop (v2sf)  }
0x153: {  	[tilespmem:s19], [sflag:$0x2] =	stream.linear.gather [hbm4b:s7+s29], $0x80, $0x38;
	[tilespmem:$0x16A00] =	vst v63  }
0x154: {  	s23 =	sand.u32 $0x1FFFFFF0, s11;
	s10 =	smov.u32 s8;
	s19 =	spop (v2sf)  }
0x155: {  	[tilespmem:s5], [sflag:$0x6] =	stream.linear.gather [hbm4b:s22+s29], $0x80, $0x38;
	[tilespmem:$0x16A00] =	vst v63  }
0x156: {  	(v2sf) =	vpush v9, $0x7;
	s11 =	sand.u32 $0x1FFFFFF0, s28;
	s7 =	sadd.s32 s3, s23;
	s23 =	sand.u32 $0x1FFFFFF0, s19  }
0x157: {  	[tilespmem:s1], [sflag:$0x2] =	stream.linear.gather [hbm4b:s7+s29], $0x80, $0x38;
	[tilespmem:$0x16A00] =	vst v63  }
0x158: {  	(v2sf) =	vpush v10, $0x8;
	s22 =	sadd.s32 s4, s11;
	s7 =	smov.u32 s2;
	s28 =	spop (v2sf)  }
0x159: {  	[tilespmem:s18], [sflag:$0x6] =	stream.linear.gather [hbm4b:s22+s29], $0x80, $0x38;
	[tilespmem:$0x16A00] =	vst v63  }
0x15a: {  	s2 =	sadd.s32 s3, s23;
	s11 =	spop (v2sf);
	s18 =	sld [smem:$0x7F2]  }
0x15b: {  	s8 =	sand.u32 $0x1FFFFFF0, s28;
	s28 =	sld [smem:$0x7F3];
	s22 =	sand.u32 $0x1FFFFFF0, s11  }
0x15c: {  	(v2sf) =	vpush v9, $0x8;
	s19 =	sadd.s32 s4, s8;
	s23 =	spop (v2sf);
	s5 =	sadd.s32 s3, s22  }
0x15d: {  	(v2sf) =	vpush v10, $0x9;
	[tilespmem:s18], [sflag:$0x2] =	stream.linear.gather [hbm4b:s2+s29], $0x80, $0x38;
	[tilespmem:$0x16A00] =	vst v63  }
0x15e: {  	s8 =	sand.u32 $0x1FFFFFF0, s23;
	s11 =	spop (v2sf);
	s18 =	rddreg [dreg:$0x18]  }
0x15f: {  	(v2sf) =	vpush v9, $0x9;
	[tilespmem:s28], [sflag:$0x6] =	stream.linear.gather [hbm4b:s19+s29], $0x80, $0x38;
	[tilespmem:$0x16A00] =	vst v63  }
0x160: {  	(v2sf) =	vpush v10, $0xA;
	s22 =	sand.u32 $0x1FFFFFF0, s11;
	s19 =	sadd.s32 s4, s8;
	s23 =	spop (v2sf)  }
0x161: {  	s28 =	sld [smem:$0x7F4];
	s8 =	sand.u32 $0x1FFFFFF0, s23;
	s11 =	spop (v2sf)  }
0x162: {  	[tilespmem:s18], [sflag:$0x2] =	stream.linear.gather [hbm4b:s5+s29], $0x80, $0x38;
	[tilespmem:$0x16A00] =	vst v63  }
0x163: {  	s5 =	sadd.s32 s3, s22;
	s18 =	sld [smem:$0x7F5];
	s22 =	sand.u32 $0x1FFFFFF0, s11  }
0x164: {  	(v2sf) =	vpush v9, $0xA;
	[tilespmem:s28], [sflag:$0x6] =	stream.linear.gather [hbm4b:s19+s29], $0x80, $0x38;
	[tilespmem:$0x16A00] =	vst v63  }
0x165: {  	s23 =	spop (v2sf);
	s19 =	sadd.s32 s4, s8;
	s28 =	rddreg [dreg:$0x1e]  }
0x166: {  	[tilespmem:s18], [sflag:$0x2] =	stream.linear.gather [hbm4b:s5+s29], $0x80, $0x38;
	[tilespmem:$0x16A00] =	vst v63  }
0x167: {  	s8 =	sand.u32 $0x1FFFFFF0, s23;
	s11 =	spop (v2sf);
	s5 =	sadd.s32 s3, s22  }
0x168: {  	(v2sf) =	vpush v10, $0xB;
	[tilespmem:s28], [sflag:$0x6] =	stream.linear.gather [hbm4b:s19+s29], $0x80, $0x38;
	[tilespmem:$0x16A00] =	vst v63  }
0x169: {  	s18 =	rddreg [dreg:$0x1c];
	s22 =	sand.u32 $0x1FFFFFF0, s11;
	s19 =	sadd.s32 s4, s8  }
0x16a: {  	(v2sf) =	vpush v9, $0xB;
	[tilespmem:s18], [sflag:$0x2] =	stream.linear.gather [hbm4b:s5+s29], $0x80, $0x38;
	[tilespmem:$0x16A00] =	vst v63  }
0x16b: {  	s28 =	rddreg [dreg:$0x1a];
	s23 =	spop (v2sf);
	s5 =	sadd.s32 s3, s22  }
0x16c: {  	s8 =	sand.u32 $0x1FFFFFF0, s23;
	s11 =	spop (v2sf);
	s18 =	rddreg [dreg:$0x16]  }
0x16d: {  	(v2sf) =	vpush v10, $0xC;
	[tilespmem:s28], [sflag:$0x6] =	stream.linear.gather [hbm4b:s19+s29], $0x80, $0x38;
	[tilespmem:$0x16A00] =	vst v63  }
0x16e: {  	s22 =	sand.u32 $0x1FFFFFF0, s11;
	s23 =	spop (v2sf);
	s19 =	sadd.s32 s4, s8  }
0x16f: {  	(v2sf) =	vpush v9, $0xC;
	s28 =	rddreg [dreg:$0x14];
	s8 =	sand.u32 $0x1FFFFFF0, s23;
	s11 =	spop (v2sf)  }
0x170: {  	[tilespmem:s18], [sflag:$0x2] =	stream.linear.gather [hbm4b:s5+s29], $0x80, $0x38;
	[tilespmem:$0x16A00] =	vst v63  }
0x171: {  	s5 =	sadd.s32 s3, s22;
	s18 =	rddreg [dreg:$0xa];
	s22 =	sand.u32 $0x1FFFFFF0, s11  }
0x172: {  	[tilespmem:s28], [sflag:$0x6] =	stream.linear.gather [hbm4b:s19+s29], $0x80, $0x38;
	[tilespmem:$0x16A00] =	vst v63  }
0x173: {  	s23 =	spop (v2sf);
	s19 =	sadd.s32 s4, s8;
	s28 =	rddreg [dreg:$0x10]  }
0x174: {  	[tilespmem:s18], [sflag:$0x2] =	stream.linear.gather [hbm4b:s5+s29], $0x80, $0x38;
	[tilespmem:$0x16A00] =	vst v63  }
0x175: {  	s8 =	sadd.s32 s3, s22;
	s11 =	sand.u32 $0x1FFFFFF0, s23;
	s5 =	rddreg [dreg:$0xe]  }
0x176: {  	[tilespmem:s28], [sflag:$0x6] =	stream.linear.gather [hbm4b:s19+s29], $0x80, $0x38;
	[tilespmem:$0x16A00] =	vst v63  }
0x177: {  	s22 =	sadd.s32 s4, s11;
	s18 =	spop (v2sf);
	s19 =	rddreg [dreg:$0xc]  }
0x178: {  	[tilespmem:s19], [sflag:$0x2] =	stream.linear.gather [hbm4b:s8+s29], $0x80, $0x38;
	[tilespmem:$0x16A00] =	vst v63  }
0x179: {  	s23 =	sand.u32 $0x1FFFFFF0, s18;
	s28 =	spop (v2sf);
	s8 =	rddreg [dreg:$0x6]  }
0x17a: {  	(v2sf) =	vpush v10, $0xD;
	[tilespmem:s8], [sflag:$0x6] =	stream.linear.gather [hbm4b:s22+s29], $0x80, $0x38;
	[tilespmem:$0x16A00] =	vst v63  }
.Ltmp1:
0x17b: {  	(v2sf) =	vpush v9, $0xD;
	s18 =	sand.u32 $0x1FFFFFF0, s28;
	s28 =	rddreg [dreg:$0x8];
	(pc) =	sbr.rel @p0 .LBB2_4-.Ltmp1, $4  }
0x17c: {  	(v2sf) =	vpush v10, $0xE;
	s11 =	sadd.s32 s3, s23;
	s19 =	spop (v2sf);
	s22 =	rddreg [dreg:$0x12]  }
0x17d: {  	(v2sf) =	vpush v9, $0xE;
	[tilespmem:s22], [sflag:$0x2] =	stream.linear.gather [hbm4b:s11+s29], $0x80, $0x38;
	[tilespmem:$0x16A00] =	vst v63  }
0x17e: {  	(v2sf) =	vpush v10, $0xF;
	s23 =	sadd.s32 s4, s18;
	s0 =	sand.u32 $0x1FFFFFF0, s19;
	s1 =	spop (v2sf)  }
0x17f: {  	(v2sf) =	vpush v9, $0xF;
	[tilespmem:s28], [sflag:$0x6] =	stream.linear.gather [hbm4b:s23+s29], $0x80, $0x38;
	[tilespmem:$0x16A00] =	vst v63  }
0x180: {  	_ =	sdelay $0x4  }
0x181: {  	s0 =	sadd.s32 s3, s0;
	s1 =	sand.u32 $0x1FFFFFF0, s1  }
0x182: {  	[tilespmem:s9], [sflag:$0x2] =	stream.linear.gather [hbm4b:s0+s29], $0x80, $0x38;
	[tilespmem:$0x16A00] =	vst v63  }
0x183: {  	s26 =	sadd.s32 s4, s1  }
0x184: {  	[tilespmem:s15], [sflag:$0x6] =	stream.linear.gather [hbm4b:s26+s29], $0x80, $0x38;
	[tilespmem:$0x16A00] =	vst v63  }
0x185: {  	s2 =	spop (v2sf)  }
0x186: {  	s28 =	sand.u32 $0x1FFFFFF0, s2;
	s31 =	spop (v2sf)  }
0x187: {  	s1 =	sadd.s32 s3, s28;
	s6 =	sand.u32 $0x1FFFFFF0, s31  }
0x188: {  	s8 =	spop (v2sf);
	s28 =	sadd.s32 $0x5980, s30;
	s30 =	sadd.s32 $0xF980, s30  }
0x189: {  	[tilespmem:s14], [sflag:$0x2] =	stream.linear.gather [hbm4b:s1+s29], $0x80, $0x38;
	[tilespmem:$0x16A00] =	vst v63  }
0x18a: {  	s9 =	sadd.s32 s4, s6;
	s11 =	sand.u32 $0x1FFFFFF0, s8;
	s14 =	spop (v2sf)  }
0x18b: {  	s8 =	simm.s32 $0x1;
	s15 =	sadd.s32 s3, s11;
	s18 =	sand.u32 $0x1FFFFFF0, s14  }
0x18c: {  	s19 =	spop (v2sf);
	s14 =	simm.s32 $0x0;
	s11 =	simm.s32 $0x6  }
0x18d: {  	[tilespmem:s10], [sflag:$0x6] =	stream.linear.gather [hbm4b:s9+s29], $0x80, $0x38;
	[tilespmem:$0x16A00] =	vst v63  }
0x18e: {  	s22 =	sadd.s32 s4, s18;
	s23 =	sand.u32 $0x1FFFFFF0, s19;
	s26 =	spop (v2sf)  }
0x18f: {  	[tilespmem:s7], [sflag:$0x2] =	stream.linear.gather [hbm4b:s15+s29], $0x80, $0x38;
	[tilespmem:$0x16A00] =	vst v63  }
0x190: {  	s9 =	simm.s32 $0x5;
	s10 =	simm.s32 $0x2;
	s18 =	simm.s32 $0x7  }
0x191: {  	[tilespmem:s5], [sflag:$0x6] =	stream.linear.gather [hbm4b:s22+s29], $0x80, $0x38;
	[tilespmem:$0x16A00] =	vst v63  }
0x192: {  	s19 =	simm.s32 $0x4;
	s1 =	sadd.s32 s3, s23;
	s2 =	sand.u32 $0x1FFFFFF0, s26  }
0x193: {  	[tilespmem:s28], [sflag:$0x2] =	stream.linear.gather [hbm4b:s1+s29], $0x80, $0x38;
	[tilespmem:$0x16A00] =	vst v63  }
0x194: {  	s31 =	sadd.s32 s4, s2;
	s15 =	simm.s32 $0x3;
	s22 =	simm.s32 $0x8  }
0x195: {  	[tilespmem:s30], [sflag:$0x6] =	stream.linear.gather [hbm4b:s31+s29], $0x80, $0x38;
	[tilespmem:$0x16A00] =	vst v63  }
.LBB2_6:
0x196: {  	_ =	swait.ge [sflag:s8], $0x2800  }
0x197: {  	s0 =	smul.u32 $0x500, s29;
	[sflag:s8] =	ssyncset.done $0x0  }
0x198: {  	s30 =	sshll.u32 s29, $0x2;
	[sflag:s8] =	ssyncadd.s32 $0xFFFFD800  }
0x199: {  	s31 =	sor.u32 $0x2, s30;
	s0 =	sshra.s32 s0, $0x2;
	_ =	swait.ge [sflag:s9], $0x2800  }
0x19a: {  	s2 =	sshll.u32 s31, $0x7;
	s5 =	sadd.s32 $0x2000, s0;
	[sflag:s9] =	ssyncset.done $0x0  }
0x19b: {  	s1 =	simm.s32 $0x0;
	s26 =	simm.s32 $0x0;
	v9 =	vmov s2;
	v10 =	vmov s5;
	[sflag:s9] =	ssyncadd.s32 $0xFFFFD800  }
.LBB2_7:
0x19c: {  	_ =	sdelay $0x2  }
0x19d: {  	s5 =	sshll.u32 s26, $0x4  }
0x19e: {  	v11 =	vld.idx.msk [tilespmem:v9+s5+$0x0 ss:$0x1], $0xffff;
	_ =	sdelay $0x1  }
0x19f: {  	v13 =	vld.idx.msk [tilespmem:v9+s5+$0x1000 ss:$0x1], $0xffff;
	_ =	sdelay $0x2  }
0x1a0: {  	v12 =	vshll.u32 v11, $0x4  }
0x1a1: {  	(v2sf) =	vpush v12, $0x0  }
0x1a2: {  	v11 =	vshll.u32 v13, $0x4  }
0x1a3: {  	(v2sf) =	vpush v11, $0x0;
	_ =	sdelay $0x2  }
0x1a4: {  	(v2sf) =	vpush v12, $0x1;
	_ =	sdelay $0x2  }
0x1a5: {  	(v2sf) =	vpush v11, $0x1;
	_ =	sdelay $0x6  }
0x1a6: {  	s2 =	spop (v2sf);
	(v2sf) =	vpush v12, $0x2;
	_ =	sdelay $0x1  }
0x1a7: {  	s6 =	sshll.u32 s26, $0xB;
	s2 =	sand.u32 $0x1FFFFFF0, s2;
	s23 =	spop (v2sf);
	(v2sf) =	vpush v11, $0x2  }
0x1a8: {  	s7 =	sadd.s32 $0x7A00, s6;
	s2 =	sadd.s32 s3, s2  }
0x1a9: {  	[tilespmem:s7], [sflag:$0x3] =	stream.linear.gather [hbm4b:s2+s1], $0x80, $0x38;
	[tilespmem:$0x16A00] =	vst v63  }
0x1aa: {  	s2 =	sand.u32 $0x1FFFFFF0, s23;
	s23 =	spop (v2sf);
	(v2sf) =	vpush v12, $0x3  }
0x1ab: {  	s28 =	sadd.s32 $0x11A00, s6;
	s2 =	sadd.s32 s4, s2  }
0x1ac: {  	[tilespmem:s28], [sflag:$0x7] =	stream.linear.gather [hbm4b:s2+s1], $0x80, $0x38;
	[tilespmem:$0x16A00] =	vst v63  }
0x1ad: {  	s2 =	sand.u32 $0x1FFFFFF0, s23;
	s23 =	spop (v2sf);
	(v2sf) =	vpush v11, $0x3;
	_ =	sdelay $0x3  }
0x1ae: {  	s28 =	sadd.s32 $0x7A80, s6;
	s2 =	sadd.s32 s3, s2  }
0x1af: {  	[tilespmem:s28], [sflag:$0x3] =	stream.linear.gather [hbm4b:s2+s1], $0x80, $0x38;
	[tilespmem:$0x16A00] =	vst v63  }
0x1b0: {  	s2 =	sand.u32 $0x1FFFFFF0, s23  }
0x1b1: {  	s28 =	sadd.s32 $0x11A80, s6;
	s2 =	sadd.s32 s4, s2;
	s23 =	spop (v2sf);
	(v2sf) =	vpush v12, $0x4  }
0x1b2: {  	[tilespmem:s28], [sflag:$0x7] =	stream.linear.gather [hbm4b:s2+s1], $0x80, $0x38;
	[tilespmem:$0x16A00] =	vst v63  }
0x1b3: {  	s2 =	sand.u32 $0x1FFFFFF0, s23;
	s23 =	spop (v2sf);
	(v2sf) =	vpush v11, $0x4  }
0x1b4: {  	s28 =	sadd.s32 $0x7B00, s6;
	s2 =	sadd.s32 s3, s2  }
0x1b5: {  	[tilespmem:s28], [sflag:$0x3] =	stream.linear.gather [hbm4b:s2+s1], $0x80, $0x38;
	[tilespmem:$0x16A00] =	vst v63  }
0x1b6: {  	s2 =	sand.u32 $0x1FFFFFF0, s23;
	s23 =	spop (v2sf);
	(v2sf) =	vpush v12, $0x5  }
0x1b7: {  	s28 =	sadd.s32 $0x11B00, s6;
	s2 =	sadd.s32 s4, s2  }
0x1b8: {  	[tilespmem:s28], [sflag:$0x7] =	stream.linear.gather [hbm4b:s2+s1], $0x80, $0x38;
	[tilespmem:$0x16A00] =	vst v63  }
0x1b9: {  	s2 =	sand.u32 $0x1FFFFFF0, s23;
	s23 =	spop (v2sf);
	(v2sf) =	vpush v11, $0x5;
	_ =	sdelay $0x3  }
0x1ba: {  	s28 =	sadd.s32 $0x7B80, s6;
	s2 =	sadd.s32 s3, s2  }
0x1bb: {  	[tilespmem:s28], [sflag:$0x3] =	stream.linear.gather [hbm4b:s2+s1], $0x80, $0x38;
	[tilespmem:$0x16A00] =	vst v63  }
0x1bc: {  	s2 =	sand.u32 $0x1FFFFFF0, s23  }
0x1bd: {  	s28 =	sadd.s32 $0x11B80, s6;
	s2 =	sadd.s32 s4, s2;
	s23 =	spop (v2sf);
	(v2sf) =	vpush v12, $0x6  }
0x1be: {  	[tilespmem:s28], [sflag:$0x7] =	stream.linear.gather [hbm4b:s2+s1], $0x80, $0x38;
	[tilespmem:$0x16A00] =	vst v63  }
0x1bf: {  	s2 =	sand.u32 $0x1FFFFFF0, s23;
	s23 =	spop (v2sf);
	(v2sf) =	vpush v11, $0x6  }
0x1c0: {  	s28 =	sadd.s32 $0x7C00, s6;
	s2 =	sadd.s32 s3, s2  }
0x1c1: {  	[tilespmem:s28], [sflag:$0x3] =	stream.linear.gather [hbm4b:s2+s1], $0x80, $0x38;
	[tilespmem:$0x16A00] =	vst v63  }
0x1c2: {  	s2 =	sand.u32 $0x1FFFFFF0, s23;
	s23 =	spop (v2sf);
	(v2sf) =	vpush v12, $0x7  }
0x1c3: {  	s28 =	sadd.s32 $0x11C00, s6;
	s2 =	sadd.s32 s4, s2  }
0x1c4: {  	[tilespmem:s28], [sflag:$0x7] =	stream.linear.gather [hbm4b:s2+s1], $0x80, $0x38;
	[tilespmem:$0x16A00] =	vst v63  }
0x1c5: {  	s2 =	sand.u32 $0x1FFFFFF0, s23;
	s23 =	spop (v2sf);
	(v2sf) =	vpush v11, $0x7;
	_ =	sdelay $0x3  }
0x1c6: {  	s28 =	sadd.s32 $0x7C80, s6;
	s2 =	sadd.s32 s3, s2  }
0x1c7: {  	[tilespmem:s28], [sflag:$0x3] =	stream.linear.gather [hbm4b:s2+s1], $0x80, $0x38;
	[tilespmem:$0x16A00] =	vst v63  }
0x1c8: {  	s2 =	sand.u32 $0x1FFFFFF0, s23  }
0x1c9: {  	s28 =	sadd.s32 $0x11C80, s6;
	s2 =	sadd.s32 s4, s2;
	s23 =	spop (v2sf);
	(v2sf) =	vpush v12, $0x8  }
0x1ca: {  	[tilespmem:s28], [sflag:$0x7] =	stream.linear.gather [hbm4b:s2+s1], $0x80, $0x38;
	[tilespmem:$0x16A00] =	vst v63  }
0x1cb: {  	s2 =	sand.u32 $0x1FFFFFF0, s23;
	s23 =	spop (v2sf);
	(v2sf) =	vpush v11, $0x8  }
0x1cc: {  	s28 =	sadd.s32 $0x7D00, s6;
	s2 =	sadd.s32 s3, s2  }
0x1cd: {  	[tilespmem:s28], [sflag:$0x3] =	stream.linear.gather [hbm4b:s2+s1], $0x80, $0x38;
	[tilespmem:$0x16A00] =	vst v63  }
0x1ce: {  	s2 =	sand.u32 $0x1FFFFFF0, s23;
	s23 =	spop (v2sf);
	(v2sf) =	vpush v12, $0x9  }
0x1cf: {  	s28 =	sadd.s32 $0x11D00, s6;
	s2 =	sadd.s32 s4, s2  }
0x1d0: {  	[tilespmem:s28], [sflag:$0x7] =	stream.linear.gather [hbm4b:s2+s1], $0x80, $0x38;
	[tilespmem:$0x16A00] =	vst v63  }
0x1d1: {  	s2 =	sand.u32 $0x1FFFFFF0, s23;
	s23 =	spop (v2sf);
	(v2sf) =	vpush v11, $0x9;
	_ =	sdelay $0x3  }
0x1d2: {  	s28 =	sadd.s32 $0x7D80, s6;
	s2 =	sadd.s32 s3, s2  }
0x1d3: {  	[tilespmem:s28], [sflag:$0x3] =	stream.linear.gather [hbm4b:s2+s1], $0x80, $0x38;
	[tilespmem:$0x16A00] =	vst v63  }
0x1d4: {  	s2 =	sand.u32 $0x1FFFFFF0, s23  }
0x1d5: {  	s28 =	sadd.s32 $0x11D80, s6;
	s2 =	sadd.s32 s4, s2;
	s23 =	spop (v2sf);
	(v2sf) =	vpush v12, $0xA  }
0x1d6: {  	[tilespmem:s28], [sflag:$0x7] =	stream.linear.gather [hbm4b:s2+s1], $0x80, $0x38;
	[tilespmem:$0x16A00] =	vst v63  }
0x1d7: {  	s2 =	sand.u32 $0x1FFFFFF0, s23;
	s23 =	spop (v2sf);
	(v2sf) =	vpush v11, $0xA  }
0x1d8: {  	s28 =	sadd.s32 $0x7E00, s6;
	s2 =	sadd.s32 s3, s2  }
0x1d9: {  	[tilespmem:s28], [sflag:$0x3] =	stream.linear.gather [hbm4b:s2+s1], $0x80, $0x38;
	[tilespmem:$0x16A00] =	vst v63  }
0x1da: {  	s2 =	sand.u32 $0x1FFFFFF0, s23;
	s23 =	spop (v2sf);
	(v2sf) =	vpush v12, $0xB  }
0x1db: {  	s28 =	sadd.s32 $0x11E00, s6;
	s2 =	sadd.s32 s4, s2  }
0x1dc: {  	[tilespmem:s28], [sflag:$0x7] =	stream.linear.gather [hbm4b:s2+s1], $0x80, $0x38;
	[tilespmem:$0x16A00] =	vst v63  }
0x1dd: {  	s2 =	sand.u32 $0x1FFFFFF0, s23;
	s23 =	spop (v2sf);
	(v2sf) =	vpush v11, $0xB;
	_ =	sdelay $0x3  }
0x1de: {  	s28 =	sadd.s32 $0x7E80, s6;
	s2 =	sadd.s32 s3, s2  }
0x1df: {  	[tilespmem:s28], [sflag:$0x3] =	stream.linear.gather [hbm4b:s2+s1], $0x80, $0x38;
	[tilespmem:$0x16A00] =	vst v63  }
0x1e0: {  	s2 =	sand.u32 $0x1FFFFFF0, s23  }
0x1e1: {  	s28 =	sadd.s32 $0x11E80, s6;
	s2 =	sadd.s32 s4, s2;
	s23 =	spop (v2sf);
	(v2sf) =	vpush v12, $0xC  }
0x1e2: {  	[tilespmem:s28], [sflag:$0x7] =	stream.linear.gather [hbm4b:s2+s1], $0x80, $0x38;
	[tilespmem:$0x16A00] =	vst v63  }
0x1e3: {  	s2 =	sand.u32 $0x1FFFFFF0, s23;
	s23 =	spop (v2sf);
	(v2sf) =	vpush v11, $0xC  }
0x1e4: {  	s28 =	sadd.s32 $0x7F00, s6;
	s2 =	sadd.s32 s3, s2  }
0x1e5: {  	[tilespmem:s28], [sflag:$0x3] =	stream.linear.gather [hbm4b:s2+s1], $0x80, $0x38;
	[tilespmem:$0x16A00] =	vst v63  }
0x1e6: {  	s2 =	sand.u32 $0x1FFFFFF0, s23;
	s23 =	spop (v2sf);
	(v2sf) =	vpush v12, $0xD  }
0x1e7: {  	s28 =	sadd.s32 $0x11F00, s6;
	s2 =	sadd.s32 s4, s2  }
0x1e8: {  	[tilespmem:s28], [sflag:$0x7] =	stream.linear.gather [hbm4b:s2+s1], $0x80, $0x38;
	[tilespmem:$0x16A00] =	vst v63  }
0x1e9: {  	s2 =	sand.u32 $0x1FFFFFF0, s23;
	s23 =	spop (v2sf);
	(v2sf) =	vpush v11, $0xD;
	_ =	sdelay $0x3  }
0x1ea: {  	s28 =	sadd.s32 $0x7F80, s6;
	s2 =	sadd.s32 s3, s2  }
0x1eb: {  	[tilespmem:s28], [sflag:$0x3] =	stream.linear.gather [hbm4b:s2+s1], $0x80, $0x38;
	[tilespmem:$0x16A00] =	vst v63  }
0x1ec: {  	s2 =	sand.u32 $0x1FFFFFF0, s23  }
0x1ed: {  	s28 =	sadd.s32 $0x11F80, s6;
	s2 =	sadd.s32 s4, s2;
	s23 =	spop (v2sf);
	(v2sf) =	vpush v12, $0xE  }
0x1ee: {  	[tilespmem:s28], [sflag:$0x7] =	stream.linear.gather [hbm4b:s2+s1], $0x80, $0x38;
	[tilespmem:$0x16A00] =	vst v63  }
0x1ef: {  	s2 =	sand.u32 $0x1FFFFFF0, s23;
	s23 =	spop (v2sf);
	(v2sf) =	vpush v11, $0xE  }
0x1f0: {  	s28 =	sadd.s32 $0x8000, s6;
	s2 =	sadd.s32 s3, s2  }
0x1f1: {  	[tilespmem:s28], [sflag:$0x3] =	stream.linear.gather [hbm4b:s2+s1], $0x80, $0x38;
	[tilespmem:$0x16A00] =	vst v63  }
0x1f2: {  	s2 =	sand.u32 $0x1FFFFFF0, s23;
	s23 =	spop (v2sf);
	(v2sf) =	vpush v12, $0xF  }
0x1f3: {  	s28 =	sadd.s32 $0x12000, s6;
	s2 =	sadd.s32 s4, s2  }
0x1f4: {  	[tilespmem:s28], [sflag:$0x7] =	stream.linear.gather [hbm4b:s2+s1], $0x80, $0x38;
	[tilespmem:$0x16A00] =	vst v63  }
0x1f5: {  	s2 =	sand.u32 $0x1FFFFFF0, s23;
	s23 =	spop (v2sf);
	(v2sf) =	vpush v11, $0xF;
	_ =	sdelay $0x1  }
0x1f6: {  	s28 =	sadd.s32 $0x8080, s6;
	s2 =	sadd.s32 s3, s2  }
0x1f7: {  	[tilespmem:s28], [sflag:$0x3] =	stream.linear.gather [hbm4b:s2+s1], $0x80, $0x38;
	[tilespmem:$0x16A00] =	vst v63  }
0x1f8: {  	s2 =	sand.u32 $0x1FFFFFF0, s23  }
0x1f9: {  	s28 =	sadd.s32 $0x12080, s6;
	s2 =	sadd.s32 s4, s2  }
0x1fa: {  	[tilespmem:s28], [sflag:$0x7] =	stream.linear.gather [hbm4b:s2+s1], $0x80, $0x38;
	[tilespmem:$0x16A00] =	vst v63  }
0x1fb: {  	s23 =	spop (v2sf)  }
0x1fc: {  	s2 =	sand.u32 $0x1FFFFFF0, s23  }
0x1fd: {  	s28 =	sadd.s32 $0x8100, s6;
	s23 =	spop (v2sf);
	s2 =	sadd.s32 s3, s2  }
0x1fe: {  	[tilespmem:s28], [sflag:$0x3] =	stream.linear.gather [hbm4b:s2+s1], $0x80, $0x38;
	[tilespmem:$0x16A00] =	vst v63  }
0x1ff: {  	s2 =	sand.u32 $0x1FFFFFF0, s23  }
0x200: {  	v11 =	vmov s5;
	s28 =	sadd.s32 $0x12100, s6;
	s23 =	spop (v2sf);
	s2 =	sadd.s32 s4, s2  }
0x201: {  	v12 =	vadd.s32 s1, v8;
	v11 =	vshll.u32 v11, $0x7;
	[tilespmem:s28], [sflag:$0x7] =	stream.linear.gather [hbm4b:s2+s1], $0x80, $0x38;
	[tilespmem:$0x16A00] =	vst v63  }
0x202: {  	v12 =	vand.u32 $0x3F, v12;
	v11 =	vor.u32 v1, v11;
	s2 =	sand.u32 $0x1FFFFFF0, s23  }
0x203: {  	v13 =	vadd.s32 s1, v7;
	v12 =	vor.u32 v11, v12;
	s28 =	sadd.s32 $0x8180, s6;
	s23 =	spop (v2sf);
	s2 =	sadd.s32 s3, s2  }
0x204: {  	v13 =	vand.u32 $0x3F, v13;
	[tilespmem:s28], [sflag:$0x3] =	stream.linear.gather [hbm4b:s2+s1], $0x80, $0x38;
	[tilespmem:$0x16A00] =	vst v63  }
0x205: {  	v14 =	vadd.s32 s1, v6;
	v13 =	vor.u32 v11, v13;
	s2 =	sand.u32 $0x1FFFFFF0, s23  }
0x206: {  	v14 =	vand.u32 $0x3F, v14;
	s6 =	sadd.s32 $0x12180, s6;
	s2 =	sadd.s32 s4, s2  }
0x207: {  	v15 =	vadd.s32 s1, v5;
	v14 =	vor.u32 v11, v14;
	[tilespmem:s6], [sflag:$0x7] =	stream.linear.gather [hbm4b:s2+s1], $0x80, $0x38;
	[tilespmem:$0x16A00] =	vst v63  }
0x208: {  	v15 =	vand.u32 $0x3F, v15;
	v16 =	vld.idx.msk [tilespmem:v12+s12+$0x0], $0xffff  }
0x209: {  	v17 =	vadd.s32 s1, v4;
	v15 =	vor.u32 v11, v15;
	v12 =	vld.idx.msk [tilespmem:v12+s13+$0x0], $0xffff  }
0x20a: {  	v17 =	vand.u32 $0x3F, v17;
	v18 =	vld.idx.msk [tilespmem:v13+s12+$0x0], $0xffff  }
0x20b: {  	v19 =	vadd.s32 s1, v3;
	v17 =	vor.u32 v11, v17;
	v13 =	vld.idx.msk [tilespmem:v13+s13+$0x0], $0xffff  }
0x20c: {  	v19 =	vand.u32 $0x3F, v19;
	v20 =	vld.idx.msk [tilespmem:v14+s12+$0x0], $0xffff  }
0x20d: {  	v21 =	vadd.s32 s1, v0;
	v19 =	vor.u32 v11, v19;
	v14 =	vld.idx.msk [tilespmem:v14+s13+$0x0], $0xffff  }
0x20e: {  	v21 =	vand.u32 $0x3F, v21;
	v23 =	vld.idx.msk [tilespmem:v15+s12+$0x0], $0xffff  }
0x20f: {  	v22 =	vadd.s32 s1, v2;
	v21 =	vor.u32 v11, v21;
	v24 =	vld.idx.msk [tilespmem:v15+s13+$0x0], $0xffff  }
0x210: {  	s28 =	simm.s32 $0x8;
	v15 =	vand.u32 $0x3F, v22;
	v26 =	vld.idx.msk [tilespmem:v17+s12+$0x0], $0xffff  }
0x211: {  	v22 =	vadd.s32 s28, v8;
	v28 =	vld.idx.msk [tilespmem:v17+s13+$0x0], $0xffff;
	v15 =	vor.u32 v11, v15  }
0x212: {  	v27 =	vld.idx.msk [tilespmem:v19+s12+$0x0], $0xffff;
	v17 =	vand.u32 $0x3F, v22  }
0x213: {  	v25 =	vadd.s32 s28, v6;
	v19 =	vld.idx.msk [tilespmem:v19+s13+$0x0], $0xffff;
	v22 =	vadd.s32 s28, v7;
	v17 =	vor.u32 v11, v17  }
0x214: {  	v25 =	vand.u32 $0x3F, v25;
	v29 =	vld.idx.msk [tilespmem:v21+s12+$0x0], $0xffff;
	v22 =	vand.u32 $0x3F, v22  }
0x215: {  	v21 =	vld.idx.msk [tilespmem:v21+s13+$0x0], $0xffff;
	v33 =	vor.u32 v11, v25;
	v30 =	vor.u32 v11, v22;
	v22 =	vadd.s32 s28, v5  }
0x216: {  	v22 =	vand.u32 $0x3F, v22;
	v32 =	vld.idx.msk [tilespmem:v15+s12+$0x0], $0xffff  }
0x217: {  	v31 =	vimm.f32 $0.0e+00;
	v35 =	vor.u32 v11, v22;
	v34 =	vld.idx.msk [tilespmem:v15+s13+$0x0], $0xffff  }
0x218: {  	v36 =	vmul.f32 v13, v18;
	v18 =	vadd.s32 s28, v3;
	v15 =	vmul.f32 v12, v16;
	v12 =	vld.idx.msk [tilespmem:v17+s12+$0x0], $0xffff  }
0x219: {  	v22 =	vmul.f32 v14, v20;
	v20 =	vmul.f32 v24, v23;
	v16 =	vadd.s32 s28, v4;
	v13 =	vld.idx.msk [tilespmem:v17+s13+$0x0], $0xffff  }
0x21a: {  	v21 =	vmul.f32 v21, v29;
	v16 =	vand.u32 $0x3F, v16;
	v17 =	vand.u32 $0x3F, v18;
	v18 =	vld.idx.msk [tilespmem:v33+s13+$0x0], $0xffff  }
0x21b: {  	v19 =	vmul.f32 v19, v27;
	v23 =	vadd.s32 s28, v0;
	v25 =	vor.u32 v11, v16;
	v14 =	vld.idx.msk [tilespmem:v30+s12+$0x0], $0xffff  }
0x21c: {  	v27 =	vadd.s32 s28, v2;
	v62 =	vadd.f32 v21, v31;
	v24 =	vor.u32 v11, v17;
	v17 =	vld.idx.msk [tilespmem:v30+s13+$0x0], $0xffff  }
0x21d: {  	v63 =	vadd.f32 v19, v31;
	v16 =	vld.idx.msk [tilespmem:v33+s12+$0x0], $0xffff;
	v30 =	vmul.f32 v28, v26;
	v32 =	vmul.f32 v34, v32  }
0x21e: {  	v19 =	vand.u32 $0x3F, v23;
	v29 =	vadd.f32 v20, v31;
	v28 =	vadd.f32 v36, v31;
	v21 =	vld.idx.msk [tilespmem:v35+s12+$0x0], $0xffff  }
0x21f: {  	s2 =	simm.s32 $0x10;
	v26 =	vor.u32 v11, v19;
	v23 =	vld.idx.msk [tilespmem:v35+s13+$0x0], $0xffff;
	v20 =	vadd.f32 v30, v63;
	v19 =	vadd.f32 v32, v62  }
.LBB2_8:
0x220: {  	p0 =	sne.s32 s2, $0x38;
	v27 =	vand.u32 $0x3F, v27;
	v30 =	vld.idx.msk [tilespmem:v25+s12+$0x0], $0xffff;
	v29 =	vadd.f32 v22, v29;
	v28 =	vadd.f32 v15, v28  }
0x221: {  	v15 =	vadd.s32 s2, v8;
	v22 =	vor.u32 v11, v27;
	v31 =	vld.idx.msk [tilespmem:v25+s13+$0x0], $0xffff  }
0x222: {  	v15 =	vand.u32 $0x3F, v15;
	v27 =	vld.idx.msk [tilespmem:v24+s12+$0x0], $0xffff  }
0x223: {  	v25 =	vadd.s32 s2, v7;
	v32 =	vor.u32 v11, v15;
	v33 =	vld.idx.msk [tilespmem:v24+s13+$0x0], $0xffff  }
0x224: {  	v15 =	vand.u32 $0x3F, v25;
	v34 =	vld.idx.msk [tilespmem:v26+s12+$0x0], $0xffff  }
0x225: {  	v24 =	vadd.s32 s2, v6;
	v35 =	vor.u32 v11, v15;
	v26 =	vld.idx.msk [tilespmem:v26+s13+$0x0], $0xffff  }
0x226: {  	v15 =	vadd.s32 s2, v5;
	v24 =	vand.u32 $0x3F, v24;
	v36 =	vld.idx.msk [tilespmem:v22+s12+$0x0], $0xffff  }
0x227: {  	v25 =	vand.u32 $0x3F, v15;
	v15 =	vmul.f32 v13, v12;
	v37 =	vor.u32 v11, v24;
	v38 =	vld.idx.msk [tilespmem:v22+s13+$0x0], $0xffff  }
0x228: {  	v40 =	vmul.f32 v17, v14;
	v13 =	vadd.s32 s2, v4;
	v39 =	vor.u32 v11, v25;
	v12 =	vld.idx.msk [tilespmem:v32+s12+$0x0], $0xffff  }
0x229: {  	v14 =	vadd.s32 s2, v3;
	v17 =	vand.u32 $0x3F, v13;
	v22 =	vmul.f32 v18, v16;
	v13 =	vld.idx.msk [tilespmem:v32+s13+$0x0], $0xffff  }
0x22a: {  	v23 =	vmul.f32 v23, v21;
	v25 =	vor.u32 v11, v17;
	v16 =	vand.u32 $0x3F, v14;
	v14 =	vld.idx.msk [tilespmem:v35+s12+$0x0], $0xffff  }
.Ltmp2:
0x22b: {  	v24 =	vor.u32 v11, v16;
	v21 =	vmul.f32 v26, v34;
	v26 =	vmul.f32 v33, v27;
	v17 =	vld.idx.msk [tilespmem:v35+s13+$0x0], $0xffff;
	(pc) =	sbr.rel @p0 .LBB2_8-.Ltmp2, $4  }
0x22c: {  	v30 =	vmul.f32 v31, v30;
	v32 =	vadd.s32 s2, v0;
	v27 =	vadd.s32 s2, v2;
	v16 =	vld.idx.msk [tilespmem:v37+s12+$0x0], $0xffff  }
0x22d: {  	v31 =	vmul.f32 v38, v36;
	v19 =	vadd.f32 v21, v19;
	v20 =	vadd.f32 v26, v20;
	v18 =	vld.idx.msk [tilespmem:v37+s13+$0x0], $0xffff  }
0x22e: {  	v28 =	vadd.f32 v40, v28;
	v29 =	vadd.f32 v23, v29;
	v26 =	vand.u32 $0x3F, v32;
	v21 =	vld.idx.msk [tilespmem:v39+s12+$0x0], $0xffff  }
0x22f: {  	s2 =	sadd.s32 $0x8, s2;
	v26 =	vor.u32 v11, v26;
	v19 =	vadd.f32 v31, v19;
	v20 =	vadd.f32 v30, v20;
	v23 =	vld.idx.msk [tilespmem:v39+s13+$0x0], $0xffff  }
0x230: {  	_ =	sdelay $0x3  }
0x231: {  	v27 =	vand.u32 $0x3F, v27;
	v30 =	vld.idx.msk [tilespmem:v25+s12+$0x0], $0xffff  }
0x232: {  	v53 =	vld.idx.msk [tilespmem:v25+s13+$0x0], $0xffff;
	v11 =	vor.u32 v11, v27  }
0x233: {  	v54 =	vld.idx.msk [tilespmem:v24+s12+$0x0], $0xffff  }
0x234: {  	v55 =	vld.idx.msk [tilespmem:v24+s13+$0x0], $0xffff  }
0x235: {  	v31 =	vld.idx.msk [tilespmem:v26+s12+$0x0], $0xffff  }
0x236: {  	v56 =	vld.idx.msk [tilespmem:v26+s13+$0x0], $0xffff  }
0x237: {  	v32 =	vld.idx.msk [tilespmem:v11+s12+$0x0], $0xffff  }
0x238: {  	v11 =	vld.idx.msk [tilespmem:v11+s13+$0x0], $0xffff  }
0x239: {  	v12 =	vmul.f32 v13, v12;
	v57 =	vmul.f32 v17, v14;
	v58 =	vadd.f32 v22, v29  }
0x23a: {  	v15 =	vadd.f32 v15, v28;
	v16 =	vmul.f32 v18, v16;
	v21 =	vmul.f32 v23, v21  }
0x23b: {  	v59 =	vmul.f32 v56, v31;
	v60 =	vmul.f32 v55, v54  }
0x23c: {  	v13 =	vadd.f32 v57, v15;
	v61 =	vmul.f32 v53, v30;
	v14 =	vadd.f32 v21, v58  }
0x23d: {  	v17 =	vadd.f32 v59, v19;
	v62 =	vadd.f32 v60, v20;
	v11 =	vmul.f32 v11, v32  }
0x23e: {  	v12 =	vadd.f32 v12, v13;
	v14 =	vadd.f32 v16, v14  }
0x23f: {  	s26 =	sadd.s32 $0x1, s26;
	v63 =	vadd.f32 v61, v62;
	v11 =	vadd.f32 v11, v17  }
0x240: {  	p0 =	sne.s32 s26, $0x5  }
.Ltmp3:
0x241: {  	v12 =	vadd.f32 v12, v14;
	v11 =	vadd.f32 v63, v11;
	(pc) =	sbr.rel @p0 .LBB2_7-.Ltmp3, $3  }
0x242: {  	_ = 	snop  }
0x243: {  	v11 =	vadd.f32 v12, v11;
	_ =	sdelay $0x1  }
0x244: {  	[tilespmem:v10+s5+$0x0 ss:$0x1] =	vst.idx.msk $0xffff, v11  }
0x245: {  	_ =	swait.ge [sflag:s10], $0x2800  }
0x246: {  	[sflag:s10] =	ssyncset.done $0x0  }
0x247: {  	[sflag:s10] =	ssyncadd.s32 $0xFFFFD800  }
0x248: {  	s30 =	sor.u32 $0x3, s30;
	_ =	swait.ge [sflag:s11], $0x2800  }
0x249: {  	s2 =	sadd.s32 $0x2050, s0;
	s1 =	sshll.u32 s30, $0x7;
	[sflag:s11] =	ssyncset.done $0x0  }
0x24a: {  	s0 =	simm.s32 $0x0;
	v10 =	vmov s2;
	v9 =	vmov s1;
	s1 =	simm.s32 $0x0;
	[sflag:s11] =	ssyncadd.s32 $0xFFFFD800  }
.LBB2_11:
0x24b: {  	_ =	sdelay $0x2  }
0x24c: {  	s5 =	sshll.u32 s1, $0x4  }
0x24d: {  	v11 =	vld.idx.msk [tilespmem:v9+s5+$0x0 ss:$0x1], $0xffff;
	_ =	sdelay $0x1  }
0x24e: {  	v13 =	vld.idx.msk [tilespmem:v9+s5+$0x1000 ss:$0x1], $0xffff;
	_ =	sdelay $0x2  }
0x24f: {  	v12 =	vshll.u32 v11, $0x4  }
0x250: {  	(v2sf) =	vpush v12, $0x0  }
0x251: {  	v11 =	vshll.u32 v13, $0x4  }
0x252: {  	(v2sf) =	vpush v11, $0x0;
	_ =	sdelay $0x2  }
0x253: {  	(v2sf) =	vpush v12, $0x1;
	_ =	sdelay $0x1  }
0x254: {  	(v2sf) =	vpush v11, $0x1;
	_ =	sdelay $0x7  }
0x255: {  	s2 =	spop (v2sf);
	(v2sf) =	vpush v12, $0x2;
	_ =	sdelay $0x1  }
0x256: {  	s6 =	sshll.u32 s1, $0xB;
	s2 =	sand.u32 $0x1FFFFFF0, s2;
	s26 =	spop (v2sf);
	(v2sf) =	vpush v11, $0x2  }
0x257: {  	s7 =	sadd.s32 $0xA200, s6;
	s2 =	sadd.s32 s3, s2  }
0x258: {  	[tilespmem:s7], [sflag:$0x4] =	stream.linear.gather [hbm4b:s2+s0], $0x80, $0x38;
	[tilespmem:$0x16A00] =	vst v63  }
0x259: {  	s7 =	spop (v2sf);
	(v2sf) =	vpush v12, $0x3;
	_ =	sdelay $0x1  }
0x25a: {  	s2 =	sand.u32 $0x1FFFFFF0, s26;
	s26 =	spop (v2sf);
	(v2sf) =	vpush v11, $0x3;
	_ =	sdelay $0x2  }
0x25b: {  	s28 =	sadd.s32 $0x14200, s6;
	s2 =	sadd.s32 s4, s2  }
0x25c: {  	[tilespmem:s28], [sflag:$0x8] =	stream.linear.gather [hbm4b:s2+s0], $0x80, $0x38;
	[tilespmem:$0x16A00] =	vst v63  }
0x25d: {  	s2 =	sand.u32 $0x1FFFFFF0, s7  }
0x25e: {  	s23 =	sadd.s32 $0xA280, s6;
	s2 =	sadd.s32 s3, s2  }
0x25f: {  	[tilespmem:s23], [sflag:$0x4] =	stream.linear.gather [hbm4b:s2+s0], $0x80, $0x38;
	[tilespmem:$0x16A00] =	vst v63  }
0x260: {  	s7 =	spop (v2sf);
	(v2sf) =	vpush v12, $0x4  }
0x261: {  	s2 =	sand.u32 $0x1FFFFFF0, s26  }
0x262: {  	s28 =	sadd.s32 $0x14280, s6;
	s2 =	sadd.s32 s4, s2;
	s26 =	spop (v2sf);
	(v2sf) =	vpush v11, $0x4  }
0x263: {  	[tilespmem:s28], [sflag:$0x8] =	stream.linear.gather [hbm4b:s2+s0], $0x80, $0x38;
	[tilespmem:$0x16A00] =	vst v63  }
0x264: {  	s2 =	sand.u32 $0x1FFFFFF0, s7  }
0x265: {  	s23 =	sadd.s32 $0xA300, s6;
	s2 =	sadd.s32 s3, s2;
	s7 =	spop (v2sf);
	(v2sf) =	vpush v12, $0x5  }
0x266: {  	[tilespmem:s23], [sflag:$0x4] =	stream.linear.gather [hbm4b:s2+s0], $0x80, $0x38;
	[tilespmem:$0x16A00] =	vst v63  }
0x267: {  	s2 =	sand.u32 $0x1FFFFFF0, s26;
	s26 =	spop (v2sf);
	(v2sf) =	vpush v11, $0x5;
	_ =	sdelay $0x2  }
0x268: {  	s28 =	sadd.s32 $0x14300, s6;
	s2 =	sadd.s32 s4, s2  }
0x269: {  	[tilespmem:s28], [sflag:$0x8] =	stream.linear.gather [hbm4b:s2+s0], $0x80, $0x38;
	[tilespmem:$0x16A00] =	vst v63  }
0x26a: {  	s2 =	sand.u32 $0x1FFFFFF0, s7  }
0x26b: {  	s23 =	sadd.s32 $0xA380, s6;
	s2 =	sadd.s32 s3, s2  }
0x26c: {  	[tilespmem:s23], [sflag:$0x4] =	stream.linear.gather [hbm4b:s2+s0], $0x80, $0x38;
	[tilespmem:$0x16A00] =	vst v63  }
0x26d: {  	s7 =	spop (v2sf);
	(v2sf) =	vpush v12, $0x6  }
0x26e: {  	s2 =	sand.u32 $0x1FFFFFF0, s26  }
0x26f: {  	s28 =	sadd.s32 $0x14380, s6;
	s2 =	sadd.s32 s4, s2;
	s26 =	spop (v2sf);
	(v2sf) =	vpush v11, $0x6  }
0x270: {  	[tilespmem:s28], [sflag:$0x8] =	stream.linear.gather [hbm4b:s2+s0], $0x80, $0x38;
	[tilespmem:$0x16A00] =	vst v63  }
0x271: {  	s2 =	sand.u32 $0x1FFFFFF0, s7  }
0x272: {  	s23 =	sadd.s32 $0xA400, s6;
	s2 =	sadd.s32 s3, s2;
	s7 =	spop (v2sf);
	(v2sf) =	vpush v12, $0x7  }
0x273: {  	[tilespmem:s23], [sflag:$0x4] =	stream.linear.gather [hbm4b:s2+s0], $0x80, $0x38;
	[tilespmem:$0x16A00] =	vst v63  }
0x274: {  	s2 =	sand.u32 $0x1FFFFFF0, s26;
	s26 =	spop (v2sf);
	(v2sf) =	vpush v11, $0x7;
	_ =	sdelay $0x2  }
0x275: {  	s28 =	sadd.s32 $0x14400, s6;
	s2 =	sadd.s32 s4, s2  }
0x276: {  	[tilespmem:s28], [sflag:$0x8] =	stream.linear.gather [hbm4b:s2+s0], $0x80, $0x38;
	[tilespmem:$0x16A00] =	vst v63  }
0x277: {  	s2 =	sand.u32 $0x1FFFFFF0, s7  }
0x278: {  	s23 =	sadd.s32 $0xA480, s6;
	s2 =	sadd.s32 s3, s2  }
0x279: {  	[tilespmem:s23], [sflag:$0x4] =	stream.linear.gather [hbm4b:s2+s0], $0x80, $0x38;
	[tilespmem:$0x16A00] =	vst v63  }
0x27a: {  	s7 =	spop (v2sf);
	(v2sf) =	vpush v12, $0x8  }
0x27b: {  	s2 =	sand.u32 $0x1FFFFFF0, s26  }
0x27c: {  	s28 =	sadd.s32 $0x14480, s6;
	s2 =	sadd.s32 s4, s2;
	s26 =	spop (v2sf);
	(v2sf) =	vpush v11, $0x8  }
0x27d: {  	[tilespmem:s28], [sflag:$0x8] =	stream.linear.gather [hbm4b:s2+s0], $0x80, $0x38;
	[tilespmem:$0x16A00] =	vst v63  }
0x27e: {  	s2 =	sand.u32 $0x1FFFFFF0, s7  }
0x27f: {  	s23 =	sadd.s32 $0xA500, s6;
	s2 =	sadd.s32 s3, s2;
	s7 =	spop (v2sf);
	(v2sf) =	vpush v12, $0x9  }
0x280: {  	[tilespmem:s23], [sflag:$0x4] =	stream.linear.gather [hbm4b:s2+s0], $0x80, $0x38;
	[tilespmem:$0x16A00] =	vst v63  }
0x281: {  	s2 =	sand.u32 $0x1FFFFFF0, s26;
	s26 =	spop (v2sf);
	(v2sf) =	vpush v11, $0x9;
	_ =	sdelay $0x2  }
0x282: {  	s28 =	sadd.s32 $0x14500, s6;
	s2 =	sadd.s32 s4, s2  }
0x283: {  	[tilespmem:s28], [sflag:$0x8] =	stream.linear.gather [hbm4b:s2+s0], $0x80, $0x38;
	[tilespmem:$0x16A00] =	vst v63  }
0x284: {  	s2 =	sand.u32 $0x1FFFFFF0, s7  }
0x285: {  	s23 =	sadd.s32 $0xA580, s6;
	s2 =	sadd.s32 s3, s2  }
0x286: {  	[tilespmem:s23], [sflag:$0x4] =	stream.linear.gather [hbm4b:s2+s0], $0x80, $0x38;
	[tilespmem:$0x16A00] =	vst v63  }
0x287: {  	s7 =	spop (v2sf);
	(v2sf) =	vpush v12, $0xA  }
0x288: {  	s2 =	sand.u32 $0x1FFFFFF0, s26  }
0x289: {  	s28 =	sadd.s32 $0x14580, s6;
	s2 =	sadd.s32 s4, s2;
	s26 =	spop (v2sf);
	(v2sf) =	vpush v11, $0xA  }
0x28a: {  	[tilespmem:s28], [sflag:$0x8] =	stream.linear.gather [hbm4b:s2+s0], $0x80, $0x38;
	[tilespmem:$0x16A00] =	vst v63  }
0x28b: {  	s2 =	sand.u32 $0x1FFFFFF0, s7  }
0x28c: {  	s23 =	sadd.s32 $0xA600, s6;
	s2 =	sadd.s32 s3, s2;
	s7 =	spop (v2sf);
	(v2sf) =	vpush v12, $0xB  }
0x28d: {  	[tilespmem:s23], [sflag:$0x4] =	stream.linear.gather [hbm4b:s2+s0], $0x80, $0x38;
	[tilespmem:$0x16A00] =	vst v63  }
0x28e: {  	s2 =	sand.u32 $0x1FFFFFF0, s26;
	s26 =	spop (v2sf);
	(v2sf) =	vpush v11, $0xB;
	_ =	sdelay $0x2  }
0x28f: {  	s28 =	sadd.s32 $0x14600, s6;
	s2 =	sadd.s32 s4, s2  }
0x290: {  	[tilespmem:s28], [sflag:$0x8] =	stream.linear.gather [hbm4b:s2+s0], $0x80, $0x38;
	[tilespmem:$0x16A00] =	vst v63  }
0x291: {  	s2 =	sand.u32 $0x1FFFFFF0, s7  }
0x292: {  	s23 =	sadd.s32 $0xA680, s6;
	s2 =	sadd.s32 s3, s2  }
0x293: {  	[tilespmem:s23], [sflag:$0x4] =	stream.linear.gather [hbm4b:s2+s0], $0x80, $0x38;
	[tilespmem:$0x16A00] =	vst v63  }
0x294: {  	s7 =	spop (v2sf);
	(v2sf) =	vpush v12, $0xC  }
0x295: {  	s2 =	sand.u32 $0x1FFFFFF0, s26  }
0x296: {  	s28 =	sadd.s32 $0x14680, s6;
	s2 =	sadd.s32 s4, s2;
	s26 =	spop (v2sf);
	(v2sf) =	vpush v11, $0xC  }
0x297: {  	[tilespmem:s28], [sflag:$0x8] =	stream.linear.gather [hbm4b:s2+s0], $0x80, $0x38;
	[tilespmem:$0x16A00] =	vst v63  }
0x298: {  	s2 =	sand.u32 $0x1FFFFFF0, s7  }
0x299: {  	s23 =	sadd.s32 $0xA700, s6;
	s2 =	sadd.s32 s3, s2;
	s7 =	spop (v2sf);
	(v2sf) =	vpush v12, $0xD  }
0x29a: {  	[tilespmem:s23], [sflag:$0x4] =	stream.linear.gather [hbm4b:s2+s0], $0x80, $0x38;
	[tilespmem:$0x16A00] =	vst v63  }
0x29b: {  	s2 =	sand.u32 $0x1FFFFFF0, s26;
	s26 =	spop (v2sf);
	(v2sf) =	vpush v11, $0xD;
	_ =	sdelay $0x1  }
0x29c: {  	s28 =	sadd.s32 $0x14700, s6;
	s2 =	sadd.s32 s4, s2  }
0x29d: {  	[tilespmem:s28], [sflag:$0x8] =	stream.linear.gather [hbm4b:s2+s0], $0x80, $0x38;
	[tilespmem:$0x16A00] =	vst v63  }
0x29e: {  	s2 =	sand.u32 $0x1FFFFFF0, s7  }
0x29f: {  	s23 =	sadd.s32 $0xA780, s6;
	s2 =	sadd.s32 s3, s2  }
0x2a0: {  	[tilespmem:s23], [sflag:$0x4] =	stream.linear.gather [hbm4b:s2+s0], $0x80, $0x38;
	[tilespmem:$0x16A00] =	vst v63  }
0x2a1: {  	s2 =	sand.u32 $0x1FFFFFF0, s26  }
0x2a2: {  	s28 =	sadd.s32 $0x14780, s6;
	s2 =	sadd.s32 s4, s2;
	s7 =	spop (v2sf);
	(v2sf) =	vpush v12, $0xE  }
0x2a3: {  	[tilespmem:s28], [sflag:$0x8] =	stream.linear.gather [hbm4b:s2+s0], $0x80, $0x38;
	[tilespmem:$0x16A00] =	vst v63  }
0x2a4: {  	s2 =	sand.u32 $0x1FFFFFF0, s7;
	s26 =	spop (v2sf);
	(v2sf) =	vpush v11, $0xE  }
0x2a5: {  	s23 =	sadd.s32 $0xA800, s6;
	s2 =	sadd.s32 s3, s2  }
0x2a6: {  	[tilespmem:s23], [sflag:$0x4] =	stream.linear.gather [hbm4b:s2+s0], $0x80, $0x38;
	[tilespmem:$0x16A00] =	vst v63  }
0x2a7: {  	s7 =	spop (v2sf);
	(v2sf) =	vpush v12, $0xF  }
0x2a8: {  	s2 =	sand.u32 $0x1FFFFFF0, s26  }
0x2a9: {  	s28 =	sadd.s32 $0x14800, s6;
	s2 =	sadd.s32 s4, s2;
	s26 =	spop (v2sf)  }
0x2aa: {  	(v2sf) =	vpush v11, $0xF;
	[tilespmem:s28], [sflag:$0x8] =	stream.linear.gather [hbm4b:s2+s0], $0x80, $0x38;
	[tilespmem:$0x16A00] =	vst v63  }
0x2ab: {  	s2 =	sand.u32 $0x1FFFFFF0, s7  }
0x2ac: {  	s23 =	sadd.s32 $0xA880, s6;
	s2 =	sadd.s32 s3, s2  }
0x2ad: {  	[tilespmem:s23], [sflag:$0x4] =	stream.linear.gather [hbm4b:s2+s0], $0x80, $0x38;
	[tilespmem:$0x16A00] =	vst v63  }
0x2ae: {  	s2 =	sand.u32 $0x1FFFFFF0, s26  }
0x2af: {  	s28 =	sadd.s32 $0x14880, s6;
	s2 =	sadd.s32 s4, s2  }
0x2b0: {  	[tilespmem:s28], [sflag:$0x8] =	stream.linear.gather [hbm4b:s2+s0], $0x80, $0x38;
	[tilespmem:$0x16A00] =	vst v63  }
0x2b1: {  	s7 =	spop (v2sf)  }
0x2b2: {  	s2 =	sand.u32 $0x1FFFFFF0, s7  }
0x2b3: {  	s23 =	sadd.s32 $0xA900, s6;
	s26 =	spop (v2sf);
	s2 =	sadd.s32 s3, s2  }
0x2b4: {  	[tilespmem:s23], [sflag:$0x4] =	stream.linear.gather [hbm4b:s2+s0], $0x80, $0x38;
	[tilespmem:$0x16A00] =	vst v63  }
0x2b5: {  	s2 =	sand.u32 $0x1FFFFFF0, s26  }
0x2b6: {  	v11 =	vmov s5;
	s28 =	sadd.s32 $0x14900, s6;
	s7 =	spop (v2sf);
	s2 =	sadd.s32 s4, s2  }
0x2b7: {  	v12 =	vadd.s32 s0, v8;
	v11 =	vshll.u32 v11, $0x7;
	[tilespmem:s28], [sflag:$0x8] =	stream.linear.gather [hbm4b:s2+s0], $0x80, $0x38;
	[tilespmem:$0x16A00] =	vst v63  }
0x2b8: {  	v12 =	vand.u32 $0x3F, v12;
	v11 =	vor.u32 v1, v11;
	s2 =	sand.u32 $0x1FFFFFF0, s7  }
0x2b9: {  	v13 =	vadd.s32 s0, v7;
	v12 =	vor.u32 v11, v12;
	s23 =	sadd.s32 $0xA980, s6;
	s26 =	spop (v2sf);
	s2 =	sadd.s32 s3, s2  }
0x2ba: {  	v13 =	vand.u32 $0x3F, v13;
	[tilespmem:s23], [sflag:$0x4] =	stream.linear.gather [hbm4b:s2+s0], $0x80, $0x38;
	[tilespmem:$0x16A00] =	vst v63  }
0x2bb: {  	v14 =	vadd.s32 s0, v6;
	v13 =	vor.u32 v11, v13;
	s2 =	sand.u32 $0x1FFFFFF0, s26  }
0x2bc: {  	v14 =	vand.u32 $0x3F, v14;
	s6 =	sadd.s32 $0x14980, s6;
	s2 =	sadd.s32 s4, s2  }
0x2bd: {  	v15 =	vadd.s32 s0, v5;
	v14 =	vor.u32 v11, v14;
	[tilespmem:s6], [sflag:$0x8] =	stream.linear.gather [hbm4b:s2+s0], $0x80, $0x38;
	[tilespmem:$0x16A00] =	vst v63  }
0x2be: {  	v15 =	vand.u32 $0x3F, v15;
	v16 =	vld.idx.msk [tilespmem:v12+s16+$0x0], $0xffff  }
0x2bf: {  	v17 =	vadd.s32 s0, v4;
	v15 =	vor.u32 v11, v15;
	v12 =	vld.idx.msk [tilespmem:v12+s17+$0x0], $0xffff  }
0x2c0: {  	v17 =	vand.u32 $0x3F, v17;
	v18 =	vld.idx.msk [tilespmem:v13+s16+$0x0], $0xffff  }
0x2c1: {  	v19 =	vadd.s32 s0, v3;
	v17 =	vor.u32 v11, v17;
	v13 =	vld.idx.msk [tilespmem:v13+s17+$0x0], $0xffff  }
0x2c2: {  	v19 =	vand.u32 $0x3F, v19;
	v20 =	vld.idx.msk [tilespmem:v14+s16+$0x0], $0xffff  }
0x2c3: {  	v21 =	vadd.s32 s0, v0;
	v19 =	vor.u32 v11, v19;
	v14 =	vld.idx.msk [tilespmem:v14+s17+$0x0], $0xffff  }
0x2c4: {  	v21 =	vand.u32 $0x3F, v21;
	v23 =	vld.idx.msk [tilespmem:v15+s16+$0x0], $0xffff  }
0x2c5: {  	v22 =	vadd.s32 s0, v2;
	v21 =	vor.u32 v11, v21;
	v24 =	vld.idx.msk [tilespmem:v15+s17+$0x0], $0xffff  }
0x2c6: {  	s28 =	simm.s32 $0x8;
	v15 =	vand.u32 $0x3F, v22;
	v26 =	vld.idx.msk [tilespmem:v17+s16+$0x0], $0xffff  }
0x2c7: {  	v22 =	vadd.s32 s28, v8;
	v28 =	vld.idx.msk [tilespmem:v17+s17+$0x0], $0xffff;
	v15 =	vor.u32 v11, v15  }
0x2c8: {  	v27 =	vld.idx.msk [tilespmem:v19+s16+$0x0], $0xffff;
	v17 =	vand.u32 $0x3F, v22  }
0x2c9: {  	v25 =	vadd.s32 s28, v6;
	v19 =	vld.idx.msk [tilespmem:v19+s17+$0x0], $0xffff;
	v22 =	vadd.s32 s28, v7;
	v17 =	vor.u32 v11, v17  }
0x2ca: {  	v25 =	vand.u32 $0x3F, v25;
	v29 =	vld.idx.msk [tilespmem:v21+s16+$0x0], $0xffff;
	v22 =	vand.u32 $0x3F, v22  }
0x2cb: {  	v33 =	vor.u32 v11, v25;
	v21 =	vld.idx.msk [tilespmem:v21+s17+$0x0], $0xffff;
	v30 =	vor.u32 v11, v22;
	v22 =	vadd.s32 s28, v5  }
0x2cc: {  	v22 =	vand.u32 $0x3F, v22;
	v32 =	vld.idx.msk [tilespmem:v15+s16+$0x0], $0xffff  }
0x2cd: {  	v31 =	vimm.f32 $0.0e+00;
	v35 =	vor.u32 v11, v22;
	v34 =	vld.idx.msk [tilespmem:v15+s17+$0x0], $0xffff  }
0x2ce: {  	v36 =	vmul.f32 v13, v18;
	v18 =	vadd.s32 s28, v3;
	v15 =	vmul.f32 v12, v16;
	v12 =	vld.idx.msk [tilespmem:v17+s16+$0x0], $0xffff  }
0x2cf: {  	v22 =	vmul.f32 v14, v20;
	v20 =	vmul.f32 v24, v23;
	v16 =	vadd.s32 s28, v4;
	v13 =	vld.idx.msk [tilespmem:v17+s17+$0x0], $0xffff  }
0x2d0: {  	v21 =	vmul.f32 v21, v29;
	v16 =	vand.u32 $0x3F, v16;
	v17 =	vand.u32 $0x3F, v18;
	v18 =	vld.idx.msk [tilespmem:v33+s17+$0x0], $0xffff  }
0x2d1: {  	v19 =	vmul.f32 v19, v27;
	v23 =	vadd.s32 s28, v0;
	v25 =	vor.u32 v11, v16;
	v14 =	vld.idx.msk [tilespmem:v30+s16+$0x0], $0xffff  }
0x2d2: {  	v27 =	vadd.s32 s28, v2;
	v62 =	vadd.f32 v21, v31;
	v24 =	vor.u32 v11, v17;
	v17 =	vld.idx.msk [tilespmem:v30+s17+$0x0], $0xffff  }
0x2d3: {  	v63 =	vadd.f32 v19, v31;
	v16 =	vld.idx.msk [tilespmem:v33+s16+$0x0], $0xffff;
	v30 =	vmul.f32 v28, v26;
	v32 =	vmul.f32 v34, v32  }
0x2d4: {  	v19 =	vand.u32 $0x3F, v23;
	v29 =	vadd.f32 v20, v31;
	v28 =	vadd.f32 v36, v31;
	v21 =	vld.idx.msk [tilespmem:v35+s16+$0x0], $0xffff  }
0x2d5: {  	s2 =	simm.s32 $0x10;
	v26 =	vor.u32 v11, v19;
	v23 =	vld.idx.msk [tilespmem:v35+s17+$0x0], $0xffff;
	v20 =	vadd.f32 v30, v63;
	v19 =	vadd.f32 v32, v62  }
.LBB2_12:
0x2d6: {  	p0 =	sne.s32 s2, $0x38;
	v27 =	vand.u32 $0x3F, v27;
	v30 =	vld.idx.msk [tilespmem:v25+s16+$0x0], $0xffff;
	v29 =	vadd.f32 v22, v29;
	v28 =	vadd.f32 v15, v28  }
0x2d7: {  	v15 =	vadd.s32 s2, v8;
	v22 =	vor.u32 v11, v27;
	v31 =	vld.idx.msk [tilespmem:v25+s17+$0x0], $0xffff  }
0x2d8: {  	v15 =	vand.u32 $0x3F, v15;
	v27 =	vld.idx.msk [tilespmem:v24+s16+$0x0], $0xffff  }
0x2d9: {  	v25 =	vadd.s32 s2, v7;
	v32 =	vor.u32 v11, v15;
	v33 =	vld.idx.msk [tilespmem:v24+s17+$0x0], $0xffff  }
0x2da: {  	v15 =	vand.u32 $0x3F, v25;
	v34 =	vld.idx.msk [tilespmem:v26+s16+$0x0], $0xffff  }
0x2db: {  	v24 =	vadd.s32 s2, v6;
	v35 =	vor.u32 v11, v15;
	v26 =	vld.idx.msk [tilespmem:v26+s17+$0x0], $0xffff  }
0x2dc: {  	v15 =	vadd.s32 s2, v5;
	v24 =	vand.u32 $0x3F, v24;
	v36 =	vld.idx.msk [tilespmem:v22+s16+$0x0], $0xffff  }
0x2dd: {  	v25 =	vand.u32 $0x3F, v15;
	v15 =	vmul.f32 v13, v12;
	v37 =	vor.u32 v11, v24;
	v38 =	vld.idx.msk [tilespmem:v22+s17+$0x0], $0xffff  }
0x2de: {  	v40 =	vmul.f32 v17, v14;
	v13 =	vadd.s32 s2, v4;
	v39 =	vor.u32 v11, v25;
	v12 =	vld.idx.msk [tilespmem:v32+s16+$0x0], $0xffff  }
0x2df: {  	v14 =	vadd.s32 s2, v3;
	v17 =	vand.u32 $0x3F, v13;
	v22 =	vmul.f32 v18, v16;
	v13 =	vld.idx.msk [tilespmem:v32+s17+$0x0], $0xffff  }
0x2e0: {  	v23 =	vmul.f32 v23, v21;
	v25 =	vor.u32 v11, v17;
	v16 =	vand.u32 $0x3F, v14;
	v14 =	vld.idx.msk [tilespmem:v35+s16+$0x0], $0xffff  }
.Ltmp4:
0x2e1: {  	v24 =	vor.u32 v11, v16;
	v21 =	vmul.f32 v26, v34;
	v26 =	vmul.f32 v33, v27;
	v17 =	vld.idx.msk [tilespmem:v35+s17+$0x0], $0xffff;
	(pc) =	sbr.rel @p0 .LBB2_12-.Ltmp4, $4  }
0x2e2: {  	v30 =	vmul.f32 v31, v30;
	v32 =	vadd.s32 s2, v0;
	v27 =	vadd.s32 s2, v2;
	v16 =	vld.idx.msk [tilespmem:v37+s16+$0x0], $0xffff  }
0x2e3: {  	v31 =	vmul.f32 v38, v36;
	v19 =	vadd.f32 v21, v19;
	v20 =	vadd.f32 v26, v20;
	v18 =	vld.idx.msk [tilespmem:v37+s17+$0x0], $0xffff  }
0x2e4: {  	v28 =	vadd.f32 v40, v28;
	v29 =	vadd.f32 v23, v29;
	v26 =	vand.u32 $0x3F, v32;
	v21 =	vld.idx.msk [tilespmem:v39+s16+$0x0], $0xffff  }
0x2e5: {  	s2 =	sadd.s32 $0x8, s2;
	v26 =	vor.u32 v11, v26;
	v19 =	vadd.f32 v31, v19;
	v20 =	vadd.f32 v30, v20;
	v23 =	vld.idx.msk [tilespmem:v39+s17+$0x0], $0xffff  }
0x2e6: {  	_ =	sdelay $0x3  }
0x2e7: {  	v27 =	vand.u32 $0x3F, v27;
	v30 =	vld.idx.msk [tilespmem:v25+s16+$0x0], $0xffff  }
0x2e8: {  	v53 =	vld.idx.msk [tilespmem:v25+s17+$0x0], $0xffff;
	v11 =	vor.u32 v11, v27  }
0x2e9: {  	v54 =	vld.idx.msk [tilespmem:v24+s16+$0x0], $0xffff  }
0x2ea: {  	v55 =	vld.idx.msk [tilespmem:v24+s17+$0x0], $0xffff  }
0x2eb: {  	v31 =	vld.idx.msk [tilespmem:v26+s16+$0x0], $0xffff  }
0x2ec: {  	v56 =	vld.idx.msk [tilespmem:v26+s17+$0x0], $0xffff  }
0x2ed: {  	v32 =	vld.idx.msk [tilespmem:v11+s16+$0x0], $0xffff  }
0x2ee: {  	v11 =	vld.idx.msk [tilespmem:v11+s17+$0x0], $0xffff  }
0x2ef: {  	v12 =	vmul.f32 v13, v12;
	v57 =	vmul.f32 v17, v14;
	v58 =	vadd.f32 v22, v29  }
0x2f0: {  	v15 =	vadd.f32 v15, v28;
	v16 =	vmul.f32 v18, v16;
	v21 =	vmul.f32 v23, v21  }
0x2f1: {  	v59 =	vmul.f32 v56, v31;
	v60 =	vmul.f32 v55, v54  }
0x2f2: {  	v13 =	vadd.f32 v57, v15;
	v61 =	vmul.f32 v53, v30;
	v14 =	vadd.f32 v21, v58  }
0x2f3: {  	v17 =	vadd.f32 v59, v19;
	v62 =	vadd.f32 v60, v20;
	v11 =	vmul.f32 v11, v32  }
0x2f4: {  	v12 =	vadd.f32 v12, v13;
	v14 =	vadd.f32 v16, v14  }
0x2f5: {  	s1 =	sadd.s32 $0x1, s1;
	v63 =	vadd.f32 v61, v62;
	v11 =	vadd.f32 v11, v17  }
0x2f6: {  	p0 =	sne.s32 s1, $0x5  }
.Ltmp5:
0x2f7: {  	v12 =	vadd.f32 v12, v14;
	v11 =	vadd.f32 v63, v11;
	(pc) =	sbr.rel @p0 .LBB2_11-.Ltmp5, $3  }
0x2f8: {  	_ = 	snop  }
0x2f9: {  	v11 =	vadd.f32 v12, v11;
	_ =	sdelay $0x1  }
0x2fa: {  	[tilespmem:v10+s5+$0x0 ss:$0x1] =	vst.idx.msk $0xffff, v11  }
0x2fb: {  	_ =	swait.ge [sflag:s15], $0x2800  }
0x2fc: {  	s0 =	smul.u32 $0x140, s31;
	[sflag:s15] =	ssyncset.done $0x0  }
0x2fd: {  	[sflag:s15] =	ssyncadd.s32 $0xFFFFD800  }
0x2fe: {  	s31 =	sshll.u32 s29, $0x9;
	s0 =	sshra.s32 s0, $0x2;
	_ =	swait.ge [sflag:s18], $0x2800  }
0x2ff: {  	s1 =	sadd.s32 $0x200, s31;
	s2 =	sadd.s32 $0x2000, s0;
	[sflag:s18] =	ssyncset.done $0x0  }
0x300: {  	p0 =	seq.s32 s29, $0x7;
	v9 =	vmov s1;
	s0 =	simm.s32 $0x0;
	v10 =	vmov s2;
	[sflag:s18] =	ssyncadd.s32 $0xFFFFD800  }
.LBB2_15:
.Ltmp6:
0x301: {  	(pc) =	sbr.rel @p0 .LBB2_17-.Ltmp6, $2  }
0x302: {  	_ =	sdelay $0x2  }
0x303: {  	s1 =	sshll.u32 s0, $0x4  }
0x304: {  	_ =	sdelay $0x3  }
0x305: {  	v11 =	vld.idx.msk [tilespmem:v9+s1+$0x0 ss:$0x1], $0xffff;
	_ =	sdelay $0x1  }
0x306: {  	v13 =	vld.idx.msk [tilespmem:v9+s1+$0x1000 ss:$0x1], $0xffff;
	_ =	sdelay $0x2  }
0x307: {  	v12 =	vshll.u32 v11, $0x4  }
0x308: {  	(v2sf) =	vpush v12, $0x0  }
0x309: {  	v11 =	vshll.u32 v13, $0x4  }
0x30a: {  	(v2sf) =	vpush v11, $0x0;
	_ =	sdelay $0x1  }
0x30b: {  	(v2sf) =	vpush v12, $0x1;
	_ =	sdelay $0x2  }
0x30c: {  	(v2sf) =	vpush v11, $0x1;
	_ =	sdelay $0x7  }
0x30d: {  	s2 =	spop (v2sf);
	(v2sf) =	vpush v12, $0x2;
	_ =	sdelay $0x1  }
0x30e: {  	s7 =	spop (v2sf);
	(v2sf) =	vpush v11, $0x2;
	_ =	sdelay $0x1  }
0x30f: {  	s5 =	sshll.u32 s0, $0xB;
	s2 =	sand.u32 $0x1FFFFFF0, s2;
	s26 =	spop (v2sf);
	(v2sf) =	vpush v12, $0x3  }
0x310: {  	s6 =	sadd.s32 $0x2A00, s5;
	s2 =	sadd.s32 s3, s2  }
0x311: {  	[tilespmem:s6], [sflag:$0x1] =	stream.linear.gather [hbm4b:s2+s14], $0x80, $0x38;
	[tilespmem:$0x16A00] =	vst v63  }
0x312: {  	s2 =	sand.u32 $0x1FFFFFF0, s7;
	s7 =	spop (v2sf);
	(v2sf) =	vpush v11, $0x3;
	_ =	sdelay $0x2  }
0x313: {  	s23 =	sadd.s32 $0xCA00, s5;
	s2 =	sadd.s32 s4, s2  }
0x314: {  	[tilespmem:s23], [sflag:$0x5] =	stream.linear.gather [hbm4b:s2+s14], $0x80, $0x38;
	[tilespmem:$0x16A00] =	vst v63  }
0x315: {  	s2 =	sand.u32 $0x1FFFFFF0, s26  }
0x316: {  	s28 =	sadd.s32 $0x2A80, s5;
	s2 =	sadd.s32 s3, s2  }
0x317: {  	[tilespmem:s28], [sflag:$0x1] =	stream.linear.gather [hbm4b:s2+s14], $0x80, $0x38;
	[tilespmem:$0x16A00] =	vst v63  }
0x318: {  	s26 =	spop (v2sf);
	(v2sf) =	vpush v12, $0x4  }
0x319: {  	s2 =	sand.u32 $0x1FFFFFF0, s7  }
0x31a: {  	s23 =	sadd.s32 $0xCA80, s5;
	s2 =	sadd.s32 s4, s2;
	s7 =	spop (v2sf);
	(v2sf) =	vpush v11, $0x4  }
0x31b: {  	[tilespmem:s23], [sflag:$0x5] =	stream.linear.gather [hbm4b:s2+s14], $0x80, $0x38;
	[tilespmem:$0x16A00] =	vst v63  }
0x31c: {  	s2 =	sand.u32 $0x1FFFFFF0, s26;
	s26 =	spop (v2sf);
	(v2sf) =	vpush v12, $0x5  }
0x31d: {  	s28 =	sadd.s32 $0x2B00, s5;
	s2 =	sadd.s32 s3, s2  }
0x31e: {  	[tilespmem:s28], [sflag:$0x1] =	stream.linear.gather [hbm4b:s2+s14], $0x80, $0x38;
	[tilespmem:$0x16A00] =	vst v63  }
0x31f: {  	s2 =	sand.u32 $0x1FFFFFF0, s7;
	s7 =	spop (v2sf);
	(v2sf) =	vpush v11, $0x5;
	_ =	sdelay $0x2  }
0x320: {  	s23 =	sadd.s32 $0xCB00, s5;
	s2 =	sadd.s32 s4, s2  }
0x321: {  	[tilespmem:s23], [sflag:$0x5] =	stream.linear.gather [hbm4b:s2+s14], $0x80, $0x38;
	[tilespmem:$0x16A00] =	vst v63  }
0x322: {  	s2 =	sand.u32 $0x1FFFFFF0, s26  }
0x323: {  	s28 =	sadd.s32 $0x2B80, s5;
	s2 =	sadd.s32 s3, s2  }
0x324: {  	[tilespmem:s28], [sflag:$0x1] =	stream.linear.gather [hbm4b:s2+s14], $0x80, $0x38;
	[tilespmem:$0x16A00] =	vst v63  }
0x325: {  	s26 =	spop (v2sf);
	(v2sf) =	vpush v12, $0x6  }
0x326: {  	s2 =	sand.u32 $0x1FFFFFF0, s7  }
0x327: {  	s23 =	sadd.s32 $0xCB80, s5;
	s2 =	sadd.s32 s4, s2;
	s7 =	spop (v2sf);
	(v2sf) =	vpush v11, $0x6  }
0x328: {  	[tilespmem:s23], [sflag:$0x5] =	stream.linear.gather [hbm4b:s2+s14], $0x80, $0x38;
	[tilespmem:$0x16A00] =	vst v63  }
0x329: {  	s2 =	sand.u32 $0x1FFFFFF0, s26;
	s26 =	spop (v2sf);
	(v2sf) =	vpush v12, $0x7  }
0x32a: {  	s28 =	sadd.s32 $0x2C00, s5;
	s2 =	sadd.s32 s3, s2  }
0x32b: {  	[tilespmem:s28], [sflag:$0x1] =	stream.linear.gather [hbm4b:s2+s14], $0x80, $0x38;
	[tilespmem:$0x16A00] =	vst v63  }
0x32c: {  	s2 =	sand.u32 $0x1FFFFFF0, s7;
	s7 =	spop (v2sf);
	(v2sf) =	vpush v11, $0x7;
	_ =	sdelay $0x2  }
0x32d: {  	s23 =	sadd.s32 $0xCC00, s5;
	s2 =	sadd.s32 s4, s2  }
0x32e: {  	[tilespmem:s23], [sflag:$0x5] =	stream.linear.gather [hbm4b:s2+s14], $0x80, $0x38;
	[tilespmem:$0x16A00] =	vst v63  }
0x32f: {  	s2 =	sand.u32 $0x1FFFFFF0, s26  }
0x330: {  	s28 =	sadd.s32 $0x2C80, s5;
	s2 =	sadd.s32 s3, s2  }
0x331: {  	[tilespmem:s28], [sflag:$0x1] =	stream.linear.gather [hbm4b:s2+s14], $0x80, $0x38;
	[tilespmem:$0x16A00] =	vst v63  }
0x332: {  	s26 =	spop (v2sf);
	(v2sf) =	vpush v12, $0x8  }
0x333: {  	s2 =	sand.u32 $0x1FFFFFF0, s7  }
0x334: {  	s23 =	sadd.s32 $0xCC80, s5;
	s2 =	sadd.s32 s4, s2;
	s7 =	spop (v2sf);
	(v2sf) =	vpush v11, $0x8  }
0x335: {  	[tilespmem:s23], [sflag:$0x5] =	stream.linear.gather [hbm4b:s2+s14], $0x80, $0x38;
	[tilespmem:$0x16A00] =	vst v63  }
0x336: {  	s2 =	sand.u32 $0x1FFFFFF0, s26;
	s26 =	spop (v2sf);
	(v2sf) =	vpush v12, $0x9  }
0x337: {  	s28 =	sadd.s32 $0x2D00, s5;
	s2 =	sadd.s32 s3, s2  }
0x338: {  	[tilespmem:s28], [sflag:$0x1] =	stream.linear.gather [hbm4b:s2+s14], $0x80, $0x38;
	[tilespmem:$0x16A00] =	vst v63  }
0x339: {  	s2 =	sand.u32 $0x1FFFFFF0, s7;
	s7 =	spop (v2sf);
	(v2sf) =	vpush v11, $0x9;
	_ =	sdelay $0x2  }
0x33a: {  	s23 =	sadd.s32 $0xCD00, s5;
	s2 =	sadd.s32 s4, s2  }
0x33b: {  	[tilespmem:s23], [sflag:$0x5] =	stream.linear.gather [hbm4b:s2+s14], $0x80, $0x38;
	[tilespmem:$0x16A00] =	vst v63  }
0x33c: {  	s2 =	sand.u32 $0x1FFFFFF0, s26  }
0x33d: {  	s28 =	sadd.s32 $0x2D80, s5;
	s2 =	sadd.s32 s3, s2  }
0x33e: {  	[tilespmem:s28], [sflag:$0x1] =	stream.linear.gather [hbm4b:s2+s14], $0x80, $0x38;
	[tilespmem:$0x16A00] =	vst v63  }
0x33f: {  	s26 =	spop (v2sf);
	(v2sf) =	vpush v12, $0xA  }
0x340: {  	s2 =	sand.u32 $0x1FFFFFF0, s7  }
0x341: {  	s23 =	sadd.s32 $0xCD80, s5;
	s2 =	sadd.s32 s4, s2;
	s7 =	spop (v2sf);
	(v2sf) =	vpush v11, $0xA  }
0x342: {  	[tilespmem:s23], [sflag:$0x5] =	stream.linear.gather [hbm4b:s2+s14], $0x80, $0x38;
	[tilespmem:$0x16A00] =	vst v63  }
0x343: {  	s2 =	sand.u32 $0x1FFFFFF0, s26;
	s26 =	spop (v2sf);
	(v2sf) =	vpush v12, $0xB  }
0x344: {  	s28 =	sadd.s32 $0x2E00, s5;
	s2 =	sadd.s32 s3, s2  }
0x345: {  	[tilespmem:s28], [sflag:$0x1] =	stream.linear.gather [hbm4b:s2+s14], $0x80, $0x38;
	[tilespmem:$0x16A00] =	vst v63  }
0x346: {  	s2 =	sand.u32 $0x1FFFFFF0, s7;
	s7 =	spop (v2sf);
	(v2sf) =	vpush v11, $0xB;
	_ =	sdelay $0x2  }
0x347: {  	s23 =	sadd.s32 $0xCE00, s5;
	s2 =	sadd.s32 s4, s2  }
0x348: {  	[tilespmem:s23], [sflag:$0x5] =	stream.linear.gather [hbm4b:s2+s14], $0x80, $0x38;
	[tilespmem:$0x16A00] =	vst v63  }
0x349: {  	s2 =	sand.u32 $0x1FFFFFF0, s26  }
0x34a: {  	s28 =	sadd.s32 $0x2E80, s5;
	s2 =	sadd.s32 s3, s2  }
0x34b: {  	[tilespmem:s28], [sflag:$0x1] =	stream.linear.gather [hbm4b:s2+s14], $0x80, $0x38;
	[tilespmem:$0x16A00] =	vst v63  }
0x34c: {  	s26 =	spop (v2sf);
	(v2sf) =	vpush v12, $0xC  }
0x34d: {  	s2 =	sand.u32 $0x1FFFFFF0, s7  }
0x34e: {  	s23 =	sadd.s32 $0xCE80, s5;
	s2 =	sadd.s32 s4, s2;
	s7 =	spop (v2sf);
	(v2sf) =	vpush v11, $0xC  }
0x34f: {  	[tilespmem:s23], [sflag:$0x5] =	stream.linear.gather [hbm4b:s2+s14], $0x80, $0x38;
	[tilespmem:$0x16A00] =	vst v63  }
0x350: {  	s2 =	sand.u32 $0x1FFFFFF0, s26;
	s26 =	spop (v2sf);
	(v2sf) =	vpush v12, $0xD  }
0x351: {  	s28 =	sadd.s32 $0x2F00, s5;
	s2 =	sadd.s32 s3, s2  }
0x352: {  	[tilespmem:s28], [sflag:$0x1] =	stream.linear.gather [hbm4b:s2+s14], $0x80, $0x38;
	[tilespmem:$0x16A00] =	vst v63  }
0x353: {  	s2 =	sand.u32 $0x1FFFFFF0, s7;
	s7 =	spop (v2sf);
	(v2sf) =	vpush v11, $0xD;
	_ =	sdelay $0x1  }
0x354: {  	s23 =	sadd.s32 $0xCF00, s5;
	s2 =	sadd.s32 s4, s2  }
0x355: {  	[tilespmem:s23], [sflag:$0x5] =	stream.linear.gather [hbm4b:s2+s14], $0x80, $0x38;
	[tilespmem:$0x16A00] =	vst v63  }
0x356: {  	s2 =	sand.u32 $0x1FFFFFF0, s26  }
0x357: {  	s28 =	sadd.s32 $0x2F80, s5;
	s2 =	sadd.s32 s3, s2  }
0x358: {  	[tilespmem:s28], [sflag:$0x1] =	stream.linear.gather [hbm4b:s2+s14], $0x80, $0x38;
	[tilespmem:$0x16A00] =	vst v63  }
0x359: {  	s2 =	sand.u32 $0x1FFFFFF0, s7  }
0x35a: {  	s23 =	sadd.s32 $0xCF80, s5;
	s2 =	sadd.s32 s4, s2;
	s26 =	spop (v2sf);
	(v2sf) =	vpush v12, $0xE  }
0x35b: {  	[tilespmem:s23], [sflag:$0x5] =	stream.linear.gather [hbm4b:s2+s14], $0x80, $0x38;
	[tilespmem:$0x16A00] =	vst v63  }
0x35c: {  	s7 =	spop (v2sf);
	(v2sf) =	vpush v11, $0xE  }
0x35d: {  	s2 =	sand.u32 $0x1FFFFFF0, s26  }
0x35e: {  	s28 =	sadd.s32 $0x3000, s5;
	s2 =	sadd.s32 s3, s2;
	s26 =	spop (v2sf)  }
0x35f: {  	(v2sf) =	vpush v12, $0xF;
	[tilespmem:s28], [sflag:$0x1] =	stream.linear.gather [hbm4b:s2+s14], $0x80, $0x38;
	[tilespmem:$0x16A00] =	vst v63  }
0x360: {  	s2 =	sand.u32 $0x1FFFFFF0, s7  }
0x361: {  	s23 =	sadd.s32 $0xD000, s5;
	s7 =	spop (v2sf);
	s2 =	sadd.s32 s4, s2  }
0x362: {  	(v2sf) =	vpush v11, $0xF;
	[tilespmem:s23], [sflag:$0x5] =	stream.linear.gather [hbm4b:s2+s14], $0x80, $0x38;
	[tilespmem:$0x16A00] =	vst v63  }
0x363: {  	s2 =	sand.u32 $0x1FFFFFF0, s26  }
0x364: {  	s28 =	sadd.s32 $0x3080, s5;
	s2 =	sadd.s32 s3, s2  }
0x365: {  	[tilespmem:s28], [sflag:$0x1] =	stream.linear.gather [hbm4b:s2+s14], $0x80, $0x38;
	[tilespmem:$0x16A00] =	vst v63  }
0x366: {  	s2 =	sand.u32 $0x1FFFFFF0, s7  }
0x367: {  	s23 =	sadd.s32 $0xD080, s5;
	s2 =	sadd.s32 s4, s2  }
0x368: {  	[tilespmem:s23], [sflag:$0x5] =	stream.linear.gather [hbm4b:s2+s14], $0x80, $0x38;
	[tilespmem:$0x16A00] =	vst v63  }
0x369: {  	s26 =	spop (v2sf)  }
0x36a: {  	s2 =	sand.u32 $0x1FFFFFF0, s26  }
0x36b: {  	s28 =	sadd.s32 $0x3100, s5;
	s6 =	spop (v2sf);
	s2 =	sadd.s32 s3, s2  }
0x36c: {  	[tilespmem:s28], [sflag:$0x1] =	stream.linear.gather [hbm4b:s2+s14], $0x80, $0x38;
	[tilespmem:$0x16A00] =	vst v63  }
0x36d: {  	s2 =	sand.u32 $0x1FFFFFF0, s6  }
0x36e: {  	s7 =	sadd.s32 $0xD100, s5;
	s23 =	spop (v2sf);
	s2 =	sadd.s32 s4, s2  }
0x36f: {  	[tilespmem:s7], [sflag:$0x5] =	stream.linear.gather [hbm4b:s2+s14], $0x80, $0x38;
	[tilespmem:$0x16A00] =	vst v63  }
0x370: {  	s2 =	sand.u32 $0x1FFFFFF0, s23  }
0x371: {  	s26 =	sadd.s32 $0x3180, s5;
	s28 =	spop (v2sf);
	s2 =	sadd.s32 s3, s2  }
0x372: {  	[tilespmem:s26], [sflag:$0x1] =	stream.linear.gather [hbm4b:s2+s14], $0x80, $0x38;
	[tilespmem:$0x16A00] =	vst v63  }
0x373: {  	s2 =	sand.u32 $0x1FFFFFF0, s28  }
0x374: {  	s5 =	sadd.s32 $0xD180, s5;
	s2 =	sadd.s32 s4, s2  }
0x375: {  	[tilespmem:s5], [sflag:$0x5] =	stream.linear.gather [hbm4b:s2+s14], $0x80, $0x38;
	[tilespmem:$0x16A00] =	vst v63  }
.LBB2_17:
0x376: {  	v11 =	vmov s1;
	s2 =	simm.s32 $0x0  }
0x377: {  	v11 =	vshll.u32 v11, $0x7;
	v12 =	vadd.s32 s2, v8  }
0x378: {  	v11 =	vor.u32 v1, v11;
	v12 =	vand.u32 $0x3F, v12  }
0x379: {  	v13 =	vadd.s32 s2, v7;
	v12 =	vor.u32 v11, v12  }
0x37a: {  	v13 =	vand.u32 $0x3F, v13  }
0x37b: {  	v14 =	vadd.s32 s2, v6;
	v13 =	vor.u32 v11, v13  }
0x37c: {  	v14 =	vand.u32 $0x3F, v14  }
0x37d: {  	v15 =	vadd.s32 s2, v5;
	v14 =	vor.u32 v11, v14  }
0x37e: {  	v15 =	vand.u32 $0x3F, v15;
	v16 =	vld.idx.msk [tilespmem:v12+s20+$0x0], $0xffff  }
0x37f: {  	v17 =	vadd.s32 s2, v4;
	v15 =	vor.u32 v11, v15;
	v12 =	vld.idx.msk [tilespmem:v12+s21+$0x0], $0xffff  }
0x380: {  	v17 =	vand.u32 $0x3F, v17;
	v18 =	vld.idx.msk [tilespmem:v13+s20+$0x0], $0xffff  }
0x381: {  	v19 =	vadd.s32 s2, v3;
	v17 =	vor.u32 v11, v17;
	v13 =	vld.idx.msk [tilespmem:v13+s21+$0x0], $0xffff  }
0x382: {  	v19 =	vand.u32 $0x3F, v19;
	v20 =	vld.idx.msk [tilespmem:v14+s20+$0x0], $0xffff  }
0x383: {  	v21 =	vadd.s32 s2, v0;
	v19 =	vor.u32 v11, v19;
	v14 =	vld.idx.msk [tilespmem:v14+s21+$0x0], $0xffff  }
0x384: {  	v21 =	vand.u32 $0x3F, v21;
	v23 =	vld.idx.msk [tilespmem:v15+s20+$0x0], $0xffff  }
0x385: {  	v22 =	vadd.s32 s2, v2;
	v21 =	vor.u32 v11, v21;
	v24 =	vld.idx.msk [tilespmem:v15+s21+$0x0], $0xffff  }
0x386: {  	s28 =	simm.s32 $0x8;
	v15 =	vand.u32 $0x3F, v22;
	v26 =	vld.idx.msk [tilespmem:v17+s20+$0x0], $0xffff  }
0x387: {  	v22 =	vadd.s32 s28, v8;
	v28 =	vld.idx.msk [tilespmem:v17+s21+$0x0], $0xffff;
	v15 =	vor.u32 v11, v15  }
0x388: {  	v27 =	vld.idx.msk [tilespmem:v19+s20+$0x0], $0xffff;
	v17 =	vand.u32 $0x3F, v22  }
0x389: {  	v25 =	vadd.s32 s28, v6;
	v19 =	vld.idx.msk [tilespmem:v19+s21+$0x0], $0xffff;
	v22 =	vadd.s32 s28, v7;
	v17 =	vor.u32 v11, v17  }
0x38a: {  	v25 =	vand.u32 $0x3F, v25;
	v29 =	vld.idx.msk [tilespmem:v21+s20+$0x0], $0xffff;
	v22 =	vand.u32 $0x3F, v22  }
0x38b: {  	v33 =	vor.u32 v11, v25;
	v21 =	vld.idx.msk [tilespmem:v21+s21+$0x0], $0xffff;
	v30 =	vor.u32 v11, v22;
	v22 =	vadd.s32 s28, v5  }
0x38c: {  	v22 =	vand.u32 $0x3F, v22;
	v32 =	vld.idx.msk [tilespmem:v15+s20+$0x0], $0xffff  }
0x38d: {  	v31 =	vimm.f32 $0.0e+00;
	v35 =	vor.u32 v11, v22;
	v34 =	vld.idx.msk [tilespmem:v15+s21+$0x0], $0xffff  }
0x38e: {  	v36 =	vmul.f32 v13, v18;
	v18 =	vadd.s32 s28, v3;
	v15 =	vmul.f32 v12, v16;
	v12 =	vld.idx.msk [tilespmem:v17+s20+$0x0], $0xffff  }
0x38f: {  	v22 =	vmul.f32 v14, v20;
	v20 =	vmul.f32 v24, v23;
	v16 =	vadd.s32 s28, v4;
	v13 =	vld.idx.msk [tilespmem:v17+s21+$0x0], $0xffff  }
0x390: {  	v21 =	vmul.f32 v21, v29;
	v16 =	vand.u32 $0x3F, v16;
	v17 =	vand.u32 $0x3F, v18;
	v18 =	vld.idx.msk [tilespmem:v33+s21+$0x0], $0xffff  }
0x391: {  	v19 =	vmul.f32 v19, v27;
	v23 =	vadd.s32 s28, v0;
	v25 =	vor.u32 v11, v16;
	v14 =	vld.idx.msk [tilespmem:v30+s20+$0x0], $0xffff  }
0x392: {  	v27 =	vadd.s32 s28, v2;
	v62 =	vadd.f32 v21, v31;
	v24 =	vor.u32 v11, v17;
	v17 =	vld.idx.msk [tilespmem:v30+s21+$0x0], $0xffff  }
0x393: {  	v63 =	vadd.f32 v19, v31;
	v16 =	vld.idx.msk [tilespmem:v33+s20+$0x0], $0xffff;
	v30 =	vmul.f32 v28, v26;
	v32 =	vmul.f32 v34, v32  }
0x394: {  	v19 =	vand.u32 $0x3F, v23;
	v29 =	vadd.f32 v20, v31;
	v28 =	vadd.f32 v36, v31;
	v21 =	vld.idx.msk [tilespmem:v35+s20+$0x0], $0xffff  }
0x395: {  	s2 =	simm.s32 $0x10;
	v26 =	vor.u32 v11, v19;
	v23 =	vld.idx.msk [tilespmem:v35+s21+$0x0], $0xffff;
	v20 =	vadd.f32 v30, v63;
	v19 =	vadd.f32 v32, v62  }
.LBB2_18:
0x396: {  	p1 =	sne.s32 s2, $0x38;
	v27 =	vand.u32 $0x3F, v27;
	v30 =	vld.idx.msk [tilespmem:v25+s20+$0x0], $0xffff;
	v29 =	vadd.f32 v22, v29;
	v28 =	vadd.f32 v15, v28  }
0x397: {  	v15 =	vadd.s32 s2, v8;
	v22 =	vor.u32 v11, v27;
	v31 =	vld.idx.msk [tilespmem:v25+s21+$0x0], $0xffff  }
0x398: {  	v15 =	vand.u32 $0x3F, v15;
	v27 =	vld.idx.msk [tilespmem:v24+s20+$0x0], $0xffff  }
0x399: {  	v25 =	vadd.s32 s2, v7;
	v32 =	vor.u32 v11, v15;
	v33 =	vld.idx.msk [tilespmem:v24+s21+$0x0], $0xffff  }
0x39a: {  	v15 =	vand.u32 $0x3F, v25;
	v34 =	vld.idx.msk [tilespmem:v26+s20+$0x0], $0xffff  }
0x39b: {  	v24 =	vadd.s32 s2, v6;
	v35 =	vor.u32 v11, v15;
	v26 =	vld.idx.msk [tilespmem:v26+s21+$0x0], $0xffff  }
0x39c: {  	v15 =	vadd.s32 s2, v5;
	v24 =	vand.u32 $0x3F, v24;
	v36 =	vld.idx.msk [tilespmem:v22+s20+$0x0], $0xffff  }
0x39d: {  	v25 =	vand.u32 $0x3F, v15;
	v15 =	vmul.f32 v13, v12;
	v37 =	vor.u32 v11, v24;
	v38 =	vld.idx.msk [tilespmem:v22+s21+$0x0], $0xffff  }
0x39e: {  	v40 =	vmul.f32 v17, v14;
	v13 =	vadd.s32 s2, v4;
	v39 =	vor.u32 v11, v25;
	v12 =	vld.idx.msk [tilespmem:v32+s20+$0x0], $0xffff  }
0x39f: {  	v14 =	vadd.s32 s2, v3;
	v17 =	vand.u32 $0x3F, v13;
	v22 =	vmul.f32 v18, v16;
	v13 =	vld.idx.msk [tilespmem:v32+s21+$0x0], $0xffff  }
0x3a0: {  	v23 =	vmul.f32 v23, v21;
	v25 =	vor.u32 v11, v17;
	v16 =	vand.u32 $0x3F, v14;
	v14 =	vld.idx.msk [tilespmem:v35+s20+$0x0], $0xffff  }
.Ltmp7:
0x3a1: {  	v24 =	vor.u32 v11, v16;
	v21 =	vmul.f32 v26, v34;
	v26 =	vmul.f32 v33, v27;
	v17 =	vld.idx.msk [tilespmem:v35+s21+$0x0], $0xffff;
	(pc) =	sbr.rel @p1 .LBB2_18-.Ltmp7, $4  }
0x3a2: {  	v30 =	vmul.f32 v31, v30;
	v32 =	vadd.s32 s2, v0;
	v27 =	vadd.s32 s2, v2;
	v16 =	vld.idx.msk [tilespmem:v37+s20+$0x0], $0xffff  }
0x3a3: {  	v31 =	vmul.f32 v38, v36;
	v19 =	vadd.f32 v21, v19;
	v20 =	vadd.f32 v26, v20;
	v18 =	vld.idx.msk [tilespmem:v37+s21+$0x0], $0xffff  }
0x3a4: {  	v28 =	vadd.f32 v40, v28;
	v29 =	vadd.f32 v23, v29;
	v26 =	vand.u32 $0x3F, v32;
	v21 =	vld.idx.msk [tilespmem:v39+s20+$0x0], $0xffff  }
0x3a5: {  	s2 =	sadd.s32 $0x8, s2;
	v26 =	vor.u32 v11, v26;
	v19 =	vadd.f32 v31, v19;
	v20 =	vadd.f32 v30, v20;
	v23 =	vld.idx.msk [tilespmem:v39+s21+$0x0], $0xffff  }
0x3a6: {  	_ =	sdelay $0x3  }
0x3a7: {  	v27 =	vand.u32 $0x3F, v27;
	v30 =	vld.idx.msk [tilespmem:v25+s20+$0x0], $0xffff  }
0x3a8: {  	v53 =	vld.idx.msk [tilespmem:v25+s21+$0x0], $0xffff;
	v11 =	vor.u32 v11, v27  }
0x3a9: {  	v54 =	vld.idx.msk [tilespmem:v24+s20+$0x0], $0xffff  }
0x3aa: {  	v55 =	vld.idx.msk [tilespmem:v24+s21+$0x0], $0xffff  }
0x3ab: {  	v31 =	vld.idx.msk [tilespmem:v26+s20+$0x0], $0xffff  }
0x3ac: {  	v56 =	vld.idx.msk [tilespmem:v26+s21+$0x0], $0xffff  }
0x3ad: {  	v32 =	vld.idx.msk [tilespmem:v11+s20+$0x0], $0xffff  }
0x3ae: {  	v11 =	vld.idx.msk [tilespmem:v11+s21+$0x0], $0xffff  }
0x3af: {  	v12 =	vmul.f32 v13, v12;
	v57 =	vmul.f32 v17, v14;
	v58 =	vadd.f32 v22, v29  }
0x3b0: {  	v15 =	vadd.f32 v15, v28;
	v16 =	vmul.f32 v18, v16;
	v21 =	vmul.f32 v23, v21  }
0x3b1: {  	v59 =	vmul.f32 v56, v31;
	v60 =	vmul.f32 v55, v54  }
0x3b2: {  	v13 =	vadd.f32 v57, v15;
	v61 =	vmul.f32 v53, v30;
	v14 =	vadd.f32 v21, v58  }
0x3b3: {  	v17 =	vadd.f32 v59, v19;
	v62 =	vadd.f32 v60, v20;
	v11 =	vmul.f32 v11, v32  }
0x3b4: {  	v12 =	vadd.f32 v12, v13;
	v14 =	vadd.f32 v16, v14  }
0x3b5: {  	s0 =	sadd.s32 $0x1, s0;
	v63 =	vadd.f32 v61, v62;
	v11 =	vadd.f32 v11, v17  }
0x3b6: {  	p1 =	sne.s32 s0, $0x5  }
.Ltmp8:
0x3b7: {  	v12 =	vadd.f32 v12, v14;
	v11 =	vadd.f32 v63, v11;
	(pc) =	sbr.rel @p1 .LBB2_15-.Ltmp8, $3  }
0x3b8: {  	_ = 	snop  }
0x3b9: {  	v11 =	vadd.f32 v12, v11;
	_ =	sdelay $0x1  }
0x3ba: {  	[tilespmem:v10+s1+$0x0 ss:$0x1] =	vst.idx.msk $0xffff, v11  }
0x3bb: {  	_ =	swait.ge [sflag:s19], $0x2800  }
0x3bc: {  	s0 =	smul.u32 $0x140, s30;
	[sflag:s19] =	ssyncset.done $0x0  }
0x3bd: {  	[sflag:s19] =	ssyncadd.s32 $0xFFFFD800  }
0x3be: {  	s0 =	sshra.s32 s0, $0x2;
	_ =	swait.ge [sflag:s22], $0x2800  }
0x3bf: {  	s1 =	sadd.s32 $0x280, s31;
	s2 =	sadd.s32 $0x2000, s0;
	[sflag:s22] =	ssyncset.done $0x0  }
0x3c0: {  	v9 =	vmov s1;
	s0 =	simm.s32 $0x0;
	v10 =	vmov s2;
	[sflag:s22] =	ssyncadd.s32 $0xFFFFD800  }
.LBB2_21:
.Ltmp9:
0x3c1: {  	(pc) =	sbr.rel @p0 .LBB2_23-.Ltmp9, $2  }
0x3c2: {  	_ =	sdelay $0x2  }
0x3c3: {  	s1 =	sshll.u32 s0, $0x4  }
0x3c4: {  	_ =	sdelay $0x3  }
0x3c5: {  	v11 =	vld.idx.msk [tilespmem:v9+s1+$0x0 ss:$0x1], $0xffff;
	_ =	sdelay $0x1  }
0x3c6: {  	v13 =	vld.idx.msk [tilespmem:v9+s1+$0x1000 ss:$0x1], $0xffff;
	_ =	sdelay $0x2  }
0x3c7: {  	v12 =	vshll.u32 v11, $0x4  }
0x3c8: {  	(v2sf) =	vpush v12, $0x0  }
0x3c9: {  	v11 =	vshll.u32 v13, $0x4  }
0x3ca: {  	(v2sf) =	vpush v11, $0x0;
	_ =	sdelay $0x1  }
0x3cb: {  	(v2sf) =	vpush v12, $0x1;
	_ =	sdelay $0x2  }
0x3cc: {  	(v2sf) =	vpush v11, $0x1;
	_ =	sdelay $0x7  }
0x3cd: {  	s2 =	spop (v2sf);
	(v2sf) =	vpush v12, $0x2;
	_ =	sdelay $0x1  }
0x3ce: {  	s7 =	spop (v2sf);
	(v2sf) =	vpush v11, $0x2;
	_ =	sdelay $0x1  }
0x3cf: {  	s26 =	spop (v2sf);
	(v2sf) =	vpush v12, $0x3;
	_ =	sdelay $0x2  }
0x3d0: {  	s30 =	spop (v2sf);
	(v2sf) =	vpush v11, $0x3;
	_ =	sdelay $0x1  }
0x3d1: {  	s5 =	sshll.u32 s0, $0xB;
	s2 =	sand.u32 $0x1FFFFFF0, s2  }
0x3d2: {  	s6 =	sadd.s32 $0x5200, s5;
	s2 =	sadd.s32 s3, s2  }
0x3d3: {  	[tilespmem:s6], [sflag:$0x2] =	stream.linear.gather [hbm4b:s2+s14], $0x80, $0x38;
	[tilespmem:$0x16A00] =	vst v63  }
0x3d4: {  	s2 =	sand.u32 $0x1FFFFFF0, s7  }
0x3d5: {  	s23 =	sadd.s32 $0xF200, s5;
	s2 =	sadd.s32 s4, s2  }
0x3d6: {  	[tilespmem:s23], [sflag:$0x6] =	stream.linear.gather [hbm4b:s2+s14], $0x80, $0x38;
	[tilespmem:$0x16A00] =	vst v63  }
0x3d7: {  	s7 =	spop (v2sf);
	(v2sf) =	vpush v12, $0x4  }
0x3d8: {  	s2 =	sand.u32 $0x1FFFFFF0, s26  }
0x3d9: {  	s28 =	sadd.s32 $0x5280, s5;
	s2 =	sadd.s32 s3, s2;
	s26 =	spop (v2sf);
	(v2sf) =	vpush v11, $0x4  }
0x3da: {  	[tilespmem:s28], [sflag:$0x2] =	stream.linear.gather [hbm4b:s2+s14], $0x80, $0x38;
	[tilespmem:$0x16A00] =	vst v63  }
0x3db: {  	s2 =	sand.u32 $0x1FFFFFF0, s30;
	s30 =	spop (v2sf);
	(v2sf) =	vpush v12, $0x5  }
0x3dc: {  	s31 =	sadd.s32 $0xF280, s5;
	s2 =	sadd.s32 s4, s2  }
0x3dd: {  	[tilespmem:s31], [sflag:$0x6] =	stream.linear.gather [hbm4b:s2+s14], $0x80, $0x38;
	[tilespmem:$0x16A00] =	vst v63  }
0x3de: {  	s2 =	sand.u32 $0x1FFFFFF0, s7;
	s7 =	spop (v2sf);
	(v2sf) =	vpush v11, $0x5;
	_ =	sdelay $0x2  }
0x3df: {  	s23 =	sadd.s32 $0x5300, s5;
	s2 =	sadd.s32 s3, s2  }
0x3e0: {  	[tilespmem:s23], [sflag:$0x2] =	stream.linear.gather [hbm4b:s2+s14], $0x80, $0x38;
	[tilespmem:$0x16A00] =	vst v63  }
0x3e1: {  	s2 =	sand.u32 $0x1FFFFFF0, s26  }
0x3e2: {  	s28 =	sadd.s32 $0xF300, s5;
	s2 =	sadd.s32 s4, s2  }
0x3e3: {  	[tilespmem:s28], [sflag:$0x6] =	stream.linear.gather [hbm4b:s2+s14], $0x80, $0x38;
	[tilespmem:$0x16A00] =	vst v63  }
0x3e4: {  	s26 =	spop (v2sf);
	(v2sf) =	vpush v12, $0x6  }
0x3e5: {  	s2 =	sand.u32 $0x1FFFFFF0, s30  }
0x3e6: {  	s31 =	sadd.s32 $0x5380, s5;
	s2 =	sadd.s32 s3, s2;
	s30 =	spop (v2sf);
	(v2sf) =	vpush v11, $0x6  }
0x3e7: {  	[tilespmem:s31], [sflag:$0x2] =	stream.linear.gather [hbm4b:s2+s14], $0x80, $0x38;
	[tilespmem:$0x16A00] =	vst v63  }
0x3e8: {  	s2 =	sand.u32 $0x1FFFFFF0, s7;
	s7 =	spop (v2sf);
	(v2sf) =	vpush v12, $0x7  }
0x3e9: {  	s23 =	sadd.s32 $0xF380, s5;
	s2 =	sadd.s32 s4, s2  }
0x3ea: {  	[tilespmem:s23], [sflag:$0x6] =	stream.linear.gather [hbm4b:s2+s14], $0x80, $0x38;
	[tilespmem:$0x16A00] =	vst v63  }
0x3eb: {  	s2 =	sand.u32 $0x1FFFFFF0, s26;
	s26 =	spop (v2sf);
	(v2sf) =	vpush v11, $0x7;
	_ =	sdelay $0x2  }
0x3ec: {  	s28 =	sadd.s32 $0x5400, s5;
	s2 =	sadd.s32 s3, s2  }
0x3ed: {  	[tilespmem:s28], [sflag:$0x2] =	stream.linear.gather [hbm4b:s2+s14], $0x80, $0x38;
	[tilespmem:$0x16A00] =	vst v63  }
0x3ee: {  	s2 =	sand.u32 $0x1FFFFFF0, s30  }
0x3ef: {  	s31 =	sadd.s32 $0xF400, s5;
	s2 =	sadd.s32 s4, s2  }
0x3f0: {  	[tilespmem:s31], [sflag:$0x6] =	stream.linear.gather [hbm4b:s2+s14], $0x80, $0x38;
	[tilespmem:$0x16A00] =	vst v63  }
0x3f1: {  	s30 =	spop (v2sf);
	(v2sf) =	vpush v12, $0x8  }
0x3f2: {  	s2 =	sand.u32 $0x1FFFFFF0, s7  }
0x3f3: {  	s23 =	sadd.s32 $0x5480, s5;
	s2 =	sadd.s32 s3, s2;
	s7 =	spop (v2sf);
	(v2sf) =	vpush v11, $0x8  }
0x3f4: {  	[tilespmem:s23], [sflag:$0x2] =	stream.linear.gather [hbm4b:s2+s14], $0x80, $0x38;
	[tilespmem:$0x16A00] =	vst v63  }
0x3f5: {  	s2 =	sand.u32 $0x1FFFFFF0, s26;
	s26 =	spop (v2sf);
	(v2sf) =	vpush v12, $0x9  }
0x3f6: {  	s28 =	sadd.s32 $0xF480, s5;
	s2 =	sadd.s32 s4, s2  }
0x3f7: {  	[tilespmem:s28], [sflag:$0x6] =	stream.linear.gather [hbm4b:s2+s14], $0x80, $0x38;
	[tilespmem:$0x16A00] =	vst v63  }
0x3f8: {  	s2 =	sand.u32 $0x1FFFFFF0, s30;
	s30 =	spop (v2sf);
	(v2sf) =	vpush v11, $0x9;
	_ =	sdelay $0x1  }
0x3f9: {  	s31 =	sadd.s32 $0x5500, s5;
	s2 =	sadd.s32 s3, s2  }
0x3fa: {  	[tilespmem:s31], [sflag:$0x2] =	stream.linear.gather [hbm4b:s2+s14], $0x80, $0x38;
	[tilespmem:$0x16A00] =	vst v63  }
0x3fb: {  	s2 =	sand.u32 $0x1FFFFFF0, s7  }
0x3fc: {  	s23 =	sadd.s32 $0xF500, s5;
	s2 =	sadd.s32 s4, s2  }
0x3fd: {  	[tilespmem:s23], [sflag:$0x6] =	stream.linear.gather [hbm4b:s2+s14], $0x80, $0x38;
	[tilespmem:$0x16A00] =	vst v63  }
0x3fe: {  	s2 =	sand.u32 $0x1FFFFFF0, s26  }
0x3ff: {  	s28 =	sadd.s32 $0x5580, s5;
	s2 =	sadd.s32 s3, s2;
	s7 =	spop (v2sf);
	(v2sf) =	vpush v12, $0xA  }
0x400: {  	[tilespmem:s28], [sflag:$0x2] =	stream.linear.gather [hbm4b:s2+s14], $0x80, $0x38;
	[tilespmem:$0x16A00] =	vst v63  }
0x401: {  	s26 =	spop (v2sf);
	(v2sf) =	vpush v11, $0xA  }
0x402: {  	s2 =	sand.u32 $0x1FFFFFF0, s30  }
0x403: {  	s31 =	sadd.s32 $0xF580, s5;
	s2 =	sadd.s32 s4, s2;
	s30 =	spop (v2sf);
	(v2sf) =	vpush v12, $0xB  }
0x404: {  	[tilespmem:s31], [sflag:$0x6] =	stream.linear.gather [hbm4b:s2+s14], $0x80, $0x38;
	[tilespmem:$0x16A00] =	vst v63  }
0x405: {  	s2 =	sand.u32 $0x1FFFFFF0, s7  }
0x406: {  	s23 =	sadd.s32 $0x5600, s5;
	s2 =	sadd.s32 s3, s2;
	s7 =	spop (v2sf);
	(v2sf) =	vpush v11, $0xB  }
0x407: {  	[tilespmem:s23], [sflag:$0x2] =	stream.linear.gather [hbm4b:s2+s14], $0x80, $0x38;
	[tilespmem:$0x16A00] =	vst v63  }
0x408: {  	s2 =	sand.u32 $0x1FFFFFF0, s26  }
0x409: {  	s28 =	sadd.s32 $0xF600, s5;
	s2 =	sadd.s32 s4, s2  }
0x40a: {  	[tilespmem:s28], [sflag:$0x6] =	stream.linear.gather [hbm4b:s2+s14], $0x80, $0x38;
	[tilespmem:$0x16A00] =	vst v63  }
0x40b: {  	s2 =	sand.u32 $0x1FFFFFF0, s30  }
0x40c: {  	s31 =	sadd.s32 $0x5680, s5;
	s2 =	sadd.s32 s3, s2  }
0x40d: {  	[tilespmem:s31], [sflag:$0x2] =	stream.linear.gather [hbm4b:s2+s14], $0x80, $0x38;
	[tilespmem:$0x16A00] =	vst v63  }
0x40e: {  	s26 =	spop (v2sf);
	(v2sf) =	vpush v12, $0xC  }
0x40f: {  	s2 =	sand.u32 $0x1FFFFFF0, s7  }
0x410: {  	s23 =	sadd.s32 $0xF680, s5;
	s2 =	sadd.s32 s4, s2;
	s30 =	spop (v2sf);
	(v2sf) =	vpush v11, $0xC  }
0x411: {  	[tilespmem:s23], [sflag:$0x6] =	stream.linear.gather [hbm4b:s2+s14], $0x80, $0x38;
	[tilespmem:$0x16A00] =	vst v63  }
0x412: {  	s2 =	sand.u32 $0x1FFFFFF0, s26;
	s7 =	spop (v2sf);
	(v2sf) =	vpush v12, $0xD  }
0x413: {  	s28 =	sadd.s32 $0x5700, s5;
	s2 =	sadd.s32 s3, s2  }
0x414: {  	[tilespmem:s28], [sflag:$0x2] =	stream.linear.gather [hbm4b:s2+s14], $0x80, $0x38;
	[tilespmem:$0x16A00] =	vst v63  }
0x415: {  	s26 =	spop (v2sf);
	(v2sf) =	vpush v11, $0xD  }
0x416: {  	s2 =	sand.u32 $0x1FFFFFF0, s30  }
0x417: {  	s31 =	sadd.s32 $0xF700, s5;
	s2 =	sadd.s32 s4, s2  }
0x418: {  	[tilespmem:s31], [sflag:$0x6] =	stream.linear.gather [hbm4b:s2+s14], $0x80, $0x38;
	[tilespmem:$0x16A00] =	vst v63  }
0x419: {  	s2 =	sand.u32 $0x1FFFFFF0, s7  }
0x41a: {  	s23 =	sadd.s32 $0x5780, s5;
	s2 =	sadd.s32 s3, s2  }
0x41b: {  	[tilespmem:s23], [sflag:$0x2] =	stream.linear.gather [hbm4b:s2+s14], $0x80, $0x38;
	[tilespmem:$0x16A00] =	vst v63  }
0x41c: {  	s2 =	sand.u32 $0x1FFFFFF0, s26  }
0x41d: {  	s28 =	sadd.s32 $0xF780, s5;
	s2 =	sadd.s32 s4, s2;
	s30 =	spop (v2sf);
	(v2sf) =	vpush v12, $0xE  }
0x41e: {  	[tilespmem:s28], [sflag:$0x6] =	stream.linear.gather [hbm4b:s2+s14], $0x80, $0x38;
	[tilespmem:$0x16A00] =	vst v63  }
0x41f: {  	s7 =	spop (v2sf);
	(v2sf) =	vpush v11, $0xE  }
0x420: {  	s2 =	sand.u32 $0x1FFFFFF0, s30  }
0x421: {  	s31 =	sadd.s32 $0x5800, s5;
	s2 =	sadd.s32 s3, s2;
	s26 =	spop (v2sf)  }
0x422: {  	(v2sf) =	vpush v12, $0xF;
	[tilespmem:s31], [sflag:$0x2] =	stream.linear.gather [hbm4b:s2+s14], $0x80, $0x38;
	[tilespmem:$0x16A00] =	vst v63  }
0x423: {  	s2 =	sand.u32 $0x1FFFFFF0, s7  }
0x424: {  	s23 =	sadd.s32 $0xF800, s5;
	s30 =	spop (v2sf);
	s2 =	sadd.s32 s4, s2  }
0x425: {  	(v2sf) =	vpush v11, $0xF;
	[tilespmem:s23], [sflag:$0x6] =	stream.linear.gather [hbm4b:s2+s14], $0x80, $0x38;
	[tilespmem:$0x16A00] =	vst v63  }
0x426: {  	s2 =	sand.u32 $0x1FFFFFF0, s26  }
0x427: {  	s28 =	sadd.s32 $0x5880, s5;
	s2 =	sadd.s32 s3, s2  }
0x428: {  	[tilespmem:s28], [sflag:$0x2] =	stream.linear.gather [hbm4b:s2+s14], $0x80, $0x38;
	[tilespmem:$0x16A00] =	vst v63  }
0x429: {  	s2 =	sand.u32 $0x1FFFFFF0, s30  }
0x42a: {  	s31 =	sadd.s32 $0xF880, s5;
	s2 =	sadd.s32 s4, s2  }
0x42b: {  	[tilespmem:s31], [sflag:$0x6] =	stream.linear.gather [hbm4b:s2+s14], $0x80, $0x38;
	[tilespmem:$0x16A00] =	vst v63  }
0x42c: {  	s6 =	spop (v2sf)  }
0x42d: {  	s2 =	sand.u32 $0x1FFFFFF0, s6  }
0x42e: {  	s7 =	sadd.s32 $0x5900, s5;
	s23 =	spop (v2sf);
	s2 =	sadd.s32 s3, s2  }
0x42f: {  	[tilespmem:s7], [sflag:$0x2] =	stream.linear.gather [hbm4b:s2+s14], $0x80, $0x38;
	[tilespmem:$0x16A00] =	vst v63  }
0x430: {  	s2 =	sand.u32 $0x1FFFFFF0, s23  }
0x431: {  	s26 =	sadd.s32 $0xF900, s5;
	s28 =	spop (v2sf);
	s2 =	sadd.s32 s4, s2  }
0x432: {  	[tilespmem:s26], [sflag:$0x6] =	stream.linear.gather [hbm4b:s2+s14], $0x80, $0x38;
	[tilespmem:$0x16A00] =	vst v63  }
0x433: {  	s2 =	sand.u32 $0x1FFFFFF0, s28  }
0x434: {  	s30 =	sadd.s32 $0x5980, s5;
	s31 =	spop (v2sf);
	s2 =	sadd.s32 s3, s2  }
0x435: {  	[tilespmem:s30], [sflag:$0x2] =	stream.linear.gather [hbm4b:s2+s14], $0x80, $0x38;
	[tilespmem:$0x16A00] =	vst v63  }
0x436: {  	s2 =	sand.u32 $0x1FFFFFF0, s31  }
0x437: {  	s5 =	sadd.s32 $0xF980, s5;
	s2 =	sadd.s32 s4, s2  }
0x438: {  	[tilespmem:s5], [sflag:$0x6] =	stream.linear.gather [hbm4b:s2+s14], $0x80, $0x38;
	[tilespmem:$0x16A00] =	vst v63  }
.LBB2_23:
0x439: {  	v11 =	vmov s1;
	s2 =	simm.s32 $0x0  }
0x43a: {  	v11 =	vshll.u32 v11, $0x7;
	v12 =	vadd.s32 s2, v8  }
0x43b: {  	v11 =	vor.u32 v1, v11;
	v12 =	vand.u32 $0x3F, v12  }
0x43c: {  	v13 =	vadd.s32 s2, v7;
	v12 =	vor.u32 v11, v12  }
0x43d: {  	v13 =	vand.u32 $0x3F, v13  }
0x43e: {  	v14 =	vadd.s32 s2, v6;
	v13 =	vor.u32 v11, v13  }
0x43f: {  	v14 =	vand.u32 $0x3F, v14  }
0x440: {  	v15 =	vadd.s32 s2, v5;
	v14 =	vor.u32 v11, v14  }
0x441: {  	v15 =	vand.u32 $0x3F, v15;
	v16 =	vld.idx.msk [tilespmem:v12+s24+$0x0], $0xffff  }
0x442: {  	v17 =	vadd.s32 s2, v4;
	v15 =	vor.u32 v11, v15;
	v12 =	vld.idx.msk [tilespmem:v12+s25+$0x0], $0xffff  }
0x443: {  	v17 =	vand.u32 $0x3F, v17;
	v18 =	vld.idx.msk [tilespmem:v13+s24+$0x0], $0xffff  }
0x444: {  	v19 =	vadd.s32 s2, v3;
	v17 =	vor.u32 v11, v17;
	v13 =	vld.idx.msk [tilespmem:v13+s25+$0x0], $0xffff  }
0x445: {  	v19 =	vand.u32 $0x3F, v19;
	v20 =	vld.idx.msk [tilespmem:v14+s24+$0x0], $0xffff  }
0x446: {  	v21 =	vadd.s32 s2, v0;
	v19 =	vor.u32 v11, v19;
	v14 =	vld.idx.msk [tilespmem:v14+s25+$0x0], $0xffff  }
0x447: {  	v21 =	vand.u32 $0x3F, v21;
	v23 =	vld.idx.msk [tilespmem:v15+s24+$0x0], $0xffff  }
0x448: {  	v22 =	vadd.s32 s2, v2;
	v21 =	vor.u32 v11, v21;
	v24 =	vld.idx.msk [tilespmem:v15+s25+$0x0], $0xffff  }
0x449: {  	s31 =	simm.s32 $0x8;
	v15 =	vand.u32 $0x3F, v22;
	v26 =	vld.idx.msk [tilespmem:v17+s24+$0x0], $0xffff  }
0x44a: {  	v22 =	vadd.s32 s31, v8;
	v28 =	vld.idx.msk [tilespmem:v17+s25+$0x0], $0xffff;
	v15 =	vor.u32 v11, v15  }
0x44b: {  	v27 =	vld.idx.msk [tilespmem:v19+s24+$0x0], $0xffff;
	v17 =	vand.u32 $0x3F, v22  }
0x44c: {  	v25 =	vadd.s32 s31, v6;
	v19 =	vld.idx.msk [tilespmem:v19+s25+$0x0], $0xffff;
	v22 =	vadd.s32 s31, v7;
	v17 =	vor.u32 v11, v17  }
0x44d: {  	v25 =	vand.u32 $0x3F, v25;
	v29 =	vld.idx.msk [tilespmem:v21+s24+$0x0], $0xffff;
	v22 =	vand.u32 $0x3F, v22  }
0x44e: {  	v33 =	vor.u32 v11, v25;
	v21 =	vld.idx.msk [tilespmem:v21+s25+$0x0], $0xffff;
	v30 =	vor.u32 v11, v22;
	v22 =	vadd.s32 s31, v5  }
0x44f: {  	v22 =	vand.u32 $0x3F, v22;
	v32 =	vld.idx.msk [tilespmem:v15+s24+$0x0], $0xffff  }
0x450: {  	v31 =	vimm.f32 $0.0e+00;
	v35 =	vor.u32 v11, v22;
	v34 =	vld.idx.msk [tilespmem:v15+s25+$0x0], $0xffff  }
0x451: {  	v36 =	vmul.f32 v13, v18;
	v18 =	vadd.s32 s31, v3;
	v15 =	vmul.f32 v12, v16;
	v12 =	vld.idx.msk [tilespmem:v17+s24+$0x0], $0xffff  }
0x452: {  	v22 =	vmul.f32 v14, v20;
	v20 =	vmul.f32 v24, v23;
	v16 =	vadd.s32 s31, v4;
	v13 =	vld.idx.msk [tilespmem:v17+s25+$0x0], $0xffff  }
0x453: {  	v21 =	vmul.f32 v21, v29;
	v16 =	vand.u32 $0x3F, v16;
	v17 =	vand.u32 $0x3F, v18;
	v18 =	vld.idx.msk [tilespmem:v33+s25+$0x0], $0xffff  }
0x454: {  	v19 =	vmul.f32 v19, v27;
	v23 =	vadd.s32 s31, v0;
	v25 =	vor.u32 v11, v16;
	v14 =	vld.idx.msk [tilespmem:v30+s24+$0x0], $0xffff  }
0x455: {  	v27 =	vadd.s32 s31, v2;
	v62 =	vadd.f32 v21, v31;
	v24 =	vor.u32 v11, v17;
	v17 =	vld.idx.msk [tilespmem:v30+s25+$0x0], $0xffff  }
0x456: {  	v63 =	vadd.f32 v19, v31;
	v16 =	vld.idx.msk [tilespmem:v33+s24+$0x0], $0xffff;
	v30 =	vmul.f32 v28, v26;
	v32 =	vmul.f32 v34, v32  }
0x457: {  	v19 =	vand.u32 $0x3F, v23;
	v29 =	vadd.f32 v20, v31;
	v28 =	vadd.f32 v36, v31;
	v21 =	vld.idx.msk [tilespmem:v35+s24+$0x0], $0xffff  }
0x458: {  	s2 =	simm.s32 $0x10;
	v26 =	vor.u32 v11, v19;
	v23 =	vld.idx.msk [tilespmem:v35+s25+$0x0], $0xffff;
	v20 =	vadd.f32 v30, v63;
	v19 =	vadd.f32 v32, v62  }
.LBB2_24:
0x459: {  	p1 =	sne.s32 s2, $0x38;
	v27 =	vand.u32 $0x3F, v27;
	v30 =	vld.idx.msk [tilespmem:v25+s24+$0x0], $0xffff;
	v29 =	vadd.f32 v22, v29;
	v28 =	vadd.f32 v15, v28  }
0x45a: {  	v15 =	vadd.s32 s2, v8;
	v22 =	vor.u32 v11, v27;
	v31 =	vld.idx.msk [tilespmem:v25+s25+$0x0], $0xffff  }
0x45b: {  	v15 =	vand.u32 $0x3F, v15;
	v27 =	vld.idx.msk [tilespmem:v24+s24+$0x0], $0xffff  }
0x45c: {  	v25 =	vadd.s32 s2, v7;
	v32 =	vor.u32 v11, v15;
	v33 =	vld.idx.msk [tilespmem:v24+s25+$0x0], $0xffff  }
0x45d: {  	v15 =	vand.u32 $0x3F, v25;
	v34 =	vld.idx.msk [tilespmem:v26+s24+$0x0], $0xffff  }
0x45e: {  	v24 =	vadd.s32 s2, v6;
	v35 =	vor.u32 v11, v15;
	v26 =	vld.idx.msk [tilespmem:v26+s25+$0x0], $0xffff  }
0x45f: {  	v15 =	vadd.s32 s2, v5;
	v24 =	vand.u32 $0x3F, v24;
	v36 =	vld.idx.msk [tilespmem:v22+s24+$0x0], $0xffff  }
0x460: {  	v25 =	vand.u32 $0x3F, v15;
	v15 =	vmul.f32 v13, v12;
	v37 =	vor.u32 v11, v24;
	v38 =	vld.idx.msk [tilespmem:v22+s25+$0x0], $0xffff  }
0x461: {  	v40 =	vmul.f32 v17, v14;
	v13 =	vadd.s32 s2, v4;
	v39 =	vor.u32 v11, v25;
	v12 =	vld.idx.msk [tilespmem:v32+s24+$0x0], $0xffff  }
0x462: {  	v14 =	vadd.s32 s2, v3;
	v17 =	vand.u32 $0x3F, v13;
	v22 =	vmul.f32 v18, v16;
	v13 =	vld.idx.msk [tilespmem:v32+s25+$0x0], $0xffff  }
0x463: {  	v23 =	vmul.f32 v23, v21;
	v25 =	vor.u32 v11, v17;
	v16 =	vand.u32 $0x3F, v14;
	v14 =	vld.idx.msk [tilespmem:v35+s24+$0x0], $0xffff  }
.Ltmp10:
0x464: {  	v24 =	vor.u32 v11, v16;
	v21 =	vmul.f32 v26, v34;
	v26 =	vmul.f32 v33, v27;
	v17 =	vld.idx.msk [tilespmem:v35+s25+$0x0], $0xffff;
	(pc) =	sbr.rel @p1 .LBB2_24-.Ltmp10, $4  }
0x465: {  	v30 =	vmul.f32 v31, v30;
	v32 =	vadd.s32 s2, v0;
	v27 =	vadd.s32 s2, v2;
	v16 =	vld.idx.msk [tilespmem:v37+s24+$0x0], $0xffff  }
0x466: {  	v31 =	vmul.f32 v38, v36;
	v19 =	vadd.f32 v21, v19;
	v20 =	vadd.f32 v26, v20;
	v18 =	vld.idx.msk [tilespmem:v37+s25+$0x0], $0xffff  }
0x467: {  	v28 =	vadd.f32 v40, v28;
	v29 =	vadd.f32 v23, v29;
	v26 =	vand.u32 $0x3F, v32;
	v21 =	vld.idx.msk [tilespmem:v39+s24+$0x0], $0xffff  }
0x468: {  	s2 =	sadd.s32 $0x8, s2;
	v26 =	vor.u32 v11, v26;
	v19 =	vadd.f32 v31, v19;
	v20 =	vadd.f32 v30, v20;
	v23 =	vld.idx.msk [tilespmem:v39+s25+$0x0], $0xffff  }
0x469: {  	_ =	sdelay $0x3  }
0x46a: {  	v27 =	vand.u32 $0x3F, v27;
	v30 =	vld.idx.msk [tilespmem:v25+s24+$0x0], $0xffff  }
0x46b: {  	v53 =	vld.idx.msk [tilespmem:v25+s25+$0x0], $0xffff;
	v11 =	vor.u32 v11, v27  }
0x46c: {  	v54 =	vld.idx.msk [tilespmem:v24+s24+$0x0], $0xffff  }
0x46d: {  	v55 =	vld.idx.msk [tilespmem:v24+s25+$0x0], $0xffff  }
0x46e: {  	v31 =	vld.idx.msk [tilespmem:v26+s24+$0x0], $0xffff  }
0x46f: {  	v56 =	vld.idx.msk [tilespmem:v26+s25+$0x0], $0xffff  }
0x470: {  	v32 =	vld.idx.msk [tilespmem:v11+s24+$0x0], $0xffff  }
0x471: {  	v11 =	vld.idx.msk [tilespmem:v11+s25+$0x0], $0xffff  }
0x472: {  	v12 =	vmul.f32 v13, v12;
	v57 =	vmul.f32 v17, v14;
	v58 =	vadd.f32 v22, v29  }
0x473: {  	v15 =	vadd.f32 v15, v28;
	v16 =	vmul.f32 v18, v16;
	v21 =	vmul.f32 v23, v21  }
0x474: {  	v59 =	vmul.f32 v56, v31;
	v60 =	vmul.f32 v55, v54  }
0x475: {  	v13 =	vadd.f32 v57, v15;
	v61 =	vmul.f32 v53, v30;
	v14 =	vadd.f32 v21, v58  }
0x476: {  	v17 =	vadd.f32 v59, v19;
	v62 =	vadd.f32 v60, v20;
	v11 =	vmul.f32 v11, v32  }
0x477: {  	v12 =	vadd.f32 v12, v13;
	v14 =	vadd.f32 v16, v14  }
0x478: {  	s0 =	sadd.s32 $0x1, s0;
	v63 =	vadd.f32 v61, v62;
	v11 =	vadd.f32 v11, v17  }
0x479: {  	p1 =	sne.s32 s0, $0x5  }
.Ltmp11:
0x47a: {  	v12 =	vadd.f32 v12, v14;
	v11 =	vadd.f32 v63, v11;
	(pc) =	sbr.rel @p1 .LBB2_21-.Ltmp11, $3  }
0x47b: {  	_ = 	snop  }
0x47c: {  	v11 =	vadd.f32 v12, v11;
	_ =	sdelay $0x1  }
0x47d: {  	[tilespmem:v10+s1+$0x0 ss:$0x1] =	vst.idx.msk $0xffff, v11  }
0x47e: {  	s29 =	sadd.s32 $0x1, s29  }
0x47f: {  	p0 =	sne.s32 s29, $0x8  }
.Ltmp12:
0x480: {  	_ = 	snop;
	(pc) =	sbr.rel @p0 .LBB2_6-.Ltmp12, $1  }
0x481: {  	_ =	sdelay $0x3  }
0x482: {  	s0 =	sld [smem:$0x7FC];
	_ =	sdelay $0x1  }
0x483: {  	s1 =	simm.s32 $0x2000;
	s2 =	simm.s32 $0x9  }
0x484: {  	[hbm4b:s0+s14] =	stream.linear.scatter [tilespmem:s1], [sflag:$0x9], $0xA00, $0x38;
	[tilespmem:$0x16A00] =	vst v63  }
0x485: {  	_ =	swait.ge [sflag:s2], $0xA00  }
0x486: {  	s30 =	sld [smem:$0x7F9]  }
0x487: {  	s31 =	sld [smem:$0x7FD];
	_ =	sdelay $0x1  }
0x488: {  	s1 =	sadd.s32 $0x1, s30  }
0x489: {  	p0 =	sne.s32 s1, s31  }
.Ltmp13:
0x48a: {  	_ = 	snop;
	(pc) =	sbr.rel @p0 .LBB2_1-.Ltmp13, $3  }
0x48b: {  	_ =	sdelay $0x1  }
0x48c: {  	[sflag:s2] =	ssyncset.done $0x0  }
0x48d: {  	[sflag:s2] =	ssyncadd.s32 $0xFFFFF600  }
0x48e: {  	_ =	sfence.sel $0x180000  }
0x48f: {  	[bflag:$0x0] =	sbarrier.arrive $0xFFFF  }
0x490: {  	_ =	strace $0x90000047  }
0x491: {  	s0 =	stileid.u32;
	[bflag:$0x2] =	sbarrier.arrive $0xFFFF  }
0x492: {  	p0 =	sne.s32 s0, $0x0;
	s0 =	rddreg [dreg:$0x4]  }
0x493: {  	s0 =	sadd.s32 @!p0 $0x100000, s0  }
0x494: {  	[sflag:s0] =	ssyncadd.tile.s32 @!p0 $0x1;
	_ =	shalt  }
.Lfunc_end2:
_tile_overlayer_lowered:
.L_overlay_start_2:
0x495: {  	(tag) =	ssettag $0x2  }
0x496: {  	s0 =	rddreg [dreg:$0x0];
	s2 =	stileid.u32  }
0x497: {  	s1 =	rddreg [dreg:$0x1];
	p0 =	sne.s32 s2, $0x0  }
0x498: {  	s3 =	rddreg [dreg:$0x2];
	[bflag:$0x3] =	sbarrier.arrive $0xFFFF;
	s2 =	simm.s32 @!p0 $0x1C09  }
0x499: {  	[timem:s3], [sflag:s2] =	dma.local @!p0 [hbm:s0], s1  }
0x49a: {  	s0 =	simm.s32 @!p0 $0x9  }
0x49b: {  	_ =	swait.ge @!p0 [sflag:s0], s1  }
0x49c: {  	s1 =	ssub.s32 @!p0 $0x0, s1;
	[sflag:s0] =	ssyncset.done @!p0 $0x0  }
0x49d: {  	[sflag:s0] =	ssyncadd.s32 @!p0 s1  }
0x49e: {  	[bflag:$0x3] =	sbarrier.arrive $0xFFFF  }
0x49f: {  	_ =	shalt  }

</sc_bundles>
